<compile_context>
chip_gen: v7x
topology: tpu7x:2x2x1
jax: 0.10.2.dev20260603
libtpu: 0.0.44.dev20260713+nightly
codegen_flags: <defaults>
</compile_context>

<pallas_src>
import jax
import jax.numpy as jnp
from jax import lax
from jax.experimental import pallas as pl
from jax.experimental.pallas import tpu as pltpu
from jax.experimental.pallas import tpu_sc as plsc

N, M, E, D = 10000, 2000, 320000, 128
NC, NS, L = 2, 16, 16
NW = NC * NS
C = 128
SB = 8

TR1 = 10112
TR2 = 2048
ACC1 = 2048
ACC2 = 10112
OUT1 = ACC1
OUT2 = ACC2

K_CH = ((E + NW * C - 1) // (NW * C) + SB - 1) // SB * SB
EP = NW * C * K_CH
NSUP = K_CH // SB


def _sc_pass(tab_rows, sca_tab, scb_tab, gidx2d, sidx2d, *, acc_rows,
             out_rows, tr, nbuf, stage_tab, scb_is_ones=False, sb=SB):
  ur = scb_tab.shape[0]
  nsup = K_CH // sb
  opr = out_rows // NS
  spr = tr // NS
  nzb = acc_rows // C
  nzb_per = (nzb + NS - 1) // NS
  tab_sh_rows = tr if stage_tab else 16

  mesh = plsc.VectorSubcoreMesh(core_axis_name="c", subcore_axis_name="s",
                                num_cores=NC, num_subcores=NS)

  def body(tab_hbm, sca_hbm, scb_hbm, gidx_hbm, sidx_hbm,
           out_hbm, zout_hbm,
           idxg_v, idxs_v, rows_v, sca_v, scb_v, zred_v, acc_sh, tab_sh,
           isem, g0, g1, g2, g3, g4, s0, s1, s2, s3, s4):
    gsems = (g0, g1, g2, g3, g4)[:nbuf]
    ssems = (s0, s1, s2, s3, s4)[:nbuf]
    gtab = tab_sh if stage_tab else tab_hbm
    cid = lax.axis_index("c")
    sid = lax.axis_index("s")
    wid = cid * NS + sid
    crow0 = wid * K_CH

    pltpu.async_copy(gidx_hbm.at[pl.ds(crow0, sb)], idxg_v.at[0], isem)
    pltpu.async_copy(sidx_hbm.at[pl.ds(crow0, sb)], idxs_v.at[0], isem)

    if stage_tab:
      pltpu.sync_copy(tab_hbm.at[pl.ds(sid * spr, spr)],
                      tab_sh.at[pl.ds(sid * spr, spr)])
    pltpu.sync_copy(sca_hbm, sca_v)
    pltpu.sync_copy(scb_hbm, scb_v)

    zv = jnp.zeros((L,), jnp.float32)

    def zrow(r, _):
      for j in range(D // L):
        rows_v[0, r, pl.ds(j * L, L)] = zv
      return 0

    lax.fori_loop(0, C, zrow, 0)

    def zblk(i, _):
      b = i * NS + sid

      @pl.when(b < nzb)
      def _():
        pltpu.sync_copy(rows_v.at[0], acc_sh.at[pl.ds(b * C, C)])
      return 0

    lax.fori_loop(0, nzb_per, zblk, 0)

    plsc.subcore_barrier()

    def sup(u, zacc):
      pu = lax.rem(u, 2)
      cr = crow0 + u * sb
      pltpu.make_async_copy(gidx_hbm.at[pl.ds(cr, sb)],
                            idxg_v.at[pu], isem).wait()
      pltpu.make_async_copy(sidx_hbm.at[pl.ds(cr, sb)],
                            idxs_v.at[pu], isem).wait()
      dg = [None] * sb
      for j in range(sb + 1):
        if j < sb:
          b = j % nbuf
          if j >= nbuf:
            pltpu.make_async_copy(rows_v.at[b],
                                  acc_sh.at[idxs_v.at[pu, j - nbuf]],
                                  ssems[b]).wait()
          else:
            @pl.when(u > 0)
            def _():
              pltpu.make_async_copy(rows_v.at[b],
                                    acc_sh.at[idxs_v.at[pu, j]],
                                    ssems[b]).wait()
          dg[j] = pltpu.async_copy(gtab.at[idxg_v.at[pu, j]],
                                   rows_v.at[b], gsems[b])
        if j == nbuf:
          crn = crow0 + lax.rem(u + 1, nsup) * sb
          pltpu.async_copy(gidx_hbm.at[pl.ds(crn, sb)],
                           idxg_v.at[1 - pu], isem)
          pltpu.async_copy(sidx_hbm.at[pl.ds(crn, sb)],
                           idxs_v.at[1 - pu], isem)
        if j >= 1:
          jj = j - 1
          bb = jj % nbuf
          dg[jj].wait()
          pltpu.async_copy(rows_v.at[bb], acc_sh.at[idxs_v.at[pu, jj]],
                           ssems[bb], add=True)
          for h in range(C // L):
            ig = idxg_v[pu, jj, pl.ds(h * L, L)]
            va = plsc.load_gather(sca_v, [ig])
            if scb_is_ones:
              zacc = zacc + va
            else:
              isx = idxs_v[pu, jj, pl.ds(h * L, L)]
              vb = plsc.load_gather(scb_v, [isx])
              zacc = zacc + va * vb
      return zacc

    z = lax.fori_loop(0, nsup, sup, jnp.zeros((L,), jnp.float32))
    lp = (nsup - 1) % 2
    for j in range(sb - nbuf, sb):
      pltpu.make_async_copy(rows_v.at[j % nbuf],
                            acc_sh.at[idxs_v.at[lp, j]],
                            ssems[j % nbuf]).wait()
    pltpu.make_async_copy(gidx_hbm.at[pl.ds(crow0, sb)],
                          idxg_v.at[nsup % 2], isem).wait()
    pltpu.make_async_copy(sidx_hbm.at[pl.ds(crow0, sb)],
                          idxs_v.at[nsup % 2], isem).wait()

    plsc.subcore_barrier()

    zred_v[...] = z
    pltpu.sync_copy(zred_v, zout_hbm.at[wid])
    pltpu.sync_copy(acc_sh.at[pl.ds(sid * opr, opr)],
                    out_hbm.at[cid, pl.ds(sid * opr, opr)])

  call = pl.kernel(
      body,
      out_type=(jax.ShapeDtypeStruct((NC, out_rows, D), jnp.float32),
                jax.ShapeDtypeStruct((NW, L), jnp.float32)),
      mesh=mesh,
      compiler_params=pltpu.CompilerParams(needs_layout_passes=False),
      scratch_types=(
          pltpu.VMEM((2, sb, C), jnp.int32),
          pltpu.VMEM((2, sb, C), jnp.int32),
          pltpu.VMEM((nbuf, C, D), jnp.float32),
          pltpu.VMEM((tr,), jnp.float32),
          pltpu.VMEM((ur,), jnp.float32),
          pltpu.VMEM((L,), jnp.float32),
          pltpu.VMEM_SHARED((acc_rows, D), jnp.float32),
          pltpu.VMEM_SHARED((tab_sh_rows, D), jnp.float32),
          pltpu.SemaphoreType.DMA,
          pltpu.SemaphoreType.DMA,
          pltpu.SemaphoreType.DMA,
          pltpu.SemaphoreType.DMA,
          pltpu.SemaphoreType.DMA,
          pltpu.SemaphoreType.DMA,
          pltpu.SemaphoreType.DMA,
          pltpu.SemaphoreType.DMA,
          pltpu.SemaphoreType.DMA,
          pltpu.SemaphoreType.DMA,
          pltpu.SemaphoreType.DMA,
      ),
  )
  return call(tab_rows, sca_tab, scb_tab, gidx2d, sidx2d)


def _k12_body(x_ref, w_ref, b_ref, an_ref, y_ref, p1_ref):
  xt = jnp.dot(x_ref[...], w_ref[...],
               preferred_element_type=jnp.float32) + b_ref[...]
  a = jnp.dot(xt, an_ref[...], preferred_element_type=jnp.float32)
  p1 = jnp.exp(a - jnp.max(a))
  y_ref[: N, :] = p1 * xt
  y_ref[N:, :] = jnp.zeros((TR1 - N, D), jnp.float32)
  p1_ref[: N, :] = p1
  p1_ref[N:, :] = jnp.zeros((TR1 - N, 1), jnp.float32)


def _k3_body(hp_ref, z1_ref, ae_ref, z_ref, p2_ref):
  h = hp_ref[0, : M, :] + hp_ref[1, : M, :]
  z1 = jnp.sum(z1_ref[...])
  gu = jnp.dot(h, ae_ref[...], preferred_element_type=jnp.float32)
  p2 = jnp.exp((gu - jnp.max(gu)) / z1)
  z_ref[: M, :] = (p2 / z1) * h
  z_ref[M:, :] = jnp.zeros((TR2 - M, D), jnp.float32)
  p2_ref[: M, :] = p2
  p2_ref[M:, :] = jnp.zeros((TR2 - M, 1), jnp.float32)


def _k4_body(np_ref, z2_ref, p1_ref, o_ref):
  s = np_ref[0, : N, :] + np_ref[1, : N, :]
  z2 = jnp.sum(z2_ref[...])
  o_ref[...] = p1_ref[: N, :] * s * (1.0 / z2)


def kernel(x, in_node, in_hedge, W, b, attn_node, attn_edge):
  in_node = in_node.astype(jnp.int32)
  in_hedge = in_hedge.astype(jnp.int32)
  pad = EP - E
  ar = jnp.arange(pad, dtype=jnp.int32)
  g1 = jnp.concatenate([in_node, N + (ar % 16)]).reshape(EP // C, C)
  s1 = jnp.concatenate([in_hedge, ar % ACC1]).reshape(EP // C, C)
  g2 = jnp.concatenate([in_hedge, M + (ar % 16)]).reshape(EP // C, C)
  s2 = jnp.concatenate([in_node, ar % ACC2]).reshape(EP // C, C)

  y_pad, p1_pad = pl.pallas_call(
      _k12_body,
      out_shape=(jax.ShapeDtypeStruct((TR1, D), jnp.float32),
                 jax.ShapeDtypeStruct((TR1, 1), jnp.float32)),
  )(x, W, b.reshape(1, D), attn_node)

  ones_m = jnp.ones((TR2,), jnp.float32)
  h_part, z1_part = _sc_pass(y_pad, p1_pad.reshape(TR1), ones_m, g1, s1,
                             acc_rows=ACC1, out_rows=OUT1, tr=TR1,
                             nbuf=5, stage_tab=False, scb_is_ones=True,
                             sb=16)

  z_pad, p2_pad = pl.pallas_call(
      _k3_body,
      out_shape=(jax.ShapeDtypeStruct((TR2, D), jnp.float32),
                 jax.ShapeDtypeStruct((TR2, 1), jnp.float32)),
  )(h_part, z1_part, attn_edge)

  n_part, z2_part = _sc_pass(z_pad, p2_pad.reshape(TR2),
                             p1_pad.reshape(TR1), g2, s2,
                             acc_rows=ACC2, out_rows=OUT2, tr=TR2,
                             nbuf=2, stage_tab=False)

  h_n = pl.pallas_call(
      _k4_body,
      out_shape=jax.ShapeDtypeStruct((N, D), jnp.float32),
  )(n_part, z2_part, p1_pad)
  return h_n

# --- scband reference (transcript-rebuilt; emitter-appended) ---
"""Pipeline reference for scband-hgatconv-17119739642017 (READ-ONLY COPY).

The authoritative reference and input builder live on the scoring server;
editing this copy changes nothing except your own understanding.
"""

import jax, jax.numpy as jnp
import numpy as np

N, M, E, D = 10000, 2000, 320000, 128

def setup_inputs(seed: int = 0) -> dict:
    key = jax.random.key(seed)
    ks = jax.random.split(key, 6)
    x = jax.random.normal(ks[0], (N, D), dtype=jnp.float32)
    in_node = jax.random.randint(ks[1], (E,), 0, N, dtype=jnp.int64) if jax.config.jax_enable_x64 else jax.random.randint(ks[1], (E,), 0, N).astype(jnp.int32)
    in_hedge = jax.random.randint(ks[2], (E,), 0, M).astype(in_node.dtype)
    # fc: Linear(in_dim=128, out_dim=128)
    W = jax.random.normal(ks[3], (D, D), dtype=jnp.float32) * (1.0 / np.sqrt(D))
    b = jnp.zeros((D,), dtype=jnp.float32)
    # attn vectors, xavier_uniform gain=1.414 on shape (D, 1)
    bound = 1.414 * np.sqrt(6.0 / (D + 1))
    attn_node = jax.random.uniform(ks[4], (D, 1), minval=-bound, maxval=bound, dtype=jnp.float32)
    attn_edge = jax.random.uniform(ks[5], (D, 1), minval=-bound, maxval=bound, dtype=jnp.float32)
    return {"x": x, "in_node": in_node, "in_hedge": in_hedge, "W": W, "b": b, "attn_node": attn_node, "attn_edge": attn_edge}

def reference(x, in_node, in_hedge, W, b, attn_node, attn_edge):
    # fc transform
    x_t = x @ W + b                                   # [N, D]
    node_attn = x_t @ attn_node                       # [N, 1]
    # update_all copy_u('attn') sum -> e_attn_sum (computed in original, unused downstream)
    e_attn_sum = jax.ops.segment_sum(node_attn[in_node], in_hedge, num_segments=M)
    # hyperedge bias: 'h_e' not present initially -> zeros[M, D] @ attn_edge = zeros[M, 1]
    e_attn_bias = jnp.zeros((M, D), dtype=x.dtype) @ attn_edge  # [M, 1]
    # apply_edges on 'in': e = attn[src_node] + e_attn_bias[dst_hedge]
    e = node_attn[in_node] + e_attn_bias[in_hedge]    # [E, 1]
    e_max = jnp.max(e, axis=0, keepdims=True)
    e_stable = e - e_max
    attn = jax.nn.softmax(e_stable, axis=0)           # global softmax over all edges (dim=0)
    # dropout: training=False -> identity
    # u_mul_e sum over 'in': h_e[hedge] = sum x_t[src] * attn_w
    h_e = jax.ops.segment_sum(x_t[in_node] * attn, in_hedge, num_segments=M)  # [M, D]
    he_attn = h_e @ attn_edge                         # [M, 1]
    # 'has' edges = reverse incidence: src=hyperedge, dst=node
    has_src = in_hedge
    has_dst = in_node
    # update_all copy_u sum -> n_attn_sum (computed in original, unused downstream)
    n_attn_sum = jax.ops.segment_sum(he_attn[has_src], has_dst, num_segments=N)
    n_attn_bias = x_t @ attn_node                     # [N, 1]
    e2 = he_attn[has_src] + n_attn_bias[has_dst]      # [E, 1]
    e2_max = jnp.max(e2, axis=0, keepdims=True)
    e2_stable = e2 - e2_max
    attn2 = jax.nn.softmax(e2_stable, axis=0)
    h_n = jax.ops.segment_sum(h_e[has_src] * attn2, has_dst, num_segments=N)  # [N, D]
    # residual=False, norm=Identity, activation=None
    return h_n

if __name__ == "__main__":
    import jax
    _d = setup_inputs()
    print(jax.jit(kernel)(*tuple(_d.values())))

</pallas_src>

<mosaic_0001>
#map = affine_map<(d0, d1) -> (0, 0)>
#map1 = affine_map<(d0, d1) -> (0)>
#map2 = affine_map<(d0, d1) -> (0, 0, 0)>
module attributes {stable_mosaic.version = 14 : i64} {
  func.func @body(%arg0: i32, %arg1: i32, %arg2: memref<10112x128xf32, #tpu.memory_space<hbm>>, %arg3: memref<10112xf32, #tpu.memory_space<hbm>>, %arg4: memref<2048xf32, #tpu.memory_space<hbm>>, %arg5: memref<2560x128xi32, #tpu.memory_space<hbm>>, %arg6: memref<2560x128xi32, #tpu.memory_space<hbm>>, %arg7: memref<2x2048x128xf32, #tpu.memory_space<hbm>>, %arg8: memref<32x16xf32, #tpu.memory_space<hbm>>, %arg9: memref<2x16x128xi32, #tpu.memory_space<vmem>>, %arg10: memref<2x16x128xi32, #tpu.memory_space<vmem>>, %arg11: memref<5x128x128xf32, #tpu.memory_space<vmem>>, %arg12: memref<10112xf32, #tpu.memory_space<vmem>>, %arg13: memref<2048xf32, #tpu.memory_space<vmem>>, %arg14: memref<16xf32, #tpu.memory_space<vmem>>, %arg15: memref<2048x128xf32, #tpu.memory_space<vmem_shared>>, %arg16: memref<16x128xf32, #tpu.memory_space<vmem_shared>>, %arg17: memref<!tpu.dma_semaphore, #tpu.memory_space<semaphore_mem>>, %arg18: memref<!tpu.dma_semaphore, #tpu.memory_space<semaphore_mem>>, %arg19: memref<!tpu.dma_semaphore, #tpu.memory_space<semaphore_mem>>, %arg20: memref<!tpu.dma_semaphore, #tpu.memory_space<semaphore_mem>>, %arg21: memref<!tpu.dma_semaphore, #tpu.memory_space<semaphore_mem>>, %arg22: memref<!tpu.dma_semaphore, #tpu.memory_space<semaphore_mem>>, %arg23: memref<!tpu.dma_semaphore, #tpu.memory_space<semaphore_mem>>, %arg24: memref<!tpu.dma_semaphore, #tpu.memory_space<semaphore_mem>>, %arg25: memref<!tpu.dma_semaphore, #tpu.memory_space<semaphore_mem>>, %arg26: memref<!tpu.dma_semaphore, #tpu.memory_space<semaphore_mem>>, %arg27: memref<!tpu.dma_semaphore, #tpu.memory_space<semaphore_mem>>) attributes {dimension_semantics = [#tpu.dimension_semantics<core_parallel>, #tpu.dimension_semantics<subcore_parallel>], iteration_bounds = array<i64: 2, 16>, scalar_prefetch = 0 : i64, scratch_operands = 19 : i64, tpu.core_type = #tpu.core_type<sc_vector_subcore>, window_params = [{transform_indices = #map}, {transform_indices = #map1}, {transform_indices = #map1}, {transform_indices = #map}, {transform_indices = #map}, {transform_indices = #map2}, {transform_indices = #map}]} {
    %mul3A = arith.constant 16 : i32
    %mul3A_0 = arith.muli %arg0, %mul3A : i32
    %add3A = arith.addi %mul3A_0, %arg1 : i32
    %mul3A_1 = arith.constant 80 : i32
    %mul3A_2 = arith.muli %add3A, %mul3A_1 : i32
    %dma_start3A = arith.constant 0 : i32
    %dma_start3A_3 = arith.constant 0 : i32
    %dma_start3A_4 = arith.constant 0 : i32
    %dma_start3A_5 = tpu.memref_slice %arg9[%dma_start3A, %dma_start3A_3, %dma_start3A_4] : memref<2x16x128xi32, #tpu.memory_space<vmem>> -> memref<1x16x128xi32, #tpu.memory_space<vmem>>
    %dma_start3A_6 = tpu.memref_squeeze %dma_start3A_5 : memref<1x16x128xi32, #tpu.memory_space<vmem>> -> memref<16x128xi32, #tpu.memory_space<vmem>>
    %dma_start3A_7 = arith.constant 0 : i32
    %dma_start3A_8 = tpu.memref_slice %arg5[%mul3A_2, %dma_start3A_7] : memref<2560x128xi32, #tpu.memory_space<hbm>> -> memref<16x128xi32, #tpu.memory_space<hbm>>
    %dma_start3A_9 = arith.constant 0 : i32
    %dma_start3A_10 = arith.constant 0 : i32
    %dma_start3A_11 = tpu.memref_slice %arg9[%dma_start3A, %dma_start3A_9, %dma_start3A_10] : memref<2x16x128xi32, #tpu.memory_space<vmem>> -> memref<1x16x128xi32, #tpu.memory_space<vmem>>
    %dma_start3A_12 = tpu.memref_squeeze %dma_start3A_11 : memref<1x16x128xi32, #tpu.memory_space<vmem>> -> memref<16x128xi32, #tpu.memory_space<vmem>>
    %dma_start3A_13 = arith.constant 0 : i32
    %dma_start3A_14 = tpu.memref_slice %arg5[%mul3A_2, %dma_start3A_13] : memref<2560x128xi32, #tpu.memory_space<hbm>> -> memref<16x128xi32, #tpu.memory_space<hbm>>
    tpu.enqueue_dma source(%dma_start3A_14 : memref<16x128xi32, #tpu.memory_space<hbm>>) target(%dma_start3A_12 : memref<16x128xi32, #tpu.memory_space<vmem>>) target_semaphore(%arg17 : memref<!tpu.dma_semaphore, #tpu.memory_space<semaphore_mem>>)
    %dma_start3A_15 = arith.constant 0 : i32
    %dma_start3A_16 = arith.constant 0 : i32
    %dma_start3A_17 = arith.constant 0 : i32
    %dma_start3A_18 = tpu.memref_slice %arg10[%dma_start3A_15, %dma_start3A_16, %dma_start3A_17] : memref<2x16x128xi32, #tpu.memory_space<vmem>> -> memref<1x16x128xi32, #tpu.memory_space<vmem>>
    %dma_start3A_19 = tpu.memref_squeeze %dma_start3A_18 : memref<1x16x128xi32, #tpu.memory_space<vmem>> -> memref<16x128xi32, #tpu.memory_space<vmem>>
    %dma_start3A_20 = arith.constant 0 : i32
    %dma_start3A_21 = tpu.memref_slice %arg6[%mul3A_2, %dma_start3A_20] : memref<2560x128xi32, #tpu.memory_space<hbm>> -> memref<16x128xi32, #tpu.memory_space<hbm>>
    %dma_start3A_22 = arith.constant 0 : i32
    %dma_start3A_23 = arith.constant 0 : i32
    %dma_start3A_24 = tpu.memref_slice %arg10[%dma_start3A_15, %dma_start3A_22, %dma_start3A_23] : memref<2x16x128xi32, #tpu.memory_space<vmem>> -> memref<1x16x128xi32, #tpu.memory_space<vmem>>
    %dma_start3A_25 = tpu.memref_squeeze %dma_start3A_24 : memref<1x16x128xi32, #tpu.memory_space<vmem>> -> memref<16x128xi32, #tpu.memory_space<vmem>>
    %dma_start3A_26 = arith.constant 0 : i32
    %dma_start3A_27 = tpu.memref_slice %arg6[%mul3A_2, %dma_start3A_26] : memref<2560x128xi32, #tpu.memory_space<hbm>> -> memref<16x128xi32, #tpu.memory_space<hbm>>
    tpu.enqueue_dma source(%dma_start3A_27 : memref<16x128xi32, #tpu.memory_space<hbm>>) target(%dma_start3A_25 : memref<16x128xi32, #tpu.memory_space<vmem>>) target_semaphore(%arg17 : memref<!tpu.dma_semaphore, #tpu.memory_space<semaphore_mem>>)
    "tpu.region"() ({
      %run_scoped3A = tpu.sem_alloc : memref<!tpu.dma_semaphore, #tpu.memory_space<semaphore_mem>>
      tpu.enqueue_dma source(%arg3 : memref<10112xf32, #tpu.memory_space<hbm>>) target(%arg12 : memref<10112xf32, #tpu.memory_space<vmem>>) target_semaphore(%run_scoped3A : memref<!tpu.dma_semaphore, #tpu.memory_space<semaphore_mem>>)
      tpu.wait_dma2 semaphore(%run_scoped3A : memref<!tpu.dma_semaphore, #tpu.memory_space<semaphore_mem>>) src(%arg3 : memref<10112xf32, #tpu.memory_space<hbm>>) dst(%arg12 : memref<10112xf32, #tpu.memory_space<vmem>>)
      tpu.yield
    }) : () -> ()
    "tpu.region"() ({
      %run_scoped3A = tpu.sem_alloc : memref<!tpu.dma_semaphore, #tpu.memory_space<semaphore_mem>>
      tpu.enqueue_dma source(%arg4 : memref<2048xf32, #tpu.memory_space<hbm>>) target(%arg13 : memref<2048xf32, #tpu.memory_space<vmem>>) target_semaphore(%run_scoped3A : memref<!tpu.dma_semaphore, #tpu.memory_space<semaphore_mem>>)
      tpu.wait_dma2 semaphore(%run_scoped3A : memref<!tpu.dma_semaphore, #tpu.memory_space<semaphore_mem>>) src(%arg4 : memref<2048xf32, #tpu.memory_space<hbm>>) dst(%arg13 : memref<2048xf32, #tpu.memory_space<vmem>>)
      tpu.yield
    }) : () -> ()
    %broadcast_in_dim3A = arith.constant 0.000000e+00 : f32
    %broadcast_in_dim3A_28 = vector.broadcast %broadcast_in_dim3A : f32 to vector<16xf32>
    %scan3A = arith.constant 0 : i32
    %scan3A_29 = arith.constant 0 : i32
    %scan3A_30 = arith.constant 128 : i32
    %scan3A_31 = arith.addi %scan3A_29, %scan3A_30 : i32
    %scan3A_32 = arith.constant 1 : i32
    %scan3A_33 = scf.for %scan3A_148 = %scan3A_29 to %scan3A_31 step %scan3A_32 iter_args(%scan3A_149 = %scan3A) -> (i32)  : i32 {
      %swap3A_150 = arith.constant 0 : i32
      %swap3A_151 = arith.index_cast %swap3A_150 : i32 to index
      %swap3A_152 = arith.index_cast %scan3A_148 : i32 to index
      %swap3A_153 = arith.constant 0 : index
      %swap3A_154 = tpu.vector_load %arg11[%swap3A_151, %swap3A_152, %swap3A_153] {strides = array<i32>} : memref<5x128x128xf32, #tpu.memory_space<vmem>>, vector<16xf32>,
      tpu.vector_store %arg11[%swap3A_151, %swap3A_152, %swap3A_153], %broadcast_in_dim3A_28 {strides = array<i32>} : memref<5x128x128xf32, #tpu.memory_space<vmem>>, vector<16xf32>,
      %swap3A_155 = arith.constant 0 : i32
      %swap3A_156 = arith.index_cast %swap3A_155 : i32 to index
      %swap3A_157 = arith.index_cast %scan3A_148 : i32 to index
      %swap3A_158 = arith.constant 16 : index
      %swap3A_159 = tpu.vector_load %arg11[%swap3A_156, %swap3A_157, %swap3A_158] {strides = array<i32>} : memref<5x128x128xf32, #tpu.memory_space<vmem>>, vector<16xf32>,
      tpu.vector_store %arg11[%swap3A_156, %swap3A_157, %swap3A_158], %broadcast_in_dim3A_28 {strides = array<i32>} : memref<5x128x128xf32, #tpu.memory_space<vmem>>, vector<16xf32>,
      %swap3A_160 = arith.constant 0 : i32
      %swap3A_161 = arith.index_cast %swap3A_160 : i32 to index
      %swap3A_162 = arith.index_cast %scan3A_148 : i32 to index
      %swap3A_163 = arith.constant 32 : index
      %swap3A_164 = tpu.vector_load %arg11[%swap3A_161, %swap3A_162, %swap3A_163] {strides = array<i32>} : memref<5x128x128xf32, #tpu.memory_space<vmem>>, vector<16xf32>,
      tpu.vector_store %arg11[%swap3A_161, %swap3A_162, %swap3A_163], %broadcast_in_dim3A_28 {strides = array<i32>} : memref<5x128x128xf32, #tpu.memory_space<vmem>>, vector<16xf32>,
      %swap3A_165 = arith.constant 0 : i32
      %swap3A_166 = arith.index_cast %swap3A_165 : i32 to index
      %swap3A_167 = arith.index_cast %scan3A_148 : i32 to index
      %swap3A_168 = arith.constant 48 : index
      %swap3A_169 = tpu.vector_load %arg11[%swap3A_166, %swap3A_167, %swap3A_168] {strides = array<i32>} : memref<5x128x128xf32, #tpu.memory_space<vmem>>, vector<16xf32>,
      tpu.vector_store %arg11[%swap3A_166, %swap3A_167, %swap3A_168], %broadcast_in_dim3A_28 {strides = array<i32>} : memref<5x128x128xf32, #tpu.memory_space<vmem>>, vector<16xf32>,
      %swap3A_170 = arith.constant 0 : i32
      %swap3A_171 = arith.index_cast %swap3A_170 : i32 to index
      %swap3A_172 = arith.index_cast %scan3A_148 : i32 to index
      %swap3A_173 = arith.constant 64 : index
      %swap3A_174 = tpu.vector_load %arg11[%swap3A_171, %swap3A_172, %swap3A_173] {strides = array<i32>} : memref<5x128x128xf32, #tpu.memory_space<vmem>>, vector<16xf32>,
      tpu.vector_store %arg11[%swap3A_171, %swap3A_172, %swap3A_173], %broadcast_in_dim3A_28 {strides = array<i32>} : memref<5x128x128xf32, #tpu.memory_space<vmem>>, vector<16xf32>,
      %swap3A_175 = arith.constant 0 : i32
      %swap3A_176 = arith.index_cast %swap3A_175 : i32 to index
      %swap3A_177 = arith.index_cast %scan3A_148 : i32 to index
      %swap3A_178 = arith.constant 80 : index
      %swap3A_179 = tpu.vector_load %arg11[%swap3A_176, %swap3A_177, %swap3A_178] {strides = array<i32>} : memref<5x128x128xf32, #tpu.memory_space<vmem>>, vector<16xf32>,
      tpu.vector_store %arg11[%swap3A_176, %swap3A_177, %swap3A_178], %broadcast_in_dim3A_28 {strides = array<i32>} : memref<5x128x128xf32, #tpu.memory_space<vmem>>, vector<16xf32>,
      %swap3A_180 = arith.constant 0 : i32
      %swap3A_181 = arith.index_cast %swap3A_180 : i32 to index
      %swap3A_182 = arith.index_cast %scan3A_148 : i32 to index
      %swap3A_183 = arith.constant 96 : index
      %swap3A_184 = tpu.vector_load %arg11[%swap3A_181, %swap3A_182, %swap3A_183] {strides = array<i32>} : memref<5x128x128xf32, #tpu.memory_space<vmem>>, vector<16xf32>,
      tpu.vector_store %arg11[%swap3A_181, %swap3A_182, %swap3A_183], %broadcast_in_dim3A_28 {strides = array<i32>} : memref<5x128x128xf32, #tpu.memory_space<vmem>>, vector<16xf32>,
      %swap3A_185 = arith.constant 0 : i32
      %swap3A_186 = arith.index_cast %swap3A_185 : i32 to index
      %swap3A_187 = arith.index_cast %scan3A_148 : i32 to index
      %swap3A_188 = arith.constant 112 : index
      %swap3A_189 = tpu.vector_load %arg11[%swap3A_186, %swap3A_187, %swap3A_188] {strides = array<i32>} : memref<5x128x128xf32, #tpu.memory_space<vmem>>, vector<16xf32>,
      tpu.vector_store %arg11[%swap3A_186, %swap3A_187, %swap3A_188], %broadcast_in_dim3A_28 {strides = array<i32>} : memref<5x128x128xf32, #tpu.memory_space<vmem>>, vector<16xf32>,
      %scan3A_190 = arith.constant 0 : i32
      scf.yield %scan3A_190 : i32
    }
    %scan3A_34 = arith.constant 128 : i32
    %scan3A_35 = arith.constant 0 : i32
    %scan3A_36 = arith.constant 0 : i32
    %mul3A_37 = arith.constant 16 : i32
    %mul3A_38 = arith.muli %scan3A_36, %mul3A_37 : i32
    %add3A_39 = arith.addi %mul3A_38, %arg1 : i32
    %lt3A = arith.constant 16 : i32
    %lt3A_40 = arith.cmpi slt, %add3A_39, %lt3A : i32
    %convert_element_type3A = arith.extui %lt3A_40 : i1 to i32
    %cond3A = arith.constant 0 : i32
    %cond3A_41 = arith.cmpi ne, %convert_element_type3A, %cond3A : i32
    scf.if %cond3A_41 {
      %mul3A_148 = arith.constant 128 : i32
      %mul3A_149 = arith.muli %add3A_39, %mul3A_148 : i32
      %run_scoped3A = arith.constant 0 : i32
      "tpu.region"() ({
        %run_scoped3A_150 = tpu.sem_alloc : memref<!tpu.dma_semaphore, #tpu.memory_space<semaphore_mem>>
        %dma_start3A_151 = arith.constant 0 : i32
        %dma_start3A_152 = arith.constant 0 : i32
        %dma_start3A_153 = tpu.memref_slice %arg11[%run_scoped3A, %dma_start3A_151, %dma_start3A_152] : memref<5x128x128xf32, #tpu.memory_space<vmem>> -> memref<1x128x128xf32, #tpu.memory_space<vmem>>
        %dma_start3A_154 = tpu.memref_squeeze %dma_start3A_153 : memref<1x128x128xf32, #tpu.memory_space<vmem>> -> memref<128x128xf32, #tpu.memory_space<vmem>>
        %dma_start3A_155 = arith.constant 0 : i32
        %dma_start3A_156 = tpu.memref_slice %arg15[%mul3A_149, %dma_start3A_155] : memref<2048x128xf32, #tpu.memory_space<vmem_shared>> -> memref<128x128xf32, #tpu.memory_space<vmem_shared>>
        %dma_start3A_157 = arith.constant 0 : i32
        %dma_start3A_158 = tpu.memref_slice %arg15[%mul3A_149, %dma_start3A_157] : memref<2048x128xf32, #tpu.memory_space<vmem_shared>> -> memref<128x128xf32, #tpu.memory_space<vmem_shared>>
        %dma_start3A_159 = arith.constant 0 : i32
        %dma_start3A_160 = arith.constant 0 : i32
        %dma_start3A_161 = tpu.memref_slice %arg11[%run_scoped3A, %dma_start3A_159, %dma_start3A_160] : memref<5x128x128xf32, #tpu.memory_space<vmem>> -> memref<1x128x128xf32, #tpu.memory_space<vmem>>
        %dma_start3A_162 = tpu.memref_squeeze %dma_start3A_161 : memref<1x128x128xf32, #tpu.memory_space<vmem>> -> memref<128x128xf32, #tpu.memory_space<vmem>>
        tpu.enqueue_dma source(%dma_start3A_162 : memref<128x128xf32, #tpu.memory_space<vmem>>) target(%dma_start3A_158 : memref<128x128xf32, #tpu.memory_space<vmem_shared>>) target_semaphore(%run_scoped3A_150 : memref<!tpu.dma_semaphore, #tpu.memory_space<semaphore_mem>>)
        %dma_wait3A_163 = arith.constant 0 : i32
        %dma_wait3A_164 = arith.constant 0 : i32
        %dma_wait3A_165 = tpu.memref_slice %arg11[%run_scoped3A, %dma_wait3A_163, %dma_wait3A_164] : memref<5x128x128xf32, #tpu.memory_space<vmem>> -> memref<1x128x128xf32, #tpu.memory_space<vmem>>
        %dma_wait3A_166 = tpu.memref_squeeze %dma_wait3A_165 : memref<1x128x128xf32, #tpu.memory_space<vmem>> -> memref<128x128xf32, #tpu.memory_space<vmem>>
        %dma_wait3A_167 = arith.constant 0 : i32
        %dma_wait3A_168 = tpu.memref_slice %arg15[%mul3A_149, %dma_wait3A_167] : memref<2048x128xf32, #tpu.memory_space<vmem_shared>> -> memref<128x128xf32, #tpu.memory_space<vmem_shared>>
        %dma_wait3A_169 = arith.constant 0 : i32
        %dma_wait3A_170 = tpu.memref_slice %arg15[%mul3A_149, %dma_wait3A_169] : memref<2048x128xf32, #tpu.memory_space<vmem_shared>> -> memref<128x128xf32, #tpu.memory_space<vmem_shared>>
        %dma_wait3A_171 = arith.constant 0 : i32
        %dma_wait3A_172 = arith.constant 0 : i32
        %dma_wait3A_173 = tpu.memref_slice %arg11[%run_scoped3A, %dma_wait3A_171, %dma_wait3A_172] : memref<5x128x128xf32, #tpu.memory_space<vmem>> -> memref<1x128x128xf32, #tpu.memory_space<vmem>>
        %dma_wait3A_174 = tpu.memref_squeeze %dma_wait3A_173 : memref<1x128x128xf32, #tpu.memory_space<vmem>> -> memref<128x128xf32, #tpu.memory_space<vmem>>
        tpu.wait_dma2 semaphore(%run_scoped3A_150 : memref<!tpu.dma_semaphore, #tpu.memory_space<semaphore_mem>>) src(%dma_wait3A_174 : memref<128x128xf32, #tpu.memory_space<vmem>>) dst(%dma_wait3A_170 : memref<128x128xf32, #tpu.memory_space<vmem_shared>>)
        tpu.yield
      }) : () -> ()
    } else {
    }
    %scan3A_42 = arith.constant 0 : i32
    %scan3A_43 = arith.constant 1 : i32
    %barrier3A = arith.constant 0 : index
    tpu.barrier barrier_id(%barrier3A)
    %broadcast_in_dim3A_44 = arith.constant 0.000000e+00 : f32
    %broadcast_in_dim3A_45 = vector.broadcast %broadcast_in_dim3A_44 : f32 to vector<16xf32>
    %scan3A_46 = arith.constant 0 : i32
    %scan3A_47 = arith.constant 5 : i32
    %scan3A_48 = arith.addi %scan3A_46, %scan3A_47 : i32
    %scan3A_49 = arith.constant 1 : i32
    %scan3A_50 = scf.for %scan3A_148 = %scan3A_46 to %scan3A_48 step %scan3A_49 iter_args(%scan3A_149 = %broadcast_in_dim3A_45) -> (vector<16xf32>)  : i32 {
      %rem3A = arith.constant 2 : i32
      %rem3A_150 = arith.remsi %scan3A_148, %rem3A : i32
      %mul3A_151 = arith.constant 16 : i32
      %mul3A_152 = arith.muli %scan3A_148, %mul3A_151 : i32
      %add3A_153 = arith.addi %mul3A_2, %mul3A_152 : i32
      %dma_wait3A_154 = arith.constant 0 : i32
      %dma_wait3A_155 = arith.constant 0 : i32
      %dma_wait3A_156 = tpu.memref_slice %arg9[%rem3A_150, %dma_wait3A_154, %dma_wait3A_155] : memref<2x16x128xi32, #tpu.memory_space<vmem>> -> memref<1x16x128xi32, #tpu.memory_space<vmem>>
      %dma_wait3A_157 = tpu.memref_squeeze %dma_wait3A_156 : memref<1x16x128xi32, #tpu.memory_space<vmem>> -> memref<16x128xi32, #tpu.memory_space<vmem>>
      %dma_wait3A_158 = arith.constant 0 : i32
      %dma_wait3A_159 = tpu.memref_slice %arg5[%add3A_153, %dma_wait3A_158] : memref<2560x128xi32, #tpu.memory_space<hbm>> -> memref<16x128xi32, #tpu.memory_space<hbm>>
      %dma_wait3A_160 = arith.constant 0 : i32
      %dma_wait3A_161 = arith.constant 0 : i32
      %dma_wait3A_162 = tpu.memref_slice %arg9[%rem3A_150, %dma_wait3A_160, %dma_wait3A_161] : memref<2x16x128xi32, #tpu.memory_space<vmem>> -> memref<1x16x128xi32, #tpu.memory_space<vmem>>
      %dma_wait3A_163 = tpu.memref_squeeze %dma_wait3A_162 : memref<1x16x128xi32, #tpu.memory_space<vmem>> -> memref<16x128xi32, #tpu.memory_space<vmem>>
      %dma_wait3A_164 = arith.constant 0 : i32
      %dma_wait3A_165 = tpu.memref_slice %arg5[%add3A_153, %dma_wait3A_164] : memref<2560x128xi32, #tpu.memory_space<hbm>> -> memref<16x128xi32, #tpu.memory_space<hbm>>
      tpu.wait_dma2 semaphore(%arg17 : memref<!tpu.dma_semaphore, #tpu.memory_space<semaphore_mem>>) src(%dma_wait3A_165 : memref<16x128xi32, #tpu.memory_space<hbm>>) dst(%dma_wait3A_163 : memref<16x128xi32, #tpu.memory_space<vmem>>)
      %dma_wait3A_166 = arith.constant 0 : i32
      %dma_wait3A_167 = arith.constant 0 : i32
      %dma_wait3A_168 = tpu.memref_slice %arg10[%rem3A_150, %dma_wait3A_166, %dma_wait3A_167] : memref<2x16x128xi32, #tpu.memory_space<vmem>> -> memref<1x16x128xi32, #tpu.memory_space<vmem>>
      %dma_wait3A_169 = tpu.memref_squeeze %dma_wait3A_168 : memref<1x16x128xi32, #tpu.memory_space<vmem>> -> memref<16x128xi32, #tpu.memory_space<vmem>>
      %dma_wait3A_170 = arith.constant 0 : i32
      %dma_wait3A_171 = tpu.memref_slice %arg6[%add3A_153, %dma_wait3A_170] : memref<2560x128xi32, #tpu.memory_space<hbm>> -> memref<16x128xi32, #tpu.memory_space<hbm>>
      %dma_wait3A_172 = arith.constant 0 : i32
      %dma_wait3A_173 = arith.constant 0 : i32
      %dma_wait3A_174 = tpu.memref_slice %arg10[%rem3A_150, %dma_wait3A_172, %dma_wait3A_173] : memref<2x16x128xi32, #tpu.memory_space<vmem>> -> memref<1x16x128xi32, #tpu.memory_space<vmem>>
      %dma_wait3A_175 = tpu.memref_squeeze %dma_wait3A_174 : memref<1x16x128xi32, #tpu.memory_space<vmem>> -> memref<16x128xi32, #tpu.memory_space<vmem>>
      %dma_wait3A_176 = arith.constant 0 : i32
      %dma_wait3A_177 = tpu.memref_slice %arg6[%add3A_153, %dma_wait3A_176] : memref<2560x128xi32, #tpu.memory_space<hbm>> -> memref<16x128xi32, #tpu.memory_space<hbm>>
      tpu.wait_dma2 semaphore(%arg17 : memref<!tpu.dma_semaphore, #tpu.memory_space<semaphore_mem>>) src(%dma_wait3A_177 : memref<16x128xi32, #tpu.memory_space<hbm>>) dst(%dma_wait3A_175 : memref<16x128xi32, #tpu.memory_space<vmem>>)
      %gt3A = arith.constant 0 : i32
      %gt3A_178 = arith.cmpi sgt, %scan3A_148, %gt3A : i32
      %convert_element_type3A_179 = arith.extui %gt3A_178 : i1 to i32
      %cond3A_180 = arith.constant 0 : i32
      %cond3A_181 = arith.cmpi ne, %convert_element_type3A_179, %cond3A_180 : i32
      scf.if %cond3A_181 {
        %dma_wait3A_1838 = arith.constant 0 : i32
        %dma_wait3A_1839 = arith.constant 0 : i32
        %dma_wait3A_1840 = arith.constant 0 : i32
        %dma_wait3A_1841 = arith.constant 0 : i32
        %dma_wait3A_1842 = tpu.memref_slice %arg11[%dma_wait3A_1838, %dma_wait3A_1840, %dma_wait3A_1841] : memref<5x128x128xf32, #tpu.memory_space<vmem>> -> memref<1x128x128xf32, #tpu.memory_space<vmem>>
        %dma_wait3A_1843 = tpu.memref_squeeze %dma_wait3A_1842 : memref<1x128x128xf32, #tpu.memory_space<vmem>> -> memref<128x128xf32, #tpu.memory_space<vmem>>
        %dma_wait3A_1844 = arith.constant 0 : i32
        %dma_wait3A_1845 = tpu.memref_slice %arg10[%rem3A_150, %dma_wait3A_1839, %dma_wait3A_1844] : memref<2x16x128xi32, #tpu.memory_space<vmem>> -> memref<1x1x128xi32, #tpu.memory_space<vmem>>
        %dma_wait3A_1846 = tpu.memref_squeeze %dma_wait3A_1845 : memref<1x1x128xi32, #tpu.memory_space<vmem>> -> memref<128xi32, #tpu.memory_space<vmem>>
        %dma_wait3A_1847 = arith.constant 0 : i32
        %dma_wait3A_1848 = arith.constant 0 : i32
        %dma_wait3A_1849 = tpu.memref_slice %arg15[%dma_wait3A_1847, %dma_wait3A_1848] : memref<2048x128xf32, #tpu.memory_space<vmem_shared>> -> memref<2048x128xf32, #tpu.memory_space<vmem_shared>>
        tpu.wait_indirect_dma semaphore(%arg23 : memref<!tpu.dma_semaphore, #tpu.memory_space<semaphore_mem>>) src(%dma_wait3A_1843 : memref<128x128xf32, #tpu.memory_space<vmem>>) dst(%dma_wait3A_1849 : memref<2048x128xf32, #tpu.memory_space<vmem_shared>>)
      } else {
      }
      %dma_start3A_182 = arith.constant 0 : i32
      %dma_start3A_183 = arith.constant 0 : i32
      %dma_start3A_184 = arith.constant 0 : i32
      %dma_start3A_185 = arith.constant 0 : i32
      %dma_start3A_186 = tpu.memref_slice %arg11[%dma_start3A_183, %dma_start3A_184, %dma_start3A_185] : memref<5x128x128xf32, #tpu.memory_space<vmem>> -> memref<1x128x128xf32, #tpu.memory_space<vmem>>
      %dma_start3A_187 = tpu.memref_squeeze %dma_start3A_186 : memref<1x128x128xf32, #tpu.memory_space<vmem>> -> memref<128x128xf32, #tpu.memory_space<vmem>>
      %dma_start3A_188 = arith.constant 0 : i32
      %dma_start3A_189 = tpu.memref_slice %arg9[%rem3A_150, %dma_start3A_182, %dma_start3A_188] : memref<2x16x128xi32, #tpu.memory_space<vmem>> -> memref<1x1x128xi32, #tpu.memory_space<vmem>>
      %dma_start3A_190 = tpu.memref_squeeze %dma_start3A_189 : memref<1x1x128xi32, #tpu.memory_space<vmem>> -> memref<128xi32, #tpu.memory_space<vmem>>
      %dma_start3A_191 = arith.constant 0 : i32
      %dma_start3A_192 = arith.constant 0 : i32
      %dma_start3A_193 = tpu.memref_slice %arg2[%dma_start3A_191, %dma_start3A_192] : memref<10112x128xf32, #tpu.memory_space<hbm>> -> memref<10112x128xf32, #tpu.memory_space<hbm>>
      tpu.enqueue_indirect_dma source(%dma_start3A_193 : memref<10112x128xf32, #tpu.memory_space<hbm>>) target(%dma_start3A_187 : memref<128x128xf32, #tpu.memory_space<vmem>>) offsets(%dma_start3A_190 : memref<128xi32, #tpu.memory_space<vmem>>) semaphore(%arg18 : memref<!tpu.dma_semaphore, #tpu.memory_space<semaphore_mem>>)
      %gt3A_194 = arith.constant 0 : i32
      %gt3A_195 = arith.cmpi sgt, %scan3A_148, %gt3A_194 : i32
      %convert_element_type3A_196 = arith.extui %gt3A_195 : i1 to i32
      %cond3A_197 = arith.constant 0 : i32
      %cond3A_198 = arith.cmpi ne, %convert_element_type3A_196, %cond3A_197 : i32
      scf.if %cond3A_198 {
        %dma_wait3A_1838 = arith.constant 1 : i32
        %dma_wait3A_1839 = arith.constant 1 : i32
        %dma_wait3A_1840 = arith.constant 0 : i32
        %dma_wait3A_1841 = arith.constant 0 : i32
        %dma_wait3A_1842 = tpu.memref_slice %arg11[%dma_wait3A_1838, %dma_wait3A_1840, %dma_wait3A_1841] : memref<5x128x128xf32, #tpu.memory_space<vmem>> -> memref<1x128x128xf32, #tpu.memory_space<vmem>>
        %dma_wait3A_1843 = tpu.memref_squeeze %dma_wait3A_1842 : memref<1x128x128xf32, #tpu.memory_space<vmem>> -> memref<128x128xf32, #tpu.memory_space<vmem>>
        %dma_wait3A_1844 = arith.constant 0 : i32
        %dma_wait3A_1845 = tpu.memref_slice %arg10[%rem3A_150, %dma_wait3A_1839, %dma_wait3A_1844] : memref<2x16x128xi32, #tpu.memory_space<vmem>> -> memref<1x1x128xi32, #tpu.memory_space<vmem>>
        %dma_wait3A_1846 = tpu.memref_squeeze %dma_wait3A_1845 : memref<1x1x128xi32, #tpu.memory_space<vmem>> -> memref<128xi32, #tpu.memory_space<vmem>>
        %dma_wait3A_1847 = arith.constant 0 : i32
        %dma_wait3A_1848 = arith.constant 0 : i32
        %dma_wait3A_1849 = tpu.memref_slice %arg15[%dma_wait3A_1847, %dma_wait3A_1848] : memref<2048x128xf32, #tpu.memory_space<vmem_shared>> -> memref<2048x128xf32, #tpu.memory_space<vmem_shared>>
        tpu.wait_indirect_dma semaphore(%arg24 : memref<!tpu.dma_semaphore, #tpu.memory_space<semaphore_mem>>) src(%dma_wait3A_1843 : memref<128x128xf32, #tpu.memory_space<vmem>>) dst(%dma_wait3A_1849 : memref<2048x128xf32, #tpu.memory_space<vmem_shared>>)
      } else {
      }
      %dma_start3A_199 = arith.constant 1 : i32
      %dma_start3A_200 = arith.constant 1 : i32
      %dma_start3A_201 = arith.constant 0 : i32
      %dma_start3A_202 = arith.constant 0 : i32
      %dma_start3A_203 = tpu.memref_slice %arg11[%dma_start3A_200, %dma_start3A_201, %dma_start3A_202] : memref<5x128x128xf32, #tpu.memory_space<vmem>> -> memref<1x128x128xf32, #tpu.memory_space<vmem>>
      %dma_start3A_204 = tpu.memref_squeeze %dma_start3A_203 : memref<1x128x128xf32, #tpu.memory_space<vmem>> -> memref<128x128xf32, #tpu.memory_space<vmem>>
      %dma_start3A_205 = arith.constant 0 : i32
      %dma_start3A_206 = tpu.memref_slice %arg9[%rem3A_150, %dma_start3A_199, %dma_start3A_205] : memref<2x16x128xi32, #tpu.memory_space<vmem>> -> memref<1x1x128xi32, #tpu.memory_space<vmem>>
      %dma_start3A_207 = tpu.memref_squeeze %dma_start3A_206 : memref<1x1x128xi32, #tpu.memory_space<vmem>> -> memref<128xi32, #tpu.memory_space<vmem>>
      %dma_start3A_208 = arith.constant 0 : i32
      %dma_start3A_209 = arith.constant 0 : i32
      %dma_start3A_210 = tpu.memref_slice %arg2[%dma_start3A_208, %dma_start3A_209] : memref<10112x128xf32, #tpu.memory_space<hbm>> -> memref<10112x128xf32, #tpu.memory_space<hbm>>
      tpu.enqueue_indirect_dma source(%dma_start3A_210 : memref<10112x128xf32, #tpu.memory_space<hbm>>) target(%dma_start3A_204 : memref<128x128xf32, #tpu.memory_space<vmem>>) offsets(%dma_start3A_207 : memref<128xi32, #tpu.memory_space<vmem>>) semaphore(%arg19 : memref<!tpu.dma_semaphore, #tpu.memory_space<semaphore_mem>>)
      %dma_wait3A_211 = arith.constant 0 : i32
      %dma_wait3A_212 = arith.constant 0 : i32
      %dma_wait3A_213 = arith.constant 0 : i32
      %dma_wait3A_214 = arith.constant 0 : i32
      %dma_wait3A_215 = tpu.memref_slice %arg11[%dma_wait3A_212, %dma_wait3A_213, %dma_wait3A_214] : memref<5x128x128xf32, #tpu.memory_space<vmem>> -> memref<1x128x128xf32, #tpu.memory_space<vmem>>
      %dma_wait3A_216 = tpu.memref_squeeze %dma_wait3A_215 : memref<1x128x128xf32, #tpu.memory_space<vmem>> -> memref<128x128xf32, #tpu.memory_space<vmem>>
      %dma_wait3A_217 = arith.constant 0 : i32
      %dma_wait3A_218 = tpu.memref_slice %arg9[%rem3A_150, %dma_wait3A_211, %dma_wait3A_217] : memref<2x16x128xi32, #tpu.memory_space<vmem>> -> memref<1x1x128xi32, #tpu.memory_space<vmem>>
      %dma_wait3A_219 = tpu.memref_squeeze %dma_wait3A_218 : memref<1x1x128xi32, #tpu.memory_space<vmem>> -> memref<128xi32, #tpu.memory_space<vmem>>
      %dma_wait3A_220 = arith.constant 0 : i32
      %dma_wait3A_221 = arith.constant 0 : i32
      %dma_wait3A_222 = tpu.memref_slice %arg2[%dma_wait3A_220, %dma_wait3A_221] : memref<10112x128xf32, #tpu.memory_space<hbm>> -> memref<10112x128xf32, #tpu.memory_space<hbm>>
      tpu.wait_indirect_dma semaphore(%arg18 : memref<!tpu.dma_semaphore, #tpu.memory_space<semaphore_mem>>) src(%dma_wait3A_222 : memref<10112x128xf32, #tpu.memory_space<hbm>>) dst(%dma_wait3A_216 : memref<128x128xf32, #tpu.memory_space<vmem>>)
      %dma_start3A_223 = arith.constant 0 : i32
      %dma_start3A_224 = arith.constant 0 : i32
      %dma_start3A_225 = arith.constant 0 : i32
      %dma_start3A_226 = arith.constant 0 : i32
      %dma_start3A_227 = tpu.memref_slice %arg11[%dma_start3A_223, %dma_start3A_225, %dma_start3A_226] : memref<5x128x128xf32, #tpu.memory_space<vmem>> -> memref<1x128x128xf32, #tpu.memory_space<vmem>>
      %dma_start3A_228 = tpu.memref_squeeze %dma_start3A_227 : memref<1x128x128xf32, #tpu.memory_space<vmem>> -> memref<128x128xf32, #tpu.memory_space<vmem>>
      %dma_start3A_229 = arith.constant 0 : i32
      %dma_start3A_230 = tpu.memref_slice %arg10[%rem3A_150, %dma_start3A_224, %dma_start3A_229] : memref<2x16x128xi32, #tpu.memory_space<vmem>> -> memref<1x1x128xi32, #tpu.memory_space<vmem>>
      %dma_start3A_231 = tpu.memref_squeeze %dma_start3A_230 : memref<1x1x128xi32, #tpu.memory_space<vmem>> -> memref<128xi32, #tpu.memory_space<vmem>>
      %dma_start3A_232 = arith.constant 0 : i32
      %dma_start3A_233 = arith.constant 0 : i32
      %dma_start3A_234 = tpu.memref_slice %arg15[%dma_start3A_232, %dma_start3A_233] : memref<2048x128xf32, #tpu.memory_space<vmem_shared>> -> memref<2048x128xf32, #tpu.memory_space<vmem_shared>>
      tpu.enqueue_indirect_dma source(%dma_start3A_228 : memref<128x128xf32, #tpu.memory_space<vmem>>) target(%dma_start3A_234 : memref<2048x128xf32, #tpu.memory_space<vmem_shared>>) offsets(%dma_start3A_231 : memref<128xi32, #tpu.memory_space<vmem>>) semaphore(%arg23 : memref<!tpu.dma_semaphore, #tpu.memory_space<semaphore_mem>>) {add = true}
      %get3A = arith.constant 0 : i32
      %get3A_235 = arith.index_cast %rem3A_150 : i32 to index
      %get3A_236 = arith.index_cast %get3A : i32 to index
      %get3A_237 = arith.constant 0 : index
      %get3A_238 = tpu.vector_load %arg9[%get3A_235, %get3A_236, %get3A_237] {strides = array<i32>} : memref<2x16x128xi32, #tpu.memory_space<vmem>>, vector<16xi32>,
      %gather3A = tpu.vector_load_idx %arg12[%get3A_238] : memref<10112xf32, #tpu.memory_space<vmem>>[vector<16xi32>], vector<16xf32>,
      %add3A_239 = arith.addf %scan3A_149, %gather3A : vector<16xf32>
      %get3A_240 = arith.constant 0 : i32
      %get3A_241 = arith.index_cast %rem3A_150 : i32 to index
      %get3A_242 = arith.index_cast %get3A_240 : i32 to index
      %get3A_243 = arith.constant 16 : index
      %get3A_244 = tpu.vector_load %arg9[%get3A_241, %get3A_242, %get3A_243] {strides = array<i32>} : memref<2x16x128xi32, #tpu.memory_space<vmem>>, vector<16xi32>,
      %gather3A_245 = tpu.vector_load_idx %arg12[%get3A_244] : memref<10112xf32, #tpu.memory_space<vmem>>[vector<16xi32>], vector<16xf32>,
      %add3A_246 = arith.addf %add3A_239, %gather3A_245 : vector<16xf32>
      %get3A_247 = arith.constant 0 : i32
      %get3A_248 = arith.index_cast %rem3A_150 : i32 to index
      %get3A_249 = arith.index_cast %get3A_247 : i32 to index
      %get3A_250 = arith.constant 32 : index
      %get3A_251 = tpu.vector_load %arg9[%get3A_248, %get3A_249, %get3A_250] {strides = array<i32>} : memref<2x16x128xi32, #tpu.memory_space<vmem>>, vector<16xi32>,
      %gather3A_252 = tpu.vector_load_idx %arg12[%get3A_251] : memref<10112xf32, #tpu.memory_space<vmem>>[vector<16xi32>], vector<16xf32>,
      %add3A_253 = arith.addf %add3A_246, %gather3A_252 : vector<16xf32>
      %get3A_254 = arith.constant 0 : i32
      %get3A_255 = arith.index_cast %rem3A_150 : i32 to index
      %get3A_256 = arith.index_cast %get3A_254 : i32 to index
      %get3A_257 = arith.constant 48 : index
      %get3A_258 = tpu.vector_load %arg9[%get3A_255, %get3A_256, %get3A_257] {strides = array<i32>} : memref<2x16x128xi32, #tpu.memory_space<vmem>>, vector<16xi32>,
      %gather3A_259 = tpu.vector_load_idx %arg12[%get3A_258] : memref<10112xf32, #tpu.memory_space<vmem>>[vector<16xi32>], vector<16xf32>,
      %add3A_260 = arith.addf %add3A_253, %gather3A_259 : vector<16xf32>
      %get3A_261 = arith.constant 0 : i32
      %get3A_262 = arith.index_cast %rem3A_150 : i32 to index
      %get3A_263 = arith.index_cast %get3A_261 : i32 to index
      %get3A_264 = arith.constant 64 : index
      %get3A_265 = tpu.vector_load %arg9[%get3A_262, %get3A_263, %get3A_264] {strides = array<i32>} : memref<2x16x128xi32, #tpu.memory_space<vmem>>, vector<16xi32>,
      %gather3A_266 = tpu.vector_load_idx %arg12[%get3A_265] : memref<10112xf32, #tpu.memory_space<vmem>>[vector<16xi32>], vector<16xf32>,
      %add3A_267 = arith.addf %add3A_260, %gather3A_266 : vector<16xf32>
      %get3A_268 = arith.constant 0 : i32
      %get3A_269 = arith.index_cast %rem3A_150 : i32 to index
      %get3A_270 = arith.index_cast %get3A_268 : i32 to index
      %get3A_271 = arith.constant 80 : index
      %get3A_272 = tpu.vector_load %arg9[%get3A_269, %get3A_270, %get3A_271] {strides = array<i32>} : memref<2x16x128xi32, #tpu.memory_space<vmem>>, vector<16xi32>,
      %gather3A_273 = tpu.vector_load_idx %arg12[%get3A_272] : memref<10112xf32, #tpu.memory_space<vmem>>[vector<16xi32>], vector<16xf32>,
      %add3A_274 = arith.addf %add3A_267, %gather3A_273 : vector<16xf32>
      %get3A_275 = arith.constant 0 : i32
      %get3A_276 = arith.index_cast %rem3A_150 : i32 to index
      %get3A_277 = arith.index_cast %get3A_275 : i32 to index
      %get3A_278 = arith.constant 96 : index
      %get3A_279 = tpu.vector_load %arg9[%get3A_276, %get3A_277, %get3A_278] {strides = array<i32>} : memref<2x16x128xi32, #tpu.memory_space<vmem>>, vector<16xi32>,
      %gather3A_280 = tpu.vector_load_idx %arg12[%get3A_279] : memref<10112xf32, #tpu.memory_space<vmem>>[vector<16xi32>], vector<16xf32>,
      %add3A_281 = arith.addf %add3A_274, %gather3A_280 : vector<16xf32>
      %get3A_282 = arith.constant 0 : i32
      %get3A_283 = arith.index_cast %rem3A_150 : i32 to index
      %get3A_284 = arith.index_cast %get3A_282 : i32 to index
      %get3A_285 = arith.constant 112 : index
      %get3A_286 = tpu.vector_load %arg9[%get3A_283, %get3A_284, %get3A_285] {strides = array<i32>} : memref<2x16x128xi32, #tpu.memory_space<vmem>>, vector<16xi32>,
      %gather3A_287 = tpu.vector_load_idx %arg12[%get3A_286] : memref<10112xf32, #tpu.memory_space<vmem>>[vector<16xi32>], vector<16xf32>,
      %add3A_288 = arith.addf %add3A_281, %gather3A_287 : vector<16xf32>
      %gt3A_289 = arith.constant 0 : i32
      %gt3A_290 = arith.cmpi sgt, %scan3A_148, %gt3A_289 : i32
      %convert_element_type3A_291 = arith.extui %gt3A_290 : i1 to i32
      %cond3A_292 = arith.constant 0 : i32
      %cond3A_293 = arith.cmpi ne, %convert_element_type3A_291, %cond3A_292 : i32
      scf.if %cond3A_293 {
        %dma_wait3A_1838 = arith.constant 2 : i32
        %dma_wait3A_1839 = arith.constant 2 : i32
        %dma_wait3A_1840 = arith.constant 0 : i32
        %dma_wait3A_1841 = arith.constant 0 : i32
        %dma_wait3A_1842 = tpu.memref_slice %arg11[%dma_wait3A_1838, %dma_wait3A_1840, %dma_wait3A_1841] : memref<5x128x128xf32, #tpu.memory_space<vmem>> -> memref<1x128x128xf32, #tpu.memory_space<vmem>>
        %dma_wait3A_1843 = tpu.memref_squeeze %dma_wait3A_1842 : memref<1x128x128xf32, #tpu.memory_space<vmem>> -> memref<128x128xf32, #tpu.memory_space<vmem>>
        %dma_wait3A_1844 = arith.constant 0 : i32
        %dma_wait3A_1845 = tpu.memref_slice %arg10[%rem3A_150, %dma_wait3A_1839, %dma_wait3A_1844] : memref<2x16x128xi32, #tpu.memory_space<vmem>> -> memref<1x1x128xi32, #tpu.memory_space<vmem>>
        %dma_wait3A_1846 = tpu.memref_squeeze %dma_wait3A_1845 : memref<1x1x128xi32, #tpu.memory_space<vmem>> -> memref<128xi32, #tpu.memory_space<vmem>>
        %dma_wait3A_1847 = arith.constant 0 : i32
        %dma_wait3A_1848 = arith.constant 0 : i32
        %dma_wait3A_1849 = tpu.memref_slice %arg15[%dma_wait3A_1847, %dma_wait3A_1848] : memref<2048x128xf32, #tpu.memory_space<vmem_shared>> -> memref<2048x128xf32, #tpu.memory_space<vmem_shared>>
        tpu.wait_indirect_dma semaphore(%arg25 : memref<!tpu.dma_semaphore, #tpu.memory_space<semaphore_mem>>) src(%dma_wait3A_1843 : memref<128x128xf32, #tpu.memory_space<vmem>>) dst(%dma_wait3A_1849 : memref<2048x128xf32, #tpu.memory_space<vmem_shared>>)
      } else {
      }
      %dma_start3A_294 = arith.constant 2 : i32
      %dma_start3A_295 = arith.constant 2 : i32
      %dma_start3A_296 = arith.constant 0 : i32
      %dma_start3A_297 = arith.constant 0 : i32
      %dma_start3A_298 = tpu.memref_slice %arg11[%dma_start3A_295, %dma_start3A_296, %dma_start3A_297] : memref<5x128x128xf32, #tpu.memory_space<vmem>> -> memref<1x128x128xf32, #tpu.memory_space<vmem>>
      %dma_start3A_299 = tpu.memref_squeeze %dma_start3A_298 : memref<1x128x128xf32, #tpu.memory_space<vmem>> -> memref<128x128xf32, #tpu.memory_space<vmem>>
      %dma_start3A_300 = arith.constant 0 : i32
      %dma_start3A_301 = tpu.memref_slice %arg9[%rem3A_150, %dma_start3A_294, %dma_start3A_300] : memref<2x16x128xi32, #tpu.memory_space<vmem>> -> memref<1x1x128xi32, #tpu.memory_space<vmem>>
      %dma_start3A_302 = tpu.memref_squeeze %dma_start3A_301 : memref<1x1x128xi32, #tpu.memory_space<vmem>> -> memref<128xi32, #tpu.memory_space<vmem>>
      %dma_start3A_303 = arith.constant 0 : i32
      %dma_start3A_304 = arith.constant 0 : i32
      %dma_start3A_305 = tpu.memref_slice %arg2[%dma_start3A_303, %dma_start3A_304] : memref<10112x128xf32, #tpu.memory_space<hbm>> -> memref<10112x128xf32, #tpu.memory_space<hbm>>
      tpu.enqueue_indirect_dma source(%dma_start3A_305 : memref<10112x128xf32, #tpu.memory_space<hbm>>) target(%dma_start3A_299 : memref<128x128xf32, #tpu.memory_space<vmem>>) offsets(%dma_start3A_302 : memref<128xi32, #tpu.memory_space<vmem>>) semaphore(%arg20 : memref<!tpu.dma_semaphore, #tpu.memory_space<semaphore_mem>>)
      %dma_wait3A_306 = arith.constant 1 : i32
      %dma_wait3A_307 = arith.constant 1 : i32
      %dma_wait3A_308 = arith.constant 0 : i32
      %dma_wait3A_309 = arith.constant 0 : i32
      %dma_wait3A_310 = tpu.memref_slice %arg11[%dma_wait3A_307, %dma_wait3A_308, %dma_wait3A_309] : memref<5x128x128xf32, #tpu.memory_space<vmem>> -> memref<1x128x128xf32, #tpu.memory_space<vmem>>
      %dma_wait3A_311 = tpu.memref_squeeze %dma_wait3A_310 : memref<1x128x128xf32, #tpu.memory_space<vmem>> -> memref<128x128xf32, #tpu.memory_space<vmem>>
      %dma_wait3A_312 = arith.constant 0 : i32
      %dma_wait3A_313 = tpu.memref_slice %arg9[%rem3A_150, %dma_wait3A_306, %dma_wait3A_312] : memref<2x16x128xi32, #tpu.memory_space<vmem>> -> memref<1x1x128xi32, #tpu.memory_space<vmem>>
      %dma_wait3A_314 = tpu.memref_squeeze %dma_wait3A_313 : memref<1x1x128xi32, #tpu.memory_space<vmem>> -> memref<128xi32, #tpu.memory_space<vmem>>
      %dma_wait3A_315 = arith.constant 0 : i32
      %dma_wait3A_316 = arith.constant 0 : i32
      %dma_wait3A_317 = tpu.memref_slice %arg2[%dma_wait3A_315, %dma_wait3A_316] : memref<10112x128xf32, #tpu.memory_space<hbm>> -> memref<10112x128xf32, #tpu.memory_space<hbm>>
      tpu.wait_indirect_dma semaphore(%arg19 : memref<!tpu.dma_semaphore, #tpu.memory_space<semaphore_mem>>) src(%dma_wait3A_317 : memref<10112x128xf32, #tpu.memory_space<hbm>>) dst(%dma_wait3A_311 : memref<128x128xf32, #tpu.memory_space<vmem>>)
      %dma_start3A_318 = arith.constant 1 : i32
      %dma_start3A_319 = arith.constant 1 : i32
      %dma_start3A_320 = arith.constant 0 : i32
      %dma_start3A_321 = arith.constant 0 : i32
      %dma_start3A_322 = tpu.memref_slice %arg11[%dma_start3A_318, %dma_start3A_320, %dma_start3A_321] : memref<5x128x128xf32, #tpu.memory_space<vmem>> -> memref<1x128x128xf32, #tpu.memory_space<vmem>>
      %dma_start3A_323 = tpu.memref_squeeze %dma_start3A_322 : memref<1x128x128xf32, #tpu.memory_space<vmem>> -> memref<128x128xf32, #tpu.memory_space<vmem>>
      %dma_start3A_324 = arith.constant 0 : i32
      %dma_start3A_325 = tpu.memref_slice %arg10[%rem3A_150, %dma_start3A_319, %dma_start3A_324] : memref<2x16x128xi32, #tpu.memory_space<vmem>> -> memref<1x1x128xi32, #tpu.memory_space<vmem>>
      %dma_start3A_326 = tpu.memref_squeeze %dma_start3A_325 : memref<1x1x128xi32, #tpu.memory_space<vmem>> -> memref<128xi32, #tpu.memory_space<vmem>>
      %dma_start3A_327 = arith.constant 0 : i32
      %dma_start3A_328 = arith.constant 0 : i32
      %dma_start3A_329 = tpu.memref_slice %arg15[%dma_start3A_327, %dma_start3A_328] : memref<2048x128xf32, #tpu.memory_space<vmem_shared>> -> memref<2048x128xf32, #tpu.memory_space<vmem_shared>>
      tpu.enqueue_indirect_dma source(%dma_start3A_323 : memref<128x128xf32, #tpu.memory_space<vmem>>) target(%dma_start3A_329 : memref<2048x128xf32, #tpu.memory_space<vmem_shared>>) offsets(%dma_start3A_326 : memref<128xi32, #tpu.memory_space<vmem>>) semaphore(%arg24 : memref<!tpu.dma_semaphore, #tpu.memory_space<semaphore_mem>>) {add = true}
      %get3A_330 = arith.constant 1 : i32
      %get3A_331 = arith.index_cast %rem3A_150 : i32 to index
      %get3A_332 = arith.index_cast %get3A_330 : i32 to index
      %get3A_333 = arith.constant 0 : index
      %get3A_334 = tpu.vector_load %arg9[%get3A_331, %get3A_332, %get3A_333] {strides = array<i32>} : memref<2x16x128xi32, #tpu.memory_space<vmem>>, vector<16xi32>,
      %gather3A_335 = tpu.vector_load_idx %arg12[%get3A_334] : memref<10112xf32, #tpu.memory_space<vmem>>[vector<16xi32>], vector<16xf32>,
      %add3A_336 = arith.addf %add3A_288, %gather3A_335 : vector<16xf32>
      %get3A_337 = arith.constant 1 : i32
      %get3A_338 = arith.index_cast %rem3A_150 : i32 to index
      %get3A_339 = arith.index_cast %get3A_337 : i32 to index
      %get3A_340 = arith.constant 16 : index
      %get3A_341 = tpu.vector_load %arg9[%get3A_338, %get3A_339, %get3A_340] {strides = array<i32>} : memref<2x16x128xi32, #tpu.memory_space<vmem>>, vector<16xi32>,
      %gather3A_342 = tpu.vector_load_idx %arg12[%get3A_341] : memref<10112xf32, #tpu.memory_space<vmem>>[vector<16xi32>], vector<16xf32>,
      %add3A_343 = arith.addf %add3A_336, %gather3A_342 : vector<16xf32>
      %get3A_344 = arith.constant 1 : i32
      %get3A_345 = arith.index_cast %rem3A_150 : i32 to index
      %get3A_346 = arith.index_cast %get3A_344 : i32 to index
      %get3A_347 = arith.constant 32 : index
      %get3A_348 = tpu.vector_load %arg9[%get3A_345, %get3A_346, %get3A_347] {strides = array<i32>} : memref<2x16x128xi32, #tpu.memory_space<vmem>>, vector<16xi32>,
      %gather3A_349 = tpu.vector_load_idx %arg12[%get3A_348] : memref<10112xf32, #tpu.memory_space<vmem>>[vector<16xi32>], vector<16xf32>,
      %add3A_350 = arith.addf %add3A_343, %gather3A_349 : vector<16xf32>
      %get3A_351 = arith.constant 1 : i32
      %get3A_352 = arith.index_cast %rem3A_150 : i32 to index
      %get3A_353 = arith.index_cast %get3A_351 : i32 to index
      %get3A_354 = arith.constant 48 : index
      %get3A_355 = tpu.vector_load %arg9[%get3A_352, %get3A_353, %get3A_354] {strides = array<i32>} : memref<2x16x128xi32, #tpu.memory_space<vmem>>, vector<16xi32>,
      %gather3A_356 = tpu.vector_load_idx %arg12[%get3A_355] : memref<10112xf32, #tpu.memory_space<vmem>>[vector<16xi32>], vector<16xf32>,
      %add3A_357 = arith.addf %add3A_350, %gather3A_356 : vector<16xf32>
      %get3A_358 = arith.constant 1 : i32
      %get3A_359 = arith.index_cast %rem3A_150 : i32 to index
      %get3A_360 = arith.index_cast %get3A_358 : i32 to index
      %get3A_361 = arith.constant 64 : index
      %get3A_362 = tpu.vector_load %arg9[%get3A_359, %get3A_360, %get3A_361] {strides = array<i32>} : memref<2x16x128xi32, #tpu.memory_space<vmem>>, vector<16xi32>,
      %gather3A_363 = tpu.vector_load_idx %arg12[%get3A_362] : memref<10112xf32, #tpu.memory_space<vmem>>[vector<16xi32>], vector<16xf32>,
      %add3A_364 = arith.addf %add3A_357, %gather3A_363 : vector<16xf32>
      %get3A_365 = arith.constant 1 : i32
      %get3A_366 = arith.index_cast %rem3A_150 : i32 to index
      %get3A_367 = arith.index_cast %get3A_365 : i32 to index
      %get3A_368 = arith.constant 80 : index
      %get3A_369 = tpu.vector_load %arg9[%get3A_366, %get3A_367, %get3A_368] {strides = array<i32>} : memref<2x16x128xi32, #tpu.memory_space<vmem>>, vector<16xi32>,
      %gather3A_370 = tpu.vector_load_idx %arg12[%get3A_369] : memref<10112xf32, #tpu.memory_space<vmem>>[vector<16xi32>], vector<16xf32>,
      %add3A_371 = arith.addf %add3A_364, %gather3A_370 : vector<16xf32>
      %get3A_372 = arith.constant 1 : i32
      %get3A_373 = arith.index_cast %rem3A_150 : i32 to index
      %get3A_374 = arith.index_cast %get3A_372 : i32 to index
      %get3A_375 = arith.constant 96 : index
      %get3A_376 = tpu.vector_load %arg9[%get3A_373, %get3A_374, %get3A_375] {strides = array<i32>} : memref<2x16x128xi32, #tpu.memory_space<vmem>>, vector<16xi32>,
      %gather3A_377 = tpu.vector_load_idx %arg12[%get3A_376] : memref<10112xf32, #tpu.memory_space<vmem>>[vector<16xi32>], vector<16xf32>,
      %add3A_378 = arith.addf %add3A_371, %gather3A_377 : vector<16xf32>
      %get3A_379 = arith.constant 1 : i32
      %get3A_380 = arith.index_cast %rem3A_150 : i32 to index
      %get3A_381 = arith.index_cast %get3A_379 : i32 to index
      %get3A_382 = arith.constant 112 : index
      %get3A_383 = tpu.vector_load %arg9[%get3A_380, %get3A_381, %get3A_382] {strides = array<i32>} : memref<2x16x128xi32, #tpu.memory_space<vmem>>, vector<16xi32>,
      %gather3A_384 = tpu.vector_load_idx %arg12[%get3A_383] : memref<10112xf32, #tpu.memory_space<vmem>>[vector<16xi32>], vector<16xf32>,
      %add3A_385 = arith.addf %add3A_378, %gather3A_384 : vector<16xf32>
      %gt3A_386 = arith.constant 0 : i32
      %gt3A_387 = arith.cmpi sgt, %scan3A_148, %gt3A_386 : i32
      %convert_element_type3A_388 = arith.extui %gt3A_387 : i1 to i32
      %cond3A_389 = arith.constant 0 : i32
      %cond3A_390 = arith.cmpi ne, %convert_element_type3A_388, %cond3A_389 : i32
      scf.if %cond3A_390 {
        %dma_wait3A_1838 = arith.constant 3 : i32
        %dma_wait3A_1839 = arith.constant 3 : i32
        %dma_wait3A_1840 = arith.constant 0 : i32
        %dma_wait3A_1841 = arith.constant 0 : i32
        %dma_wait3A_1842 = tpu.memref_slice %arg11[%dma_wait3A_1838, %dma_wait3A_1840, %dma_wait3A_1841] : memref<5x128x128xf32, #tpu.memory_space<vmem>> -> memref<1x128x128xf32, #tpu.memory_space<vmem>>
        %dma_wait3A_1843 = tpu.memref_squeeze %dma_wait3A_1842 : memref<1x128x128xf32, #tpu.memory_space<vmem>> -> memref<128x128xf32, #tpu.memory_space<vmem>>
        %dma_wait3A_1844 = arith.constant 0 : i32
        %dma_wait3A_1845 = tpu.memref_slice %arg10[%rem3A_150, %dma_wait3A_1839, %dma_wait3A_1844] : memref<2x16x128xi32, #tpu.memory_space<vmem>> -> memref<1x1x128xi32, #tpu.memory_space<vmem>>
        %dma_wait3A_1846 = tpu.memref_squeeze %dma_wait3A_1845 : memref<1x1x128xi32, #tpu.memory_space<vmem>> -> memref<128xi32, #tpu.memory_space<vmem>>
        %dma_wait3A_1847 = arith.constant 0 : i32
        %dma_wait3A_1848 = arith.constant 0 : i32
        %dma_wait3A_1849 = tpu.memref_slice %arg15[%dma_wait3A_1847, %dma_wait3A_1848] : memref<2048x128xf32, #tpu.memory_space<vmem_shared>> -> memref<2048x128xf32, #tpu.memory_space<vmem_shared>>
        tpu.wait_indirect_dma semaphore(%arg26 : memref<!tpu.dma_semaphore, #tpu.memory_space<semaphore_mem>>) src(%dma_wait3A_1843 : memref<128x128xf32, #tpu.memory_space<vmem>>) dst(%dma_wait3A_1849 : memref<2048x128xf32, #tpu.memory_space<vmem_shared>>)
      } else {
      }
      %dma_start3A_391 = arith.constant 3 : i32
      %dma_start3A_392 = arith.constant 3 : i32
      %dma_start3A_393 = arith.constant 0 : i32
      %dma_start3A_394 = arith.constant 0 : i32
      %dma_start3A_395 = tpu.memref_slice %arg11[%dma_start3A_392, %dma_start3A_393, %dma_start3A_394] : memref<5x128x128xf32, #tpu.memory_space<vmem>> -> memref<1x128x128xf32, #tpu.memory_space<vmem>>
      %dma_start3A_396 = tpu.memref_squeeze %dma_start3A_395 : memref<1x128x128xf32, #tpu.memory_space<vmem>> -> memref<128x128xf32, #tpu.memory_space<vmem>>
      %dma_start3A_397 = arith.constant 0 : i32
      %dma_start3A_398 = tpu.memref_slice %arg9[%rem3A_150, %dma_start3A_391, %dma_start3A_397] : memref<2x16x128xi32, #tpu.memory_space<vmem>> -> memref<1x1x128xi32, #tpu.memory_space<vmem>>
      %dma_start3A_399 = tpu.memref_squeeze %dma_start3A_398 : memref<1x1x128xi32, #tpu.memory_space<vmem>> -> memref<128xi32, #tpu.memory_space<vmem>>
      %dma_start3A_400 = arith.constant 0 : i32
      %dma_start3A_401 = arith.constant 0 : i32
      %dma_start3A_402 = tpu.memref_slice %arg2[%dma_start3A_400, %dma_start3A_401] : memref<10112x128xf32, #tpu.memory_space<hbm>> -> memref<10112x128xf32, #tpu.memory_space<hbm>>
      tpu.enqueue_indirect_dma source(%dma_start3A_402 : memref<10112x128xf32, #tpu.memory_space<hbm>>) target(%dma_start3A_396 : memref<128x128xf32, #tpu.memory_space<vmem>>) offsets(%dma_start3A_399 : memref<128xi32, #tpu.memory_space<vmem>>) semaphore(%arg21 : memref<!tpu.dma_semaphore, #tpu.memory_space<semaphore_mem>>)
      %dma_wait3A_403 = arith.constant 2 : i32
      %dma_wait3A_404 = arith.constant 2 : i32
      %dma_wait3A_405 = arith.constant 0 : i32
      %dma_wait3A_406 = arith.constant 0 : i32
      %dma_wait3A_407 = tpu.memref_slice %arg11[%dma_wait3A_404, %dma_wait3A_405, %dma_wait3A_406] : memref<5x128x128xf32, #tpu.memory_space<vmem>> -> memref<1x128x128xf32, #tpu.memory_space<vmem>>
      %dma_wait3A_408 = tpu.memref_squeeze %dma_wait3A_407 : memref<1x128x128xf32, #tpu.memory_space<vmem>> -> memref<128x128xf32, #tpu.memory_space<vmem>>
      %dma_wait3A_409 = arith.constant 0 : i32
      %dma_wait3A_410 = tpu.memref_slice %arg9[%rem3A_150, %dma_wait3A_403, %dma_wait3A_409] : memref<2x16x128xi32, #tpu.memory_space<vmem>> -> memref<1x1x128xi32, #tpu.memory_space<vmem>>
      %dma_wait3A_411 = tpu.memref_squeeze %dma_wait3A_410 : memref<1x1x128xi32, #tpu.memory_space<vmem>> -> memref<128xi32, #tpu.memory_space<vmem>>
      %dma_wait3A_412 = arith.constant 0 : i32
      %dma_wait3A_413 = arith.constant 0 : i32
      %dma_wait3A_414 = tpu.memref_slice %arg2[%dma_wait3A_412, %dma_wait3A_413] : memref<10112x128xf32, #tpu.memory_space<hbm>> -> memref<10112x128xf32, #tpu.memory_space<hbm>>
      tpu.wait_indirect_dma semaphore(%arg20 : memref<!tpu.dma_semaphore, #tpu.memory_space<semaphore_mem>>) src(%dma_wait3A_414 : memref<10112x128xf32, #tpu.memory_space<hbm>>) dst(%dma_wait3A_408 : memref<128x128xf32, #tpu.memory_space<vmem>>)
      %dma_start3A_415 = arith.constant 2 : i32
      %dma_start3A_416 = arith.constant 2 : i32
      %dma_start3A_417 = arith.constant 0 : i32
      %dma_start3A_418 = arith.constant 0 : i32
      %dma_start3A_419 = tpu.memref_slice %arg11[%dma_start3A_415, %dma_start3A_417, %dma_start3A_418] : memref<5x128x128xf32, #tpu.memory_space<vmem>> -> memref<1x128x128xf32, #tpu.memory_space<vmem>>
      %dma_start3A_420 = tpu.memref_squeeze %dma_start3A_419 : memref<1x128x128xf32, #tpu.memory_space<vmem>> -> memref<128x128xf32, #tpu.memory_space<vmem>>
      %dma_start3A_421 = arith.constant 0 : i32
      %dma_start3A_422 = tpu.memref_slice %arg10[%rem3A_150, %dma_start3A_416, %dma_start3A_421] : memref<2x16x128xi32, #tpu.memory_space<vmem>> -> memref<1x1x128xi32, #tpu.memory_space<vmem>>
      %dma_start3A_423 = tpu.memref_squeeze %dma_start3A_422 : memref<1x1x128xi32, #tpu.memory_space<vmem>> -> memref<128xi32, #tpu.memory_space<vmem>>
      %dma_start3A_424 = arith.constant 0 : i32
      %dma_start3A_425 = arith.constant 0 : i32
      %dma_start3A_426 = tpu.memref_slice %arg15[%dma_start3A_424, %dma_start3A_425] : memref<2048x128xf32, #tpu.memory_space<vmem_shared>> -> memref<2048x128xf32, #tpu.memory_space<vmem_shared>>
      tpu.enqueue_indirect_dma source(%dma_start3A_420 : memref<128x128xf32, #tpu.memory_space<vmem>>) target(%dma_start3A_426 : memref<2048x128xf32, #tpu.memory_space<vmem_shared>>) offsets(%dma_start3A_423 : memref<128xi32, #tpu.memory_space<vmem>>) semaphore(%arg25 : memref<!tpu.dma_semaphore, #tpu.memory_space<semaphore_mem>>) {add = true}
      %get3A_427 = arith.constant 2 : i32
      %get3A_428 = arith.index_cast %rem3A_150 : i32 to index
      %get3A_429 = arith.index_cast %get3A_427 : i32 to index
      %get3A_430 = arith.constant 0 : index
      %get3A_431 = tpu.vector_load %arg9[%get3A_428, %get3A_429, %get3A_430] {strides = array<i32>} : memref<2x16x128xi32, #tpu.memory_space<vmem>>, vector<16xi32>,
      %gather3A_432 = tpu.vector_load_idx %arg12[%get3A_431] : memref<10112xf32, #tpu.memory_space<vmem>>[vector<16xi32>], vector<16xf32>,
      %add3A_433 = arith.addf %add3A_385, %gather3A_432 : vector<16xf32>
      %get3A_434 = arith.constant 2 : i32
      %get3A_435 = arith.index_cast %rem3A_150 : i32 to index
      %get3A_436 = arith.index_cast %get3A_434 : i32 to index
      %get3A_437 = arith.constant 16 : index
      %get3A_438 = tpu.vector_load %arg9[%get3A_435, %get3A_436, %get3A_437] {strides = array<i32>} : memref<2x16x128xi32, #tpu.memory_space<vmem>>, vector<16xi32>,
      %gather3A_439 = tpu.vector_load_idx %arg12[%get3A_438] : memref<10112xf32, #tpu.memory_space<vmem>>[vector<16xi32>], vector<16xf32>,
      %add3A_440 = arith.addf %add3A_433, %gather3A_439 : vector<16xf32>
      %get3A_441 = arith.constant 2 : i32
      %get3A_442 = arith.index_cast %rem3A_150 : i32 to index
      %get3A_443 = arith.index_cast %get3A_441 : i32 to index
      %get3A_444 = arith.constant 32 : index
      %get3A_445 = tpu.vector_load %arg9[%get3A_442, %get3A_443, %get3A_444] {strides = array<i32>} : memref<2x16x128xi32, #tpu.memory_space<vmem>>, vector<16xi32>,
      %gather3A_446 = tpu.vector_load_idx %arg12[%get3A_445] : memref<10112xf32, #tpu.memory_space<vmem>>[vector<16xi32>], vector<16xf32>,
      %add3A_447 = arith.addf %add3A_440, %gather3A_446 : vector<16xf32>
      %get3A_448 = arith.constant 2 : i32
      %get3A_449 = arith.index_cast %rem3A_150 : i32 to index
      %get3A_450 = arith.index_cast %get3A_448 : i32 to index
      %get3A_451 = arith.constant 48 : index
      %get3A_452 = tpu.vector_load %arg9[%get3A_449, %get3A_450, %get3A_451] {strides = array<i32>} : memref<2x16x128xi32, #tpu.memory_space<vmem>>, vector<16xi32>,
      %gather3A_453 = tpu.vector_load_idx %arg12[%get3A_452] : memref<10112xf32, #tpu.memory_space<vmem>>[vector<16xi32>], vector<16xf32>,
      %add3A_454 = arith.addf %add3A_447, %gather3A_453 : vector<16xf32>
      %get3A_455 = arith.constant 2 : i32
      %get3A_456 = arith.index_cast %rem3A_150 : i32 to index
      %get3A_457 = arith.index_cast %get3A_455 : i32 to index
      %get3A_458 = arith.constant 64 : index
      %get3A_459 = tpu.vector_load %arg9[%get3A_456, %get3A_457, %get3A_458] {strides = array<i32>} : memref<2x16x128xi32, #tpu.memory_space<vmem>>, vector<16xi32>,
      %gather3A_460 = tpu.vector_load_idx %arg12[%get3A_459] : memref<10112xf32, #tpu.memory_space<vmem>>[vector<16xi32>], vector<16xf32>,
      %add3A_461 = arith.addf %add3A_454, %gather3A_460 : vector<16xf32>
      %get3A_462 = arith.constant 2 : i32
      %get3A_463 = arith.index_cast %rem3A_150 : i32 to index
      %get3A_464 = arith.index_cast %get3A_462 : i32 to index
      %get3A_465 = arith.constant 80 : index
      %get3A_466 = tpu.vector_load %arg9[%get3A_463, %get3A_464, %get3A_465] {strides = array<i32>} : memref<2x16x128xi32, #tpu.memory_space<vmem>>, vector<16xi32>,
      %gather3A_467 = tpu.vector_load_idx %arg12[%get3A_466] : memref<10112xf32, #tpu.memory_space<vmem>>[vector<16xi32>], vector<16xf32>,
      %add3A_468 = arith.addf %add3A_461, %gather3A_467 : vector<16xf32>
      %get3A_469 = arith.constant 2 : i32
      %get3A_470 = arith.index_cast %rem3A_150 : i32 to index
      %get3A_471 = arith.index_cast %get3A_469 : i32 to index
      %get3A_472 = arith.constant 96 : index
      %get3A_473 = tpu.vector_load %arg9[%get3A_470, %get3A_471, %get3A_472] {strides = array<i32>} : memref<2x16x128xi32, #tpu.memory_space<vmem>>, vector<16xi32>,
      %gather3A_474 = tpu.vector_load_idx %arg12[%get3A_473] : memref<10112xf32, #tpu.memory_space<vmem>>[vector<16xi32>], vector<16xf32>,
      %add3A_475 = arith.addf %add3A_468, %gather3A_474 : vector<16xf32>
      %get3A_476 = arith.constant 2 : i32
      %get3A_477 = arith.index_cast %rem3A_150 : i32 to index
      %get3A_478 = arith.index_cast %get3A_476 : i32 to index
      %get3A_479 = arith.constant 112 : index
      %get3A_480 = tpu.vector_load %arg9[%get3A_477, %get3A_478, %get3A_479] {strides = array<i32>} : memref<2x16x128xi32, #tpu.memory_space<vmem>>, vector<16xi32>,
      %gather3A_481 = tpu.vector_load_idx %arg12[%get3A_480] : memref<10112xf32, #tpu.memory_space<vmem>>[vector<16xi32>], vector<16xf32>,
      %add3A_482 = arith.addf %add3A_475, %gather3A_481 : vector<16xf32>
      %gt3A_483 = arith.constant 0 : i32
      %gt3A_484 = arith.cmpi sgt, %scan3A_148, %gt3A_483 : i32
      %convert_element_type3A_485 = arith.extui %gt3A_484 : i1 to i32
      %cond3A_486 = arith.constant 0 : i32
      %cond3A_487 = arith.cmpi ne, %convert_element_type3A_485, %cond3A_486 : i32
      scf.if %cond3A_487 {
        %dma_wait3A_1838 = arith.constant 4 : i32
        %dma_wait3A_1839 = arith.constant 4 : i32
        %dma_wait3A_1840 = arith.constant 0 : i32
        %dma_wait3A_1841 = arith.constant 0 : i32
        %dma_wait3A_1842 = tpu.memref_slice %arg11[%dma_wait3A_1838, %dma_wait3A_1840, %dma_wait3A_1841] : memref<5x128x128xf32, #tpu.memory_space<vmem>> -> memref<1x128x128xf32, #tpu.memory_space<vmem>>
        %dma_wait3A_1843 = tpu.memref_squeeze %dma_wait3A_1842 : memref<1x128x128xf32, #tpu.memory_space<vmem>> -> memref<128x128xf32, #tpu.memory_space<vmem>>
        %dma_wait3A_1844 = arith.constant 0 : i32
        %dma_wait3A_1845 = tpu.memref_slice %arg10[%rem3A_150, %dma_wait3A_1839, %dma_wait3A_1844] : memref<2x16x128xi32, #tpu.memory_space<vmem>> -> memref<1x1x128xi32, #tpu.memory_space<vmem>>
        %dma_wait3A_1846 = tpu.memref_squeeze %dma_wait3A_1845 : memref<1x1x128xi32, #tpu.memory_space<vmem>> -> memref<128xi32, #tpu.memory_space<vmem>>
        %dma_wait3A_1847 = arith.constant 0 : i32
        %dma_wait3A_1848 = arith.constant 0 : i32
        %dma_wait3A_1849 = tpu.memref_slice %arg15[%dma_wait3A_1847, %dma_wait3A_1848] : memref<2048x128xf32, #tpu.memory_space<vmem_shared>> -> memref<2048x128xf32, #tpu.memory_space<vmem_shared>>
        tpu.wait_indirect_dma semaphore(%arg27 : memref<!tpu.dma_semaphore, #tpu.memory_space<semaphore_mem>>) src(%dma_wait3A_1843 : memref<128x128xf32, #tpu.memory_space<vmem>>) dst(%dma_wait3A_1849 : memref<2048x128xf32, #tpu.memory_space<vmem_shared>>)
      } else {
      }
      %dma_start3A_488 = arith.constant 4 : i32
      %dma_start3A_489 = arith.constant 4 : i32
      %dma_start3A_490 = arith.constant 0 : i32
      %dma_start3A_491 = arith.constant 0 : i32
      %dma_start3A_492 = tpu.memref_slice %arg11[%dma_start3A_489, %dma_start3A_490, %dma_start3A_491] : memref<5x128x128xf32, #tpu.memory_space<vmem>> -> memref<1x128x128xf32, #tpu.memory_space<vmem>>
      %dma_start3A_493 = tpu.memref_squeeze %dma_start3A_492 : memref<1x128x128xf32, #tpu.memory_space<vmem>> -> memref<128x128xf32, #tpu.memory_space<vmem>>
      %dma_start3A_494 = arith.constant 0 : i32
      %dma_start3A_495 = tpu.memref_slice %arg9[%rem3A_150, %dma_start3A_488, %dma_start3A_494] : memref<2x16x128xi32, #tpu.memory_space<vmem>> -> memref<1x1x128xi32, #tpu.memory_space<vmem>>
      %dma_start3A_496 = tpu.memref_squeeze %dma_start3A_495 : memref<1x1x128xi32, #tpu.memory_space<vmem>> -> memref<128xi32, #tpu.memory_space<vmem>>
      %dma_start3A_497 = arith.constant 0 : i32
      %dma_start3A_498 = arith.constant 0 : i32
      %dma_start3A_499 = tpu.memref_slice %arg2[%dma_start3A_497, %dma_start3A_498] : memref<10112x128xf32, #tpu.memory_space<hbm>> -> memref<10112x128xf32, #tpu.memory_space<hbm>>
      tpu.enqueue_indirect_dma source(%dma_start3A_499 : memref<10112x128xf32, #tpu.memory_space<hbm>>) target(%dma_start3A_493 : memref<128x128xf32, #tpu.memory_space<vmem>>) offsets(%dma_start3A_496 : memref<128xi32, #tpu.memory_space<vmem>>) semaphore(%arg22 : memref<!tpu.dma_semaphore, #tpu.memory_space<semaphore_mem>>)
      %dma_wait3A_500 = arith.constant 3 : i32
      %dma_wait3A_501 = arith.constant 3 : i32
      %dma_wait3A_502 = arith.constant 0 : i32
      %dma_wait3A_503 = arith.constant 0 : i32
      %dma_wait3A_504 = tpu.memref_slice %arg11[%dma_wait3A_501, %dma_wait3A_502, %dma_wait3A_503] : memref<5x128x128xf32, #tpu.memory_space<vmem>> -> memref<1x128x128xf32, #tpu.memory_space<vmem>>
      %dma_wait3A_505 = tpu.memref_squeeze %dma_wait3A_504 : memref<1x128x128xf32, #tpu.memory_space<vmem>> -> memref<128x128xf32, #tpu.memory_space<vmem>>
      %dma_wait3A_506 = arith.constant 0 : i32
      %dma_wait3A_507 = tpu.memref_slice %arg9[%rem3A_150, %dma_wait3A_500, %dma_wait3A_506] : memref<2x16x128xi32, #tpu.memory_space<vmem>> -> memref<1x1x128xi32, #tpu.memory_space<vmem>>
      %dma_wait3A_508 = tpu.memref_squeeze %dma_wait3A_507 : memref<1x1x128xi32, #tpu.memory_space<vmem>> -> memref<128xi32, #tpu.memory_space<vmem>>
      %dma_wait3A_509 = arith.constant 0 : i32
      %dma_wait3A_510 = arith.constant 0 : i32
      %dma_wait3A_511 = tpu.memref_slice %arg2[%dma_wait3A_509, %dma_wait3A_510] : memref<10112x128xf32, #tpu.memory_space<hbm>> -> memref<10112x128xf32, #tpu.memory_space<hbm>>
      tpu.wait_indirect_dma semaphore(%arg21 : memref<!tpu.dma_semaphore, #tpu.memory_space<semaphore_mem>>) src(%dma_wait3A_511 : memref<10112x128xf32, #tpu.memory_space<hbm>>) dst(%dma_wait3A_505 : memref<128x128xf32, #tpu.memory_space<vmem>>)
      %dma_start3A_512 = arith.constant 3 : i32
      %dma_start3A_513 = arith.constant 3 : i32
      %dma_start3A_514 = arith.constant 0 : i32
      %dma_start3A_515 = arith.constant 0 : i32
      %dma_start3A_516 = tpu.memref_slice %arg11[%dma_start3A_512, %dma_start3A_514, %dma_start3A_515] : memref<5x128x128xf32, #tpu.memory_space<vmem>> -> memref<1x128x128xf32, #tpu.memory_space<vmem>>
      %dma_start3A_517 = tpu.memref_squeeze %dma_start3A_516 : memref<1x128x128xf32, #tpu.memory_space<vmem>> -> memref<128x128xf32, #tpu.memory_space<vmem>>
      %dma_start3A_518 = arith.constant 0 : i32
      %dma_start3A_519 = tpu.memref_slice %arg10[%rem3A_150, %dma_start3A_513, %dma_start3A_518] : memref<2x16x128xi32, #tpu.memory_space<vmem>> -> memref<1x1x128xi32, #tpu.memory_space<vmem>>
      %dma_start3A_520 = tpu.memref_squeeze %dma_start3A_519 : memref<1x1x128xi32, #tpu.memory_space<vmem>> -> memref<128xi32, #tpu.memory_space<vmem>>
      %dma_start3A_521 = arith.constant 0 : i32
      %dma_start3A_522 = arith.constant 0 : i32
      %dma_start3A_523 = tpu.memref_slice %arg15[%dma_start3A_521, %dma_start3A_522] : memref<2048x128xf32, #tpu.memory_space<vmem_shared>> -> memref<2048x128xf32, #tpu.memory_space<vmem_shared>>
      tpu.enqueue_indirect_dma source(%dma_start3A_517 : memref<128x128xf32, #tpu.memory_space<vmem>>) target(%dma_start3A_523 : memref<2048x128xf32, #tpu.memory_space<vmem_shared>>) offsets(%dma_start3A_520 : memref<128xi32, #tpu.memory_space<vmem>>) semaphore(%arg26 : memref<!tpu.dma_semaphore, #tpu.memory_space<semaphore_mem>>) {add = true}
      %get3A_524 = arith.constant 3 : i32
      %get3A_525 = arith.index_cast %rem3A_150 : i32 to index
      %get3A_526 = arith.index_cast %get3A_524 : i32 to index
      %get3A_527 = arith.constant 0 : index
      %get3A_528 = tpu.vector_load %arg9[%get3A_525, %get3A_526, %get3A_527] {strides = array<i32>} : memref<2x16x128xi32, #tpu.memory_space<vmem>>, vector<16xi32>,
      %gather3A_529 = tpu.vector_load_idx %arg12[%get3A_528] : memref<10112xf32, #tpu.memory_space<vmem>>[vector<16xi32>], vector<16xf32>,
      %add3A_530 = arith.addf %add3A_482, %gather3A_529 : vector<16xf32>
      %get3A_531 = arith.constant 3 : i32
      %get3A_532 = arith.index_cast %rem3A_150 : i32 to index
      %get3A_533 = arith.index_cast %get3A_531 : i32 to index
      %get3A_534 = arith.constant 16 : index
      %get3A_535 = tpu.vector_load %arg9[%get3A_532, %get3A_533, %get3A_534] {strides = array<i32>} : memref<2x16x128xi32, #tpu.memory_space<vmem>>, vector<16xi32>,
      %gather3A_536 = tpu.vector_load_idx %arg12[%get3A_535] : memref<10112xf32, #tpu.memory_space<vmem>>[vector<16xi32>], vector<16xf32>,
      %add3A_537 = arith.addf %add3A_530, %gather3A_536 : vector<16xf32>
      %get3A_538 = arith.constant 3 : i32
      %get3A_539 = arith.index_cast %rem3A_150 : i32 to index
      %get3A_540 = arith.index_cast %get3A_538 : i32 to index
      %get3A_541 = arith.constant 32 : index
      %get3A_542 = tpu.vector_load %arg9[%get3A_539, %get3A_540, %get3A_541] {strides = array<i32>} : memref<2x16x128xi32, #tpu.memory_space<vmem>>, vector<16xi32>,
      %gather3A_543 = tpu.vector_load_idx %arg12[%get3A_542] : memref<10112xf32, #tpu.memory_space<vmem>>[vector<16xi32>], vector<16xf32>,
      %add3A_544 = arith.addf %add3A_537, %gather3A_543 : vector<16xf32>
      %get3A_545 = arith.constant 3 : i32
      %get3A_546 = arith.index_cast %rem3A_150 : i32 to index
      %get3A_547 = arith.index_cast %get3A_545 : i32 to index
      %get3A_548 = arith.constant 48 : index
      %get3A_549 = tpu.vector_load %arg9[%get3A_546, %get3A_547, %get3A_548] {strides = array<i32>} : memref<2x16x128xi32, #tpu.memory_space<vmem>>, vector<16xi32>,
      %gather3A_550 = tpu.vector_load_idx %arg12[%get3A_549] : memref<10112xf32, #tpu.memory_space<vmem>>[vector<16xi32>], vector<16xf32>,
      %add3A_551 = arith.addf %add3A_544, %gather3A_550 : vector<16xf32>
      %get3A_552 = arith.constant 3 : i32
      %get3A_553 = arith.index_cast %rem3A_150 : i32 to index
      %get3A_554 = arith.index_cast %get3A_552 : i32 to index
      %get3A_555 = arith.constant 64 : index
      %get3A_556 = tpu.vector_load %arg9[%get3A_553, %get3A_554, %get3A_555] {strides = array<i32>} : memref<2x16x128xi32, #tpu.memory_space<vmem>>, vector<16xi32>,
      %gather3A_557 = tpu.vector_load_idx %arg12[%get3A_556] : memref<10112xf32, #tpu.memory_space<vmem>>[vector<16xi32>], vector<16xf32>,
      %add3A_558 = arith.addf %add3A_551, %gather3A_557 : vector<16xf32>
      %get3A_559 = arith.constant 3 : i32
      %get3A_560 = arith.index_cast %rem3A_150 : i32 to index
      %get3A_561 = arith.index_cast %get3A_559 : i32 to index
      %get3A_562 = arith.constant 80 : index
      %get3A_563 = tpu.vector_load %arg9[%get3A_560, %get3A_561, %get3A_562] {strides = array<i32>} : memref<2x16x128xi32, #tpu.memory_space<vmem>>, vector<16xi32>,
      %gather3A_564 = tpu.vector_load_idx %arg12[%get3A_563] : memref<10112xf32, #tpu.memory_space<vmem>>[vector<16xi32>], vector<16xf32>,
      %add3A_565 = arith.addf %add3A_558, %gather3A_564 : vector<16xf32>
      %get3A_566 = arith.constant 3 : i32
      %get3A_567 = arith.index_cast %rem3A_150 : i32 to index
      %get3A_568 = arith.index_cast %get3A_566 : i32 to index
      %get3A_569 = arith.constant 96 : index
      %get3A_570 = tpu.vector_load %arg9[%get3A_567, %get3A_568, %get3A_569] {strides = array<i32>} : memref<2x16x128xi32, #tpu.memory_space<vmem>>, vector<16xi32>,
      %gather3A_571 = tpu.vector_load_idx %arg12[%get3A_570] : memref<10112xf32, #tpu.memory_space<vmem>>[vector<16xi32>], vector<16xf32>,
      %add3A_572 = arith.addf %add3A_565, %gather3A_571 : vector<16xf32>
      %get3A_573 = arith.constant 3 : i32
      %get3A_574 = arith.index_cast %rem3A_150 : i32 to index
      %get3A_575 = arith.index_cast %get3A_573 : i32 to index
      %get3A_576 = arith.constant 112 : index
      %get3A_577 = tpu.vector_load %arg9[%get3A_574, %get3A_575, %get3A_576] {strides = array<i32>} : memref<2x16x128xi32, #tpu.memory_space<vmem>>, vector<16xi32>,
      %gather3A_578 = tpu.vector_load_idx %arg12[%get3A_577] : memref<10112xf32, #tpu.memory_space<vmem>>[vector<16xi32>], vector<16xf32>,
      %add3A_579 = arith.addf %add3A_572, %gather3A_578 : vector<16xf32>
      %dma_wait3A_580 = arith.constant 0 : i32
      %dma_wait3A_581 = arith.constant 0 : i32
      %dma_wait3A_582 = arith.constant 0 : i32
      %dma_wait3A_583 = arith.constant 0 : i32
      %dma_wait3A_584 = tpu.memref_slice %arg11[%dma_wait3A_580, %dma_wait3A_582, %dma_wait3A_583] : memref<5x128x128xf32, #tpu.memory_space<vmem>> -> memref<1x128x128xf32, #tpu.memory_space<vmem>>
      %dma_wait3A_585 = tpu.memref_squeeze %dma_wait3A_584 : memref<1x128x128xf32, #tpu.memory_space<vmem>> -> memref<128x128xf32, #tpu.memory_space<vmem>>
      %dma_wait3A_586 = arith.constant 0 : i32
      %dma_wait3A_587 = tpu.memref_slice %arg10[%rem3A_150, %dma_wait3A_581, %dma_wait3A_586] : memref<2x16x128xi32, #tpu.memory_space<vmem>> -> memref<1x1x128xi32, #tpu.memory_space<vmem>>
      %dma_wait3A_588 = tpu.memref_squeeze %dma_wait3A_587 : memref<1x1x128xi32, #tpu.memory_space<vmem>> -> memref<128xi32, #tpu.memory_space<vmem>>
      %dma_wait3A_589 = arith.constant 0 : i32
      %dma_wait3A_590 = arith.constant 0 : i32
      %dma_wait3A_591 = tpu.memref_slice %arg15[%dma_wait3A_589, %dma_wait3A_590] : memref<2048x128xf32, #tpu.memory_space<vmem_shared>> -> memref<2048x128xf32, #tpu.memory_space<vmem_shared>>
      tpu.wait_indirect_dma semaphore(%arg23 : memref<!tpu.dma_semaphore, #tpu.memory_space<semaphore_mem>>) src(%dma_wait3A_585 : memref<128x128xf32, #tpu.memory_space<vmem>>) dst(%dma_wait3A_591 : memref<2048x128xf32, #tpu.memory_space<vmem_shared>>)
      %dma_start3A_592 = arith.constant 5 : i32
      %dma_start3A_593 = arith.constant 0 : i32
      %dma_start3A_594 = arith.constant 0 : i32
      %dma_start3A_595 = arith.constant 0 : i32
      %dma_start3A_596 = tpu.memref_slice %arg11[%dma_start3A_593, %dma_start3A_594, %dma_start3A_595] : memref<5x128x128xf32, #tpu.memory_space<vmem>> -> memref<1x128x128xf32, #tpu.memory_space<vmem>>
      %dma_start3A_597 = tpu.memref_squeeze %dma_start3A_596 : memref<1x128x128xf32, #tpu.memory_space<vmem>> -> memref<128x128xf32, #tpu.memory_space<vmem>>
      %dma_start3A_598 = arith.constant 0 : i32
      %dma_start3A_599 = tpu.memref_slice %arg9[%rem3A_150, %dma_start3A_592, %dma_start3A_598] : memref<2x16x128xi32, #tpu.memory_space<vmem>> -> memref<1x1x128xi32, #tpu.memory_space<vmem>>
      %dma_start3A_600 = tpu.memref_squeeze %dma_start3A_599 : memref<1x1x128xi32, #tpu.memory_space<vmem>> -> memref<128xi32, #tpu.memory_space<vmem>>
      %dma_start3A_601 = arith.constant 0 : i32
      %dma_start3A_602 = arith.constant 0 : i32
      %dma_start3A_603 = tpu.memref_slice %arg2[%dma_start3A_601, %dma_start3A_602] : memref<10112x128xf32, #tpu.memory_space<hbm>> -> memref<10112x128xf32, #tpu.memory_space<hbm>>
      tpu.enqueue_indirect_dma source(%dma_start3A_603 : memref<10112x128xf32, #tpu.memory_space<hbm>>) target(%dma_start3A_597 : memref<128x128xf32, #tpu.memory_space<vmem>>) offsets(%dma_start3A_600 : memref<128xi32, #tpu.memory_space<vmem>>) semaphore(%arg18 : memref<!tpu.dma_semaphore, #tpu.memory_space<semaphore_mem>>)
      %add3A_604 = arith.constant 1 : i32
      %add3A_605 = arith.addi %scan3A_148, %add3A_604 : i32
      %rem3A_606 = arith.constant 5 : i32
      %rem3A_607 = arith.remsi %add3A_605, %rem3A_606 : i32
      %mul3A_608 = arith.constant 16 : i32
      %mul3A_609 = arith.muli %rem3A_607, %mul3A_608 : i32
      %add3A_610 = arith.addi %mul3A_2, %mul3A_609 : i32
      %sub3A = arith.constant 1 : i32
      %sub3A_611 = arith.subi %sub3A, %rem3A_150 : i32
      %dma_start3A_612 = arith.constant 0 : i32
      %dma_start3A_613 = arith.constant 0 : i32
      %dma_start3A_614 = tpu.memref_slice %arg9[%sub3A_611, %dma_start3A_612, %dma_start3A_613] : memref<2x16x128xi32, #tpu.memory_space<vmem>> -> memref<1x16x128xi32, #tpu.memory_space<vmem>>
      %dma_start3A_615 = tpu.memref_squeeze %dma_start3A_614 : memref<1x16x128xi32, #tpu.memory_space<vmem>> -> memref<16x128xi32, #tpu.memory_space<vmem>>
      %dma_start3A_616 = arith.constant 0 : i32
      %dma_start3A_617 = tpu.memref_slice %arg5[%add3A_610, %dma_start3A_616] : memref<2560x128xi32, #tpu.memory_space<hbm>> -> memref<16x128xi32, #tpu.memory_space<hbm>>
      %dma_start3A_618 = arith.constant 0 : i32
      %dma_start3A_619 = arith.constant 0 : i32
      %dma_start3A_620 = tpu.memref_slice %arg9[%sub3A_611, %dma_start3A_618, %dma_start3A_619] : memref<2x16x128xi32, #tpu.memory_space<vmem>> -> memref<1x16x128xi32, #tpu.memory_space<vmem>>
      %dma_start3A_621 = tpu.memref_squeeze %dma_start3A_620 : memref<1x16x128xi32, #tpu.memory_space<vmem>> -> memref<16x128xi32, #tpu.memory_space<vmem>>
      %dma_start3A_622 = arith.constant 0 : i32
      %dma_start3A_623 = tpu.memref_slice %arg5[%add3A_610, %dma_start3A_622] : memref<2560x128xi32, #tpu.memory_space<hbm>> -> memref<16x128xi32, #tpu.memory_space<hbm>>
      tpu.enqueue_dma source(%dma_start3A_623 : memref<16x128xi32, #tpu.memory_space<hbm>>) target(%dma_start3A_621 : memref<16x128xi32, #tpu.memory_space<vmem>>) target_semaphore(%arg17 : memref<!tpu.dma_semaphore, #tpu.memory_space<semaphore_mem>>)
      %sub3A_624 = arith.constant 1 : i32
      %sub3A_625 = arith.subi %sub3A_624, %rem3A_150 : i32
      %dma_start3A_626 = arith.constant 0 : i32
      %dma_start3A_627 = arith.constant 0 : i32
      %dma_start3A_628 = tpu.memref_slice %arg10[%sub3A_625, %dma_start3A_626, %dma_start3A_627] : memref<2x16x128xi32, #tpu.memory_space<vmem>> -> memref<1x16x128xi32, #tpu.memory_space<vmem>>
      %dma_start3A_629 = tpu.memref_squeeze %dma_start3A_628 : memref<1x16x128xi32, #tpu.memory_space<vmem>> -> memref<16x128xi32, #tpu.memory_space<vmem>>
      %dma_start3A_630 = arith.constant 0 : i32
      %dma_start3A_631 = tpu.memref_slice %arg6[%add3A_610, %dma_start3A_630] : memref<2560x128xi32, #tpu.memory_space<hbm>> -> memref<16x128xi32, #tpu.memory_space<hbm>>
      %dma_start3A_632 = arith.constant 0 : i32
      %dma_start3A_633 = arith.constant 0 : i32
      %dma_start3A_634 = tpu.memref_slice %arg10[%sub3A_625, %dma_start3A_632, %dma_start3A_633] : memref<2x16x128xi32, #tpu.memory_space<vmem>> -> memref<1x16x128xi32, #tpu.memory_space<vmem>>
      %dma_start3A_635 = tpu.memref_squeeze %dma_start3A_634 : memref<1x16x128xi32, #tpu.memory_space<vmem>> -> memref<16x128xi32, #tpu.memory_space<vmem>>
      %dma_start3A_636 = arith.constant 0 : i32
      %dma_start3A_637 = tpu.memref_slice %arg6[%add3A_610, %dma_start3A_636] : memref<2560x128xi32, #tpu.memory_space<hbm>> -> memref<16x128xi32, #tpu.memory_space<hbm>>
      tpu.enqueue_dma source(%dma_start3A_637 : memref<16x128xi32, #tpu.memory_space<hbm>>) target(%dma_start3A_635 : memref<16x128xi32, #tpu.memory_space<vmem>>) target_semaphore(%arg17 : memref<!tpu.dma_semaphore, #tpu.memory_space<semaphore_mem>>)
      %dma_wait3A_638 = arith.constant 4 : i32
      %dma_wait3A_639 = arith.constant 4 : i32
      %dma_wait3A_640 = arith.constant 0 : i32
      %dma_wait3A_641 = arith.constant 0 : i32
      %dma_wait3A_642 = tpu.memref_slice %arg11[%dma_wait3A_639, %dma_wait3A_640, %dma_wait3A_641] : memref<5x128x128xf32, #tpu.memory_space<vmem>> -> memref<1x128x128xf32, #tpu.memory_space<vmem>>
      %dma_wait3A_643 = tpu.memref_squeeze %dma_wait3A_642 : memref<1x128x128xf32, #tpu.memory_space<vmem>> -> memref<128x128xf32, #tpu.memory_space<vmem>>
      %dma_wait3A_644 = arith.constant 0 : i32
      %dma_wait3A_645 = tpu.memref_slice %arg9[%rem3A_150, %dma_wait3A_638, %dma_wait3A_644] : memref<2x16x128xi32, #tpu.memory_space<vmem>> -> memref<1x1x128xi32, #tpu.memory_space<vmem>>
      %dma_wait3A_646 = tpu.memref_squeeze %dma_wait3A_645 : memref<1x1x128xi32, #tpu.memory_space<vmem>> -> memref<128xi32, #tpu.memory_space<vmem>>
      %dma_wait3A_647 = arith.constant 0 : i32
      %dma_wait3A_648 = arith.constant 0 : i32
      %dma_wait3A_649 = tpu.memref_slice %arg2[%dma_wait3A_647, %dma_wait3A_648] : memref<10112x128xf32, #tpu.memory_space<hbm>> -> memref<10112x128xf32, #tpu.memory_space<hbm>>
      tpu.wait_indirect_dma semaphore(%arg22 : memref<!tpu.dma_semaphore, #tpu.memory_space<semaphore_mem>>) src(%dma_wait3A_649 : memref<10112x128xf32, #tpu.memory_space<hbm>>) dst(%dma_wait3A_643 : memref<128x128xf32, #tpu.memory_space<vmem>>)
      %dma_start3A_650 = arith.constant 4 : i32
      %dma_start3A_651 = arith.constant 4 : i32
      %dma_start3A_652 = arith.constant 0 : i32
      %dma_start3A_653 = arith.constant 0 : i32
      %dma_start3A_654 = tpu.memref_slice %arg11[%dma_start3A_650, %dma_start3A_652, %dma_start3A_653] : memref<5x128x128xf32, #tpu.memory_space<vmem>> -> memref<1x128x128xf32, #tpu.memory_space<vmem>>
      %dma_start3A_655 = tpu.memref_squeeze %dma_start3A_654 : memref<1x128x128xf32, #tpu.memory_space<vmem>> -> memref<128x128xf32, #tpu.memory_space<vmem>>
      %dma_start3A_656 = arith.constant 0 : i32
      %dma_start3A_657 = tpu.memref_slice %arg10[%rem3A_150, %dma_start3A_651, %dma_start3A_656] : memref<2x16x128xi32, #tpu.memory_space<vmem>> -> memref<1x1x128xi32, #tpu.memory_space<vmem>>
      %dma_start3A_658 = tpu.memref_squeeze %dma_start3A_657 : memref<1x1x128xi32, #tpu.memory_space<vmem>> -> memref<128xi32, #tpu.memory_space<vmem>>
      %dma_start3A_659 = arith.constant 0 : i32
      %dma_start3A_660 = arith.constant 0 : i32
      %dma_start3A_661 = tpu.memref_slice %arg15[%dma_start3A_659, %dma_start3A_660] : memref<2048x128xf32, #tpu.memory_space<vmem_shared>> -> memref<2048x128xf32, #tpu.memory_space<vmem_shared>>
      tpu.enqueue_indirect_dma source(%dma_start3A_655 : memref<128x128xf32, #tpu.memory_space<vmem>>) target(%dma_start3A_661 : memref<2048x128xf32, #tpu.memory_space<vmem_shared>>) offsets(%dma_start3A_658 : memref<128xi32, #tpu.memory_space<vmem>>) semaphore(%arg27 : memref<!tpu.dma_semaphore, #tpu.memory_space<semaphore_mem>>) {add = true}
      %get3A_662 = arith.constant 4 : i32
      %get3A_663 = arith.index_cast %rem3A_150 : i32 to index
      %get3A_664 = arith.index_cast %get3A_662 : i32 to index
      %get3A_665 = arith.constant 0 : index
      %get3A_666 = tpu.vector_load %arg9[%get3A_663, %get3A_664, %get3A_665] {strides = array<i32>} : memref<2x16x128xi32, #tpu.memory_space<vmem>>, vector<16xi32>,
      %gather3A_667 = tpu.vector_load_idx %arg12[%get3A_666] : memref<10112xf32, #tpu.memory_space<vmem>>[vector<16xi32>], vector<16xf32>,
      %add3A_668 = arith.addf %add3A_579, %gather3A_667 : vector<16xf32>
      %get3A_669 = arith.constant 4 : i32
      %get3A_670 = arith.index_cast %rem3A_150 : i32 to index
      %get3A_671 = arith.index_cast %get3A_669 : i32 to index
      %get3A_672 = arith.constant 16 : index
      %get3A_673 = tpu.vector_load %arg9[%get3A_670, %get3A_671, %get3A_672] {strides = array<i32>} : memref<2x16x128xi32, #tpu.memory_space<vmem>>, vector<16xi32>,
      %gather3A_674 = tpu.vector_load_idx %arg12[%get3A_673] : memref<10112xf32, #tpu.memory_space<vmem>>[vector<16xi32>], vector<16xf32>,
      %add3A_675 = arith.addf %add3A_668, %gather3A_674 : vector<16xf32>
      %get3A_676 = arith.constant 4 : i32
      %get3A_677 = arith.index_cast %rem3A_150 : i32 to index
      %get3A_678 = arith.index_cast %get3A_676 : i32 to index
      %get3A_679 = arith.constant 32 : index
      %get3A_680 = tpu.vector_load %arg9[%get3A_677, %get3A_678, %get3A_679] {strides = array<i32>} : memref<2x16x128xi32, #tpu.memory_space<vmem>>, vector<16xi32>,
      %gather3A_681 = tpu.vector_load_idx %arg12[%get3A_680] : memref<10112xf32, #tpu.memory_space<vmem>>[vector<16xi32>], vector<16xf32>,
      %add3A_682 = arith.addf %add3A_675, %gather3A_681 : vector<16xf32>
      %get3A_683 = arith.constant 4 : i32
      %get3A_684 = arith.index_cast %rem3A_150 : i32 to index
      %get3A_685 = arith.index_cast %get3A_683 : i32 to index
      %get3A_686 = arith.constant 48 : index
      %get3A_687 = tpu.vector_load %arg9[%get3A_684, %get3A_685, %get3A_686] {strides = array<i32>} : memref<2x16x128xi32, #tpu.memory_space<vmem>>, vector<16xi32>,
      %gather3A_688 = tpu.vector_load_idx %arg12[%get3A_687] : memref<10112xf32, #tpu.memory_space<vmem>>[vector<16xi32>], vector<16xf32>,
      %add3A_689 = arith.addf %add3A_682, %gather3A_688 : vector<16xf32>
      %get3A_690 = arith.constant 4 : i32
      %get3A_691 = arith.index_cast %rem3A_150 : i32 to index
      %get3A_692 = arith.index_cast %get3A_690 : i32 to index
      %get3A_693 = arith.constant 64 : index
      %get3A_694 = tpu.vector_load %arg9[%get3A_691, %get3A_692, %get3A_693] {strides = array<i32>} : memref<2x16x128xi32, #tpu.memory_space<vmem>>, vector<16xi32>,
      %gather3A_695 = tpu.vector_load_idx %arg12[%get3A_694] : memref<10112xf32, #tpu.memory_space<vmem>>[vector<16xi32>], vector<16xf32>,
      %add3A_696 = arith.addf %add3A_689, %gather3A_695 : vector<16xf32>
      %get3A_697 = arith.constant 4 : i32
      %get3A_698 = arith.index_cast %rem3A_150 : i32 to index
      %get3A_699 = arith.index_cast %get3A_697 : i32 to index
      %get3A_700 = arith.constant 80 : index
      %get3A_701 = tpu.vector_load %arg9[%get3A_698, %get3A_699, %get3A_700] {strides = array<i32>} : memref<2x16x128xi32, #tpu.memory_space<vmem>>, vector<16xi32>,
      %gather3A_702 = tpu.vector_load_idx %arg12[%get3A_701] : memref<10112xf32, #tpu.memory_space<vmem>>[vector<16xi32>], vector<16xf32>,
      %add3A_703 = arith.addf %add3A_696, %gather3A_702 : vector<16xf32>
      %get3A_704 = arith.constant 4 : i32
      %get3A_705 = arith.index_cast %rem3A_150 : i32 to index
      %get3A_706 = arith.index_cast %get3A_704 : i32 to index
      %get3A_707 = arith.constant 96 : index
      %get3A_708 = tpu.vector_load %arg9[%get3A_705, %get3A_706, %get3A_707] {strides = array<i32>} : memref<2x16x128xi32, #tpu.memory_space<vmem>>, vector<16xi32>,
      %gather3A_709 = tpu.vector_load_idx %arg12[%get3A_708] : memref<10112xf32, #tpu.memory_space<vmem>>[vector<16xi32>], vector<16xf32>,
      %add3A_710 = arith.addf %add3A_703, %gather3A_709 : vector<16xf32>
      %get3A_711 = arith.constant 4 : i32
      %get3A_712 = arith.index_cast %rem3A_150 : i32 to index
      %get3A_713 = arith.index_cast %get3A_711 : i32 to index
      %get3A_714 = arith.constant 112 : index
      %get3A_715 = tpu.vector_load %arg9[%get3A_712, %get3A_713, %get3A_714] {strides = array<i32>} : memref<2x16x128xi32, #tpu.memory_space<vmem>>, vector<16xi32>,
      %gather3A_716 = tpu.vector_load_idx %arg12[%get3A_715] : memref<10112xf32, #tpu.memory_space<vmem>>[vector<16xi32>], vector<16xf32>,
      %add3A_717 = arith.addf %add3A_710, %gather3A_716 : vector<16xf32>
      %dma_wait3A_718 = arith.constant 1 : i32
      %dma_wait3A_719 = arith.constant 1 : i32
      %dma_wait3A_720 = arith.constant 0 : i32
      %dma_wait3A_721 = arith.constant 0 : i32
      %dma_wait3A_722 = tpu.memref_slice %arg11[%dma_wait3A_718, %dma_wait3A_720, %dma_wait3A_721] : memref<5x128x128xf32, #tpu.memory_space<vmem>> -> memref<1x128x128xf32, #tpu.memory_space<vmem>>
      %dma_wait3A_723 = tpu.memref_squeeze %dma_wait3A_722 : memref<1x128x128xf32, #tpu.memory_space<vmem>> -> memref<128x128xf32, #tpu.memory_space<vmem>>
      %dma_wait3A_724 = arith.constant 0 : i32
      %dma_wait3A_725 = tpu.memref_slice %arg10[%rem3A_150, %dma_wait3A_719, %dma_wait3A_724] : memref<2x16x128xi32, #tpu.memory_space<vmem>> -> memref<1x1x128xi32, #tpu.memory_space<vmem>>
      %dma_wait3A_726 = tpu.memref_squeeze %dma_wait3A_725 : memref<1x1x128xi32, #tpu.memory_space<vmem>> -> memref<128xi32, #tpu.memory_space<vmem>>
      %dma_wait3A_727 = arith.constant 0 : i32
      %dma_wait3A_728 = arith.constant 0 : i32
      %dma_wait3A_729 = tpu.memref_slice %arg15[%dma_wait3A_727, %dma_wait3A_728] : memref<2048x128xf32, #tpu.memory_space<vmem_shared>> -> memref<2048x128xf32, #tpu.memory_space<vmem_shared>>
      tpu.wait_indirect_dma semaphore(%arg24 : memref<!tpu.dma_semaphore, #tpu.memory_space<semaphore_mem>>) src(%dma_wait3A_723 : memref<128x128xf32, #tpu.memory_space<vmem>>) dst(%dma_wait3A_729 : memref<2048x128xf32, #tpu.memory_space<vmem_shared>>)
      %dma_start3A_730 = arith.constant 6 : i32
      %dma_start3A_731 = arith.constant 1 : i32
      %dma_start3A_732 = arith.constant 0 : i32
      %dma_start3A_733 = arith.constant 0 : i32
      %dma_start3A_734 = tpu.memref_slice %arg11[%dma_start3A_731, %dma_start3A_732, %dma_start3A_733] : memref<5x128x128xf32, #tpu.memory_space<vmem>> -> memref<1x128x128xf32, #tpu.memory_space<vmem>>
      %dma_start3A_735 = tpu.memref_squeeze %dma_start3A_734 : memref<1x128x128xf32, #tpu.memory_space<vmem>> -> memref<128x128xf32, #tpu.memory_space<vmem>>
      %dma_start3A_736 = arith.constant 0 : i32
      %dma_start3A_737 = tpu.memref_slice %arg9[%rem3A_150, %dma_start3A_730, %dma_start3A_736] : memref<2x16x128xi32, #tpu.memory_space<vmem>> -> memref<1x1x128xi32, #tpu.memory_space<vmem>>
      %dma_start3A_738 = tpu.memref_squeeze %dma_start3A_737 : memref<1x1x128xi32, #tpu.memory_space<vmem>> -> memref<128xi32, #tpu.memory_space<vmem>>
      %dma_start3A_739 = arith.constant 0 : i32
      %dma_start3A_740 = arith.constant 0 : i32
      %dma_start3A_741 = tpu.memref_slice %arg2[%dma_start3A_739, %dma_start3A_740] : memref<10112x128xf32, #tpu.memory_space<hbm>> -> memref<10112x128xf32, #tpu.memory_space<hbm>>
      tpu.enqueue_indirect_dma source(%dma_start3A_741 : memref<10112x128xf32, #tpu.memory_space<hbm>>) target(%dma_start3A_735 : memref<128x128xf32, #tpu.memory_space<vmem>>) offsets(%dma_start3A_738 : memref<128xi32, #tpu.memory_space<vmem>>) semaphore(%arg19 : memref<!tpu.dma_semaphore, #tpu.memory_space<semaphore_mem>>)
      %dma_wait3A_742 = arith.constant 5 : i32
      %dma_wait3A_743 = arith.constant 0 : i32
      %dma_wait3A_744 = arith.constant 0 : i32
      %dma_wait3A_745 = arith.constant 0 : i32
      %dma_wait3A_746 = tpu.memref_slice %arg11[%dma_wait3A_743, %dma_wait3A_744, %dma_wait3A_745] : memref<5x128x128xf32, #tpu.memory_space<vmem>> -> memref<1x128x128xf32, #tpu.memory_space<vmem>>
      %dma_wait3A_747 = tpu.memref_squeeze %dma_wait3A_746 : memref<1x128x128xf32, #tpu.memory_space<vmem>> -> memref<128x128xf32, #tpu.memory_space<vmem>>
      %dma_wait3A_748 = arith.constant 0 : i32
      %dma_wait3A_749 = tpu.memref_slice %arg9[%rem3A_150, %dma_wait3A_742, %dma_wait3A_748] : memref<2x16x128xi32, #tpu.memory_space<vmem>> -> memref<1x1x128xi32, #tpu.memory_space<vmem>>
      %dma_wait3A_750 = tpu.memref_squeeze %dma_wait3A_749 : memref<1x1x128xi32, #tpu.memory_space<vmem>> -> memref<128xi32, #tpu.memory_space<vmem>>
      %dma_wait3A_751 = arith.constant 0 : i32
      %dma_wait3A_752 = arith.constant 0 : i32
      %dma_wait3A_753 = tpu.memref_slice %arg2[%dma_wait3A_751, %dma_wait3A_752] : memref<10112x128xf32, #tpu.memory_space<hbm>> -> memref<10112x128xf32, #tpu.memory_space<hbm>>
      tpu.wait_indirect_dma semaphore(%arg18 : memref<!tpu.dma_semaphore, #tpu.memory_space<semaphore_mem>>) src(%dma_wait3A_753 : memref<10112x128xf32, #tpu.memory_space<hbm>>) dst(%dma_wait3A_747 : memref<128x128xf32, #tpu.memory_space<vmem>>)
      %dma_start3A_754 = arith.constant 0 : i32
      %dma_start3A_755 = arith.constant 5 : i32
      %dma_start3A_756 = arith.constant 0 : i32
      %dma_start3A_757 = arith.constant 0 : i32
      %dma_start3A_758 = tpu.memref_slice %arg11[%dma_start3A_754, %dma_start3A_756, %dma_start3A_757] : memref<5x128x128xf32, #tpu.memory_space<vmem>> -> memref<1x128x128xf32, #tpu.memory_space<vmem>>
      %dma_start3A_759 = tpu.memref_squeeze %dma_start3A_758 : memref<1x128x128xf32, #tpu.memory_space<vmem>> -> memref<128x128xf32, #tpu.memory_space<vmem>>
      %dma_start3A_760 = arith.constant 0 : i32
      %dma_start3A_761 = tpu.memref_slice %arg10[%rem3A_150, %dma_start3A_755, %dma_start3A_760] : memref<2x16x128xi32, #tpu.memory_space<vmem>> -> memref<1x1x128xi32, #tpu.memory_space<vmem>>
      %dma_start3A_762 = tpu.memref_squeeze %dma_start3A_761 : memref<1x1x128xi32, #tpu.memory_space<vmem>> -> memref<128xi32, #tpu.memory_space<vmem>>
      %dma_start3A_763 = arith.constant 0 : i32
      %dma_start3A_764 = arith.constant 0 : i32
      %dma_start3A_765 = tpu.memref_slice %arg15[%dma_start3A_763, %dma_start3A_764] : memref<2048x128xf32, #tpu.memory_space<vmem_shared>> -> memref<2048x128xf32, #tpu.memory_space<vmem_shared>>
      tpu.enqueue_indirect_dma source(%dma_start3A_759 : memref<128x128xf32, #tpu.memory_space<vmem>>) target(%dma_start3A_765 : memref<2048x128xf32, #tpu.memory_space<vmem_shared>>) offsets(%dma_start3A_762 : memref<128xi32, #tpu.memory_space<vmem>>) semaphore(%arg23 : memref<!tpu.dma_semaphore, #tpu.memory_space<semaphore_mem>>) {add = true}
      %get3A_766 = arith.constant 5 : i32
      %get3A_767 = arith.index_cast %rem3A_150 : i32 to index
      %get3A_768 = arith.index_cast %get3A_766 : i32 to index
      %get3A_769 = arith.constant 0 : index
      %get3A_770 = tpu.vector_load %arg9[%get3A_767, %get3A_768, %get3A_769] {strides = array<i32>} : memref<2x16x128xi32, #tpu.memory_space<vmem>>, vector<16xi32>,
      %gather3A_771 = tpu.vector_load_idx %arg12[%get3A_770] : memref<10112xf32, #tpu.memory_space<vmem>>[vector<16xi32>], vector<16xf32>,
      %add3A_772 = arith.addf %add3A_717, %gather3A_771 : vector<16xf32>
      %get3A_773 = arith.constant 5 : i32
      %get3A_774 = arith.index_cast %rem3A_150 : i32 to index
      %get3A_775 = arith.index_cast %get3A_773 : i32 to index
      %get3A_776 = arith.constant 16 : index
      %get3A_777 = tpu.vector_load %arg9[%get3A_774, %get3A_775, %get3A_776] {strides = array<i32>} : memref<2x16x128xi32, #tpu.memory_space<vmem>>, vector<16xi32>,
      %gather3A_778 = tpu.vector_load_idx %arg12[%get3A_777] : memref<10112xf32, #tpu.memory_space<vmem>>[vector<16xi32>], vector<16xf32>,
      %add3A_779 = arith.addf %add3A_772, %gather3A_778 : vector<16xf32>
      %get3A_780 = arith.constant 5 : i32
      %get3A_781 = arith.index_cast %rem3A_150 : i32 to index
      %get3A_782 = arith.index_cast %get3A_780 : i32 to index
      %get3A_783 = arith.constant 32 : index
      %get3A_784 = tpu.vector_load %arg9[%get3A_781, %get3A_782, %get3A_783] {strides = array<i32>} : memref<2x16x128xi32, #tpu.memory_space<vmem>>, vector<16xi32>,
      %gather3A_785 = tpu.vector_load_idx %arg12[%get3A_784] : memref<10112xf32, #tpu.memory_space<vmem>>[vector<16xi32>], vector<16xf32>,
      %add3A_786 = arith.addf %add3A_779, %gather3A_785 : vector<16xf32>
      %get3A_787 = arith.constant 5 : i32
      %get3A_788 = arith.index_cast %rem3A_150 : i32 to index
      %get3A_789 = arith.index_cast %get3A_787 : i32 to index
      %get3A_790 = arith.constant 48 : index
      %get3A_791 = tpu.vector_load %arg9[%get3A_788, %get3A_789, %get3A_790] {strides = array<i32>} : memref<2x16x128xi32, #tpu.memory_space<vmem>>, vector<16xi32>,
      %gather3A_792 = tpu.vector_load_idx %arg12[%get3A_791] : memref<10112xf32, #tpu.memory_space<vmem>>[vector<16xi32>], vector<16xf32>,
      %add3A_793 = arith.addf %add3A_786, %gather3A_792 : vector<16xf32>
      %get3A_794 = arith.constant 5 : i32
      %get3A_795 = arith.index_cast %rem3A_150 : i32 to index
      %get3A_796 = arith.index_cast %get3A_794 : i32 to index
      %get3A_797 = arith.constant 64 : index
      %get3A_798 = tpu.vector_load %arg9[%get3A_795, %get3A_796, %get3A_797] {strides = array<i32>} : memref<2x16x128xi32, #tpu.memory_space<vmem>>, vector<16xi32>,
      %gather3A_799 = tpu.vector_load_idx %arg12[%get3A_798] : memref<10112xf32, #tpu.memory_space<vmem>>[vector<16xi32>], vector<16xf32>,
      %add3A_800 = arith.addf %add3A_793, %gather3A_799 : vector<16xf32>
      %get3A_801 = arith.constant 5 : i32
      %get3A_802 = arith.index_cast %rem3A_150 : i32 to index
      %get3A_803 = arith.index_cast %get3A_801 : i32 to index
      %get3A_804 = arith.constant 80 : index
      %get3A_805 = tpu.vector_load %arg9[%get3A_802, %get3A_803, %get3A_804] {strides = array<i32>} : memref<2x16x128xi32, #tpu.memory_space<vmem>>, vector<16xi32>,
      %gather3A_806 = tpu.vector_load_idx %arg12[%get3A_805] : memref<10112xf32, #tpu.memory_space<vmem>>[vector<16xi32>], vector<16xf32>,
      %add3A_807 = arith.addf %add3A_800, %gather3A_806 : vector<16xf32>
      %get3A_808 = arith.constant 5 : i32
      %get3A_809 = arith.index_cast %rem3A_150 : i32 to index
      %get3A_810 = arith.index_cast %get3A_808 : i32 to index
      %get3A_811 = arith.constant 96 : index
      %get3A_812 = tpu.vector_load %arg9[%get3A_809, %get3A_810, %get3A_811] {strides = array<i32>} : memref<2x16x128xi32, #tpu.memory_space<vmem>>, vector<16xi32>,
      %gather3A_813 = tpu.vector_load_idx %arg12[%get3A_812] : memref<10112xf32, #tpu.memory_space<vmem>>[vector<16xi32>], vector<16xf32>,
      %add3A_814 = arith.addf %add3A_807, %gather3A_813 : vector<16xf32>
      %get3A_815 = arith.constant 5 : i32
      %get3A_816 = arith.index_cast %rem3A_150 : i32 to index
      %get3A_817 = arith.index_cast %get3A_815 : i32 to index
      %get3A_818 = arith.constant 112 : index
      %get3A_819 = tpu.vector_load %arg9[%get3A_816, %get3A_817, %get3A_818] {strides = array<i32>} : memref<2x16x128xi32, #tpu.memory_space<vmem>>, vector<16xi32>,
      %gather3A_820 = tpu.vector_load_idx %arg12[%get3A_819] : memref<10112xf32, #tpu.memory_space<vmem>>[vector<16xi32>], vector<16xf32>,
      %add3A_821 = arith.addf %add3A_814, %gather3A_820 : vector<16xf32>
      %dma_wait3A_822 = arith.constant 2 : i32
      %dma_wait3A_823 = arith.constant 2 : i32
      %dma_wait3A_824 = arith.constant 0 : i32
      %dma_wait3A_825 = arith.constant 0 : i32
      %dma_wait3A_826 = tpu.memref_slice %arg11[%dma_wait3A_822, %dma_wait3A_824, %dma_wait3A_825] : memref<5x128x128xf32, #tpu.memory_space<vmem>> -> memref<1x128x128xf32, #tpu.memory_space<vmem>>
      %dma_wait3A_827 = tpu.memref_squeeze %dma_wait3A_826 : memref<1x128x128xf32, #tpu.memory_space<vmem>> -> memref<128x128xf32, #tpu.memory_space<vmem>>
      %dma_wait3A_828 = arith.constant 0 : i32
      %dma_wait3A_829 = tpu.memref_slice %arg10[%rem3A_150, %dma_wait3A_823, %dma_wait3A_828] : memref<2x16x128xi32, #tpu.memory_space<vmem>> -> memref<1x1x128xi32, #tpu.memory_space<vmem>>
      %dma_wait3A_830 = tpu.memref_squeeze %dma_wait3A_829 : memref<1x1x128xi32, #tpu.memory_space<vmem>> -> memref<128xi32, #tpu.memory_space<vmem>>
      %dma_wait3A_831 = arith.constant 0 : i32
      %dma_wait3A_832 = arith.constant 0 : i32
      %dma_wait3A_833 = tpu.memref_slice %arg15[%dma_wait3A_831, %dma_wait3A_832] : memref<2048x128xf32, #tpu.memory_space<vmem_shared>> -> memref<2048x128xf32, #tpu.memory_space<vmem_shared>>
      tpu.wait_indirect_dma semaphore(%arg25 : memref<!tpu.dma_semaphore, #tpu.memory_space<semaphore_mem>>) src(%dma_wait3A_827 : memref<128x128xf32, #tpu.memory_space<vmem>>) dst(%dma_wait3A_833 : memref<2048x128xf32, #tpu.memory_space<vmem_shared>>)
      %dma_start3A_834 = arith.constant 7 : i32
      %dma_start3A_835 = arith.constant 2 : i32
      %dma_start3A_836 = arith.constant 0 : i32
      %dma_start3A_837 = arith.constant 0 : i32
      %dma_start3A_838 = tpu.memref_slice %arg11[%dma_start3A_835, %dma_start3A_836, %dma_start3A_837] : memref<5x128x128xf32, #tpu.memory_space<vmem>> -> memref<1x128x128xf32, #tpu.memory_space<vmem>>
      %dma_start3A_839 = tpu.memref_squeeze %dma_start3A_838 : memref<1x128x128xf32, #tpu.memory_space<vmem>> -> memref<128x128xf32, #tpu.memory_space<vmem>>
      %dma_start3A_840 = arith.constant 0 : i32
      %dma_start3A_841 = tpu.memref_slice %arg9[%rem3A_150, %dma_start3A_834, %dma_start3A_840] : memref<2x16x128xi32, #tpu.memory_space<vmem>> -> memref<1x1x128xi32, #tpu.memory_space<vmem>>
      %dma_start3A_842 = tpu.memref_squeeze %dma_start3A_841 : memref<1x1x128xi32, #tpu.memory_space<vmem>> -> memref<128xi32, #tpu.memory_space<vmem>>
      %dma_start3A_843 = arith.constant 0 : i32
      %dma_start3A_844 = arith.constant 0 : i32
      %dma_start3A_845 = tpu.memref_slice %arg2[%dma_start3A_843, %dma_start3A_844] : memref<10112x128xf32, #tpu.memory_space<hbm>> -> memref<10112x128xf32, #tpu.memory_space<hbm>>
      tpu.enqueue_indirect_dma source(%dma_start3A_845 : memref<10112x128xf32, #tpu.memory_space<hbm>>) target(%dma_start3A_839 : memref<128x128xf32, #tpu.memory_space<vmem>>) offsets(%dma_start3A_842 : memref<128xi32, #tpu.memory_space<vmem>>) semaphore(%arg20 : memref<!tpu.dma_semaphore, #tpu.memory_space<semaphore_mem>>)
      %dma_wait3A_846 = arith.constant 6 : i32
      %dma_wait3A_847 = arith.constant 1 : i32
      %dma_wait3A_848 = arith.constant 0 : i32
      %dma_wait3A_849 = arith.constant 0 : i32
      %dma_wait3A_850 = tpu.memref_slice %arg11[%dma_wait3A_847, %dma_wait3A_848, %dma_wait3A_849] : memref<5x128x128xf32, #tpu.memory_space<vmem>> -> memref<1x128x128xf32, #tpu.memory_space<vmem>>
      %dma_wait3A_851 = tpu.memref_squeeze %dma_wait3A_850 : memref<1x128x128xf32, #tpu.memory_space<vmem>> -> memref<128x128xf32, #tpu.memory_space<vmem>>
      %dma_wait3A_852 = arith.constant 0 : i32
      %dma_wait3A_853 = tpu.memref_slice %arg9[%rem3A_150, %dma_wait3A_846, %dma_wait3A_852] : memref<2x16x128xi32, #tpu.memory_space<vmem>> -> memref<1x1x128xi32, #tpu.memory_space<vmem>>
      %dma_wait3A_854 = tpu.memref_squeeze %dma_wait3A_853 : memref<1x1x128xi32, #tpu.memory_space<vmem>> -> memref<128xi32, #tpu.memory_space<vmem>>
      %dma_wait3A_855 = arith.constant 0 : i32
      %dma_wait3A_856 = arith.constant 0 : i32
      %dma_wait3A_857 = tpu.memref_slice %arg2[%dma_wait3A_855, %dma_wait3A_856] : memref<10112x128xf32, #tpu.memory_space<hbm>> -> memref<10112x128xf32, #tpu.memory_space<hbm>>
      tpu.wait_indirect_dma semaphore(%arg19 : memref<!tpu.dma_semaphore, #tpu.memory_space<semaphore_mem>>) src(%dma_wait3A_857 : memref<10112x128xf32, #tpu.memory_space<hbm>>) dst(%dma_wait3A_851 : memref<128x128xf32, #tpu.memory_space<vmem>>)
      %dma_start3A_858 = arith.constant 1 : i32
      %dma_start3A_859 = arith.constant 6 : i32
      %dma_start3A_860 = arith.constant 0 : i32
      %dma_start3A_861 = arith.constant 0 : i32
      %dma_start3A_862 = tpu.memref_slice %arg11[%dma_start3A_858, %dma_start3A_860, %dma_start3A_861] : memref<5x128x128xf32, #tpu.memory_space<vmem>> -> memref<1x128x128xf32, #tpu.memory_space<vmem>>
      %dma_start3A_863 = tpu.memref_squeeze %dma_start3A_862 : memref<1x128x128xf32, #tpu.memory_space<vmem>> -> memref<128x128xf32, #tpu.memory_space<vmem>>
      %dma_start3A_864 = arith.constant 0 : i32
      %dma_start3A_865 = tpu.memref_slice %arg10[%rem3A_150, %dma_start3A_859, %dma_start3A_864] : memref<2x16x128xi32, #tpu.memory_space<vmem>> -> memref<1x1x128xi32, #tpu.memory_space<vmem>>
      %dma_start3A_866 = tpu.memref_squeeze %dma_start3A_865 : memref<1x1x128xi32, #tpu.memory_space<vmem>> -> memref<128xi32, #tpu.memory_space<vmem>>
      %dma_start3A_867 = arith.constant 0 : i32
      %dma_start3A_868 = arith.constant 0 : i32
      %dma_start3A_869 = tpu.memref_slice %arg15[%dma_start3A_867, %dma_start3A_868] : memref<2048x128xf32, #tpu.memory_space<vmem_shared>> -> memref<2048x128xf32, #tpu.memory_space<vmem_shared>>
      tpu.enqueue_indirect_dma source(%dma_start3A_863 : memref<128x128xf32, #tpu.memory_space<vmem>>) target(%dma_start3A_869 : memref<2048x128xf32, #tpu.memory_space<vmem_shared>>) offsets(%dma_start3A_866 : memref<128xi32, #tpu.memory_space<vmem>>) semaphore(%arg24 : memref<!tpu.dma_semaphore, #tpu.memory_space<semaphore_mem>>) {add = true}
      %get3A_870 = arith.constant 6 : i32
      %get3A_871 = arith.index_cast %rem3A_150 : i32 to index
      %get3A_872 = arith.index_cast %get3A_870 : i32 to index
      %get3A_873 = arith.constant 0 : index
      %get3A_874 = tpu.vector_load %arg9[%get3A_871, %get3A_872, %get3A_873] {strides = array<i32>} : memref<2x16x128xi32, #tpu.memory_space<vmem>>, vector<16xi32>,
      %gather3A_875 = tpu.vector_load_idx %arg12[%get3A_874] : memref<10112xf32, #tpu.memory_space<vmem>>[vector<16xi32>], vector<16xf32>,
      %add3A_876 = arith.addf %add3A_821, %gather3A_875 : vector<16xf32>
      %get3A_877 = arith.constant 6 : i32
      %get3A_878 = arith.index_cast %rem3A_150 : i32 to index
      %get3A_879 = arith.index_cast %get3A_877 : i32 to index
      %get3A_880 = arith.constant 16 : index
      %get3A_881 = tpu.vector_load %arg9[%get3A_878, %get3A_879, %get3A_880] {strides = array<i32>} : memref<2x16x128xi32, #tpu.memory_space<vmem>>, vector<16xi32>,
      %gather3A_882 = tpu.vector_load_idx %arg12[%get3A_881] : memref<10112xf32, #tpu.memory_space<vmem>>[vector<16xi32>], vector<16xf32>,
      %add3A_883 = arith.addf %add3A_876, %gather3A_882 : vector<16xf32>
      %get3A_884 = arith.constant 6 : i32
      %get3A_885 = arith.index_cast %rem3A_150 : i32 to index
      %get3A_886 = arith.index_cast %get3A_884 : i32 to index
      %get3A_887 = arith.constant 32 : index
      %get3A_888 = tpu.vector_load %arg9[%get3A_885, %get3A_886, %get3A_887] {strides = array<i32>} : memref<2x16x128xi32, #tpu.memory_space<vmem>>, vector<16xi32>,
      %gather3A_889 = tpu.vector_load_idx %arg12[%get3A_888] : memref<10112xf32, #tpu.memory_space<vmem>>[vector<16xi32>], vector<16xf32>,
      %add3A_890 = arith.addf %add3A_883, %gather3A_889 : vector<16xf32>
      %get3A_891 = arith.constant 6 : i32
      %get3A_892 = arith.index_cast %rem3A_150 : i32 to index
      %get3A_893 = arith.index_cast %get3A_891 : i32 to index
      %get3A_894 = arith.constant 48 : index
      %get3A_895 = tpu.vector_load %arg9[%get3A_892, %get3A_893, %get3A_894] {strides = array<i32>} : memref<2x16x128xi32, #tpu.memory_space<vmem>>, vector<16xi32>,
      %gather3A_896 = tpu.vector_load_idx %arg12[%get3A_895] : memref<10112xf32, #tpu.memory_space<vmem>>[vector<16xi32>], vector<16xf32>,
      %add3A_897 = arith.addf %add3A_890, %gather3A_896 : vector<16xf32>
      %get3A_898 = arith.constant 6 : i32
      %get3A_899 = arith.index_cast %rem3A_150 : i32 to index
      %get3A_900 = arith.index_cast %get3A_898 : i32 to index
      %get3A_901 = arith.constant 64 : index
      %get3A_902 = tpu.vector_load %arg9[%get3A_899, %get3A_900, %get3A_901] {strides = array<i32>} : memref<2x16x128xi32, #tpu.memory_space<vmem>>, vector<16xi32>,
      %gather3A_903 = tpu.vector_load_idx %arg12[%get3A_902] : memref<10112xf32, #tpu.memory_space<vmem>>[vector<16xi32>], vector<16xf32>,
      %add3A_904 = arith.addf %add3A_897, %gather3A_903 : vector<16xf32>
      %get3A_905 = arith.constant 6 : i32
      %get3A_906 = arith.index_cast %rem3A_150 : i32 to index
      %get3A_907 = arith.index_cast %get3A_905 : i32 to index
      %get3A_908 = arith.constant 80 : index
      %get3A_909 = tpu.vector_load %arg9[%get3A_906, %get3A_907, %get3A_908] {strides = array<i32>} : memref<2x16x128xi32, #tpu.memory_space<vmem>>, vector<16xi32>,
      %gather3A_910 = tpu.vector_load_idx %arg12[%get3A_909] : memref<10112xf32, #tpu.memory_space<vmem>>[vector<16xi32>], vector<16xf32>,
      %add3A_911 = arith.addf %add3A_904, %gather3A_910 : vector<16xf32>
      %get3A_912 = arith.constant 6 : i32
      %get3A_913 = arith.index_cast %rem3A_150 : i32 to index
      %get3A_914 = arith.index_cast %get3A_912 : i32 to index
      %get3A_915 = arith.constant 96 : index
      %get3A_916 = tpu.vector_load %arg9[%get3A_913, %get3A_914, %get3A_915] {strides = array<i32>} : memref<2x16x128xi32, #tpu.memory_space<vmem>>, vector<16xi32>,
      %gather3A_917 = tpu.vector_load_idx %arg12[%get3A_916] : memref<10112xf32, #tpu.memory_space<vmem>>[vector<16xi32>], vector<16xf32>,
      %add3A_918 = arith.addf %add3A_911, %gather3A_917 : vector<16xf32>
      %get3A_919 = arith.constant 6 : i32
      %get3A_920 = arith.index_cast %rem3A_150 : i32 to index
      %get3A_921 = arith.index_cast %get3A_919 : i32 to index
      %get3A_922 = arith.constant 112 : index
      %get3A_923 = tpu.vector_load %arg9[%get3A_920, %get3A_921, %get3A_922] {strides = array<i32>} : memref<2x16x128xi32, #tpu.memory_space<vmem>>, vector<16xi32>,
      %gather3A_924 = tpu.vector_load_idx %arg12[%get3A_923] : memref<10112xf32, #tpu.memory_space<vmem>>[vector<16xi32>], vector<16xf32>,
      %add3A_925 = arith.addf %add3A_918, %gather3A_924 : vector<16xf32>
      %dma_wait3A_926 = arith.constant 3 : i32
      %dma_wait3A_927 = arith.constant 3 : i32
      %dma_wait3A_928 = arith.constant 0 : i32
      %dma_wait3A_929 = arith.constant 0 : i32
      %dma_wait3A_930 = tpu.memref_slice %arg11[%dma_wait3A_926, %dma_wait3A_928, %dma_wait3A_929] : memref<5x128x128xf32, #tpu.memory_space<vmem>> -> memref<1x128x128xf32, #tpu.memory_space<vmem>>
      %dma_wait3A_931 = tpu.memref_squeeze %dma_wait3A_930 : memref<1x128x128xf32, #tpu.memory_space<vmem>> -> memref<128x128xf32, #tpu.memory_space<vmem>>
      %dma_wait3A_932 = arith.constant 0 : i32
      %dma_wait3A_933 = tpu.memref_slice %arg10[%rem3A_150, %dma_wait3A_927, %dma_wait3A_932] : memref<2x16x128xi32, #tpu.memory_space<vmem>> -> memref<1x1x128xi32, #tpu.memory_space<vmem>>
      %dma_wait3A_934 = tpu.memref_squeeze %dma_wait3A_933 : memref<1x1x128xi32, #tpu.memory_space<vmem>> -> memref<128xi32, #tpu.memory_space<vmem>>
      %dma_wait3A_935 = arith.constant 0 : i32
      %dma_wait3A_936 = arith.constant 0 : i32
      %dma_wait3A_937 = tpu.memref_slice %arg15[%dma_wait3A_935, %dma_wait3A_936] : memref<2048x128xf32, #tpu.memory_space<vmem_shared>> -> memref<2048x128xf32, #tpu.memory_space<vmem_shared>>
      tpu.wait_indirect_dma semaphore(%arg26 : memref<!tpu.dma_semaphore, #tpu.memory_space<semaphore_mem>>) src(%dma_wait3A_931 : memref<128x128xf32, #tpu.memory_space<vmem>>) dst(%dma_wait3A_937 : memref<2048x128xf32, #tpu.memory_space<vmem_shared>>)
      %dma_start3A_938 = arith.constant 8 : i32
      %dma_start3A_939 = arith.constant 3 : i32
      %dma_start3A_940 = arith.constant 0 : i32
      %dma_start3A_941 = arith.constant 0 : i32
      %dma_start3A_942 = tpu.memref_slice %arg11[%dma_start3A_939, %dma_start3A_940, %dma_start3A_941] : memref<5x128x128xf32, #tpu.memory_space<vmem>> -> memref<1x128x128xf32, #tpu.memory_space<vmem>>
      %dma_start3A_943 = tpu.memref_squeeze %dma_start3A_942 : memref<1x128x128xf32, #tpu.memory_space<vmem>> -> memref<128x128xf32, #tpu.memory_space<vmem>>
      %dma_start3A_944 = arith.constant 0 : i32
      %dma_start3A_945 = tpu.memref_slice %arg9[%rem3A_150, %dma_start3A_938, %dma_start3A_944] : memref<2x16x128xi32, #tpu.memory_space<vmem>> -> memref<1x1x128xi32, #tpu.memory_space<vmem>>
      %dma_start3A_946 = tpu.memref_squeeze %dma_start3A_945 : memref<1x1x128xi32, #tpu.memory_space<vmem>> -> memref<128xi32, #tpu.memory_space<vmem>>
      %dma_start3A_947 = arith.constant 0 : i32
      %dma_start3A_948 = arith.constant 0 : i32
      %dma_start3A_949 = tpu.memref_slice %arg2[%dma_start3A_947, %dma_start3A_948] : memref<10112x128xf32, #tpu.memory_space<hbm>> -> memref<10112x128xf32, #tpu.memory_space<hbm>>
      tpu.enqueue_indirect_dma source(%dma_start3A_949 : memref<10112x128xf32, #tpu.memory_space<hbm>>) target(%dma_start3A_943 : memref<128x128xf32, #tpu.memory_space<vmem>>) offsets(%dma_start3A_946 : memref<128xi32, #tpu.memory_space<vmem>>) semaphore(%arg21 : memref<!tpu.dma_semaphore, #tpu.memory_space<semaphore_mem>>)
      %dma_wait3A_950 = arith.constant 7 : i32
      %dma_wait3A_951 = arith.constant 2 : i32
      %dma_wait3A_952 = arith.constant 0 : i32
      %dma_wait3A_953 = arith.constant 0 : i32
      %dma_wait3A_954 = tpu.memref_slice %arg11[%dma_wait3A_951, %dma_wait3A_952, %dma_wait3A_953] : memref<5x128x128xf32, #tpu.memory_space<vmem>> -> memref<1x128x128xf32, #tpu.memory_space<vmem>>
      %dma_wait3A_955 = tpu.memref_squeeze %dma_wait3A_954 : memref<1x128x128xf32, #tpu.memory_space<vmem>> -> memref<128x128xf32, #tpu.memory_space<vmem>>
      %dma_wait3A_956 = arith.constant 0 : i32
      %dma_wait3A_957 = tpu.memref_slice %arg9[%rem3A_150, %dma_wait3A_950, %dma_wait3A_956] : memref<2x16x128xi32, #tpu.memory_space<vmem>> -> memref<1x1x128xi32, #tpu.memory_space<vmem>>
      %dma_wait3A_958 = tpu.memref_squeeze %dma_wait3A_957 : memref<1x1x128xi32, #tpu.memory_space<vmem>> -> memref<128xi32, #tpu.memory_space<vmem>>
      %dma_wait3A_959 = arith.constant 0 : i32
      %dma_wait3A_960 = arith.constant 0 : i32
      %dma_wait3A_961 = tpu.memref_slice %arg2[%dma_wait3A_959, %dma_wait3A_960] : memref<10112x128xf32, #tpu.memory_space<hbm>> -> memref<10112x128xf32, #tpu.memory_space<hbm>>
      tpu.wait_indirect_dma semaphore(%arg20 : memref<!tpu.dma_semaphore, #tpu.memory_space<semaphore_mem>>) src(%dma_wait3A_961 : memref<10112x128xf32, #tpu.memory_space<hbm>>) dst(%dma_wait3A_955 : memref<128x128xf32, #tpu.memory_space<vmem>>)
      %dma_start3A_962 = arith.constant 2 : i32
      %dma_start3A_963 = arith.constant 7 : i32
      %dma_start3A_964 = arith.constant 0 : i32
      %dma_start3A_965 = arith.constant 0 : i32
      %dma_start3A_966 = tpu.memref_slice %arg11[%dma_start3A_962, %dma_start3A_964, %dma_start3A_965] : memref<5x128x128xf32, #tpu.memory_space<vmem>> -> memref<1x128x128xf32, #tpu.memory_space<vmem>>
      %dma_start3A_967 = tpu.memref_squeeze %dma_start3A_966 : memref<1x128x128xf32, #tpu.memory_space<vmem>> -> memref<128x128xf32, #tpu.memory_space<vmem>>
      %dma_start3A_968 = arith.constant 0 : i32
      %dma_start3A_969 = tpu.memref_slice %arg10[%rem3A_150, %dma_start3A_963, %dma_start3A_968] : memref<2x16x128xi32, #tpu.memory_space<vmem>> -> memref<1x1x128xi32, #tpu.memory_space<vmem>>
      %dma_start3A_970 = tpu.memref_squeeze %dma_start3A_969 : memref<1x1x128xi32, #tpu.memory_space<vmem>> -> memref<128xi32, #tpu.memory_space<vmem>>
      %dma_start3A_971 = arith.constant 0 : i32
      %dma_start3A_972 = arith.constant 0 : i32
      %dma_start3A_973 = tpu.memref_slice %arg15[%dma_start3A_971, %dma_start3A_972] : memref<2048x128xf32, #tpu.memory_space<vmem_shared>> -> memref<2048x128xf32, #tpu.memory_space<vmem_shared>>
      tpu.enqueue_indirect_dma source(%dma_start3A_967 : memref<128x128xf32, #tpu.memory_space<vmem>>) target(%dma_start3A_973 : memref<2048x128xf32, #tpu.memory_space<vmem_shared>>) offsets(%dma_start3A_970 : memref<128xi32, #tpu.memory_space<vmem>>) semaphore(%arg25 : memref<!tpu.dma_semaphore, #tpu.memory_space<semaphore_mem>>) {add = true}
      %get3A_974 = arith.constant 7 : i32
      %get3A_975 = arith.index_cast %rem3A_150 : i32 to index
      %get3A_976 = arith.index_cast %get3A_974 : i32 to index
      %get3A_977 = arith.constant 0 : index
      %get3A_978 = tpu.vector_load %arg9[%get3A_975, %get3A_976, %get3A_977] {strides = array<i32>} : memref<2x16x128xi32, #tpu.memory_space<vmem>>, vector<16xi32>,
      %gather3A_979 = tpu.vector_load_idx %arg12[%get3A_978] : memref<10112xf32, #tpu.memory_space<vmem>>[vector<16xi32>], vector<16xf32>,
      %add3A_980 = arith.addf %add3A_925, %gather3A_979 : vector<16xf32>
      %get3A_981 = arith.constant 7 : i32
      %get3A_982 = arith.index_cast %rem3A_150 : i32 to index
      %get3A_983 = arith.index_cast %get3A_981 : i32 to index
      %get3A_984 = arith.constant 16 : index
      %get3A_985 = tpu.vector_load %arg9[%get3A_982, %get3A_983, %get3A_984] {strides = array<i32>} : memref<2x16x128xi32, #tpu.memory_space<vmem>>, vector<16xi32>,
      %gather3A_986 = tpu.vector_load_idx %arg12[%get3A_985] : memref<10112xf32, #tpu.memory_space<vmem>>[vector<16xi32>], vector<16xf32>,
      %add3A_987 = arith.addf %add3A_980, %gather3A_986 : vector<16xf32>
      %get3A_988 = arith.constant 7 : i32
      %get3A_989 = arith.index_cast %rem3A_150 : i32 to index
      %get3A_990 = arith.index_cast %get3A_988 : i32 to index
      %get3A_991 = arith.constant 32 : index
      %get3A_992 = tpu.vector_load %arg9[%get3A_989, %get3A_990, %get3A_991] {strides = array<i32>} : memref<2x16x128xi32, #tpu.memory_space<vmem>>, vector<16xi32>,
      %gather3A_993 = tpu.vector_load_idx %arg12[%get3A_992] : memref<10112xf32, #tpu.memory_space<vmem>>[vector<16xi32>], vector<16xf32>,
      %add3A_994 = arith.addf %add3A_987, %gather3A_993 : vector<16xf32>
      %get3A_995 = arith.constant 7 : i32
      %get3A_996 = arith.index_cast %rem3A_150 : i32 to index
      %get3A_997 = arith.index_cast %get3A_995 : i32 to index
      %get3A_998 = arith.constant 48 : index
      %get3A_999 = tpu.vector_load %arg9[%get3A_996, %get3A_997, %get3A_998] {strides = array<i32>} : memref<2x16x128xi32, #tpu.memory_space<vmem>>, vector<16xi32>,
      %gather3A_1000 = tpu.vector_load_idx %arg12[%get3A_999] : memref<10112xf32, #tpu.memory_space<vmem>>[vector<16xi32>], vector<16xf32>,
      %add3A_1001 = arith.addf %add3A_994, %gather3A_1000 : vector<16xf32>
      %get3A_1002 = arith.constant 7 : i32
      %get3A_1003 = arith.index_cast %rem3A_150 : i32 to index
      %get3A_1004 = arith.index_cast %get3A_1002 : i32 to index
      %get3A_1005 = arith.constant 64 : index
      %get3A_1006 = tpu.vector_load %arg9[%get3A_1003, %get3A_1004, %get3A_1005] {strides = array<i32>} : memref<2x16x128xi32, #tpu.memory_space<vmem>>, vector<16xi32>,
      %gather3A_1007 = tpu.vector_load_idx %arg12[%get3A_1006] : memref<10112xf32, #tpu.memory_space<vmem>>[vector<16xi32>], vector<16xf32>,
      %add3A_1008 = arith.addf %add3A_1001, %gather3A_1007 : vector<16xf32>
      %get3A_1009 = arith.constant 7 : i32
      %get3A_1010 = arith.index_cast %rem3A_150 : i32 to index
      %get3A_1011 = arith.index_cast %get3A_1009 : i32 to index
      %get3A_1012 = arith.constant 80 : index
      %get3A_1013 = tpu.vector_load %arg9[%get3A_1010, %get3A_1011, %get3A_1012] {strides = array<i32>} : memref<2x16x128xi32, #tpu.memory_space<vmem>>, vector<16xi32>,
      %gather3A_1014 = tpu.vector_load_idx %arg12[%get3A_1013] : memref<10112xf32, #tpu.memory_space<vmem>>[vector<16xi32>], vector<16xf32>,
      %add3A_1015 = arith.addf %add3A_1008, %gather3A_1014 : vector<16xf32>
      %get3A_1016 = arith.constant 7 : i32
      %get3A_1017 = arith.index_cast %rem3A_150 : i32 to index
      %get3A_1018 = arith.index_cast %get3A_1016 : i32 to index
      %get3A_1019 = arith.constant 96 : index
      %get3A_1020 = tpu.vector_load %arg9[%get3A_1017, %get3A_1018, %get3A_1019] {strides = array<i32>} : memref<2x16x128xi32, #tpu.memory_space<vmem>>, vector<16xi32>,
      %gather3A_1021 = tpu.vector_load_idx %arg12[%get3A_1020] : memref<10112xf32, #tpu.memory_space<vmem>>[vector<16xi32>], vector<16xf32>,
      %add3A_1022 = arith.addf %add3A_1015, %gather3A_1021 : vector<16xf32>
      %get3A_1023 = arith.constant 7 : i32
      %get3A_1024 = arith.index_cast %rem3A_150 : i32 to index
      %get3A_1025 = arith.index_cast %get3A_1023 : i32 to index
      %get3A_1026 = arith.constant 112 : index
      %get3A_1027 = tpu.vector_load %arg9[%get3A_1024, %get3A_1025, %get3A_1026] {strides = array<i32>} : memref<2x16x128xi32, #tpu.memory_space<vmem>>, vector<16xi32>,
      %gather3A_1028 = tpu.vector_load_idx %arg12[%get3A_1027] : memref<10112xf32, #tpu.memory_space<vmem>>[vector<16xi32>], vector<16xf32>,
      %add3A_1029 = arith.addf %add3A_1022, %gather3A_1028 : vector<16xf32>
      %dma_wait3A_1030 = arith.constant 4 : i32
      %dma_wait3A_1031 = arith.constant 4 : i32
      %dma_wait3A_1032 = arith.constant 0 : i32
      %dma_wait3A_1033 = arith.constant 0 : i32
      %dma_wait3A_1034 = tpu.memref_slice %arg11[%dma_wait3A_1030, %dma_wait3A_1032, %dma_wait3A_1033] : memref<5x128x128xf32, #tpu.memory_space<vmem>> -> memref<1x128x128xf32, #tpu.memory_space<vmem>>
      %dma_wait3A_1035 = tpu.memref_squeeze %dma_wait3A_1034 : memref<1x128x128xf32, #tpu.memory_space<vmem>> -> memref<128x128xf32, #tpu.memory_space<vmem>>
      %dma_wait3A_1036 = arith.constant 0 : i32
      %dma_wait3A_1037 = tpu.memref_slice %arg10[%rem3A_150, %dma_wait3A_1031, %dma_wait3A_1036] : memref<2x16x128xi32, #tpu.memory_space<vmem>> -> memref<1x1x128xi32, #tpu.memory_space<vmem>>
      %dma_wait3A_1038 = tpu.memref_squeeze %dma_wait3A_1037 : memref<1x1x128xi32, #tpu.memory_space<vmem>> -> memref<128xi32, #tpu.memory_space<vmem>>
      %dma_wait3A_1039 = arith.constant 0 : i32
      %dma_wait3A_1040 = arith.constant 0 : i32
      %dma_wait3A_1041 = tpu.memref_slice %arg15[%dma_wait3A_1039, %dma_wait3A_1040] : memref<2048x128xf32, #tpu.memory_space<vmem_shared>> -> memref<2048x128xf32, #tpu.memory_space<vmem_shared>>
      tpu.wait_indirect_dma semaphore(%arg27 : memref<!tpu.dma_semaphore, #tpu.memory_space<semaphore_mem>>) src(%dma_wait3A_1035 : memref<128x128xf32, #tpu.memory_space<vmem>>) dst(%dma_wait3A_1041 : memref<2048x128xf32, #tpu.memory_space<vmem_shared>>)
      %dma_start3A_1042 = arith.constant 9 : i32
      %dma_start3A_1043 = arith.constant 4 : i32
      %dma_start3A_1044 = arith.constant 0 : i32
      %dma_start3A_1045 = arith.constant 0 : i32
      %dma_start3A_1046 = tpu.memref_slice %arg11[%dma_start3A_1043, %dma_start3A_1044, %dma_start3A_1045] : memref<5x128x128xf32, #tpu.memory_space<vmem>> -> memref<1x128x128xf32, #tpu.memory_space<vmem>>
      %dma_start3A_1047 = tpu.memref_squeeze %dma_start3A_1046 : memref<1x128x128xf32, #tpu.memory_space<vmem>> -> memref<128x128xf32, #tpu.memory_space<vmem>>
      %dma_start3A_1048 = arith.constant 0 : i32
      %dma_start3A_1049 = tpu.memref_slice %arg9[%rem3A_150, %dma_start3A_1042, %dma_start3A_1048] : memref<2x16x128xi32, #tpu.memory_space<vmem>> -> memref<1x1x128xi32, #tpu.memory_space<vmem>>
      %dma_start3A_1050 = tpu.memref_squeeze %dma_start3A_1049 : memref<1x1x128xi32, #tpu.memory_space<vmem>> -> memref<128xi32, #tpu.memory_space<vmem>>
      %dma_start3A_1051 = arith.constant 0 : i32
      %dma_start3A_1052 = arith.constant 0 : i32
      %dma_start3A_1053 = tpu.memref_slice %arg2[%dma_start3A_1051, %dma_start3A_1052] : memref<10112x128xf32, #tpu.memory_space<hbm>> -> memref<10112x128xf32, #tpu.memory_space<hbm>>
      tpu.enqueue_indirect_dma source(%dma_start3A_1053 : memref<10112x128xf32, #tpu.memory_space<hbm>>) target(%dma_start3A_1047 : memref<128x128xf32, #tpu.memory_space<vmem>>) offsets(%dma_start3A_1050 : memref<128xi32, #tpu.memory_space<vmem>>) semaphore(%arg22 : memref<!tpu.dma_semaphore, #tpu.memory_space<semaphore_mem>>)
      %dma_wait3A_1054 = arith.constant 8 : i32
      %dma_wait3A_1055 = arith.constant 3 : i32
      %dma_wait3A_1056 = arith.constant 0 : i32
      %dma_wait3A_1057 = arith.constant 0 : i32
      %dma_wait3A_1058 = tpu.memref_slice %arg11[%dma_wait3A_1055, %dma_wait3A_1056, %dma_wait3A_1057] : memref<5x128x128xf32, #tpu.memory_space<vmem>> -> memref<1x128x128xf32, #tpu.memory_space<vmem>>
      %dma_wait3A_1059 = tpu.memref_squeeze %dma_wait3A_1058 : memref<1x128x128xf32, #tpu.memory_space<vmem>> -> memref<128x128xf32, #tpu.memory_space<vmem>>
      %dma_wait3A_1060 = arith.constant 0 : i32
      %dma_wait3A_1061 = tpu.memref_slice %arg9[%rem3A_150, %dma_wait3A_1054, %dma_wait3A_1060] : memref<2x16x128xi32, #tpu.memory_space<vmem>> -> memref<1x1x128xi32, #tpu.memory_space<vmem>>
      %dma_wait3A_1062 = tpu.memref_squeeze %dma_wait3A_1061 : memref<1x1x128xi32, #tpu.memory_space<vmem>> -> memref<128xi32, #tpu.memory_space<vmem>>
      %dma_wait3A_1063 = arith.constant 0 : i32
      %dma_wait3A_1064 = arith.constant 0 : i32
      %dma_wait3A_1065 = tpu.memref_slice %arg2[%dma_wait3A_1063, %dma_wait3A_1064] : memref<10112x128xf32, #tpu.memory_space<hbm>> -> memref<10112x128xf32, #tpu.memory_space<hbm>>
      tpu.wait_indirect_dma semaphore(%arg21 : memref<!tpu.dma_semaphore, #tpu.memory_space<semaphore_mem>>) src(%dma_wait3A_1065 : memref<10112x128xf32, #tpu.memory_space<hbm>>) dst(%dma_wait3A_1059 : memref<128x128xf32, #tpu.memory_space<vmem>>)
      %dma_start3A_1066 = arith.constant 3 : i32
      %dma_start3A_1067 = arith.constant 8 : i32
      %dma_start3A_1068 = arith.constant 0 : i32
      %dma_start3A_1069 = arith.constant 0 : i32
      %dma_start3A_1070 = tpu.memref_slice %arg11[%dma_start3A_1066, %dma_start3A_1068, %dma_start3A_1069] : memref<5x128x128xf32, #tpu.memory_space<vmem>> -> memref<1x128x128xf32, #tpu.memory_space<vmem>>
      %dma_start3A_1071 = tpu.memref_squeeze %dma_start3A_1070 : memref<1x128x128xf32, #tpu.memory_space<vmem>> -> memref<128x128xf32, #tpu.memory_space<vmem>>
      %dma_start3A_1072 = arith.constant 0 : i32
      %dma_start3A_1073 = tpu.memref_slice %arg10[%rem3A_150, %dma_start3A_1067, %dma_start3A_1072] : memref<2x16x128xi32, #tpu.memory_space<vmem>> -> memref<1x1x128xi32, #tpu.memory_space<vmem>>
      %dma_start3A_1074 = tpu.memref_squeeze %dma_start3A_1073 : memref<1x1x128xi32, #tpu.memory_space<vmem>> -> memref<128xi32, #tpu.memory_space<vmem>>
      %dma_start3A_1075 = arith.constant 0 : i32
      %dma_start3A_1076 = arith.constant 0 : i32
      %dma_start3A_1077 = tpu.memref_slice %arg15[%dma_start3A_1075, %dma_start3A_1076] : memref<2048x128xf32, #tpu.memory_space<vmem_shared>> -> memref<2048x128xf32, #tpu.memory_space<vmem_shared>>
      tpu.enqueue_indirect_dma source(%dma_start3A_1071 : memref<128x128xf32, #tpu.memory_space<vmem>>) target(%dma_start3A_1077 : memref<2048x128xf32, #tpu.memory_space<vmem_shared>>) offsets(%dma_start3A_1074 : memref<128xi32, #tpu.memory_space<vmem>>) semaphore(%arg26 : memref<!tpu.dma_semaphore, #tpu.memory_space<semaphore_mem>>) {add = true}
      %get3A_1078 = arith.constant 8 : i32
      %get3A_1079 = arith.index_cast %rem3A_150 : i32 to index
      %get3A_1080 = arith.index_cast %get3A_1078 : i32 to index
      %get3A_1081 = arith.constant 0 : index
      %get3A_1082 = tpu.vector_load %arg9[%get3A_1079, %get3A_1080, %get3A_1081] {strides = array<i32>} : memref<2x16x128xi32, #tpu.memory_space<vmem>>, vector<16xi32>,
      %gather3A_1083 = tpu.vector_load_idx %arg12[%get3A_1082] : memref<10112xf32, #tpu.memory_space<vmem>>[vector<16xi32>], vector<16xf32>,
      %add3A_1084 = arith.addf %add3A_1029, %gather3A_1083 : vector<16xf32>
      %get3A_1085 = arith.constant 8 : i32
      %get3A_1086 = arith.index_cast %rem3A_150 : i32 to index
      %get3A_1087 = arith.index_cast %get3A_1085 : i32 to index
      %get3A_1088 = arith.constant 16 : index
      %get3A_1089 = tpu.vector_load %arg9[%get3A_1086, %get3A_1087, %get3A_1088] {strides = array<i32>} : memref<2x16x128xi32, #tpu.memory_space<vmem>>, vector<16xi32>,
      %gather3A_1090 = tpu.vector_load_idx %arg12[%get3A_1089] : memref<10112xf32, #tpu.memory_space<vmem>>[vector<16xi32>], vector<16xf32>,
      %add3A_1091 = arith.addf %add3A_1084, %gather3A_1090 : vector<16xf32>
      %get3A_1092 = arith.constant 8 : i32
      %get3A_1093 = arith.index_cast %rem3A_150 : i32 to index
      %get3A_1094 = arith.index_cast %get3A_1092 : i32 to index
      %get3A_1095 = arith.constant 32 : index
      %get3A_1096 = tpu.vector_load %arg9[%get3A_1093, %get3A_1094, %get3A_1095] {strides = array<i32>} : memref<2x16x128xi32, #tpu.memory_space<vmem>>, vector<16xi32>,
      %gather3A_1097 = tpu.vector_load_idx %arg12[%get3A_1096] : memref<10112xf32, #tpu.memory_space<vmem>>[vector<16xi32>], vector<16xf32>,
      %add3A_1098 = arith.addf %add3A_1091, %gather3A_1097 : vector<16xf32>
      %get3A_1099 = arith.constant 8 : i32
      %get3A_1100 = arith.index_cast %rem3A_150 : i32 to index
      %get3A_1101 = arith.index_cast %get3A_1099 : i32 to index
      %get3A_1102 = arith.constant 48 : index
      %get3A_1103 = tpu.vector_load %arg9[%get3A_1100, %get3A_1101, %get3A_1102] {strides = array<i32>} : memref<2x16x128xi32, #tpu.memory_space<vmem>>, vector<16xi32>,
      %gather3A_1104 = tpu.vector_load_idx %arg12[%get3A_1103] : memref<10112xf32, #tpu.memory_space<vmem>>[vector<16xi32>], vector<16xf32>,
      %add3A_1105 = arith.addf %add3A_1098, %gather3A_1104 : vector<16xf32>
      %get3A_1106 = arith.constant 8 : i32
      %get3A_1107 = arith.index_cast %rem3A_150 : i32 to index
      %get3A_1108 = arith.index_cast %get3A_1106 : i32 to index
      %get3A_1109 = arith.constant 64 : index
      %get3A_1110 = tpu.vector_load %arg9[%get3A_1107, %get3A_1108, %get3A_1109] {strides = array<i32>} : memref<2x16x128xi32, #tpu.memory_space<vmem>>, vector<16xi32>,
      %gather3A_1111 = tpu.vector_load_idx %arg12[%get3A_1110] : memref<10112xf32, #tpu.memory_space<vmem>>[vector<16xi32>], vector<16xf32>,
      %add3A_1112 = arith.addf %add3A_1105, %gather3A_1111 : vector<16xf32>
      %get3A_1113 = arith.constant 8 : i32
      %get3A_1114 = arith.index_cast %rem3A_150 : i32 to index
      %get3A_1115 = arith.index_cast %get3A_1113 : i32 to index
      %get3A_1116 = arith.constant 80 : index
      %get3A_1117 = tpu.vector_load %arg9[%get3A_1114, %get3A_1115, %get3A_1116] {strides = array<i32>} : memref<2x16x128xi32, #tpu.memory_space<vmem>>, vector<16xi32>,
      %gather3A_1118 = tpu.vector_load_idx %arg12[%get3A_1117] : memref<10112xf32, #tpu.memory_space<vmem>>[vector<16xi32>], vector<16xf32>,
      %add3A_1119 = arith.addf %add3A_1112, %gather3A_1118 : vector<16xf32>
      %get3A_1120 = arith.constant 8 : i32
      %get3A_1121 = arith.index_cast %rem3A_150 : i32 to index
      %get3A_1122 = arith.index_cast %get3A_1120 : i32 to index
      %get3A_1123 = arith.constant 96 : index
      %get3A_1124 = tpu.vector_load %arg9[%get3A_1121, %get3A_1122, %get3A_1123] {strides = array<i32>} : memref<2x16x128xi32, #tpu.memory_space<vmem>>, vector<16xi32>,
      %gather3A_1125 = tpu.vector_load_idx %arg12[%get3A_1124] : memref<10112xf32, #tpu.memory_space<vmem>>[vector<16xi32>], vector<16xf32>,
      %add3A_1126 = arith.addf %add3A_1119, %gather3A_1125 : vector<16xf32>
      %get3A_1127 = arith.constant 8 : i32
      %get3A_1128 = arith.index_cast %rem3A_150 : i32 to index
      %get3A_1129 = arith.index_cast %get3A_1127 : i32 to index
      %get3A_1130 = arith.constant 112 : index
      %get3A_1131 = tpu.vector_load %arg9[%get3A_1128, %get3A_1129, %get3A_1130] {strides = array<i32>} : memref<2x16x128xi32, #tpu.memory_space<vmem>>, vector<16xi32>,
      %gather3A_1132 = tpu.vector_load_idx %arg12[%get3A_1131] : memref<10112xf32, #tpu.memory_space<vmem>>[vector<16xi32>], vector<16xf32>,
      %add3A_1133 = arith.addf %add3A_1126, %gather3A_1132 : vector<16xf32>
      %dma_wait3A_1134 = arith.constant 0 : i32
      %dma_wait3A_1135 = arith.constant 5 : i32
      %dma_wait3A_1136 = arith.constant 0 : i32
      %dma_wait3A_1137 = arith.constant 0 : i32
      %dma_wait3A_1138 = tpu.memref_slice %arg11[%dma_wait3A_1134, %dma_wait3A_1136, %dma_wait3A_1137] : memref<5x128x128xf32, #tpu.memory_space<vmem>> -> memref<1x128x128xf32, #tpu.memory_space<vmem>>
      %dma_wait3A_1139 = tpu.memref_squeeze %dma_wait3A_1138 : memref<1x128x128xf32, #tpu.memory_space<vmem>> -> memref<128x128xf32, #tpu.memory_space<vmem>>
      %dma_wait3A_1140 = arith.constant 0 : i32
      %dma_wait3A_1141 = tpu.memref_slice %arg10[%rem3A_150, %dma_wait3A_1135, %dma_wait3A_1140] : memref<2x16x128xi32, #tpu.memory_space<vmem>> -> memref<1x1x128xi32, #tpu.memory_space<vmem>>
      %dma_wait3A_1142 = tpu.memref_squeeze %dma_wait3A_1141 : memref<1x1x128xi32, #tpu.memory_space<vmem>> -> memref<128xi32, #tpu.memory_space<vmem>>
      %dma_wait3A_1143 = arith.constant 0 : i32
      %dma_wait3A_1144 = arith.constant 0 : i32
      %dma_wait3A_1145 = tpu.memref_slice %arg15[%dma_wait3A_1143, %dma_wait3A_1144] : memref<2048x128xf32, #tpu.memory_space<vmem_shared>> -> memref<2048x128xf32, #tpu.memory_space<vmem_shared>>
      tpu.wait_indirect_dma semaphore(%arg23 : memref<!tpu.dma_semaphore, #tpu.memory_space<semaphore_mem>>) src(%dma_wait3A_1139 : memref<128x128xf32, #tpu.memory_space<vmem>>) dst(%dma_wait3A_1145 : memref<2048x128xf32, #tpu.memory_space<vmem_shared>>)
      %dma_start3A_1146 = arith.constant 10 : i32
      %dma_start3A_1147 = arith.constant 0 : i32
      %dma_start3A_1148 = arith.constant 0 : i32
      %dma_start3A_1149 = arith.constant 0 : i32
      %dma_start3A_1150 = tpu.memref_slice %arg11[%dma_start3A_1147, %dma_start3A_1148, %dma_start3A_1149] : memref<5x128x128xf32, #tpu.memory_space<vmem>> -> memref<1x128x128xf32, #tpu.memory_space<vmem>>
      %dma_start3A_1151 = tpu.memref_squeeze %dma_start3A_1150 : memref<1x128x128xf32, #tpu.memory_space<vmem>> -> memref<128x128xf32, #tpu.memory_space<vmem>>
      %dma_start3A_1152 = arith.constant 0 : i32
      %dma_start3A_1153 = tpu.memref_slice %arg9[%rem3A_150, %dma_start3A_1146, %dma_start3A_1152] : memref<2x16x128xi32, #tpu.memory_space<vmem>> -> memref<1x1x128xi32, #tpu.memory_space<vmem>>
      %dma_start3A_1154 = tpu.memref_squeeze %dma_start3A_1153 : memref<1x1x128xi32, #tpu.memory_space<vmem>> -> memref<128xi32, #tpu.memory_space<vmem>>
      %dma_start3A_1155 = arith.constant 0 : i32
      %dma_start3A_1156 = arith.constant 0 : i32
      %dma_start3A_1157 = tpu.memref_slice %arg2[%dma_start3A_1155, %dma_start3A_1156] : memref<10112x128xf32, #tpu.memory_space<hbm>> -> memref<10112x128xf32, #tpu.memory_space<hbm>>
      tpu.enqueue_indirect_dma source(%dma_start3A_1157 : memref<10112x128xf32, #tpu.memory_space<hbm>>) target(%dma_start3A_1151 : memref<128x128xf32, #tpu.memory_space<vmem>>) offsets(%dma_start3A_1154 : memref<128xi32, #tpu.memory_space<vmem>>) semaphore(%arg18 : memref<!tpu.dma_semaphore, #tpu.memory_space<semaphore_mem>>)
      %dma_wait3A_1158 = arith.constant 9 : i32
      %dma_wait3A_1159 = arith.constant 4 : i32
      %dma_wait3A_1160 = arith.constant 0 : i32
      %dma_wait3A_1161 = arith.constant 0 : i32
      %dma_wait3A_1162 = tpu.memref_slice %arg11[%dma_wait3A_1159, %dma_wait3A_1160, %dma_wait3A_1161] : memref<5x128x128xf32, #tpu.memory_space<vmem>> -> memref<1x128x128xf32, #tpu.memory_space<vmem>>
      %dma_wait3A_1163 = tpu.memref_squeeze %dma_wait3A_1162 : memref<1x128x128xf32, #tpu.memory_space<vmem>> -> memref<128x128xf32, #tpu.memory_space<vmem>>
      %dma_wait3A_1164 = arith.constant 0 : i32
      %dma_wait3A_1165 = tpu.memref_slice %arg9[%rem3A_150, %dma_wait3A_1158, %dma_wait3A_1164] : memref<2x16x128xi32, #tpu.memory_space<vmem>> -> memref<1x1x128xi32, #tpu.memory_space<vmem>>
      %dma_wait3A_1166 = tpu.memref_squeeze %dma_wait3A_1165 : memref<1x1x128xi32, #tpu.memory_space<vmem>> -> memref<128xi32, #tpu.memory_space<vmem>>
      %dma_wait3A_1167 = arith.constant 0 : i32
      %dma_wait3A_1168 = arith.constant 0 : i32
      %dma_wait3A_1169 = tpu.memref_slice %arg2[%dma_wait3A_1167, %dma_wait3A_1168] : memref<10112x128xf32, #tpu.memory_space<hbm>> -> memref<10112x128xf32, #tpu.memory_space<hbm>>
      tpu.wait_indirect_dma semaphore(%arg22 : memref<!tpu.dma_semaphore, #tpu.memory_space<semaphore_mem>>) src(%dma_wait3A_1169 : memref<10112x128xf32, #tpu.memory_space<hbm>>) dst(%dma_wait3A_1163 : memref<128x128xf32, #tpu.memory_space<vmem>>)
      %dma_start3A_1170 = arith.constant 4 : i32
      %dma_start3A_1171 = arith.constant 9 : i32
      %dma_start3A_1172 = arith.constant 0 : i32
      %dma_start3A_1173 = arith.constant 0 : i32
      %dma_start3A_1174 = tpu.memref_slice %arg11[%dma_start3A_1170, %dma_start3A_1172, %dma_start3A_1173] : memref<5x128x128xf32, #tpu.memory_space<vmem>> -> memref<1x128x128xf32, #tpu.memory_space<vmem>>
      %dma_start3A_1175 = tpu.memref_squeeze %dma_start3A_1174 : memref<1x128x128xf32, #tpu.memory_space<vmem>> -> memref<128x128xf32, #tpu.memory_space<vmem>>
      %dma_start3A_1176 = arith.constant 0 : i32
      %dma_start3A_1177 = tpu.memref_slice %arg10[%rem3A_150, %dma_start3A_1171, %dma_start3A_1176] : memref<2x16x128xi32, #tpu.memory_space<vmem>> -> memref<1x1x128xi32, #tpu.memory_space<vmem>>
      %dma_start3A_1178 = tpu.memref_squeeze %dma_start3A_1177 : memref<1x1x128xi32, #tpu.memory_space<vmem>> -> memref<128xi32, #tpu.memory_space<vmem>>
      %dma_start3A_1179 = arith.constant 0 : i32
      %dma_start3A_1180 = arith.constant 0 : i32
      %dma_start3A_1181 = tpu.memref_slice %arg15[%dma_start3A_1179, %dma_start3A_1180] : memref<2048x128xf32, #tpu.memory_space<vmem_shared>> -> memref<2048x128xf32, #tpu.memory_space<vmem_shared>>
      tpu.enqueue_indirect_dma source(%dma_start3A_1175 : memref<128x128xf32, #tpu.memory_space<vmem>>) target(%dma_start3A_1181 : memref<2048x128xf32, #tpu.memory_space<vmem_shared>>) offsets(%dma_start3A_1178 : memref<128xi32, #tpu.memory_space<vmem>>) semaphore(%arg27 : memref<!tpu.dma_semaphore, #tpu.memory_space<semaphore_mem>>) {add = true}
      %get3A_1182 = arith.constant 9 : i32
      %get3A_1183 = arith.index_cast %rem3A_150 : i32 to index
      %get3A_1184 = arith.index_cast %get3A_1182 : i32 to index
      %get3A_1185 = arith.constant 0 : index
      %get3A_1186 = tpu.vector_load %arg9[%get3A_1183, %get3A_1184, %get3A_1185] {strides = array<i32>} : memref<2x16x128xi32, #tpu.memory_space<vmem>>, vector<16xi32>,
      %gather3A_1187 = tpu.vector_load_idx %arg12[%get3A_1186] : memref<10112xf32, #tpu.memory_space<vmem>>[vector<16xi32>], vector<16xf32>,
      %add3A_1188 = arith.addf %add3A_1133, %gather3A_1187 : vector<16xf32>
      %get3A_1189 = arith.constant 9 : i32
      %get3A_1190 = arith.index_cast %rem3A_150 : i32 to index
      %get3A_1191 = arith.index_cast %get3A_1189 : i32 to index
      %get3A_1192 = arith.constant 16 : index
      %get3A_1193 = tpu.vector_load %arg9[%get3A_1190, %get3A_1191, %get3A_1192] {strides = array<i32>} : memref<2x16x128xi32, #tpu.memory_space<vmem>>, vector<16xi32>,
      %gather3A_1194 = tpu.vector_load_idx %arg12[%get3A_1193] : memref<10112xf32, #tpu.memory_space<vmem>>[vector<16xi32>], vector<16xf32>,
      %add3A_1195 = arith.addf %add3A_1188, %gather3A_1194 : vector<16xf32>
      %get3A_1196 = arith.constant 9 : i32
      %get3A_1197 = arith.index_cast %rem3A_150 : i32 to index
      %get3A_1198 = arith.index_cast %get3A_1196 : i32 to index
      %get3A_1199 = arith.constant 32 : index
      %get3A_1200 = tpu.vector_load %arg9[%get3A_1197, %get3A_1198, %get3A_1199] {strides = array<i32>} : memref<2x16x128xi32, #tpu.memory_space<vmem>>, vector<16xi32>,
      %gather3A_1201 = tpu.vector_load_idx %arg12[%get3A_1200] : memref<10112xf32, #tpu.memory_space<vmem>>[vector<16xi32>], vector<16xf32>,
      %add3A_1202 = arith.addf %add3A_1195, %gather3A_1201 : vector<16xf32>
      %get3A_1203 = arith.constant 9 : i32
      %get3A_1204 = arith.index_cast %rem3A_150 : i32 to index
      %get3A_1205 = arith.index_cast %get3A_1203 : i32 to index
      %get3A_1206 = arith.constant 48 : index
      %get3A_1207 = tpu.vector_load %arg9[%get3A_1204, %get3A_1205, %get3A_1206] {strides = array<i32>} : memref<2x16x128xi32, #tpu.memory_space<vmem>>, vector<16xi32>,
      %gather3A_1208 = tpu.vector_load_idx %arg12[%get3A_1207] : memref<10112xf32, #tpu.memory_space<vmem>>[vector<16xi32>], vector<16xf32>,
      %add3A_1209 = arith.addf %add3A_1202, %gather3A_1208 : vector<16xf32>
      %get3A_1210 = arith.constant 9 : i32
      %get3A_1211 = arith.index_cast %rem3A_150 : i32 to index
      %get3A_1212 = arith.index_cast %get3A_1210 : i32 to index
      %get3A_1213 = arith.constant 64 : index
      %get3A_1214 = tpu.vector_load %arg9[%get3A_1211, %get3A_1212, %get3A_1213] {strides = array<i32>} : memref<2x16x128xi32, #tpu.memory_space<vmem>>, vector<16xi32>,
      %gather3A_1215 = tpu.vector_load_idx %arg12[%get3A_1214] : memref<10112xf32, #tpu.memory_space<vmem>>[vector<16xi32>], vector<16xf32>,
      %add3A_1216 = arith.addf %add3A_1209, %gather3A_1215 : vector<16xf32>
      %get3A_1217 = arith.constant 9 : i32
      %get3A_1218 = arith.index_cast %rem3A_150 : i32 to index
      %get3A_1219 = arith.index_cast %get3A_1217 : i32 to index
      %get3A_1220 = arith.constant 80 : index
      %get3A_1221 = tpu.vector_load %arg9[%get3A_1218, %get3A_1219, %get3A_1220] {strides = array<i32>} : memref<2x16x128xi32, #tpu.memory_space<vmem>>, vector<16xi32>,
      %gather3A_1222 = tpu.vector_load_idx %arg12[%get3A_1221] : memref<10112xf32, #tpu.memory_space<vmem>>[vector<16xi32>], vector<16xf32>,
      %add3A_1223 = arith.addf %add3A_1216, %gather3A_1222 : vector<16xf32>
      %get3A_1224 = arith.constant 9 : i32
      %get3A_1225 = arith.index_cast %rem3A_150 : i32 to index
      %get3A_1226 = arith.index_cast %get3A_1224 : i32 to index
      %get3A_1227 = arith.constant 96 : index
      %get3A_1228 = tpu.vector_load %arg9[%get3A_1225, %get3A_1226, %get3A_1227] {strides = array<i32>} : memref<2x16x128xi32, #tpu.memory_space<vmem>>, vector<16xi32>,
      %gather3A_1229 = tpu.vector_load_idx %arg12[%get3A_1228] : memref<10112xf32, #tpu.memory_space<vmem>>[vector<16xi32>], vector<16xf32>,
      %add3A_1230 = arith.addf %add3A_1223, %gather3A_1229 : vector<16xf32>
      %get3A_1231 = arith.constant 9 : i32
      %get3A_1232 = arith.index_cast %rem3A_150 : i32 to index
      %get3A_1233 = arith.index_cast %get3A_1231 : i32 to index
      %get3A_1234 = arith.constant 112 : index
      %get3A_1235 = tpu.vector_load %arg9[%get3A_1232, %get3A_1233, %get3A_1234] {strides = array<i32>} : memref<2x16x128xi32, #tpu.memory_space<vmem>>, vector<16xi32>,
      %gather3A_1236 = tpu.vector_load_idx %arg12[%get3A_1235] : memref<10112xf32, #tpu.memory_space<vmem>>[vector<16xi32>], vector<16xf32>,
      %add3A_1237 = arith.addf %add3A_1230, %gather3A_1236 : vector<16xf32>
      %dma_wait3A_1238 = arith.constant 1 : i32
      %dma_wait3A_1239 = arith.constant 6 : i32
      %dma_wait3A_1240 = arith.constant 0 : i32
      %dma_wait3A_1241 = arith.constant 0 : i32
      %dma_wait3A_1242 = tpu.memref_slice %arg11[%dma_wait3A_1238, %dma_wait3A_1240, %dma_wait3A_1241] : memref<5x128x128xf32, #tpu.memory_space<vmem>> -> memref<1x128x128xf32, #tpu.memory_space<vmem>>
      %dma_wait3A_1243 = tpu.memref_squeeze %dma_wait3A_1242 : memref<1x128x128xf32, #tpu.memory_space<vmem>> -> memref<128x128xf32, #tpu.memory_space<vmem>>
      %dma_wait3A_1244 = arith.constant 0 : i32
      %dma_wait3A_1245 = tpu.memref_slice %arg10[%rem3A_150, %dma_wait3A_1239, %dma_wait3A_1244] : memref<2x16x128xi32, #tpu.memory_space<vmem>> -> memref<1x1x128xi32, #tpu.memory_space<vmem>>
      %dma_wait3A_1246 = tpu.memref_squeeze %dma_wait3A_1245 : memref<1x1x128xi32, #tpu.memory_space<vmem>> -> memref<128xi32, #tpu.memory_space<vmem>>
      %dma_wait3A_1247 = arith.constant 0 : i32
      %dma_wait3A_1248 = arith.constant 0 : i32
      %dma_wait3A_1249 = tpu.memref_slice %arg15[%dma_wait3A_1247, %dma_wait3A_1248] : memref<2048x128xf32, #tpu.memory_space<vmem_shared>> -> memref<2048x128xf32, #tpu.memory_space<vmem_shared>>
      tpu.wait_indirect_dma semaphore(%arg24 : memref<!tpu.dma_semaphore, #tpu.memory_space<semaphore_mem>>) src(%dma_wait3A_1243 : memref<128x128xf32, #tpu.memory_space<vmem>>) dst(%dma_wait3A_1249 : memref<2048x128xf32, #tpu.memory_space<vmem_shared>>)
      %dma_start3A_1250 = arith.constant 11 : i32
      %dma_start3A_1251 = arith.constant 1 : i32
      %dma_start3A_1252 = arith.constant 0 : i32
      %dma_start3A_1253 = arith.constant 0 : i32
      %dma_start3A_1254 = tpu.memref_slice %arg11[%dma_start3A_1251, %dma_start3A_1252, %dma_start3A_1253] : memref<5x128x128xf32, #tpu.memory_space<vmem>> -> memref<1x128x128xf32, #tpu.memory_space<vmem>>
      %dma_start3A_1255 = tpu.memref_squeeze %dma_start3A_1254 : memref<1x128x128xf32, #tpu.memory_space<vmem>> -> memref<128x128xf32, #tpu.memory_space<vmem>>
      %dma_start3A_1256 = arith.constant 0 : i32
      %dma_start3A_1257 = tpu.memref_slice %arg9[%rem3A_150, %dma_start3A_1250, %dma_start3A_1256] : memref<2x16x128xi32, #tpu.memory_space<vmem>> -> memref<1x1x128xi32, #tpu.memory_space<vmem>>
      %dma_start3A_1258 = tpu.memref_squeeze %dma_start3A_1257 : memref<1x1x128xi32, #tpu.memory_space<vmem>> -> memref<128xi32, #tpu.memory_space<vmem>>
      %dma_start3A_1259 = arith.constant 0 : i32
      %dma_start3A_1260 = arith.constant 0 : i32
      %dma_start3A_1261 = tpu.memref_slice %arg2[%dma_start3A_1259, %dma_start3A_1260] : memref<10112x128xf32, #tpu.memory_space<hbm>> -> memref<10112x128xf32, #tpu.memory_space<hbm>>
      tpu.enqueue_indirect_dma source(%dma_start3A_1261 : memref<10112x128xf32, #tpu.memory_space<hbm>>) target(%dma_start3A_1255 : memref<128x128xf32, #tpu.memory_space<vmem>>) offsets(%dma_start3A_1258 : memref<128xi32, #tpu.memory_space<vmem>>) semaphore(%arg19 : memref<!tpu.dma_semaphore, #tpu.memory_space<semaphore_mem>>)
      %dma_wait3A_1262 = arith.constant 10 : i32
      %dma_wait3A_1263 = arith.constant 0 : i32
      %dma_wait3A_1264 = arith.constant 0 : i32
      %dma_wait3A_1265 = arith.constant 0 : i32
      %dma_wait3A_1266 = tpu.memref_slice %arg11[%dma_wait3A_1263, %dma_wait3A_1264, %dma_wait3A_1265] : memref<5x128x128xf32, #tpu.memory_space<vmem>> -> memref<1x128x128xf32, #tpu.memory_space<vmem>>
      %dma_wait3A_1267 = tpu.memref_squeeze %dma_wait3A_1266 : memref<1x128x128xf32, #tpu.memory_space<vmem>> -> memref<128x128xf32, #tpu.memory_space<vmem>>
      %dma_wait3A_1268 = arith.constant 0 : i32
      %dma_wait3A_1269 = tpu.memref_slice %arg9[%rem3A_150, %dma_wait3A_1262, %dma_wait3A_1268] : memref<2x16x128xi32, #tpu.memory_space<vmem>> -> memref<1x1x128xi32, #tpu.memory_space<vmem>>
      %dma_wait3A_1270 = tpu.memref_squeeze %dma_wait3A_1269 : memref<1x1x128xi32, #tpu.memory_space<vmem>> -> memref<128xi32, #tpu.memory_space<vmem>>
      %dma_wait3A_1271 = arith.constant 0 : i32
      %dma_wait3A_1272 = arith.constant 0 : i32
      %dma_wait3A_1273 = tpu.memref_slice %arg2[%dma_wait3A_1271, %dma_wait3A_1272] : memref<10112x128xf32, #tpu.memory_space<hbm>> -> memref<10112x128xf32, #tpu.memory_space<hbm>>
      tpu.wait_indirect_dma semaphore(%arg18 : memref<!tpu.dma_semaphore, #tpu.memory_space<semaphore_mem>>) src(%dma_wait3A_1273 : memref<10112x128xf32, #tpu.memory_space<hbm>>) dst(%dma_wait3A_1267 : memref<128x128xf32, #tpu.memory_space<vmem>>)
      %dma_start3A_1274 = arith.constant 0 : i32
      %dma_start3A_1275 = arith.constant 10 : i32
      %dma_start3A_1276 = arith.constant 0 : i32
      %dma_start3A_1277 = arith.constant 0 : i32
      %dma_start3A_1278 = tpu.memref_slice %arg11[%dma_start3A_1274, %dma_start3A_1276, %dma_start3A_1277] : memref<5x128x128xf32, #tpu.memory_space<vmem>> -> memref<1x128x128xf32, #tpu.memory_space<vmem>>
      %dma_start3A_1279 = tpu.memref_squeeze %dma_start3A_1278 : memref<1x128x128xf32, #tpu.memory_space<vmem>> -> memref<128x128xf32, #tpu.memory_space<vmem>>
      %dma_start3A_1280 = arith.constant 0 : i32
      %dma_start3A_1281 = tpu.memref_slice %arg10[%rem3A_150, %dma_start3A_1275, %dma_start3A_1280] : memref<2x16x128xi32, #tpu.memory_space<vmem>> -> memref<1x1x128xi32, #tpu.memory_space<vmem>>
      %dma_start3A_1282 = tpu.memref_squeeze %dma_start3A_1281 : memref<1x1x128xi32, #tpu.memory_space<vmem>> -> memref<128xi32, #tpu.memory_space<vmem>>
      %dma_start3A_1283 = arith.constant 0 : i32
      %dma_start3A_1284 = arith.constant 0 : i32
      %dma_start3A_1285 = tpu.memref_slice %arg15[%dma_start3A_1283, %dma_start3A_1284] : memref<2048x128xf32, #tpu.memory_space<vmem_shared>> -> memref<2048x128xf32, #tpu.memory_space<vmem_shared>>
      tpu.enqueue_indirect_dma source(%dma_start3A_1279 : memref<128x128xf32, #tpu.memory_space<vmem>>) target(%dma_start3A_1285 : memref<2048x128xf32, #tpu.memory_space<vmem_shared>>) offsets(%dma_start3A_1282 : memref<128xi32, #tpu.memory_space<vmem>>) semaphore(%arg23 : memref<!tpu.dma_semaphore, #tpu.memory_space<semaphore_mem>>) {add = true}
      %get3A_1286 = arith.constant 10 : i32
      %get3A_1287 = arith.index_cast %rem3A_150 : i32 to index
      %get3A_1288 = arith.index_cast %get3A_1286 : i32 to index
      %get3A_1289 = arith.constant 0 : index
      %get3A_1290 = tpu.vector_load %arg9[%get3A_1287, %get3A_1288, %get3A_1289] {strides = array<i32>} : memref<2x16x128xi32, #tpu.memory_space<vmem>>, vector<16xi32>,
      %gather3A_1291 = tpu.vector_load_idx %arg12[%get3A_1290] : memref<10112xf32, #tpu.memory_space<vmem>>[vector<16xi32>], vector<16xf32>,
      %add3A_1292 = arith.addf %add3A_1237, %gather3A_1291 : vector<16xf32>
      %get3A_1293 = arith.constant 10 : i32
      %get3A_1294 = arith.index_cast %rem3A_150 : i32 to index
      %get3A_1295 = arith.index_cast %get3A_1293 : i32 to index
      %get3A_1296 = arith.constant 16 : index
      %get3A_1297 = tpu.vector_load %arg9[%get3A_1294, %get3A_1295, %get3A_1296] {strides = array<i32>} : memref<2x16x128xi32, #tpu.memory_space<vmem>>, vector<16xi32>,
      %gather3A_1298 = tpu.vector_load_idx %arg12[%get3A_1297] : memref<10112xf32, #tpu.memory_space<vmem>>[vector<16xi32>], vector<16xf32>,
      %add3A_1299 = arith.addf %add3A_1292, %gather3A_1298 : vector<16xf32>
      %get3A_1300 = arith.constant 10 : i32
      %get3A_1301 = arith.index_cast %rem3A_150 : i32 to index
      %get3A_1302 = arith.index_cast %get3A_1300 : i32 to index
      %get3A_1303 = arith.constant 32 : index
      %get3A_1304 = tpu.vector_load %arg9[%get3A_1301, %get3A_1302, %get3A_1303] {strides = array<i32>} : memref<2x16x128xi32, #tpu.memory_space<vmem>>, vector<16xi32>,
      %gather3A_1305 = tpu.vector_load_idx %arg12[%get3A_1304] : memref<10112xf32, #tpu.memory_space<vmem>>[vector<16xi32>], vector<16xf32>,
      %add3A_1306 = arith.addf %add3A_1299, %gather3A_1305 : vector<16xf32>
      %get3A_1307 = arith.constant 10 : i32
      %get3A_1308 = arith.index_cast %rem3A_150 : i32 to index
      %get3A_1309 = arith.index_cast %get3A_1307 : i32 to index
      %get3A_1310 = arith.constant 48 : index
      %get3A_1311 = tpu.vector_load %arg9[%get3A_1308, %get3A_1309, %get3A_1310] {strides = array<i32>} : memref<2x16x128xi32, #tpu.memory_space<vmem>>, vector<16xi32>,
      %gather3A_1312 = tpu.vector_load_idx %arg12[%get3A_1311] : memref<10112xf32, #tpu.memory_space<vmem>>[vector<16xi32>], vector<16xf32>,
      %add3A_1313 = arith.addf %add3A_1306, %gather3A_1312 : vector<16xf32>
      %get3A_1314 = arith.constant 10 : i32
      %get3A_1315 = arith.index_cast %rem3A_150 : i32 to index
      %get3A_1316 = arith.index_cast %get3A_1314 : i32 to index
      %get3A_1317 = arith.constant 64 : index
      %get3A_1318 = tpu.vector_load %arg9[%get3A_1315, %get3A_1316, %get3A_1317] {strides = array<i32>} : memref<2x16x128xi32, #tpu.memory_space<vmem>>, vector<16xi32>,
      %gather3A_1319 = tpu.vector_load_idx %arg12[%get3A_1318] : memref<10112xf32, #tpu.memory_space<vmem>>[vector<16xi32>], vector<16xf32>,
      %add3A_1320 = arith.addf %add3A_1313, %gather3A_1319 : vector<16xf32>
      %get3A_1321 = arith.constant 10 : i32
      %get3A_1322 = arith.index_cast %rem3A_150 : i32 to index
      %get3A_1323 = arith.index_cast %get3A_1321 : i32 to index
      %get3A_1324 = arith.constant 80 : index
      %get3A_1325 = tpu.vector_load %arg9[%get3A_1322, %get3A_1323, %get3A_1324] {strides = array<i32>} : memref<2x16x128xi32, #tpu.memory_space<vmem>>, vector<16xi32>,
      %gather3A_1326 = tpu.vector_load_idx %arg12[%get3A_1325] : memref<10112xf32, #tpu.memory_space<vmem>>[vector<16xi32>], vector<16xf32>,
      %add3A_1327 = arith.addf %add3A_1320, %gather3A_1326 : vector<16xf32>
      %get3A_1328 = arith.constant 10 : i32
      %get3A_1329 = arith.index_cast %rem3A_150 : i32 to index
      %get3A_1330 = arith.index_cast %get3A_1328 : i32 to index
      %get3A_1331 = arith.constant 96 : index
      %get3A_1332 = tpu.vector_load %arg9[%get3A_1329, %get3A_1330, %get3A_1331] {strides = array<i32>} : memref<2x16x128xi32, #tpu.memory_space<vmem>>, vector<16xi32>,
      %gather3A_1333 = tpu.vector_load_idx %arg12[%get3A_1332] : memref<10112xf32, #tpu.memory_space<vmem>>[vector<16xi32>], vector<16xf32>,
      %add3A_1334 = arith.addf %add3A_1327, %gather3A_1333 : vector<16xf32>
      %get3A_1335 = arith.constant 10 : i32
      %get3A_1336 = arith.index_cast %rem3A_150 : i32 to index
      %get3A_1337 = arith.index_cast %get3A_1335 : i32 to index
      %get3A_1338 = arith.constant 112 : index
      %get3A_1339 = tpu.vector_load %arg9[%get3A_1336, %get3A_1337, %get3A_1338] {strides = array<i32>} : memref<2x16x128xi32, #tpu.memory_space<vmem>>, vector<16xi32>,
      %gather3A_1340 = tpu.vector_load_idx %arg12[%get3A_1339] : memref<10112xf32, #tpu.memory_space<vmem>>[vector<16xi32>], vector<16xf32>,
      %add3A_1341 = arith.addf %add3A_1334, %gather3A_1340 : vector<16xf32>
      %dma_wait3A_1342 = arith.constant 2 : i32
      %dma_wait3A_1343 = arith.constant 7 : i32
      %dma_wait3A_1344 = arith.constant 0 : i32
      %dma_wait3A_1345 = arith.constant 0 : i32
      %dma_wait3A_1346 = tpu.memref_slice %arg11[%dma_wait3A_1342, %dma_wait3A_1344, %dma_wait3A_1345] : memref<5x128x128xf32, #tpu.memory_space<vmem>> -> memref<1x128x128xf32, #tpu.memory_space<vmem>>
      %dma_wait3A_1347 = tpu.memref_squeeze %dma_wait3A_1346 : memref<1x128x128xf32, #tpu.memory_space<vmem>> -> memref<128x128xf32, #tpu.memory_space<vmem>>
      %dma_wait3A_1348 = arith.constant 0 : i32
      %dma_wait3A_1349 = tpu.memref_slice %arg10[%rem3A_150, %dma_wait3A_1343, %dma_wait3A_1348] : memref<2x16x128xi32, #tpu.memory_space<vmem>> -> memref<1x1x128xi32, #tpu.memory_space<vmem>>
      %dma_wait3A_1350 = tpu.memref_squeeze %dma_wait3A_1349 : memref<1x1x128xi32, #tpu.memory_space<vmem>> -> memref<128xi32, #tpu.memory_space<vmem>>
      %dma_wait3A_1351 = arith.constant 0 : i32
      %dma_wait3A_1352 = arith.constant 0 : i32
      %dma_wait3A_1353 = tpu.memref_slice %arg15[%dma_wait3A_1351, %dma_wait3A_1352] : memref<2048x128xf32, #tpu.memory_space<vmem_shared>> -> memref<2048x128xf32, #tpu.memory_space<vmem_shared>>
      tpu.wait_indirect_dma semaphore(%arg25 : memref<!tpu.dma_semaphore, #tpu.memory_space<semaphore_mem>>) src(%dma_wait3A_1347 : memref<128x128xf32, #tpu.memory_space<vmem>>) dst(%dma_wait3A_1353 : memref<2048x128xf32, #tpu.memory_space<vmem_shared>>)
      %dma_start3A_1354 = arith.constant 12 : i32
      %dma_start3A_1355 = arith.constant 2 : i32
      %dma_start3A_1356 = arith.constant 0 : i32
      %dma_start3A_1357 = arith.constant 0 : i32
      %dma_start3A_1358 = tpu.memref_slice %arg11[%dma_start3A_1355, %dma_start3A_1356, %dma_start3A_1357] : memref<5x128x128xf32, #tpu.memory_space<vmem>> -> memref<1x128x128xf32, #tpu.memory_space<vmem>>
      %dma_start3A_1359 = tpu.memref_squeeze %dma_start3A_1358 : memref<1x128x128xf32, #tpu.memory_space<vmem>> -> memref<128x128xf32, #tpu.memory_space<vmem>>
      %dma_start3A_1360 = arith.constant 0 : i32
      %dma_start3A_1361 = tpu.memref_slice %arg9[%rem3A_150, %dma_start3A_1354, %dma_start3A_1360] : memref<2x16x128xi32, #tpu.memory_space<vmem>> -> memref<1x1x128xi32, #tpu.memory_space<vmem>>
      %dma_start3A_1362 = tpu.memref_squeeze %dma_start3A_1361 : memref<1x1x128xi32, #tpu.memory_space<vmem>> -> memref<128xi32, #tpu.memory_space<vmem>>
      %dma_start3A_1363 = arith.constant 0 : i32
      %dma_start3A_1364 = arith.constant 0 : i32
      %dma_start3A_1365 = tpu.memref_slice %arg2[%dma_start3A_1363, %dma_start3A_1364] : memref<10112x128xf32, #tpu.memory_space<hbm>> -> memref<10112x128xf32, #tpu.memory_space<hbm>>
      tpu.enqueue_indirect_dma source(%dma_start3A_1365 : memref<10112x128xf32, #tpu.memory_space<hbm>>) target(%dma_start3A_1359 : memref<128x128xf32, #tpu.memory_space<vmem>>) offsets(%dma_start3A_1362 : memref<128xi32, #tpu.memory_space<vmem>>) semaphore(%arg20 : memref<!tpu.dma_semaphore, #tpu.memory_space<semaphore_mem>>)
      %dma_wait3A_1366 = arith.constant 11 : i32
      %dma_wait3A_1367 = arith.constant 1 : i32
      %dma_wait3A_1368 = arith.constant 0 : i32
      %dma_wait3A_1369 = arith.constant 0 : i32
      %dma_wait3A_1370 = tpu.memref_slice %arg11[%dma_wait3A_1367, %dma_wait3A_1368, %dma_wait3A_1369] : memref<5x128x128xf32, #tpu.memory_space<vmem>> -> memref<1x128x128xf32, #tpu.memory_space<vmem>>
      %dma_wait3A_1371 = tpu.memref_squeeze %dma_wait3A_1370 : memref<1x128x128xf32, #tpu.memory_space<vmem>> -> memref<128x128xf32, #tpu.memory_space<vmem>>
      %dma_wait3A_1372 = arith.constant 0 : i32
      %dma_wait3A_1373 = tpu.memref_slice %arg9[%rem3A_150, %dma_wait3A_1366, %dma_wait3A_1372] : memref<2x16x128xi32, #tpu.memory_space<vmem>> -> memref<1x1x128xi32, #tpu.memory_space<vmem>>
      %dma_wait3A_1374 = tpu.memref_squeeze %dma_wait3A_1373 : memref<1x1x128xi32, #tpu.memory_space<vmem>> -> memref<128xi32, #tpu.memory_space<vmem>>
      %dma_wait3A_1375 = arith.constant 0 : i32
      %dma_wait3A_1376 = arith.constant 0 : i32
      %dma_wait3A_1377 = tpu.memref_slice %arg2[%dma_wait3A_1375, %dma_wait3A_1376] : memref<10112x128xf32, #tpu.memory_space<hbm>> -> memref<10112x128xf32, #tpu.memory_space<hbm>>
      tpu.wait_indirect_dma semaphore(%arg19 : memref<!tpu.dma_semaphore, #tpu.memory_space<semaphore_mem>>) src(%dma_wait3A_1377 : memref<10112x128xf32, #tpu.memory_space<hbm>>) dst(%dma_wait3A_1371 : memref<128x128xf32, #tpu.memory_space<vmem>>)
      %dma_start3A_1378 = arith.constant 1 : i32
      %dma_start3A_1379 = arith.constant 11 : i32
      %dma_start3A_1380 = arith.constant 0 : i32
      %dma_start3A_1381 = arith.constant 0 : i32
      %dma_start3A_1382 = tpu.memref_slice %arg11[%dma_start3A_1378, %dma_start3A_1380, %dma_start3A_1381] : memref<5x128x128xf32, #tpu.memory_space<vmem>> -> memref<1x128x128xf32, #tpu.memory_space<vmem>>
      %dma_start3A_1383 = tpu.memref_squeeze %dma_start3A_1382 : memref<1x128x128xf32, #tpu.memory_space<vmem>> -> memref<128x128xf32, #tpu.memory_space<vmem>>
      %dma_start3A_1384 = arith.constant 0 : i32
      %dma_start3A_1385 = tpu.memref_slice %arg10[%rem3A_150, %dma_start3A_1379, %dma_start3A_1384] : memref<2x16x128xi32, #tpu.memory_space<vmem>> -> memref<1x1x128xi32, #tpu.memory_space<vmem>>
      %dma_start3A_1386 = tpu.memref_squeeze %dma_start3A_1385 : memref<1x1x128xi32, #tpu.memory_space<vmem>> -> memref<128xi32, #tpu.memory_space<vmem>>
      %dma_start3A_1387 = arith.constant 0 : i32
      %dma_start3A_1388 = arith.constant 0 : i32
      %dma_start3A_1389 = tpu.memref_slice %arg15[%dma_start3A_1387, %dma_start3A_1388] : memref<2048x128xf32, #tpu.memory_space<vmem_shared>> -> memref<2048x128xf32, #tpu.memory_space<vmem_shared>>
      tpu.enqueue_indirect_dma source(%dma_start3A_1383 : memref<128x128xf32, #tpu.memory_space<vmem>>) target(%dma_start3A_1389 : memref<2048x128xf32, #tpu.memory_space<vmem_shared>>) offsets(%dma_start3A_1386 : memref<128xi32, #tpu.memory_space<vmem>>) semaphore(%arg24 : memref<!tpu.dma_semaphore, #tpu.memory_space<semaphore_mem>>) {add = true}
      %get3A_1390 = arith.constant 11 : i32
      %get3A_1391 = arith.index_cast %rem3A_150 : i32 to index
      %get3A_1392 = arith.index_cast %get3A_1390 : i32 to index
      %get3A_1393 = arith.constant 0 : index
      %get3A_1394 = tpu.vector_load %arg9[%get3A_1391, %get3A_1392, %get3A_1393] {strides = array<i32>} : memref<2x16x128xi32, #tpu.memory_space<vmem>>, vector<16xi32>,
      %gather3A_1395 = tpu.vector_load_idx %arg12[%get3A_1394] : memref<10112xf32, #tpu.memory_space<vmem>>[vector<16xi32>], vector<16xf32>,
      %add3A_1396 = arith.addf %add3A_1341, %gather3A_1395 : vector<16xf32>
      %get3A_1397 = arith.constant 11 : i32
      %get3A_1398 = arith.index_cast %rem3A_150 : i32 to index
      %get3A_1399 = arith.index_cast %get3A_1397 : i32 to index
      %get3A_1400 = arith.constant 16 : index
      %get3A_1401 = tpu.vector_load %arg9[%get3A_1398, %get3A_1399, %get3A_1400] {strides = array<i32>} : memref<2x16x128xi32, #tpu.memory_space<vmem>>, vector<16xi32>,
      %gather3A_1402 = tpu.vector_load_idx %arg12[%get3A_1401] : memref<10112xf32, #tpu.memory_space<vmem>>[vector<16xi32>], vector<16xf32>,
      %add3A_1403 = arith.addf %add3A_1396, %gather3A_1402 : vector<16xf32>
      %get3A_1404 = arith.constant 11 : i32
      %get3A_1405 = arith.index_cast %rem3A_150 : i32 to index
      %get3A_1406 = arith.index_cast %get3A_1404 : i32 to index
      %get3A_1407 = arith.constant 32 : index
      %get3A_1408 = tpu.vector_load %arg9[%get3A_1405, %get3A_1406, %get3A_1407] {strides = array<i32>} : memref<2x16x128xi32, #tpu.memory_space<vmem>>, vector<16xi32>,
      %gather3A_1409 = tpu.vector_load_idx %arg12[%get3A_1408] : memref<10112xf32, #tpu.memory_space<vmem>>[vector<16xi32>], vector<16xf32>,
      %add3A_1410 = arith.addf %add3A_1403, %gather3A_1409 : vector<16xf32>
      %get3A_1411 = arith.constant 11 : i32
      %get3A_1412 = arith.index_cast %rem3A_150 : i32 to index
      %get3A_1413 = arith.index_cast %get3A_1411 : i32 to index
      %get3A_1414 = arith.constant 48 : index
      %get3A_1415 = tpu.vector_load %arg9[%get3A_1412, %get3A_1413, %get3A_1414] {strides = array<i32>} : memref<2x16x128xi32, #tpu.memory_space<vmem>>, vector<16xi32>,
      %gather3A_1416 = tpu.vector_load_idx %arg12[%get3A_1415] : memref<10112xf32, #tpu.memory_space<vmem>>[vector<16xi32>], vector<16xf32>,
      %add3A_1417 = arith.addf %add3A_1410, %gather3A_1416 : vector<16xf32>
      %get3A_1418 = arith.constant 11 : i32
      %get3A_1419 = arith.index_cast %rem3A_150 : i32 to index
      %get3A_1420 = arith.index_cast %get3A_1418 : i32 to index
      %get3A_1421 = arith.constant 64 : index
      %get3A_1422 = tpu.vector_load %arg9[%get3A_1419, %get3A_1420, %get3A_1421] {strides = array<i32>} : memref<2x16x128xi32, #tpu.memory_space<vmem>>, vector<16xi32>,
      %gather3A_1423 = tpu.vector_load_idx %arg12[%get3A_1422] : memref<10112xf32, #tpu.memory_space<vmem>>[vector<16xi32>], vector<16xf32>,
      %add3A_1424 = arith.addf %add3A_1417, %gather3A_1423 : vector<16xf32>
      %get3A_1425 = arith.constant 11 : i32
      %get3A_1426 = arith.index_cast %rem3A_150 : i32 to index
      %get3A_1427 = arith.index_cast %get3A_1425 : i32 to index
      %get3A_1428 = arith.constant 80 : index
      %get3A_1429 = tpu.vector_load %arg9[%get3A_1426, %get3A_1427, %get3A_1428] {strides = array<i32>} : memref<2x16x128xi32, #tpu.memory_space<vmem>>, vector<16xi32>,
      %gather3A_1430 = tpu.vector_load_idx %arg12[%get3A_1429] : memref<10112xf32, #tpu.memory_space<vmem>>[vector<16xi32>], vector<16xf32>,
      %add3A_1431 = arith.addf %add3A_1424, %gather3A_1430 : vector<16xf32>
      %get3A_1432 = arith.constant 11 : i32
      %get3A_1433 = arith.index_cast %rem3A_150 : i32 to index
      %get3A_1434 = arith.index_cast %get3A_1432 : i32 to index
      %get3A_1435 = arith.constant 96 : index
      %get3A_1436 = tpu.vector_load %arg9[%get3A_1433, %get3A_1434, %get3A_1435] {strides = array<i32>} : memref<2x16x128xi32, #tpu.memory_space<vmem>>, vector<16xi32>,
      %gather3A_1437 = tpu.vector_load_idx %arg12[%get3A_1436] : memref<10112xf32, #tpu.memory_space<vmem>>[vector<16xi32>], vector<16xf32>,
      %add3A_1438 = arith.addf %add3A_1431, %gather3A_1437 : vector<16xf32>
      %get3A_1439 = arith.constant 11 : i32
      %get3A_1440 = arith.index_cast %rem3A_150 : i32 to index
      %get3A_1441 = arith.index_cast %get3A_1439 : i32 to index
      %get3A_1442 = arith.constant 112 : index
      %get3A_1443 = tpu.vector_load %arg9[%get3A_1440, %get3A_1441, %get3A_1442] {strides = array<i32>} : memref<2x16x128xi32, #tpu.memory_space<vmem>>, vector<16xi32>,
      %gather3A_1444 = tpu.vector_load_idx %arg12[%get3A_1443] : memref<10112xf32, #tpu.memory_space<vmem>>[vector<16xi32>], vector<16xf32>,
      %add3A_1445 = arith.addf %add3A_1438, %gather3A_1444 : vector<16xf32>
      %dma_wait3A_1446 = arith.constant 3 : i32
      %dma_wait3A_1447 = arith.constant 8 : i32
      %dma_wait3A_1448 = arith.constant 0 : i32
      %dma_wait3A_1449 = arith.constant 0 : i32
      %dma_wait3A_1450 = tpu.memref_slice %arg11[%dma_wait3A_1446, %dma_wait3A_1448, %dma_wait3A_1449] : memref<5x128x128xf32, #tpu.memory_space<vmem>> -> memref<1x128x128xf32, #tpu.memory_space<vmem>>
      %dma_wait3A_1451 = tpu.memref_squeeze %dma_wait3A_1450 : memref<1x128x128xf32, #tpu.memory_space<vmem>> -> memref<128x128xf32, #tpu.memory_space<vmem>>
      %dma_wait3A_1452 = arith.constant 0 : i32
      %dma_wait3A_1453 = tpu.memref_slice %arg10[%rem3A_150, %dma_wait3A_1447, %dma_wait3A_1452] : memref<2x16x128xi32, #tpu.memory_space<vmem>> -> memref<1x1x128xi32, #tpu.memory_space<vmem>>
      %dma_wait3A_1454 = tpu.memref_squeeze %dma_wait3A_1453 : memref<1x1x128xi32, #tpu.memory_space<vmem>> -> memref<128xi32, #tpu.memory_space<vmem>>
      %dma_wait3A_1455 = arith.constant 0 : i32
      %dma_wait3A_1456 = arith.constant 0 : i32
      %dma_wait3A_1457 = tpu.memref_slice %arg15[%dma_wait3A_1455, %dma_wait3A_1456] : memref<2048x128xf32, #tpu.memory_space<vmem_shared>> -> memref<2048x128xf32, #tpu.memory_space<vmem_shared>>
      tpu.wait_indirect_dma semaphore(%arg26 : memref<!tpu.dma_semaphore, #tpu.memory_space<semaphore_mem>>) src(%dma_wait3A_1451 : memref<128x128xf32, #tpu.memory_space<vmem>>) dst(%dma_wait3A_1457 : memref<2048x128xf32, #tpu.memory_space<vmem_shared>>)
      %dma_start3A_1458 = arith.constant 13 : i32
      %dma_start3A_1459 = arith.constant 3 : i32
      %dma_start3A_1460 = arith.constant 0 : i32
      %dma_start3A_1461 = arith.constant 0 : i32
      %dma_start3A_1462 = tpu.memref_slice %arg11[%dma_start3A_1459, %dma_start3A_1460, %dma_start3A_1461] : memref<5x128x128xf32, #tpu.memory_space<vmem>> -> memref<1x128x128xf32, #tpu.memory_space<vmem>>
      %dma_start3A_1463 = tpu.memref_squeeze %dma_start3A_1462 : memref<1x128x128xf32, #tpu.memory_space<vmem>> -> memref<128x128xf32, #tpu.memory_space<vmem>>
      %dma_start3A_1464 = arith.constant 0 : i32
      %dma_start3A_1465 = tpu.memref_slice %arg9[%rem3A_150, %dma_start3A_1458, %dma_start3A_1464] : memref<2x16x128xi32, #tpu.memory_space<vmem>> -> memref<1x1x128xi32, #tpu.memory_space<vmem>>
      %dma_start3A_1466 = tpu.memref_squeeze %dma_start3A_1465 : memref<1x1x128xi32, #tpu.memory_space<vmem>> -> memref<128xi32, #tpu.memory_space<vmem>>
      %dma_start3A_1467 = arith.constant 0 : i32
      %dma_start3A_1468 = arith.constant 0 : i32
      %dma_start3A_1469 = tpu.memref_slice %arg2[%dma_start3A_1467, %dma_start3A_1468] : memref<10112x128xf32, #tpu.memory_space<hbm>> -> memref<10112x128xf32, #tpu.memory_space<hbm>>
      tpu.enqueue_indirect_dma source(%dma_start3A_1469 : memref<10112x128xf32, #tpu.memory_space<hbm>>) target(%dma_start3A_1463 : memref<128x128xf32, #tpu.memory_space<vmem>>) offsets(%dma_start3A_1466 : memref<128xi32, #tpu.memory_space<vmem>>) semaphore(%arg21 : memref<!tpu.dma_semaphore, #tpu.memory_space<semaphore_mem>>)
      %dma_wait3A_1470 = arith.constant 12 : i32
      %dma_wait3A_1471 = arith.constant 2 : i32
      %dma_wait3A_1472 = arith.constant 0 : i32
      %dma_wait3A_1473 = arith.constant 0 : i32
      %dma_wait3A_1474 = tpu.memref_slice %arg11[%dma_wait3A_1471, %dma_wait3A_1472, %dma_wait3A_1473] : memref<5x128x128xf32, #tpu.memory_space<vmem>> -> memref<1x128x128xf32, #tpu.memory_space<vmem>>
      %dma_wait3A_1475 = tpu.memref_squeeze %dma_wait3A_1474 : memref<1x128x128xf32, #tpu.memory_space<vmem>> -> memref<128x128xf32, #tpu.memory_space<vmem>>
      %dma_wait3A_1476 = arith.constant 0 : i32
      %dma_wait3A_1477 = tpu.memref_slice %arg9[%rem3A_150, %dma_wait3A_1470, %dma_wait3A_1476] : memref<2x16x128xi32, #tpu.memory_space<vmem>> -> memref<1x1x128xi32, #tpu.memory_space<vmem>>
      %dma_wait3A_1478 = tpu.memref_squeeze %dma_wait3A_1477 : memref<1x1x128xi32, #tpu.memory_space<vmem>> -> memref<128xi32, #tpu.memory_space<vmem>>
      %dma_wait3A_1479 = arith.constant 0 : i32
      %dma_wait3A_1480 = arith.constant 0 : i32
      %dma_wait3A_1481 = tpu.memref_slice %arg2[%dma_wait3A_1479, %dma_wait3A_1480] : memref<10112x128xf32, #tpu.memory_space<hbm>> -> memref<10112x128xf32, #tpu.memory_space<hbm>>
      tpu.wait_indirect_dma semaphore(%arg20 : memref<!tpu.dma_semaphore, #tpu.memory_space<semaphore_mem>>) src(%dma_wait3A_1481 : memref<10112x128xf32, #tpu.memory_space<hbm>>) dst(%dma_wait3A_1475 : memref<128x128xf32, #tpu.memory_space<vmem>>)
      %dma_start3A_1482 = arith.constant 2 : i32
      %dma_start3A_1483 = arith.constant 12 : i32
      %dma_start3A_1484 = arith.constant 0 : i32
      %dma_start3A_1485 = arith.constant 0 : i32
      %dma_start3A_1486 = tpu.memref_slice %arg11[%dma_start3A_1482, %dma_start3A_1484, %dma_start3A_1485] : memref<5x128x128xf32, #tpu.memory_space<vmem>> -> memref<1x128x128xf32, #tpu.memory_space<vmem>>
      %dma_start3A_1487 = tpu.memref_squeeze %dma_start3A_1486 : memref<1x128x128xf32, #tpu.memory_space<vmem>> -> memref<128x128xf32, #tpu.memory_space<vmem>>
      %dma_start3A_1488 = arith.constant 0 : i32
      %dma_start3A_1489 = tpu.memref_slice %arg10[%rem3A_150, %dma_start3A_1483, %dma_start3A_1488] : memref<2x16x128xi32, #tpu.memory_space<vmem>> -> memref<1x1x128xi32, #tpu.memory_space<vmem>>
      %dma_start3A_1490 = tpu.memref_squeeze %dma_start3A_1489 : memref<1x1x128xi32, #tpu.memory_space<vmem>> -> memref<128xi32, #tpu.memory_space<vmem>>
      %dma_start3A_1491 = arith.constant 0 : i32
      %dma_start3A_1492 = arith.constant 0 : i32
      %dma_start3A_1493 = tpu.memref_slice %arg15[%dma_start3A_1491, %dma_start3A_1492] : memref<2048x128xf32, #tpu.memory_space<vmem_shared>> -> memref<2048x128xf32, #tpu.memory_space<vmem_shared>>
      tpu.enqueue_indirect_dma source(%dma_start3A_1487 : memref<128x128xf32, #tpu.memory_space<vmem>>) target(%dma_start3A_1493 : memref<2048x128xf32, #tpu.memory_space<vmem_shared>>) offsets(%dma_start3A_1490 : memref<128xi32, #tpu.memory_space<vmem>>) semaphore(%arg25 : memref<!tpu.dma_semaphore, #tpu.memory_space<semaphore_mem>>) {add = true}
      %get3A_1494 = arith.constant 12 : i32
      %get3A_1495 = arith.index_cast %rem3A_150 : i32 to index
      %get3A_1496 = arith.index_cast %get3A_1494 : i32 to index
      %get3A_1497 = arith.constant 0 : index
      %get3A_1498 = tpu.vector_load %arg9[%get3A_1495, %get3A_1496, %get3A_1497] {strides = array<i32>} : memref<2x16x128xi32, #tpu.memory_space<vmem>>, vector<16xi32>,
      %gather3A_1499 = tpu.vector_load_idx %arg12[%get3A_1498] : memref<10112xf32, #tpu.memory_space<vmem>>[vector<16xi32>], vector<16xf32>,
      %add3A_1500 = arith.addf %add3A_1445, %gather3A_1499 : vector<16xf32>
      %get3A_1501 = arith.constant 12 : i32
      %get3A_1502 = arith.index_cast %rem3A_150 : i32 to index
      %get3A_1503 = arith.index_cast %get3A_1501 : i32 to index
      %get3A_1504 = arith.constant 16 : index
      %get3A_1505 = tpu.vector_load %arg9[%get3A_1502, %get3A_1503, %get3A_1504] {strides = array<i32>} : memref<2x16x128xi32, #tpu.memory_space<vmem>>, vector<16xi32>,
      %gather3A_1506 = tpu.vector_load_idx %arg12[%get3A_1505] : memref<10112xf32, #tpu.memory_space<vmem>>[vector<16xi32>], vector<16xf32>,
      %add3A_1507 = arith.addf %add3A_1500, %gather3A_1506 : vector<16xf32>
      %get3A_1508 = arith.constant 12 : i32
      %get3A_1509 = arith.index_cast %rem3A_150 : i32 to index
      %get3A_1510 = arith.index_cast %get3A_1508 : i32 to index
      %get3A_1511 = arith.constant 32 : index
      %get3A_1512 = tpu.vector_load %arg9[%get3A_1509, %get3A_1510, %get3A_1511] {strides = array<i32>} : memref<2x16x128xi32, #tpu.memory_space<vmem>>, vector<16xi32>,
      %gather3A_1513 = tpu.vector_load_idx %arg12[%get3A_1512] : memref<10112xf32, #tpu.memory_space<vmem>>[vector<16xi32>], vector<16xf32>,
      %add3A_1514 = arith.addf %add3A_1507, %gather3A_1513 : vector<16xf32>
      %get3A_1515 = arith.constant 12 : i32
      %get3A_1516 = arith.index_cast %rem3A_150 : i32 to index
      %get3A_1517 = arith.index_cast %get3A_1515 : i32 to index
      %get3A_1518 = arith.constant 48 : index
      %get3A_1519 = tpu.vector_load %arg9[%get3A_1516, %get3A_1517, %get3A_1518] {strides = array<i32>} : memref<2x16x128xi32, #tpu.memory_space<vmem>>, vector<16xi32>,
      %gather3A_1520 = tpu.vector_load_idx %arg12[%get3A_1519] : memref<10112xf32, #tpu.memory_space<vmem>>[vector<16xi32>], vector<16xf32>,
      %add3A_1521 = arith.addf %add3A_1514, %gather3A_1520 : vector<16xf32>
      %get3A_1522 = arith.constant 12 : i32
      %get3A_1523 = arith.index_cast %rem3A_150 : i32 to index
      %get3A_1524 = arith.index_cast %get3A_1522 : i32 to index
      %get3A_1525 = arith.constant 64 : index
      %get3A_1526 = tpu.vector_load %arg9[%get3A_1523, %get3A_1524, %get3A_1525] {strides = array<i32>} : memref<2x16x128xi32, #tpu.memory_space<vmem>>, vector<16xi32>,
      %gather3A_1527 = tpu.vector_load_idx %arg12[%get3A_1526] : memref<10112xf32, #tpu.memory_space<vmem>>[vector<16xi32>], vector<16xf32>,
      %add3A_1528 = arith.addf %add3A_1521, %gather3A_1527 : vector<16xf32>
      %get3A_1529 = arith.constant 12 : i32
      %get3A_1530 = arith.index_cast %rem3A_150 : i32 to index
      %get3A_1531 = arith.index_cast %get3A_1529 : i32 to index
      %get3A_1532 = arith.constant 80 : index
      %get3A_1533 = tpu.vector_load %arg9[%get3A_1530, %get3A_1531, %get3A_1532] {strides = array<i32>} : memref<2x16x128xi32, #tpu.memory_space<vmem>>, vector<16xi32>,
      %gather3A_1534 = tpu.vector_load_idx %arg12[%get3A_1533] : memref<10112xf32, #tpu.memory_space<vmem>>[vector<16xi32>], vector<16xf32>,
      %add3A_1535 = arith.addf %add3A_1528, %gather3A_1534 : vector<16xf32>
      %get3A_1536 = arith.constant 12 : i32
      %get3A_1537 = arith.index_cast %rem3A_150 : i32 to index
      %get3A_1538 = arith.index_cast %get3A_1536 : i32 to index
      %get3A_1539 = arith.constant 96 : index
      %get3A_1540 = tpu.vector_load %arg9[%get3A_1537, %get3A_1538, %get3A_1539] {strides = array<i32>} : memref<2x16x128xi32, #tpu.memory_space<vmem>>, vector<16xi32>,
      %gather3A_1541 = tpu.vector_load_idx %arg12[%get3A_1540] : memref<10112xf32, #tpu.memory_space<vmem>>[vector<16xi32>], vector<16xf32>,
      %add3A_1542 = arith.addf %add3A_1535, %gather3A_1541 : vector<16xf32>
      %get3A_1543 = arith.constant 12 : i32
      %get3A_1544 = arith.index_cast %rem3A_150 : i32 to index
      %get3A_1545 = arith.index_cast %get3A_1543 : i32 to index
      %get3A_1546 = arith.constant 112 : index
      %get3A_1547 = tpu.vector_load %arg9[%get3A_1544, %get3A_1545, %get3A_1546] {strides = array<i32>} : memref<2x16x128xi32, #tpu.memory_space<vmem>>, vector<16xi32>,
      %gather3A_1548 = tpu.vector_load_idx %arg12[%get3A_1547] : memref<10112xf32, #tpu.memory_space<vmem>>[vector<16xi32>], vector<16xf32>,
      %add3A_1549 = arith.addf %add3A_1542, %gather3A_1548 : vector<16xf32>
      %dma_wait3A_1550 = arith.constant 4 : i32
      %dma_wait3A_1551 = arith.constant 9 : i32
      %dma_wait3A_1552 = arith.constant 0 : i32
      %dma_wait3A_1553 = arith.constant 0 : i32
      %dma_wait3A_1554 = tpu.memref_slice %arg11[%dma_wait3A_1550, %dma_wait3A_1552, %dma_wait3A_1553] : memref<5x128x128xf32, #tpu.memory_space<vmem>> -> memref<1x128x128xf32, #tpu.memory_space<vmem>>
      %dma_wait3A_1555 = tpu.memref_squeeze %dma_wait3A_1554 : memref<1x128x128xf32, #tpu.memory_space<vmem>> -> memref<128x128xf32, #tpu.memory_space<vmem>>
      %dma_wait3A_1556 = arith.constant 0 : i32
      %dma_wait3A_1557 = tpu.memref_slice %arg10[%rem3A_150, %dma_wait3A_1551, %dma_wait3A_1556] : memref<2x16x128xi32, #tpu.memory_space<vmem>> -> memref<1x1x128xi32, #tpu.memory_space<vmem>>
      %dma_wait3A_1558 = tpu.memref_squeeze %dma_wait3A_1557 : memref<1x1x128xi32, #tpu.memory_space<vmem>> -> memref<128xi32, #tpu.memory_space<vmem>>
      %dma_wait3A_1559 = arith.constant 0 : i32
      %dma_wait3A_1560 = arith.constant 0 : i32
      %dma_wait3A_1561 = tpu.memref_slice %arg15[%dma_wait3A_1559, %dma_wait3A_1560] : memref<2048x128xf32, #tpu.memory_space<vmem_shared>> -> memref<2048x128xf32, #tpu.memory_space<vmem_shared>>
      tpu.wait_indirect_dma semaphore(%arg27 : memref<!tpu.dma_semaphore, #tpu.memory_space<semaphore_mem>>) src(%dma_wait3A_1555 : memref<128x128xf32, #tpu.memory_space<vmem>>) dst(%dma_wait3A_1561 : memref<2048x128xf32, #tpu.memory_space<vmem_shared>>)
      %dma_start3A_1562 = arith.constant 14 : i32
      %dma_start3A_1563 = arith.constant 4 : i32
      %dma_start3A_1564 = arith.constant 0 : i32
      %dma_start3A_1565 = arith.constant 0 : i32
      %dma_start3A_1566 = tpu.memref_slice %arg11[%dma_start3A_1563, %dma_start3A_1564, %dma_start3A_1565] : memref<5x128x128xf32, #tpu.memory_space<vmem>> -> memref<1x128x128xf32, #tpu.memory_space<vmem>>
      %dma_start3A_1567 = tpu.memref_squeeze %dma_start3A_1566 : memref<1x128x128xf32, #tpu.memory_space<vmem>> -> memref<128x128xf32, #tpu.memory_space<vmem>>
      %dma_start3A_1568 = arith.constant 0 : i32
      %dma_start3A_1569 = tpu.memref_slice %arg9[%rem3A_150, %dma_start3A_1562, %dma_start3A_1568] : memref<2x16x128xi32, #tpu.memory_space<vmem>> -> memref<1x1x128xi32, #tpu.memory_space<vmem>>
      %dma_start3A_1570 = tpu.memref_squeeze %dma_start3A_1569 : memref<1x1x128xi32, #tpu.memory_space<vmem>> -> memref<128xi32, #tpu.memory_space<vmem>>
      %dma_start3A_1571 = arith.constant 0 : i32
      %dma_start3A_1572 = arith.constant 0 : i32
      %dma_start3A_1573 = tpu.memref_slice %arg2[%dma_start3A_1571, %dma_start3A_1572] : memref<10112x128xf32, #tpu.memory_space<hbm>> -> memref<10112x128xf32, #tpu.memory_space<hbm>>
      tpu.enqueue_indirect_dma source(%dma_start3A_1573 : memref<10112x128xf32, #tpu.memory_space<hbm>>) target(%dma_start3A_1567 : memref<128x128xf32, #tpu.memory_space<vmem>>) offsets(%dma_start3A_1570 : memref<128xi32, #tpu.memory_space<vmem>>) semaphore(%arg22 : memref<!tpu.dma_semaphore, #tpu.memory_space<semaphore_mem>>)
      %dma_wait3A_1574 = arith.constant 13 : i32
      %dma_wait3A_1575 = arith.constant 3 : i32
      %dma_wait3A_1576 = arith.constant 0 : i32
      %dma_wait3A_1577 = arith.constant 0 : i32
      %dma_wait3A_1578 = tpu.memref_slice %arg11[%dma_wait3A_1575, %dma_wait3A_1576, %dma_wait3A_1577] : memref<5x128x128xf32, #tpu.memory_space<vmem>> -> memref<1x128x128xf32, #tpu.memory_space<vmem>>
      %dma_wait3A_1579 = tpu.memref_squeeze %dma_wait3A_1578 : memref<1x128x128xf32, #tpu.memory_space<vmem>> -> memref<128x128xf32, #tpu.memory_space<vmem>>
      %dma_wait3A_1580 = arith.constant 0 : i32
      %dma_wait3A_1581 = tpu.memref_slice %arg9[%rem3A_150, %dma_wait3A_1574, %dma_wait3A_1580] : memref<2x16x128xi32, #tpu.memory_space<vmem>> -> memref<1x1x128xi32, #tpu.memory_space<vmem>>
      %dma_wait3A_1582 = tpu.memref_squeeze %dma_wait3A_1581 : memref<1x1x128xi32, #tpu.memory_space<vmem>> -> memref<128xi32, #tpu.memory_space<vmem>>
      %dma_wait3A_1583 = arith.constant 0 : i32
      %dma_wait3A_1584 = arith.constant 0 : i32
      %dma_wait3A_1585 = tpu.memref_slice %arg2[%dma_wait3A_1583, %dma_wait3A_1584] : memref<10112x128xf32, #tpu.memory_space<hbm>> -> memref<10112x128xf32, #tpu.memory_space<hbm>>
      tpu.wait_indirect_dma semaphore(%arg21 : memref<!tpu.dma_semaphore, #tpu.memory_space<semaphore_mem>>) src(%dma_wait3A_1585 : memref<10112x128xf32, #tpu.memory_space<hbm>>) dst(%dma_wait3A_1579 : memref<128x128xf32, #tpu.memory_space<vmem>>)
      %dma_start3A_1586 = arith.constant 3 : i32
      %dma_start3A_1587 = arith.constant 13 : i32
      %dma_start3A_1588 = arith.constant 0 : i32
      %dma_start3A_1589 = arith.constant 0 : i32
      %dma_start3A_1590 = tpu.memref_slice %arg11[%dma_start3A_1586, %dma_start3A_1588, %dma_start3A_1589] : memref<5x128x128xf32, #tpu.memory_space<vmem>> -> memref<1x128x128xf32, #tpu.memory_space<vmem>>
      %dma_start3A_1591 = tpu.memref_squeeze %dma_start3A_1590 : memref<1x128x128xf32, #tpu.memory_space<vmem>> -> memref<128x128xf32, #tpu.memory_space<vmem>>
      %dma_start3A_1592 = arith.constant 0 : i32
      %dma_start3A_1593 = tpu.memref_slice %arg10[%rem3A_150, %dma_start3A_1587, %dma_start3A_1592] : memref<2x16x128xi32, #tpu.memory_space<vmem>> -> memref<1x1x128xi32, #tpu.memory_space<vmem>>
      %dma_start3A_1594 = tpu.memref_squeeze %dma_start3A_1593 : memref<1x1x128xi32, #tpu.memory_space<vmem>> -> memref<128xi32, #tpu.memory_space<vmem>>
      %dma_start3A_1595 = arith.constant 0 : i32
      %dma_start3A_1596 = arith.constant 0 : i32
      %dma_start3A_1597 = tpu.memref_slice %arg15[%dma_start3A_1595, %dma_start3A_1596] : memref<2048x128xf32, #tpu.memory_space<vmem_shared>> -> memref<2048x128xf32, #tpu.memory_space<vmem_shared>>
      tpu.enqueue_indirect_dma source(%dma_start3A_1591 : memref<128x128xf32, #tpu.memory_space<vmem>>) target(%dma_start3A_1597 : memref<2048x128xf32, #tpu.memory_space<vmem_shared>>) offsets(%dma_start3A_1594 : memref<128xi32, #tpu.memory_space<vmem>>) semaphore(%arg26 : memref<!tpu.dma_semaphore, #tpu.memory_space<semaphore_mem>>) {add = true}
      %get3A_1598 = arith.constant 13 : i32
      %get3A_1599 = arith.index_cast %rem3A_150 : i32 to index
      %get3A_1600 = arith.index_cast %get3A_1598 : i32 to index
      %get3A_1601 = arith.constant 0 : index
      %get3A_1602 = tpu.vector_load %arg9[%get3A_1599, %get3A_1600, %get3A_1601] {strides = array<i32>} : memref<2x16x128xi32, #tpu.memory_space<vmem>>, vector<16xi32>,
      %gather3A_1603 = tpu.vector_load_idx %arg12[%get3A_1602] : memref<10112xf32, #tpu.memory_space<vmem>>[vector<16xi32>], vector<16xf32>,
      %add3A_1604 = arith.addf %add3A_1549, %gather3A_1603 : vector<16xf32>
      %get3A_1605 = arith.constant 13 : i32
      %get3A_1606 = arith.index_cast %rem3A_150 : i32 to index
      %get3A_1607 = arith.index_cast %get3A_1605 : i32 to index
      %get3A_1608 = arith.constant 16 : index
      %get3A_1609 = tpu.vector_load %arg9[%get3A_1606, %get3A_1607, %get3A_1608] {strides = array<i32>} : memref<2x16x128xi32, #tpu.memory_space<vmem>>, vector<16xi32>,
      %gather3A_1610 = tpu.vector_load_idx %arg12[%get3A_1609] : memref<10112xf32, #tpu.memory_space<vmem>>[vector<16xi32>], vector<16xf32>,
      %add3A_1611 = arith.addf %add3A_1604, %gather3A_1610 : vector<16xf32>
      %get3A_1612 = arith.constant 13 : i32
      %get3A_1613 = arith.index_cast %rem3A_150 : i32 to index
      %get3A_1614 = arith.index_cast %get3A_1612 : i32 to index
      %get3A_1615 = arith.constant 32 : index
      %get3A_1616 = tpu.vector_load %arg9[%get3A_1613, %get3A_1614, %get3A_1615] {strides = array<i32>} : memref<2x16x128xi32, #tpu.memory_space<vmem>>, vector<16xi32>,
      %gather3A_1617 = tpu.vector_load_idx %arg12[%get3A_1616] : memref<10112xf32, #tpu.memory_space<vmem>>[vector<16xi32>], vector<16xf32>,
      %add3A_1618 = arith.addf %add3A_1611, %gather3A_1617 : vector<16xf32>
      %get3A_1619 = arith.constant 13 : i32
      %get3A_1620 = arith.index_cast %rem3A_150 : i32 to index
      %get3A_1621 = arith.index_cast %get3A_1619 : i32 to index
      %get3A_1622 = arith.constant 48 : index
      %get3A_1623 = tpu.vector_load %arg9[%get3A_1620, %get3A_1621, %get3A_1622] {strides = array<i32>} : memref<2x16x128xi32, #tpu.memory_space<vmem>>, vector<16xi32>,
      %gather3A_1624 = tpu.vector_load_idx %arg12[%get3A_1623] : memref<10112xf32, #tpu.memory_space<vmem>>[vector<16xi32>], vector<16xf32>,
      %add3A_1625 = arith.addf %add3A_1618, %gather3A_1624 : vector<16xf32>
      %get3A_1626 = arith.constant 13 : i32
      %get3A_1627 = arith.index_cast %rem3A_150 : i32 to index
      %get3A_1628 = arith.index_cast %get3A_1626 : i32 to index
      %get3A_1629 = arith.constant 64 : index
      %get3A_1630 = tpu.vector_load %arg9[%get3A_1627, %get3A_1628, %get3A_1629] {strides = array<i32>} : memref<2x16x128xi32, #tpu.memory_space<vmem>>, vector<16xi32>,
      %gather3A_1631 = tpu.vector_load_idx %arg12[%get3A_1630] : memref<10112xf32, #tpu.memory_space<vmem>>[vector<16xi32>], vector<16xf32>,
      %add3A_1632 = arith.addf %add3A_1625, %gather3A_1631 : vector<16xf32>
      %get3A_1633 = arith.constant 13 : i32
      %get3A_1634 = arith.index_cast %rem3A_150 : i32 to index
      %get3A_1635 = arith.index_cast %get3A_1633 : i32 to index
      %get3A_1636 = arith.constant 80 : index
      %get3A_1637 = tpu.vector_load %arg9[%get3A_1634, %get3A_1635, %get3A_1636] {strides = array<i32>} : memref<2x16x128xi32, #tpu.memory_space<vmem>>, vector<16xi32>,
      %gather3A_1638 = tpu.vector_load_idx %arg12[%get3A_1637] : memref<10112xf32, #tpu.memory_space<vmem>>[vector<16xi32>], vector<16xf32>,
      %add3A_1639 = arith.addf %add3A_1632, %gather3A_1638 : vector<16xf32>
      %get3A_1640 = arith.constant 13 : i32
      %get3A_1641 = arith.index_cast %rem3A_150 : i32 to index
      %get3A_1642 = arith.index_cast %get3A_1640 : i32 to index
      %get3A_1643 = arith.constant 96 : index
      %get3A_1644 = tpu.vector_load %arg9[%get3A_1641, %get3A_1642, %get3A_1643] {strides = array<i32>} : memref<2x16x128xi32, #tpu.memory_space<vmem>>, vector<16xi32>,
      %gather3A_1645 = tpu.vector_load_idx %arg12[%get3A_1644] : memref<10112xf32, #tpu.memory_space<vmem>>[vector<16xi32>], vector<16xf32>,
      %add3A_1646 = arith.addf %add3A_1639, %gather3A_1645 : vector<16xf32>
      %get3A_1647 = arith.constant 13 : i32
      %get3A_1648 = arith.index_cast %rem3A_150 : i32 to index
      %get3A_1649 = arith.index_cast %get3A_1647 : i32 to index
      %get3A_1650 = arith.constant 112 : index
      %get3A_1651 = tpu.vector_load %arg9[%get3A_1648, %get3A_1649, %get3A_1650] {strides = array<i32>} : memref<2x16x128xi32, #tpu.memory_space<vmem>>, vector<16xi32>,
      %gather3A_1652 = tpu.vector_load_idx %arg12[%get3A_1651] : memref<10112xf32, #tpu.memory_space<vmem>>[vector<16xi32>], vector<16xf32>,
      %add3A_1653 = arith.addf %add3A_1646, %gather3A_1652 : vector<16xf32>
      %dma_wait3A_1654 = arith.constant 0 : i32
      %dma_wait3A_1655 = arith.constant 10 : i32
      %dma_wait3A_1656 = arith.constant 0 : i32
      %dma_wait3A_1657 = arith.constant 0 : i32
      %dma_wait3A_1658 = tpu.memref_slice %arg11[%dma_wait3A_1654, %dma_wait3A_1656, %dma_wait3A_1657] : memref<5x128x128xf32, #tpu.memory_space<vmem>> -> memref<1x128x128xf32, #tpu.memory_space<vmem>>
      %dma_wait3A_1659 = tpu.memref_squeeze %dma_wait3A_1658 : memref<1x128x128xf32, #tpu.memory_space<vmem>> -> memref<128x128xf32, #tpu.memory_space<vmem>>
      %dma_wait3A_1660 = arith.constant 0 : i32
      %dma_wait3A_1661 = tpu.memref_slice %arg10[%rem3A_150, %dma_wait3A_1655, %dma_wait3A_1660] : memref<2x16x128xi32, #tpu.memory_space<vmem>> -> memref<1x1x128xi32, #tpu.memory_space<vmem>>
      %dma_wait3A_1662 = tpu.memref_squeeze %dma_wait3A_1661 : memref<1x1x128xi32, #tpu.memory_space<vmem>> -> memref<128xi32, #tpu.memory_space<vmem>>
      %dma_wait3A_1663 = arith.constant 0 : i32
      %dma_wait3A_1664 = arith.constant 0 : i32
      %dma_wait3A_1665 = tpu.memref_slice %arg15[%dma_wait3A_1663, %dma_wait3A_1664] : memref<2048x128xf32, #tpu.memory_space<vmem_shared>> -> memref<2048x128xf32, #tpu.memory_space<vmem_shared>>
      tpu.wait_indirect_dma semaphore(%arg23 : memref<!tpu.dma_semaphore, #tpu.memory_space<semaphore_mem>>) src(%dma_wait3A_1659 : memref<128x128xf32, #tpu.memory_space<vmem>>) dst(%dma_wait3A_1665 : memref<2048x128xf32, #tpu.memory_space<vmem_shared>>)
      %dma_start3A_1666 = arith.constant 15 : i32
      %dma_start3A_1667 = arith.constant 0 : i32
      %dma_start3A_1668 = arith.constant 0 : i32
      %dma_start3A_1669 = arith.constant 0 : i32
      %dma_start3A_1670 = tpu.memref_slice %arg11[%dma_start3A_1667, %dma_start3A_1668, %dma_start3A_1669] : memref<5x128x128xf32, #tpu.memory_space<vmem>> -> memref<1x128x128xf32, #tpu.memory_space<vmem>>
      %dma_start3A_1671 = tpu.memref_squeeze %dma_start3A_1670 : memref<1x128x128xf32, #tpu.memory_space<vmem>> -> memref<128x128xf32, #tpu.memory_space<vmem>>
      %dma_start3A_1672 = arith.constant 0 : i32
      %dma_start3A_1673 = tpu.memref_slice %arg9[%rem3A_150, %dma_start3A_1666, %dma_start3A_1672] : memref<2x16x128xi32, #tpu.memory_space<vmem>> -> memref<1x1x128xi32, #tpu.memory_space<vmem>>
      %dma_start3A_1674 = tpu.memref_squeeze %dma_start3A_1673 : memref<1x1x128xi32, #tpu.memory_space<vmem>> -> memref<128xi32, #tpu.memory_space<vmem>>
      %dma_start3A_1675 = arith.constant 0 : i32
      %dma_start3A_1676 = arith.constant 0 : i32
      %dma_start3A_1677 = tpu.memref_slice %arg2[%dma_start3A_1675, %dma_start3A_1676] : memref<10112x128xf32, #tpu.memory_space<hbm>> -> memref<10112x128xf32, #tpu.memory_space<hbm>>
      tpu.enqueue_indirect_dma source(%dma_start3A_1677 : memref<10112x128xf32, #tpu.memory_space<hbm>>) target(%dma_start3A_1671 : memref<128x128xf32, #tpu.memory_space<vmem>>) offsets(%dma_start3A_1674 : memref<128xi32, #tpu.memory_space<vmem>>) semaphore(%arg18 : memref<!tpu.dma_semaphore, #tpu.memory_space<semaphore_mem>>)
      %dma_wait3A_1678 = arith.constant 14 : i32
      %dma_wait3A_1679 = arith.constant 4 : i32
      %dma_wait3A_1680 = arith.constant 0 : i32
      %dma_wait3A_1681 = arith.constant 0 : i32
      %dma_wait3A_1682 = tpu.memref_slice %arg11[%dma_wait3A_1679, %dma_wait3A_1680, %dma_wait3A_1681] : memref<5x128x128xf32, #tpu.memory_space<vmem>> -> memref<1x128x128xf32, #tpu.memory_space<vmem>>
      %dma_wait3A_1683 = tpu.memref_squeeze %dma_wait3A_1682 : memref<1x128x128xf32, #tpu.memory_space<vmem>> -> memref<128x128xf32, #tpu.memory_space<vmem>>
      %dma_wait3A_1684 = arith.constant 0 : i32
      %dma_wait3A_1685 = tpu.memref_slice %arg9[%rem3A_150, %dma_wait3A_1678, %dma_wait3A_1684] : memref<2x16x128xi32, #tpu.memory_space<vmem>> -> memref<1x1x128xi32, #tpu.memory_space<vmem>>
      %dma_wait3A_1686 = tpu.memref_squeeze %dma_wait3A_1685 : memref<1x1x128xi32, #tpu.memory_space<vmem>> -> memref<128xi32, #tpu.memory_space<vmem>>
      %dma_wait3A_1687 = arith.constant 0 : i32
      %dma_wait3A_1688 = arith.constant 0 : i32
      %dma_wait3A_1689 = tpu.memref_slice %arg2[%dma_wait3A_1687, %dma_wait3A_1688] : memref<10112x128xf32, #tpu.memory_space<hbm>> -> memref<10112x128xf32, #tpu.memory_space<hbm>>
      tpu.wait_indirect_dma semaphore(%arg22 : memref<!tpu.dma_semaphore, #tpu.memory_space<semaphore_mem>>) src(%dma_wait3A_1689 : memref<10112x128xf32, #tpu.memory_space<hbm>>) dst(%dma_wait3A_1683 : memref<128x128xf32, #tpu.memory_space<vmem>>)
      %dma_start3A_1690 = arith.constant 4 : i32
      %dma_start3A_1691 = arith.constant 14 : i32
      %dma_start3A_1692 = arith.constant 0 : i32
      %dma_start3A_1693 = arith.constant 0 : i32
      %dma_start3A_1694 = tpu.memref_slice %arg11[%dma_start3A_1690, %dma_start3A_1692, %dma_start3A_1693] : memref<5x128x128xf32, #tpu.memory_space<vmem>> -> memref<1x128x128xf32, #tpu.memory_space<vmem>>
      %dma_start3A_1695 = tpu.memref_squeeze %dma_start3A_1694 : memref<1x128x128xf32, #tpu.memory_space<vmem>> -> memref<128x128xf32, #tpu.memory_space<vmem>>
      %dma_start3A_1696 = arith.constant 0 : i32
      %dma_start3A_1697 = tpu.memref_slice %arg10[%rem3A_150, %dma_start3A_1691, %dma_start3A_1696] : memref<2x16x128xi32, #tpu.memory_space<vmem>> -> memref<1x1x128xi32, #tpu.memory_space<vmem>>
      %dma_start3A_1698 = tpu.memref_squeeze %dma_start3A_1697 : memref<1x1x128xi32, #tpu.memory_space<vmem>> -> memref<128xi32, #tpu.memory_space<vmem>>
      %dma_start3A_1699 = arith.constant 0 : i32
      %dma_start3A_1700 = arith.constant 0 : i32
      %dma_start3A_1701 = tpu.memref_slice %arg15[%dma_start3A_1699, %dma_start3A_1700] : memref<2048x128xf32, #tpu.memory_space<vmem_shared>> -> memref<2048x128xf32, #tpu.memory_space<vmem_shared>>
      tpu.enqueue_indirect_dma source(%dma_start3A_1695 : memref<128x128xf32, #tpu.memory_space<vmem>>) target(%dma_start3A_1701 : memref<2048x128xf32, #tpu.memory_space<vmem_shared>>) offsets(%dma_start3A_1698 : memref<128xi32, #tpu.memory_space<vmem>>) semaphore(%arg27 : memref<!tpu.dma_semaphore, #tpu.memory_space<semaphore_mem>>) {add = true}
      %get3A_1702 = arith.constant 14 : i32
      %get3A_1703 = arith.index_cast %rem3A_150 : i32 to index
      %get3A_1704 = arith.index_cast %get3A_1702 : i32 to index
      %get3A_1705 = arith.constant 0 : index
      %get3A_1706 = tpu.vector_load %arg9[%get3A_1703, %get3A_1704, %get3A_1705] {strides = array<i32>} : memref<2x16x128xi32, #tpu.memory_space<vmem>>, vector<16xi32>,
      %gather3A_1707 = tpu.vector_load_idx %arg12[%get3A_1706] : memref<10112xf32, #tpu.memory_space<vmem>>[vector<16xi32>], vector<16xf32>,
      %add3A_1708 = arith.addf %add3A_1653, %gather3A_1707 : vector<16xf32>
      %get3A_1709 = arith.constant 14 : i32
      %get3A_1710 = arith.index_cast %rem3A_150 : i32 to index
      %get3A_1711 = arith.index_cast %get3A_1709 : i32 to index
      %get3A_1712 = arith.constant 16 : index
      %get3A_1713 = tpu.vector_load %arg9[%get3A_1710, %get3A_1711, %get3A_1712] {strides = array<i32>} : memref<2x16x128xi32, #tpu.memory_space<vmem>>, vector<16xi32>,
      %gather3A_1714 = tpu.vector_load_idx %arg12[%get3A_1713] : memref<10112xf32, #tpu.memory_space<vmem>>[vector<16xi32>], vector<16xf32>,
      %add3A_1715 = arith.addf %add3A_1708, %gather3A_1714 : vector<16xf32>
      %get3A_1716 = arith.constant 14 : i32
      %get3A_1717 = arith.index_cast %rem3A_150 : i32 to index
      %get3A_1718 = arith.index_cast %get3A_1716 : i32 to index
      %get3A_1719 = arith.constant 32 : index
      %get3A_1720 = tpu.vector_load %arg9[%get3A_1717, %get3A_1718, %get3A_1719] {strides = array<i32>} : memref<2x16x128xi32, #tpu.memory_space<vmem>>, vector<16xi32>,
      %gather3A_1721 = tpu.vector_load_idx %arg12[%get3A_1720] : memref<10112xf32, #tpu.memory_space<vmem>>[vector<16xi32>], vector<16xf32>,
      %add3A_1722 = arith.addf %add3A_1715, %gather3A_1721 : vector<16xf32>
      %get3A_1723 = arith.constant 14 : i32
      %get3A_1724 = arith.index_cast %rem3A_150 : i32 to index
      %get3A_1725 = arith.index_cast %get3A_1723 : i32 to index
      %get3A_1726 = arith.constant 48 : index
      %get3A_1727 = tpu.vector_load %arg9[%get3A_1724, %get3A_1725, %get3A_1726] {strides = array<i32>} : memref<2x16x128xi32, #tpu.memory_space<vmem>>, vector<16xi32>,
      %gather3A_1728 = tpu.vector_load_idx %arg12[%get3A_1727] : memref<10112xf32, #tpu.memory_space<vmem>>[vector<16xi32>], vector<16xf32>,
      %add3A_1729 = arith.addf %add3A_1722, %gather3A_1728 : vector<16xf32>
      %get3A_1730 = arith.constant 14 : i32
      %get3A_1731 = arith.index_cast %rem3A_150 : i32 to index
      %get3A_1732 = arith.index_cast %get3A_1730 : i32 to index
      %get3A_1733 = arith.constant 64 : index
      %get3A_1734 = tpu.vector_load %arg9[%get3A_1731, %get3A_1732, %get3A_1733] {strides = array<i32>} : memref<2x16x128xi32, #tpu.memory_space<vmem>>, vector<16xi32>,
      %gather3A_1735 = tpu.vector_load_idx %arg12[%get3A_1734] : memref<10112xf32, #tpu.memory_space<vmem>>[vector<16xi32>], vector<16xf32>,
      %add3A_1736 = arith.addf %add3A_1729, %gather3A_1735 : vector<16xf32>
      %get3A_1737 = arith.constant 14 : i32
      %get3A_1738 = arith.index_cast %rem3A_150 : i32 to index
      %get3A_1739 = arith.index_cast %get3A_1737 : i32 to index
      %get3A_1740 = arith.constant 80 : index
      %get3A_1741 = tpu.vector_load %arg9[%get3A_1738, %get3A_1739, %get3A_1740] {strides = array<i32>} : memref<2x16x128xi32, #tpu.memory_space<vmem>>, vector<16xi32>,
      %gather3A_1742 = tpu.vector_load_idx %arg12[%get3A_1741] : memref<10112xf32, #tpu.memory_space<vmem>>[vector<16xi32>], vector<16xf32>,
      %add3A_1743 = arith.addf %add3A_1736, %gather3A_1742 : vector<16xf32>
      %get3A_1744 = arith.constant 14 : i32
      %get3A_1745 = arith.index_cast %rem3A_150 : i32 to index
      %get3A_1746 = arith.index_cast %get3A_1744 : i32 to index
      %get3A_1747 = arith.constant 96 : index
      %get3A_1748 = tpu.vector_load %arg9[%get3A_1745, %get3A_1746, %get3A_1747] {strides = array<i32>} : memref<2x16x128xi32, #tpu.memory_space<vmem>>, vector<16xi32>,
      %gather3A_1749 = tpu.vector_load_idx %arg12[%get3A_1748] : memref<10112xf32, #tpu.memory_space<vmem>>[vector<16xi32>], vector<16xf32>,
      %add3A_1750 = arith.addf %add3A_1743, %gather3A_1749 : vector<16xf32>
      %get3A_1751 = arith.constant 14 : i32
      %get3A_1752 = arith.index_cast %rem3A_150 : i32 to index
      %get3A_1753 = arith.index_cast %get3A_1751 : i32 to index
      %get3A_1754 = arith.constant 112 : index
      %get3A_1755 = tpu.vector_load %arg9[%get3A_1752, %get3A_1753, %get3A_1754] {strides = array<i32>} : memref<2x16x128xi32, #tpu.memory_space<vmem>>, vector<16xi32>,
      %gather3A_1756 = tpu.vector_load_idx %arg12[%get3A_1755] : memref<10112xf32, #tpu.memory_space<vmem>>[vector<16xi32>], vector<16xf32>,
      %add3A_1757 = arith.addf %add3A_1750, %gather3A_1756 : vector<16xf32>
      %dma_wait3A_1758 = arith.constant 15 : i32
      %dma_wait3A_1759 = arith.constant 0 : i32
      %dma_wait3A_1760 = arith.constant 0 : i32
      %dma_wait3A_1761 = arith.constant 0 : i32
      %dma_wait3A_1762 = tpu.memref_slice %arg11[%dma_wait3A_1759, %dma_wait3A_1760, %dma_wait3A_1761] : memref<5x128x128xf32, #tpu.memory_space<vmem>> -> memref<1x128x128xf32, #tpu.memory_space<vmem>>
      %dma_wait3A_1763 = tpu.memref_squeeze %dma_wait3A_1762 : memref<1x128x128xf32, #tpu.memory_space<vmem>> -> memref<128x128xf32, #tpu.memory_space<vmem>>
      %dma_wait3A_1764 = arith.constant 0 : i32
      %dma_wait3A_1765 = tpu.memref_slice %arg9[%rem3A_150, %dma_wait3A_1758, %dma_wait3A_1764] : memref<2x16x128xi32, #tpu.memory_space<vmem>> -> memref<1x1x128xi32, #tpu.memory_space<vmem>>
      %dma_wait3A_1766 = tpu.memref_squeeze %dma_wait3A_1765 : memref<1x1x128xi32, #tpu.memory_space<vmem>> -> memref<128xi32, #tpu.memory_space<vmem>>
      %dma_wait3A_1767 = arith.constant 0 : i32
      %dma_wait3A_1768 = arith.constant 0 : i32
      %dma_wait3A_1769 = tpu.memref_slice %arg2[%dma_wait3A_1767, %dma_wait3A_1768] : memref<10112x128xf32, #tpu.memory_space<hbm>> -> memref<10112x128xf32, #tpu.memory_space<hbm>>
      tpu.wait_indirect_dma semaphore(%arg18 : memref<!tpu.dma_semaphore, #tpu.memory_space<semaphore_mem>>) src(%dma_wait3A_1769 : memref<10112x128xf32, #tpu.memory_space<hbm>>) dst(%dma_wait3A_1763 : memref<128x128xf32, #tpu.memory_space<vmem>>)
      %dma_start3A_1770 = arith.constant 0 : i32
      %dma_start3A_1771 = arith.constant 15 : i32
      %dma_start3A_1772 = arith.constant 0 : i32
      %dma_start3A_1773 = arith.constant 0 : i32
      %dma_start3A_1774 = tpu.memref_slice %arg11[%dma_start3A_1770, %dma_start3A_1772, %dma_start3A_1773] : memref<5x128x128xf32, #tpu.memory_space<vmem>> -> memref<1x128x128xf32, #tpu.memory_space<vmem>>
      %dma_start3A_1775 = tpu.memref_squeeze %dma_start3A_1774 : memref<1x128x128xf32, #tpu.memory_space<vmem>> -> memref<128x128xf32, #tpu.memory_space<vmem>>
      %dma_start3A_1776 = arith.constant 0 : i32
      %dma_start3A_1777 = tpu.memref_slice %arg10[%rem3A_150, %dma_start3A_1771, %dma_start3A_1776] : memref<2x16x128xi32, #tpu.memory_space<vmem>> -> memref<1x1x128xi32, #tpu.memory_space<vmem>>
      %dma_start3A_1778 = tpu.memref_squeeze %dma_start3A_1777 : memref<1x1x128xi32, #tpu.memory_space<vmem>> -> memref<128xi32, #tpu.memory_space<vmem>>
      %dma_start3A_1779 = arith.constant 0 : i32
      %dma_start3A_1780 = arith.constant 0 : i32
      %dma_start3A_1781 = tpu.memref_slice %arg15[%dma_start3A_1779, %dma_start3A_1780] : memref<2048x128xf32, #tpu.memory_space<vmem_shared>> -> memref<2048x128xf32, #tpu.memory_space<vmem_shared>>
      tpu.enqueue_indirect_dma source(%dma_start3A_1775 : memref<128x128xf32, #tpu.memory_space<vmem>>) target(%dma_start3A_1781 : memref<2048x128xf32, #tpu.memory_space<vmem_shared>>) offsets(%dma_start3A_1778 : memref<128xi32, #tpu.memory_space<vmem>>) semaphore(%arg23 : memref<!tpu.dma_semaphore, #tpu.memory_space<semaphore_mem>>) {add = true}
      %get3A_1782 = arith.constant 15 : i32
      %get3A_1783 = arith.index_cast %rem3A_150 : i32 to index
      %get3A_1784 = arith.index_cast %get3A_1782 : i32 to index
      %get3A_1785 = arith.constant 0 : index
      %get3A_1786 = tpu.vector_load %arg9[%get3A_1783, %get3A_1784, %get3A_1785] {strides = array<i32>} : memref<2x16x128xi32, #tpu.memory_space<vmem>>, vector<16xi32>,
      %gather3A_1787 = tpu.vector_load_idx %arg12[%get3A_1786] : memref<10112xf32, #tpu.memory_space<vmem>>[vector<16xi32>], vector<16xf32>,
      %add3A_1788 = arith.addf %add3A_1757, %gather3A_1787 : vector<16xf32>
      %get3A_1789 = arith.constant 15 : i32
      %get3A_1790 = arith.index_cast %rem3A_150 : i32 to index
      %get3A_1791 = arith.index_cast %get3A_1789 : i32 to index
      %get3A_1792 = arith.constant 16 : index
      %get3A_1793 = tpu.vector_load %arg9[%get3A_1790, %get3A_1791, %get3A_1792] {strides = array<i32>} : memref<2x16x128xi32, #tpu.memory_space<vmem>>, vector<16xi32>,
      %gather3A_1794 = tpu.vector_load_idx %arg12[%get3A_1793] : memref<10112xf32, #tpu.memory_space<vmem>>[vector<16xi32>], vector<16xf32>,
      %add3A_1795 = arith.addf %add3A_1788, %gather3A_1794 : vector<16xf32>
      %get3A_1796 = arith.constant 15 : i32
      %get3A_1797 = arith.index_cast %rem3A_150 : i32 to index
      %get3A_1798 = arith.index_cast %get3A_1796 : i32 to index
      %get3A_1799 = arith.constant 32 : index
      %get3A_1800 = tpu.vector_load %arg9[%get3A_1797, %get3A_1798, %get3A_1799] {strides = array<i32>} : memref<2x16x128xi32, #tpu.memory_space<vmem>>, vector<16xi32>,
      %gather3A_1801 = tpu.vector_load_idx %arg12[%get3A_1800] : memref<10112xf32, #tpu.memory_space<vmem>>[vector<16xi32>], vector<16xf32>,
      %add3A_1802 = arith.addf %add3A_1795, %gather3A_1801 : vector<16xf32>
      %get3A_1803 = arith.constant 15 : i32
      %get3A_1804 = arith.index_cast %rem3A_150 : i32 to index
      %get3A_1805 = arith.index_cast %get3A_1803 : i32 to index
      %get3A_1806 = arith.constant 48 : index
      %get3A_1807 = tpu.vector_load %arg9[%get3A_1804, %get3A_1805, %get3A_1806] {strides = array<i32>} : memref<2x16x128xi32, #tpu.memory_space<vmem>>, vector<16xi32>,
      %gather3A_1808 = tpu.vector_load_idx %arg12[%get3A_1807] : memref<10112xf32, #tpu.memory_space<vmem>>[vector<16xi32>], vector<16xf32>,
      %add3A_1809 = arith.addf %add3A_1802, %gather3A_1808 : vector<16xf32>
      %get3A_1810 = arith.constant 15 : i32
      %get3A_1811 = arith.index_cast %rem3A_150 : i32 to index
      %get3A_1812 = arith.index_cast %get3A_1810 : i32 to index
      %get3A_1813 = arith.constant 64 : index
      %get3A_1814 = tpu.vector_load %arg9[%get3A_1811, %get3A_1812, %get3A_1813] {strides = array<i32>} : memref<2x16x128xi32, #tpu.memory_space<vmem>>, vector<16xi32>,
      %gather3A_1815 = tpu.vector_load_idx %arg12[%get3A_1814] : memref<10112xf32, #tpu.memory_space<vmem>>[vector<16xi32>], vector<16xf32>,
      %add3A_1816 = arith.addf %add3A_1809, %gather3A_1815 : vector<16xf32>
      %get3A_1817 = arith.constant 15 : i32
      %get3A_1818 = arith.index_cast %rem3A_150 : i32 to index
      %get3A_1819 = arith.index_cast %get3A_1817 : i32 to index
      %get3A_1820 = arith.constant 80 : index
      %get3A_1821 = tpu.vector_load %arg9[%get3A_1818, %get3A_1819, %get3A_1820] {strides = array<i32>} : memref<2x16x128xi32, #tpu.memory_space<vmem>>, vector<16xi32>,
      %gather3A_1822 = tpu.vector_load_idx %arg12[%get3A_1821] : memref<10112xf32, #tpu.memory_space<vmem>>[vector<16xi32>], vector<16xf32>,
      %add3A_1823 = arith.addf %add3A_1816, %gather3A_1822 : vector<16xf32>
      %get3A_1824 = arith.constant 15 : i32
      %get3A_1825 = arith.index_cast %rem3A_150 : i32 to index
      %get3A_1826 = arith.index_cast %get3A_1824 : i32 to index
      %get3A_1827 = arith.constant 96 : index
      %get3A_1828 = tpu.vector_load %arg9[%get3A_1825, %get3A_1826, %get3A_1827] {strides = array<i32>} : memref<2x16x128xi32, #tpu.memory_space<vmem>>, vector<16xi32>,
      %gather3A_1829 = tpu.vector_load_idx %arg12[%get3A_1828] : memref<10112xf32, #tpu.memory_space<vmem>>[vector<16xi32>], vector<16xf32>,
      %add3A_1830 = arith.addf %add3A_1823, %gather3A_1829 : vector<16xf32>
      %get3A_1831 = arith.constant 15 : i32
      %get3A_1832 = arith.index_cast %rem3A_150 : i32 to index
      %get3A_1833 = arith.index_cast %get3A_1831 : i32 to index
      %get3A_1834 = arith.constant 112 : index
      %get3A_1835 = tpu.vector_load %arg9[%get3A_1832, %get3A_1833, %get3A_1834] {strides = array<i32>} : memref<2x16x128xi32, #tpu.memory_space<vmem>>, vector<16xi32>,
      %gather3A_1836 = tpu.vector_load_idx %arg12[%get3A_1835] : memref<10112xf32, #tpu.memory_space<vmem>>[vector<16xi32>], vector<16xf32>,
      %add3A_1837 = arith.addf %add3A_1830, %gather3A_1836 : vector<16xf32>
      scf.yield %add3A_1837 : vector<16xf32>
    }
    %scan3A_51 = arith.constant 5 : i32
    %dma_wait3A = arith.constant 1 : i32
    %dma_wait3A_52 = arith.constant 0 : i32
    %dma_wait3A_53 = arith.constant 11 : i32
    %dma_wait3A_54 = arith.constant 0 : i32
    %dma_wait3A_55 = arith.constant 0 : i32
    %dma_wait3A_56 = tpu.memref_slice %arg11[%dma_wait3A, %dma_wait3A_54, %dma_wait3A_55] : memref<5x128x128xf32, #tpu.memory_space<vmem>> -> memref<1x128x128xf32, #tpu.memory_space<vmem>>
    %dma_wait3A_57 = tpu.memref_squeeze %dma_wait3A_56 : memref<1x128x128xf32, #tpu.memory_space<vmem>> -> memref<128x128xf32, #tpu.memory_space<vmem>>
    %dma_wait3A_58 = arith.constant 0 : i32
    %dma_wait3A_59 = tpu.memref_slice %arg10[%dma_wait3A_52, %dma_wait3A_53, %dma_wait3A_58] : memref<2x16x128xi32, #tpu.memory_space<vmem>> -> memref<1x1x128xi32, #tpu.memory_space<vmem>>
    %dma_wait3A_60 = tpu.memref_squeeze %dma_wait3A_59 : memref<1x1x128xi32, #tpu.memory_space<vmem>> -> memref<128xi32, #tpu.memory_space<vmem>>
    %dma_wait3A_61 = arith.constant 0 : i32
    %dma_wait3A_62 = arith.constant 0 : i32
    %dma_wait3A_63 = tpu.memref_slice %arg15[%dma_wait3A_61, %dma_wait3A_62] : memref<2048x128xf32, #tpu.memory_space<vmem_shared>> -> memref<2048x128xf32, #tpu.memory_space<vmem_shared>>
    tpu.wait_indirect_dma semaphore(%arg24 : memref<!tpu.dma_semaphore, #tpu.memory_space<semaphore_mem>>) src(%dma_wait3A_57 : memref<128x128xf32, #tpu.memory_space<vmem>>) dst(%dma_wait3A_63 : memref<2048x128xf32, #tpu.memory_space<vmem_shared>>)
    %dma_wait3A_64 = arith.constant 2 : i32
    %dma_wait3A_65 = arith.constant 0 : i32
    %dma_wait3A_66 = arith.constant 12 : i32
    %dma_wait3A_67 = arith.constant 0 : i32
    %dma_wait3A_68 = arith.constant 0 : i32
    %dma_wait3A_69 = tpu.memref_slice %arg11[%dma_wait3A_64, %dma_wait3A_67, %dma_wait3A_68] : memref<5x128x128xf32, #tpu.memory_space<vmem>> -> memref<1x128x128xf32, #tpu.memory_space<vmem>>
    %dma_wait3A_70 = tpu.memref_squeeze %dma_wait3A_69 : memref<1x128x128xf32, #tpu.memory_space<vmem>> -> memref<128x128xf32, #tpu.memory_space<vmem>>
    %dma_wait3A_71 = arith.constant 0 : i32
    %dma_wait3A_72 = tpu.memref_slice %arg10[%dma_wait3A_65, %dma_wait3A_66, %dma_wait3A_71] : memref<2x16x128xi32, #tpu.memory_space<vmem>> -> memref<1x1x128xi32, #tpu.memory_space<vmem>>
    %dma_wait3A_73 = tpu.memref_squeeze %dma_wait3A_72 : memref<1x1x128xi32, #tpu.memory_space<vmem>> -> memref<128xi32, #tpu.memory_space<vmem>>
    %dma_wait3A_74 = arith.constant 0 : i32
    %dma_wait3A_75 = arith.constant 0 : i32
    %dma_wait3A_76 = tpu.memref_slice %arg15[%dma_wait3A_74, %dma_wait3A_75] : memref<2048x128xf32, #tpu.memory_space<vmem_shared>> -> memref<2048x128xf32, #tpu.memory_space<vmem_shared>>
    tpu.wait_indirect_dma semaphore(%arg25 : memref<!tpu.dma_semaphore, #tpu.memory_space<semaphore_mem>>) src(%dma_wait3A_70 : memref<128x128xf32, #tpu.memory_space<vmem>>) dst(%dma_wait3A_76 : memref<2048x128xf32, #tpu.memory_space<vmem_shared>>)
    %dma_wait3A_77 = arith.constant 3 : i32
    %dma_wait3A_78 = arith.constant 0 : i32
    %dma_wait3A_79 = arith.constant 13 : i32
    %dma_wait3A_80 = arith.constant 0 : i32
    %dma_wait3A_81 = arith.constant 0 : i32
    %dma_wait3A_82 = tpu.memref_slice %arg11[%dma_wait3A_77, %dma_wait3A_80, %dma_wait3A_81] : memref<5x128x128xf32, #tpu.memory_space<vmem>> -> memref<1x128x128xf32, #tpu.memory_space<vmem>>
    %dma_wait3A_83 = tpu.memref_squeeze %dma_wait3A_82 : memref<1x128x128xf32, #tpu.memory_space<vmem>> -> memref<128x128xf32, #tpu.memory_space<vmem>>
    %dma_wait3A_84 = arith.constant 0 : i32
    %dma_wait3A_85 = tpu.memref_slice %arg10[%dma_wait3A_78, %dma_wait3A_79, %dma_wait3A_84] : memref<2x16x128xi32, #tpu.memory_space<vmem>> -> memref<1x1x128xi32, #tpu.memory_space<vmem>>
    %dma_wait3A_86 = tpu.memref_squeeze %dma_wait3A_85 : memref<1x1x128xi32, #tpu.memory_space<vmem>> -> memref<128xi32, #tpu.memory_space<vmem>>
    %dma_wait3A_87 = arith.constant 0 : i32
    %dma_wait3A_88 = arith.constant 0 : i32
    %dma_wait3A_89 = tpu.memref_slice %arg15[%dma_wait3A_87, %dma_wait3A_88] : memref<2048x128xf32, #tpu.memory_space<vmem_shared>> -> memref<2048x128xf32, #tpu.memory_space<vmem_shared>>
    tpu.wait_indirect_dma semaphore(%arg26 : memref<!tpu.dma_semaphore, #tpu.memory_space<semaphore_mem>>) src(%dma_wait3A_83 : memref<128x128xf32, #tpu.memory_space<vmem>>) dst(%dma_wait3A_89 : memref<2048x128xf32, #tpu.memory_space<vmem_shared>>)
    %dma_wait3A_90 = arith.constant 4 : i32
    %dma_wait3A_91 = arith.constant 0 : i32
    %dma_wait3A_92 = arith.constant 14 : i32
    %dma_wait3A_93 = arith.constant 0 : i32
    %dma_wait3A_94 = arith.constant 0 : i32
    %dma_wait3A_95 = tpu.memref_slice %arg11[%dma_wait3A_90, %dma_wait3A_93, %dma_wait3A_94] : memref<5x128x128xf32, #tpu.memory_space<vmem>> -> memref<1x128x128xf32, #tpu.memory_space<vmem>>
    %dma_wait3A_96 = tpu.memref_squeeze %dma_wait3A_95 : memref<1x128x128xf32, #tpu.memory_space<vmem>> -> memref<128x128xf32, #tpu.memory_space<vmem>>
    %dma_wait3A_97 = arith.constant 0 : i32
    %dma_wait3A_98 = tpu.memref_slice %arg10[%dma_wait3A_91, %dma_wait3A_92, %dma_wait3A_97] : memref<2x16x128xi32, #tpu.memory_space<vmem>> -> memref<1x1x128xi32, #tpu.memory_space<vmem>>
    %dma_wait3A_99 = tpu.memref_squeeze %dma_wait3A_98 : memref<1x1x128xi32, #tpu.memory_space<vmem>> -> memref<128xi32, #tpu.memory_space<vmem>>
    %dma_wait3A_100 = arith.constant 0 : i32
    %dma_wait3A_101 = arith.constant 0 : i32
    %dma_wait3A_102 = tpu.memref_slice %arg15[%dma_wait3A_100, %dma_wait3A_101] : memref<2048x128xf32, #tpu.memory_space<vmem_shared>> -> memref<2048x128xf32, #tpu.memory_space<vmem_shared>>
    tpu.wait_indirect_dma semaphore(%arg27 : memref<!tpu.dma_semaphore, #tpu.memory_space<semaphore_mem>>) src(%dma_wait3A_96 : memref<128x128xf32, #tpu.memory_space<vmem>>) dst(%dma_wait3A_102 : memref<2048x128xf32, #tpu.memory_space<vmem_shared>>)
    %dma_wait3A_103 = arith.constant 0 : i32
    %dma_wait3A_104 = arith.constant 0 : i32
    %dma_wait3A_105 = arith.constant 15 : i32
    %dma_wait3A_106 = arith.constant 0 : i32
    %dma_wait3A_107 = arith.constant 0 : i32
    %dma_wait3A_108 = tpu.memref_slice %arg11[%dma_wait3A_103, %dma_wait3A_106, %dma_wait3A_107] : memref<5x128x128xf32, #tpu.memory_space<vmem>> -> memref<1x128x128xf32, #tpu.memory_space<vmem>>
    %dma_wait3A_109 = tpu.memref_squeeze %dma_wait3A_108 : memref<1x128x128xf32, #tpu.memory_space<vmem>> -> memref<128x128xf32, #tpu.memory_space<vmem>>
    %dma_wait3A_110 = arith.constant 0 : i32
    %dma_wait3A_111 = tpu.memref_slice %arg10[%dma_wait3A_104, %dma_wait3A_105, %dma_wait3A_110] : memref<2x16x128xi32, #tpu.memory_space<vmem>> -> memref<1x1x128xi32, #tpu.memory_space<vmem>>
    %dma_wait3A_112 = tpu.memref_squeeze %dma_wait3A_111 : memref<1x1x128xi32, #tpu.memory_space<vmem>> -> memref<128xi32, #tpu.memory_space<vmem>>
    %dma_wait3A_113 = arith.constant 0 : i32
    %dma_wait3A_114 = arith.constant 0 : i32
    %dma_wait3A_115 = tpu.memref_slice %arg15[%dma_wait3A_113, %dma_wait3A_114] : memref<2048x128xf32, #tpu.memory_space<vmem_shared>> -> memref<2048x128xf32, #tpu.memory_space<vmem_shared>>
    tpu.wait_indirect_dma semaphore(%arg23 : memref<!tpu.dma_semaphore, #tpu.memory_space<semaphore_mem>>) src(%dma_wait3A_109 : memref<128x128xf32, #tpu.memory_space<vmem>>) dst(%dma_wait3A_115 : memref<2048x128xf32, #tpu.memory_space<vmem_shared>>)
    %dma_wait3A_116 = arith.constant 1 : i32
    %dma_wait3A_117 = arith.constant 0 : i32
    %dma_wait3A_118 = arith.constant 0 : i32
    %dma_wait3A_119 = tpu.memref_slice %arg9[%dma_wait3A_116, %dma_wait3A_117, %dma_wait3A_118] : memref<2x16x128xi32, #tpu.memory_space<vmem>> -> memref<1x16x128xi32, #tpu.memory_space<vmem>>
    %dma_wait3A_120 = tpu.memref_squeeze %dma_wait3A_119 : memref<1x16x128xi32, #tpu.memory_space<vmem>> -> memref<16x128xi32, #tpu.memory_space<vmem>>
    %dma_wait3A_121 = arith.constant 0 : i32
    %dma_wait3A_122 = tpu.memref_slice %arg5[%mul3A_2, %dma_wait3A_121] : memref<2560x128xi32, #tpu.memory_space<hbm>> -> memref<16x128xi32, #tpu.memory_space<hbm>>
    %dma_wait3A_123 = arith.constant 0 : i32
    %dma_wait3A_124 = arith.constant 0 : i32
    %dma_wait3A_125 = tpu.memref_slice %arg9[%dma_wait3A_116, %dma_wait3A_123, %dma_wait3A_124] : memref<2x16x128xi32, #tpu.memory_space<vmem>> -> memref<1x16x128xi32, #tpu.memory_space<vmem>>
    %dma_wait3A_126 = tpu.memref_squeeze %dma_wait3A_125 : memref<1x16x128xi32, #tpu.memory_space<vmem>> -> memref<16x128xi32, #tpu.memory_space<vmem>>
    %dma_wait3A_127 = arith.constant 0 : i32
    %dma_wait3A_128 = tpu.memref_slice %arg5[%mul3A_2, %dma_wait3A_127] : memref<2560x128xi32, #tpu.memory_space<hbm>> -> memref<16x128xi32, #tpu.memory_space<hbm>>
    tpu.wait_dma2 semaphore(%arg17 : memref<!tpu.dma_semaphore, #tpu.memory_space<semaphore_mem>>) src(%dma_wait3A_128 : memref<16x128xi32, #tpu.memory_space<hbm>>) dst(%dma_wait3A_126 : memref<16x128xi32, #tpu.memory_space<vmem>>)
    %dma_wait3A_129 = arith.constant 1 : i32
    %dma_wait3A_130 = arith.constant 0 : i32
    %dma_wait3A_131 = arith.constant 0 : i32
    %dma_wait3A_132 = tpu.memref_slice %arg10[%dma_wait3A_129, %dma_wait3A_130, %dma_wait3A_131] : memref<2x16x128xi32, #tpu.memory_space<vmem>> -> memref<1x16x128xi32, #tpu.memory_space<vmem>>
    %dma_wait3A_133 = tpu.memref_squeeze %dma_wait3A_132 : memref<1x16x128xi32, #tpu.memory_space<vmem>> -> memref<16x128xi32, #tpu.memory_space<vmem>>
    %dma_wait3A_134 = arith.constant 0 : i32
    %dma_wait3A_135 = tpu.memref_slice %arg6[%mul3A_2, %dma_wait3A_134] : memref<2560x128xi32, #tpu.memory_space<hbm>> -> memref<16x128xi32, #tpu.memory_space<hbm>>
    %dma_wait3A_136 = arith.constant 0 : i32
    %dma_wait3A_137 = arith.constant 0 : i32
    %dma_wait3A_138 = tpu.memref_slice %arg10[%dma_wait3A_129, %dma_wait3A_136, %dma_wait3A_137] : memref<2x16x128xi32, #tpu.memory_space<vmem>> -> memref<1x16x128xi32, #tpu.memory_space<vmem>>
    %dma_wait3A_139 = tpu.memref_squeeze %dma_wait3A_138 : memref<1x16x128xi32, #tpu.memory_space<vmem>> -> memref<16x128xi32, #tpu.memory_space<vmem>>
    %dma_wait3A_140 = arith.constant 0 : i32
    %dma_wait3A_141 = tpu.memref_slice %arg6[%mul3A_2, %dma_wait3A_140] : memref<2560x128xi32, #tpu.memory_space<hbm>> -> memref<16x128xi32, #tpu.memory_space<hbm>>
    tpu.wait_dma2 semaphore(%arg17 : memref<!tpu.dma_semaphore, #tpu.memory_space<semaphore_mem>>) src(%dma_wait3A_141 : memref<16x128xi32, #tpu.memory_space<hbm>>) dst(%dma_wait3A_139 : memref<16x128xi32, #tpu.memory_space<vmem>>)
    %barrier3A_142 = arith.constant 0 : index
    tpu.barrier barrier_id(%barrier3A_142)
    %swap3A = arith.constant 0 : index
    %swap3A_143 = tpu.vector_load %arg14[%swap3A] {strides = array<i32>} : memref<16xf32, #tpu.memory_space<vmem>>, vector<16xf32>,
    tpu.vector_store %arg14[%swap3A], %scan3A_50 {strides = array<i32>} : memref<16xf32, #tpu.memory_space<vmem>>, vector<16xf32>,
    "tpu.region"() ({
      %run_scoped3A = tpu.sem_alloc : memref<!tpu.dma_semaphore, #tpu.memory_space<semaphore_mem>>
      %dma_start3A_148 = arith.constant 0 : i32
      %dma_start3A_149 = tpu.memref_slice %arg8[%add3A, %dma_start3A_148] : memref<32x16xf32, #tpu.memory_space<hbm>> -> memref<1x16xf32, #tpu.memory_space<hbm>>
      %dma_start3A_150 = tpu.memref_squeeze %dma_start3A_149 : memref<1x16xf32, #tpu.memory_space<hbm>> -> memref<16xf32, #tpu.memory_space<hbm>>
      %dma_start3A_151 = arith.constant 0 : i32
      %dma_start3A_152 = tpu.memref_slice %arg8[%add3A, %dma_start3A_151] : memref<32x16xf32, #tpu.memory_space<hbm>> -> memref<1x16xf32, #tpu.memory_space<hbm>>
      %dma_start3A_153 = tpu.memref_squeeze %dma_start3A_152 : memref<1x16xf32, #tpu.memory_space<hbm>> -> memref<16xf32, #tpu.memory_space<hbm>>
      tpu.enqueue_dma source(%arg14 : memref<16xf32, #tpu.memory_space<vmem>>) target(%dma_start3A_153 : memref<16xf32, #tpu.memory_space<hbm>>) target_semaphore(%run_scoped3A : memref<!tpu.dma_semaphore, #tpu.memory_space<semaphore_mem>>)
      %dma_wait3A_154 = arith.constant 0 : i32
      %dma_wait3A_155 = tpu.memref_slice %arg8[%add3A, %dma_wait3A_154] : memref<32x16xf32, #tpu.memory_space<hbm>> -> memref<1x16xf32, #tpu.memory_space<hbm>>
      %dma_wait3A_156 = tpu.memref_squeeze %dma_wait3A_155 : memref<1x16xf32, #tpu.memory_space<hbm>> -> memref<16xf32, #tpu.memory_space<hbm>>
      %dma_wait3A_157 = arith.constant 0 : i32
      %dma_wait3A_158 = tpu.memref_slice %arg8[%add3A, %dma_wait3A_157] : memref<32x16xf32, #tpu.memory_space<hbm>> -> memref<1x16xf32, #tpu.memory_space<hbm>>
      %dma_wait3A_159 = tpu.memref_squeeze %dma_wait3A_158 : memref<1x16xf32, #tpu.memory_space<hbm>> -> memref<16xf32, #tpu.memory_space<hbm>>
      tpu.wait_dma2 semaphore(%run_scoped3A : memref<!tpu.dma_semaphore, #tpu.memory_space<semaphore_mem>>) src(%arg14 : memref<16xf32, #tpu.memory_space<vmem>>) dst(%dma_wait3A_159 : memref<16xf32, #tpu.memory_space<hbm>>)
      tpu.yield
    }) : () -> ()
    %mul3A_144 = arith.constant 128 : i32
    %mul3A_145 = arith.muli %arg1, %mul3A_144 : i32
    %mul3A_146 = arith.constant 128 : i32
    %mul3A_147 = arith.muli %arg1, %mul3A_146 : i32
    "tpu.region"() ({
      %run_scoped3A = tpu.sem_alloc : memref<!tpu.dma_semaphore, #tpu.memory_space<semaphore_mem>>
      %dma_start3A_148 = arith.constant 0 : i32
      %dma_start3A_149 = tpu.memref_slice %arg7[%arg0, %mul3A_147, %dma_start3A_148] : memref<2x2048x128xf32, #tpu.memory_space<hbm>> -> memref<1x128x128xf32, #tpu.memory_space<hbm>>
      %dma_start3A_150 = tpu.memref_squeeze %dma_start3A_149 : memref<1x128x128xf32, #tpu.memory_space<hbm>> -> memref<128x128xf32, #tpu.memory_space<hbm>>
      %dma_start3A_151 = arith.constant 0 : i32
      %dma_start3A_152 = tpu.memref_slice %arg15[%mul3A_145, %dma_start3A_151] : memref<2048x128xf32, #tpu.memory_space<vmem_shared>> -> memref<128x128xf32, #tpu.memory_space<vmem_shared>>
      tpu.enqueue_dma source(%dma_start3A_152 : memref<128x128xf32, #tpu.memory_space<vmem_shared>>) target(%dma_start3A_150 : memref<128x128xf32, #tpu.memory_space<hbm>>) target_semaphore(%run_scoped3A : memref<!tpu.dma_semaphore, #tpu.memory_space<semaphore_mem>>)
      %dma_wait3A_153 = arith.constant 0 : i32
      %dma_wait3A_154 = tpu.memref_slice %arg7[%arg0, %mul3A_147, %dma_wait3A_153] : memref<2x2048x128xf32, #tpu.memory_space<hbm>> -> memref<1x128x128xf32, #tpu.memory_space<hbm>>
      %dma_wait3A_155 = tpu.memref_squeeze %dma_wait3A_154 : memref<1x128x128xf32, #tpu.memory_space<hbm>> -> memref<128x128xf32, #tpu.memory_space<hbm>>
      %dma_wait3A_156 = arith.constant 0 : i32
      %dma_wait3A_157 = tpu.memref_slice %arg15[%mul3A_145, %dma_wait3A_156] : memref<2048x128xf32, #tpu.memory_space<vmem_shared>> -> memref<128x128xf32, #tpu.memory_space<vmem_shared>>
      tpu.wait_dma2 semaphore(%run_scoped3A : memref<!tpu.dma_semaphore, #tpu.memory_space<semaphore_mem>>) src(%dma_wait3A_157 : memref<128x128xf32, #tpu.memory_space<vmem_shared>>) dst(%dma_wait3A_155 : memref<128x128xf32, #tpu.memory_space<hbm>>)
      tpu.yield
    }) : () -> ()
    return
  }
}

#map = affine_map<(d0, d1) -> (0, 0)>
#map1 = affine_map<(d0, d1) -> (0)>
#map2 = affine_map<(d0, d1) -> (0, 0, 0)>
module attributes {stable_mosaic.version = 14 : i64} {
  func.func @body(%arg0: i32, %arg1: i32, %arg2: memref<2048x128xf32, #tpu.memory_space<hbm>>, %arg3: memref<2048xf32, #tpu.memory_space<hbm>>, %arg4: memref<10112xf32, #tpu.memory_space<hbm>>, %arg5: memref<2560x128xi32, #tpu.memory_space<hbm>>, %arg6: memref<2560x128xi32, #tpu.memory_space<hbm>>, %arg7: memref<2x10112x128xf32, #tpu.memory_space<hbm>>, %arg8: memref<32x16xf32, #tpu.memory_space<hbm>>, %arg9: memref<2x8x128xi32, #tpu.memory_space<vmem>>, %arg10: memref<2x8x128xi32, #tpu.memory_space<vmem>>, %arg11: memref<2x128x128xf32, #tpu.memory_space<vmem>>, %arg12: memref<2048xf32, #tpu.memory_space<vmem>>, %arg13: memref<10112xf32, #tpu.memory_space<vmem>>, %arg14: memref<16xf32, #tpu.memory_space<vmem>>, %arg15: memref<10112x128xf32, #tpu.memory_space<vmem_shared>>, %arg16: memref<16x128xf32, #tpu.memory_space<vmem_shared>>, %arg17: memref<!tpu.dma_semaphore, #tpu.memory_space<semaphore_mem>>, %arg18: memref<!tpu.dma_semaphore, #tpu.memory_space<semaphore_mem>>, %arg19: memref<!tpu.dma_semaphore, #tpu.memory_space<semaphore_mem>>, %arg20: memref<!tpu.dma_semaphore, #tpu.memory_space<semaphore_mem>>, %arg21: memref<!tpu.dma_semaphore, #tpu.memory_space<semaphore_mem>>, %arg22: memref<!tpu.dma_semaphore, #tpu.memory_space<semaphore_mem>>, %arg23: memref<!tpu.dma_semaphore, #tpu.memory_space<semaphore_mem>>, %arg24: memref<!tpu.dma_semaphore, #tpu.memory_space<semaphore_mem>>, %arg25: memref<!tpu.dma_semaphore, #tpu.memory_space<semaphore_mem>>, %arg26: memref<!tpu.dma_semaphore, #tpu.memory_space<semaphore_mem>>, %arg27: memref<!tpu.dma_semaphore, #tpu.memory_space<semaphore_mem>>) attributes {dimension_semantics = [#tpu.dimension_semantics<core_parallel>, #tpu.dimension_semantics<subcore_parallel>], iteration_bounds = array<i64: 2, 16>, scalar_prefetch = 0 : i64, scratch_operands = 19 : i64, tpu.core_type = #tpu.core_type<sc_vector_subcore>, window_params = [{transform_indices = #map}, {transform_indices = #map1}, {transform_indices = #map1}, {transform_indices = #map}, {transform_indices = #map}, {transform_indices = #map2}, {transform_indices = #map}]} {
    %mul3A = arith.constant 16 : i32
    %mul3A_0 = arith.muli %arg0, %mul3A : i32
    %add3A = arith.addi %mul3A_0, %arg1 : i32
    %mul3A_1 = arith.constant 80 : i32
    %mul3A_2 = arith.muli %add3A, %mul3A_1 : i32
    %dma_start3A = arith.constant 0 : i32
    %dma_start3A_3 = arith.constant 0 : i32
    %dma_start3A_4 = arith.constant 0 : i32
    %dma_start3A_5 = tpu.memref_slice %arg9[%dma_start3A, %dma_start3A_3, %dma_start3A_4] : memref<2x8x128xi32, #tpu.memory_space<vmem>> -> memref<1x8x128xi32, #tpu.memory_space<vmem>>
    %dma_start3A_6 = tpu.memref_squeeze %dma_start3A_5 : memref<1x8x128xi32, #tpu.memory_space<vmem>> -> memref<8x128xi32, #tpu.memory_space<vmem>>
    %dma_start3A_7 = arith.constant 0 : i32
    %dma_start3A_8 = tpu.memref_slice %arg5[%mul3A_2, %dma_start3A_7] : memref<2560x128xi32, #tpu.memory_space<hbm>> -> memref<8x128xi32, #tpu.memory_space<hbm>>
    %dma_start3A_9 = arith.constant 0 : i32
    %dma_start3A_10 = arith.constant 0 : i32
    %dma_start3A_11 = tpu.memref_slice %arg9[%dma_start3A, %dma_start3A_9, %dma_start3A_10] : memref<2x8x128xi32, #tpu.memory_space<vmem>> -> memref<1x8x128xi32, #tpu.memory_space<vmem>>
    %dma_start3A_12 = tpu.memref_squeeze %dma_start3A_11 : memref<1x8x128xi32, #tpu.memory_space<vmem>> -> memref<8x128xi32, #tpu.memory_space<vmem>>
    %dma_start3A_13 = arith.constant 0 : i32
    %dma_start3A_14 = tpu.memref_slice %arg5[%mul3A_2, %dma_start3A_13] : memref<2560x128xi32, #tpu.memory_space<hbm>> -> memref<8x128xi32, #tpu.memory_space<hbm>>
    tpu.enqueue_dma source(%dma_start3A_14 : memref<8x128xi32, #tpu.memory_space<hbm>>) target(%dma_start3A_12 : memref<8x128xi32, #tpu.memory_space<vmem>>) target_semaphore(%arg17 : memref<!tpu.dma_semaphore, #tpu.memory_space<semaphore_mem>>)
    %dma_start3A_15 = arith.constant 0 : i32
    %dma_start3A_16 = arith.constant 0 : i32
    %dma_start3A_17 = arith.constant 0 : i32
    %dma_start3A_18 = tpu.memref_slice %arg10[%dma_start3A_15, %dma_start3A_16, %dma_start3A_17] : memref<2x8x128xi32, #tpu.memory_space<vmem>> -> memref<1x8x128xi32, #tpu.memory_space<vmem>>
    %dma_start3A_19 = tpu.memref_squeeze %dma_start3A_18 : memref<1x8x128xi32, #tpu.memory_space<vmem>> -> memref<8x128xi32, #tpu.memory_space<vmem>>
    %dma_start3A_20 = arith.constant 0 : i32
    %dma_start3A_21 = tpu.memref_slice %arg6[%mul3A_2, %dma_start3A_20] : memref<2560x128xi32, #tpu.memory_space<hbm>> -> memref<8x128xi32, #tpu.memory_space<hbm>>
    %dma_start3A_22 = arith.constant 0 : i32
    %dma_start3A_23 = arith.constant 0 : i32
    %dma_start3A_24 = tpu.memref_slice %arg10[%dma_start3A_15, %dma_start3A_22, %dma_start3A_23] : memref<2x8x128xi32, #tpu.memory_space<vmem>> -> memref<1x8x128xi32, #tpu.memory_space<vmem>>
    %dma_start3A_25 = tpu.memref_squeeze %dma_start3A_24 : memref<1x8x128xi32, #tpu.memory_space<vmem>> -> memref<8x128xi32, #tpu.memory_space<vmem>>
    %dma_start3A_26 = arith.constant 0 : i32
    %dma_start3A_27 = tpu.memref_slice %arg6[%mul3A_2, %dma_start3A_26] : memref<2560x128xi32, #tpu.memory_space<hbm>> -> memref<8x128xi32, #tpu.memory_space<hbm>>
    tpu.enqueue_dma source(%dma_start3A_27 : memref<8x128xi32, #tpu.memory_space<hbm>>) target(%dma_start3A_25 : memref<8x128xi32, #tpu.memory_space<vmem>>) target_semaphore(%arg17 : memref<!tpu.dma_semaphore, #tpu.memory_space<semaphore_mem>>)
    "tpu.region"() ({
      %run_scoped3A = tpu.sem_alloc : memref<!tpu.dma_semaphore, #tpu.memory_space<semaphore_mem>>
      tpu.enqueue_dma source(%arg3 : memref<2048xf32, #tpu.memory_space<hbm>>) target(%arg12 : memref<2048xf32, #tpu.memory_space<vmem>>) target_semaphore(%run_scoped3A : memref<!tpu.dma_semaphore, #tpu.memory_space<semaphore_mem>>)
      tpu.wait_dma2 semaphore(%run_scoped3A : memref<!tpu.dma_semaphore, #tpu.memory_space<semaphore_mem>>) src(%arg3 : memref<2048xf32, #tpu.memory_space<hbm>>) dst(%arg12 : memref<2048xf32, #tpu.memory_space<vmem>>)
      tpu.yield
    }) : () -> ()
    "tpu.region"() ({
      %run_scoped3A = tpu.sem_alloc : memref<!tpu.dma_semaphore, #tpu.memory_space<semaphore_mem>>
      tpu.enqueue_dma source(%arg4 : memref<10112xf32, #tpu.memory_space<hbm>>) target(%arg13 : memref<10112xf32, #tpu.memory_space<vmem>>) target_semaphore(%run_scoped3A : memref<!tpu.dma_semaphore, #tpu.memory_space<semaphore_mem>>)
      tpu.wait_dma2 semaphore(%run_scoped3A : memref<!tpu.dma_semaphore, #tpu.memory_space<semaphore_mem>>) src(%arg4 : memref<10112xf32, #tpu.memory_space<hbm>>) dst(%arg13 : memref<10112xf32, #tpu.memory_space<vmem>>)
      tpu.yield
    }) : () -> ()
    %broadcast_in_dim3A = arith.constant 0.000000e+00 : f32
    %broadcast_in_dim3A_28 = vector.broadcast %broadcast_in_dim3A : f32 to vector<16xf32>
    %scan3A = arith.constant 0 : i32
    %scan3A_29 = arith.constant 0 : i32
    %scan3A_30 = arith.constant 128 : i32
    %scan3A_31 = arith.addi %scan3A_29, %scan3A_30 : i32
    %scan3A_32 = arith.constant 1 : i32
    %scan3A_33 = scf.for %scan3A_107 = %scan3A_29 to %scan3A_31 step %scan3A_32 iter_args(%scan3A_108 = %scan3A) -> (i32)  : i32 {
      %swap3A_109 = arith.constant 0 : i32
      %swap3A_110 = arith.index_cast %swap3A_109 : i32 to index
      %swap3A_111 = arith.index_cast %scan3A_107 : i32 to index
      %swap3A_112 = arith.constant 0 : index
      %swap3A_113 = tpu.vector_load %arg11[%swap3A_110, %swap3A_111, %swap3A_112] {strides = array<i32>} : memref<2x128x128xf32, #tpu.memory_space<vmem>>, vector<16xf32>,
      tpu.vector_store %arg11[%swap3A_110, %swap3A_111, %swap3A_112], %broadcast_in_dim3A_28 {strides = array<i32>} : memref<2x128x128xf32, #tpu.memory_space<vmem>>, vector<16xf32>,
      %swap3A_114 = arith.constant 0 : i32
      %swap3A_115 = arith.index_cast %swap3A_114 : i32 to index
      %swap3A_116 = arith.index_cast %scan3A_107 : i32 to index
      %swap3A_117 = arith.constant 16 : index
      %swap3A_118 = tpu.vector_load %arg11[%swap3A_115, %swap3A_116, %swap3A_117] {strides = array<i32>} : memref<2x128x128xf32, #tpu.memory_space<vmem>>, vector<16xf32>,
      tpu.vector_store %arg11[%swap3A_115, %swap3A_116, %swap3A_117], %broadcast_in_dim3A_28 {strides = array<i32>} : memref<2x128x128xf32, #tpu.memory_space<vmem>>, vector<16xf32>,
      %swap3A_119 = arith.constant 0 : i32
      %swap3A_120 = arith.index_cast %swap3A_119 : i32 to index
      %swap3A_121 = arith.index_cast %scan3A_107 : i32 to index
      %swap3A_122 = arith.constant 32 : index
      %swap3A_123 = tpu.vector_load %arg11[%swap3A_120, %swap3A_121, %swap3A_122] {strides = array<i32>} : memref<2x128x128xf32, #tpu.memory_space<vmem>>, vector<16xf32>,
      tpu.vector_store %arg11[%swap3A_120, %swap3A_121, %swap3A_122], %broadcast_in_dim3A_28 {strides = array<i32>} : memref<2x128x128xf32, #tpu.memory_space<vmem>>, vector<16xf32>,
      %swap3A_124 = arith.constant 0 : i32
      %swap3A_125 = arith.index_cast %swap3A_124 : i32 to index
      %swap3A_126 = arith.index_cast %scan3A_107 : i32 to index
      %swap3A_127 = arith.constant 48 : index
      %swap3A_128 = tpu.vector_load %arg11[%swap3A_125, %swap3A_126, %swap3A_127] {strides = array<i32>} : memref<2x128x128xf32, #tpu.memory_space<vmem>>, vector<16xf32>,
      tpu.vector_store %arg11[%swap3A_125, %swap3A_126, %swap3A_127], %broadcast_in_dim3A_28 {strides = array<i32>} : memref<2x128x128xf32, #tpu.memory_space<vmem>>, vector<16xf32>,
      %swap3A_129 = arith.constant 0 : i32
      %swap3A_130 = arith.index_cast %swap3A_129 : i32 to index
      %swap3A_131 = arith.index_cast %scan3A_107 : i32 to index
      %swap3A_132 = arith.constant 64 : index
      %swap3A_133 = tpu.vector_load %arg11[%swap3A_130, %swap3A_131, %swap3A_132] {strides = array<i32>} : memref<2x128x128xf32, #tpu.memory_space<vmem>>, vector<16xf32>,
      tpu.vector_store %arg11[%swap3A_130, %swap3A_131, %swap3A_132], %broadcast_in_dim3A_28 {strides = array<i32>} : memref<2x128x128xf32, #tpu.memory_space<vmem>>, vector<16xf32>,
      %swap3A_134 = arith.constant 0 : i32
      %swap3A_135 = arith.index_cast %swap3A_134 : i32 to index
      %swap3A_136 = arith.index_cast %scan3A_107 : i32 to index
      %swap3A_137 = arith.constant 80 : index
      %swap3A_138 = tpu.vector_load %arg11[%swap3A_135, %swap3A_136, %swap3A_137] {strides = array<i32>} : memref<2x128x128xf32, #tpu.memory_space<vmem>>, vector<16xf32>,
      tpu.vector_store %arg11[%swap3A_135, %swap3A_136, %swap3A_137], %broadcast_in_dim3A_28 {strides = array<i32>} : memref<2x128x128xf32, #tpu.memory_space<vmem>>, vector<16xf32>,
      %swap3A_139 = arith.constant 0 : i32
      %swap3A_140 = arith.index_cast %swap3A_139 : i32 to index
      %swap3A_141 = arith.index_cast %scan3A_107 : i32 to index
      %swap3A_142 = arith.constant 96 : index
      %swap3A_143 = tpu.vector_load %arg11[%swap3A_140, %swap3A_141, %swap3A_142] {strides = array<i32>} : memref<2x128x128xf32, #tpu.memory_space<vmem>>, vector<16xf32>,
      tpu.vector_store %arg11[%swap3A_140, %swap3A_141, %swap3A_142], %broadcast_in_dim3A_28 {strides = array<i32>} : memref<2x128x128xf32, #tpu.memory_space<vmem>>, vector<16xf32>,
      %swap3A_144 = arith.constant 0 : i32
      %swap3A_145 = arith.index_cast %swap3A_144 : i32 to index
      %swap3A_146 = arith.index_cast %scan3A_107 : i32 to index
      %swap3A_147 = arith.constant 112 : index
      %swap3A_148 = tpu.vector_load %arg11[%swap3A_145, %swap3A_146, %swap3A_147] {strides = array<i32>} : memref<2x128x128xf32, #tpu.memory_space<vmem>>, vector<16xf32>,
      tpu.vector_store %arg11[%swap3A_145, %swap3A_146, %swap3A_147], %broadcast_in_dim3A_28 {strides = array<i32>} : memref<2x128x128xf32, #tpu.memory_space<vmem>>, vector<16xf32>,
      %scan3A_149 = arith.constant 0 : i32
      scf.yield %scan3A_149 : i32
    }
    %scan3A_34 = arith.constant 128 : i32
    %scan3A_35 = arith.constant 0 : i32
    %scan3A_36 = arith.constant 0 : i32
    %scan3A_37 = arith.constant 5 : i32
    %scan3A_38 = arith.addi %scan3A_36, %scan3A_37 : i32
    %scan3A_39 = arith.constant 1 : i32
    %scan3A_40 = scf.for %scan3A_107 = %scan3A_36 to %scan3A_38 step %scan3A_39 iter_args(%scan3A_108 = %scan3A_35) -> (i32)  : i32 {
      %mul3A_109 = arith.constant 16 : i32
      %mul3A_110 = arith.muli %scan3A_107, %mul3A_109 : i32
      %add3A_111 = arith.addi %mul3A_110, %arg1 : i32
      %lt3A = arith.constant 79 : i32
      %lt3A_112 = arith.cmpi slt, %add3A_111, %lt3A : i32
      %convert_element_type3A = arith.extui %lt3A_112 : i1 to i32
      %cond3A = arith.constant 0 : i32
      %cond3A_113 = arith.cmpi ne, %convert_element_type3A, %cond3A : i32
      scf.if %cond3A_113 {
        %mul3A_115 = arith.constant 128 : i32
        %mul3A_116 = arith.muli %add3A_111, %mul3A_115 : i32
        %run_scoped3A = arith.constant 0 : i32
        "tpu.region"() ({
          %run_scoped3A_117 = tpu.sem_alloc : memref<!tpu.dma_semaphore, #tpu.memory_space<semaphore_mem>>
          %dma_start3A_118 = arith.constant 0 : i32
          %dma_start3A_119 = arith.constant 0 : i32
          %dma_start3A_120 = tpu.memref_slice %arg11[%run_scoped3A, %dma_start3A_118, %dma_start3A_119] : memref<2x128x128xf32, #tpu.memory_space<vmem>> -> memref<1x128x128xf32, #tpu.memory_space<vmem>>
          %dma_start3A_121 = tpu.memref_squeeze %dma_start3A_120 : memref<1x128x128xf32, #tpu.memory_space<vmem>> -> memref<128x128xf32, #tpu.memory_space<vmem>>
          %dma_start3A_122 = arith.constant 0 : i32
          %dma_start3A_123 = tpu.memref_slice %arg15[%mul3A_116, %dma_start3A_122] : memref<10112x128xf32, #tpu.memory_space<vmem_shared>> -> memref<128x128xf32, #tpu.memory_space<vmem_shared>>
          %dma_start3A_124 = arith.constant 0 : i32
          %dma_start3A_125 = tpu.memref_slice %arg15[%mul3A_116, %dma_start3A_124] : memref<10112x128xf32, #tpu.memory_space<vmem_shared>> -> memref<128x128xf32, #tpu.memory_space<vmem_shared>>
          %dma_start3A_126 = arith.constant 0 : i32
          %dma_start3A_127 = arith.constant 0 : i32
          %dma_start3A_128 = tpu.memref_slice %arg11[%run_scoped3A, %dma_start3A_126, %dma_start3A_127] : memref<2x128x128xf32, #tpu.memory_space<vmem>> -> memref<1x128x128xf32, #tpu.memory_space<vmem>>
          %dma_start3A_129 = tpu.memref_squeeze %dma_start3A_128 : memref<1x128x128xf32, #tpu.memory_space<vmem>> -> memref<128x128xf32, #tpu.memory_space<vmem>>
          tpu.enqueue_dma source(%dma_start3A_129 : memref<128x128xf32, #tpu.memory_space<vmem>>) target(%dma_start3A_125 : memref<128x128xf32, #tpu.memory_space<vmem_shared>>) target_semaphore(%run_scoped3A_117 : memref<!tpu.dma_semaphore, #tpu.memory_space<semaphore_mem>>)
          %dma_wait3A_130 = arith.constant 0 : i32
          %dma_wait3A_131 = arith.constant 0 : i32
          %dma_wait3A_132 = tpu.memref_slice %arg11[%run_scoped3A, %dma_wait3A_130, %dma_wait3A_131] : memref<2x128x128xf32, #tpu.memory_space<vmem>> -> memref<1x128x128xf32, #tpu.memory_space<vmem>>
          %dma_wait3A_133 = tpu.memref_squeeze %dma_wait3A_132 : memref<1x128x128xf32, #tpu.memory_space<vmem>> -> memref<128x128xf32, #tpu.memory_space<vmem>>
          %dma_wait3A_134 = arith.constant 0 : i32
          %dma_wait3A_135 = tpu.memref_slice %arg15[%mul3A_116, %dma_wait3A_134] : memref<10112x128xf32, #tpu.memory_space<vmem_shared>> -> memref<128x128xf32, #tpu.memory_space<vmem_shared>>
          %dma_wait3A_136 = arith.constant 0 : i32
          %dma_wait3A_137 = tpu.memref_slice %arg15[%mul3A_116, %dma_wait3A_136] : memref<10112x128xf32, #tpu.memory_space<vmem_shared>> -> memref<128x128xf32, #tpu.memory_space<vmem_shared>>
          %dma_wait3A_138 = arith.constant 0 : i32
          %dma_wait3A_139 = arith.constant 0 : i32
          %dma_wait3A_140 = tpu.memref_slice %arg11[%run_scoped3A, %dma_wait3A_138, %dma_wait3A_139] : memref<2x128x128xf32, #tpu.memory_space<vmem>> -> memref<1x128x128xf32, #tpu.memory_space<vmem>>
          %dma_wait3A_141 = tpu.memref_squeeze %dma_wait3A_140 : memref<1x128x128xf32, #tpu.memory_space<vmem>> -> memref<128x128xf32, #tpu.memory_space<vmem>>
          tpu.wait_dma2 semaphore(%run_scoped3A_117 : memref<!tpu.dma_semaphore, #tpu.memory_space<semaphore_mem>>) src(%dma_wait3A_141 : memref<128x128xf32, #tpu.memory_space<vmem>>) dst(%dma_wait3A_137 : memref<128x128xf32, #tpu.memory_space<vmem_shared>>)
          tpu.yield
        }) : () -> ()
      } else {
      }
      %scan3A_114 = arith.constant 0 : i32
      scf.yield %scan3A_114 : i32
    }
    %scan3A_41 = arith.constant 5 : i32
    %barrier3A = arith.constant 0 : index
    tpu.barrier barrier_id(%barrier3A)
    %broadcast_in_dim3A_42 = arith.constant 0.000000e+00 : f32
    %broadcast_in_dim3A_43 = vector.broadcast %broadcast_in_dim3A_42 : f32 to vector<16xf32>
    %scan3A_44 = arith.constant 0 : i32
    %scan3A_45 = arith.constant 10 : i32
    %scan3A_46 = arith.addi %scan3A_44, %scan3A_45 : i32
    %scan3A_47 = arith.constant 1 : i32
    %scan3A_48 = scf.for %scan3A_107 = %scan3A_44 to %scan3A_46 step %scan3A_47 iter_args(%scan3A_108 = %broadcast_in_dim3A_43) -> (vector<16xf32>)  : i32 {
      %rem3A = arith.constant 2 : i32
      %rem3A_109 = arith.remsi %scan3A_107, %rem3A : i32
      %mul3A_110 = arith.constant 8 : i32
      %mul3A_111 = arith.muli %scan3A_107, %mul3A_110 : i32
      %add3A_112 = arith.addi %mul3A_2, %mul3A_111 : i32
      %dma_wait3A_113 = arith.constant 0 : i32
      %dma_wait3A_114 = arith.constant 0 : i32
      %dma_wait3A_115 = tpu.memref_slice %arg9[%rem3A_109, %dma_wait3A_113, %dma_wait3A_114] : memref<2x8x128xi32, #tpu.memory_space<vmem>> -> memref<1x8x128xi32, #tpu.memory_space<vmem>>
      %dma_wait3A_116 = tpu.memref_squeeze %dma_wait3A_115 : memref<1x8x128xi32, #tpu.memory_space<vmem>> -> memref<8x128xi32, #tpu.memory_space<vmem>>
      %dma_wait3A_117 = arith.constant 0 : i32
      %dma_wait3A_118 = tpu.memref_slice %arg5[%add3A_112, %dma_wait3A_117] : memref<2560x128xi32, #tpu.memory_space<hbm>> -> memref<8x128xi32, #tpu.memory_space<hbm>>
      %dma_wait3A_119 = arith.constant 0 : i32
      %dma_wait3A_120 = arith.constant 0 : i32
      %dma_wait3A_121 = tpu.memref_slice %arg9[%rem3A_109, %dma_wait3A_119, %dma_wait3A_120] : memref<2x8x128xi32, #tpu.memory_space<vmem>> -> memref<1x8x128xi32, #tpu.memory_space<vmem>>
      %dma_wait3A_122 = tpu.memref_squeeze %dma_wait3A_121 : memref<1x8x128xi32, #tpu.memory_space<vmem>> -> memref<8x128xi32, #tpu.memory_space<vmem>>
      %dma_wait3A_123 = arith.constant 0 : i32
      %dma_wait3A_124 = tpu.memref_slice %arg5[%add3A_112, %dma_wait3A_123] : memref<2560x128xi32, #tpu.memory_space<hbm>> -> memref<8x128xi32, #tpu.memory_space<hbm>>
      tpu.wait_dma2 semaphore(%arg17 : memref<!tpu.dma_semaphore, #tpu.memory_space<semaphore_mem>>) src(%dma_wait3A_124 : memref<8x128xi32, #tpu.memory_space<hbm>>) dst(%dma_wait3A_122 : memref<8x128xi32, #tpu.memory_space<vmem>>)
      %dma_wait3A_125 = arith.constant 0 : i32
      %dma_wait3A_126 = arith.constant 0 : i32
      %dma_wait3A_127 = tpu.memref_slice %arg10[%rem3A_109, %dma_wait3A_125, %dma_wait3A_126] : memref<2x8x128xi32, #tpu.memory_space<vmem>> -> memref<1x8x128xi32, #tpu.memory_space<vmem>>
      %dma_wait3A_128 = tpu.memref_squeeze %dma_wait3A_127 : memref<1x8x128xi32, #tpu.memory_space<vmem>> -> memref<8x128xi32, #tpu.memory_space<vmem>>
      %dma_wait3A_129 = arith.constant 0 : i32
      %dma_wait3A_130 = tpu.memref_slice %arg6[%add3A_112, %dma_wait3A_129] : memref<2560x128xi32, #tpu.memory_space<hbm>> -> memref<8x128xi32, #tpu.memory_space<hbm>>
      %dma_wait3A_131 = arith.constant 0 : i32
      %dma_wait3A_132 = arith.constant 0 : i32
      %dma_wait3A_133 = tpu.memref_slice %arg10[%rem3A_109, %dma_wait3A_131, %dma_wait3A_132] : memref<2x8x128xi32, #tpu.memory_space<vmem>> -> memref<1x8x128xi32, #tpu.memory_space<vmem>>
      %dma_wait3A_134 = tpu.memref_squeeze %dma_wait3A_133 : memref<1x8x128xi32, #tpu.memory_space<vmem>> -> memref<8x128xi32, #tpu.memory_space<vmem>>
      %dma_wait3A_135 = arith.constant 0 : i32
      %dma_wait3A_136 = tpu.memref_slice %arg6[%add3A_112, %dma_wait3A_135] : memref<2560x128xi32, #tpu.memory_space<hbm>> -> memref<8x128xi32, #tpu.memory_space<hbm>>
      tpu.wait_dma2 semaphore(%arg17 : memref<!tpu.dma_semaphore, #tpu.memory_space<semaphore_mem>>) src(%dma_wait3A_136 : memref<8x128xi32, #tpu.memory_space<hbm>>) dst(%dma_wait3A_134 : memref<8x128xi32, #tpu.memory_space<vmem>>)
      %gt3A = arith.constant 0 : i32
      %gt3A_137 = arith.cmpi sgt, %scan3A_107, %gt3A : i32
      %convert_element_type3A = arith.extui %gt3A_137 : i1 to i32
      %cond3A = arith.constant 0 : i32
      %cond3A_138 = arith.cmpi ne, %convert_element_type3A, %cond3A : i32
      scf.if %cond3A_138 {
        %dma_wait3A_1432 = arith.constant 0 : i32
        %dma_wait3A_1433 = arith.constant 0 : i32
        %dma_wait3A_1434 = arith.constant 0 : i32
        %dma_wait3A_1435 = arith.constant 0 : i32
        %dma_wait3A_1436 = tpu.memref_slice %arg11[%dma_wait3A_1432, %dma_wait3A_1434, %dma_wait3A_1435] : memref<2x128x128xf32, #tpu.memory_space<vmem>> -> memref<1x128x128xf32, #tpu.memory_space<vmem>>
        %dma_wait3A_1437 = tpu.memref_squeeze %dma_wait3A_1436 : memref<1x128x128xf32, #tpu.memory_space<vmem>> -> memref<128x128xf32, #tpu.memory_space<vmem>>
        %dma_wait3A_1438 = arith.constant 0 : i32
        %dma_wait3A_1439 = tpu.memref_slice %arg10[%rem3A_109, %dma_wait3A_1433, %dma_wait3A_1438] : memref<2x8x128xi32, #tpu.memory_space<vmem>> -> memref<1x1x128xi32, #tpu.memory_space<vmem>>
        %dma_wait3A_1440 = tpu.memref_squeeze %dma_wait3A_1439 : memref<1x1x128xi32, #tpu.memory_space<vmem>> -> memref<128xi32, #tpu.memory_space<vmem>>
        %dma_wait3A_1441 = arith.constant 0 : i32
        %dma_wait3A_1442 = arith.constant 0 : i32
        %dma_wait3A_1443 = tpu.memref_slice %arg15[%dma_wait3A_1441, %dma_wait3A_1442] : memref<10112x128xf32, #tpu.memory_space<vmem_shared>> -> memref<10112x128xf32, #tpu.memory_space<vmem_shared>>
        tpu.wait_indirect_dma semaphore(%arg23 : memref<!tpu.dma_semaphore, #tpu.memory_space<semaphore_mem>>) src(%dma_wait3A_1437 : memref<128x128xf32, #tpu.memory_space<vmem>>) dst(%dma_wait3A_1443 : memref<10112x128xf32, #tpu.memory_space<vmem_shared>>)
      } else {
      }
      %dma_start3A_139 = arith.constant 0 : i32
      %dma_start3A_140 = arith.constant 0 : i32
      %dma_start3A_141 = arith.constant 0 : i32
      %dma_start3A_142 = arith.constant 0 : i32
      %dma_start3A_143 = tpu.memref_slice %arg11[%dma_start3A_140, %dma_start3A_141, %dma_start3A_142] : memref<2x128x128xf32, #tpu.memory_space<vmem>> -> memref<1x128x128xf32, #tpu.memory_space<vmem>>
      %dma_start3A_144 = tpu.memref_squeeze %dma_start3A_143 : memref<1x128x128xf32, #tpu.memory_space<vmem>> -> memref<128x128xf32, #tpu.memory_space<vmem>>
      %dma_start3A_145 = arith.constant 0 : i32
      %dma_start3A_146 = tpu.memref_slice %arg9[%rem3A_109, %dma_start3A_139, %dma_start3A_145] : memref<2x8x128xi32, #tpu.memory_space<vmem>> -> memref<1x1x128xi32, #tpu.memory_space<vmem>>
      %dma_start3A_147 = tpu.memref_squeeze %dma_start3A_146 : memref<1x1x128xi32, #tpu.memory_space<vmem>> -> memref<128xi32, #tpu.memory_space<vmem>>
      %dma_start3A_148 = arith.constant 0 : i32
      %dma_start3A_149 = arith.constant 0 : i32
      %dma_start3A_150 = tpu.memref_slice %arg2[%dma_start3A_148, %dma_start3A_149] : memref<2048x128xf32, #tpu.memory_space<hbm>> -> memref<2048x128xf32, #tpu.memory_space<hbm>>
      tpu.enqueue_indirect_dma source(%dma_start3A_150 : memref<2048x128xf32, #tpu.memory_space<hbm>>) target(%dma_start3A_144 : memref<128x128xf32, #tpu.memory_space<vmem>>) offsets(%dma_start3A_147 : memref<128xi32, #tpu.memory_space<vmem>>) semaphore(%arg18 : memref<!tpu.dma_semaphore, #tpu.memory_space<semaphore_mem>>)
      %gt3A_151 = arith.constant 0 : i32
      %gt3A_152 = arith.cmpi sgt, %scan3A_107, %gt3A_151 : i32
      %convert_element_type3A_153 = arith.extui %gt3A_152 : i1 to i32
      %cond3A_154 = arith.constant 0 : i32
      %cond3A_155 = arith.cmpi ne, %convert_element_type3A_153, %cond3A_154 : i32
      scf.if %cond3A_155 {
        %dma_wait3A_1432 = arith.constant 1 : i32
        %dma_wait3A_1433 = arith.constant 1 : i32
        %dma_wait3A_1434 = arith.constant 0 : i32
        %dma_wait3A_1435 = arith.constant 0 : i32
        %dma_wait3A_1436 = tpu.memref_slice %arg11[%dma_wait3A_1432, %dma_wait3A_1434, %dma_wait3A_1435] : memref<2x128x128xf32, #tpu.memory_space<vmem>> -> memref<1x128x128xf32, #tpu.memory_space<vmem>>
        %dma_wait3A_1437 = tpu.memref_squeeze %dma_wait3A_1436 : memref<1x128x128xf32, #tpu.memory_space<vmem>> -> memref<128x128xf32, #tpu.memory_space<vmem>>
        %dma_wait3A_1438 = arith.constant 0 : i32
        %dma_wait3A_1439 = tpu.memref_slice %arg10[%rem3A_109, %dma_wait3A_1433, %dma_wait3A_1438] : memref<2x8x128xi32, #tpu.memory_space<vmem>> -> memref<1x1x128xi32, #tpu.memory_space<vmem>>
        %dma_wait3A_1440 = tpu.memref_squeeze %dma_wait3A_1439 : memref<1x1x128xi32, #tpu.memory_space<vmem>> -> memref<128xi32, #tpu.memory_space<vmem>>
        %dma_wait3A_1441 = arith.constant 0 : i32
        %dma_wait3A_1442 = arith.constant 0 : i32
        %dma_wait3A_1443 = tpu.memref_slice %arg15[%dma_wait3A_1441, %dma_wait3A_1442] : memref<10112x128xf32, #tpu.memory_space<vmem_shared>> -> memref<10112x128xf32, #tpu.memory_space<vmem_shared>>
        tpu.wait_indirect_dma semaphore(%arg24 : memref<!tpu.dma_semaphore, #tpu.memory_space<semaphore_mem>>) src(%dma_wait3A_1437 : memref<128x128xf32, #tpu.memory_space<vmem>>) dst(%dma_wait3A_1443 : memref<10112x128xf32, #tpu.memory_space<vmem_shared>>)
      } else {
      }
      %dma_start3A_156 = arith.constant 1 : i32
      %dma_start3A_157 = arith.constant 1 : i32
      %dma_start3A_158 = arith.constant 0 : i32
      %dma_start3A_159 = arith.constant 0 : i32
      %dma_start3A_160 = tpu.memref_slice %arg11[%dma_start3A_157, %dma_start3A_158, %dma_start3A_159] : memref<2x128x128xf32, #tpu.memory_space<vmem>> -> memref<1x128x128xf32, #tpu.memory_space<vmem>>
      %dma_start3A_161 = tpu.memref_squeeze %dma_start3A_160 : memref<1x128x128xf32, #tpu.memory_space<vmem>> -> memref<128x128xf32, #tpu.memory_space<vmem>>
      %dma_start3A_162 = arith.constant 0 : i32
      %dma_start3A_163 = tpu.memref_slice %arg9[%rem3A_109, %dma_start3A_156, %dma_start3A_162] : memref<2x8x128xi32, #tpu.memory_space<vmem>> -> memref<1x1x128xi32, #tpu.memory_space<vmem>>
      %dma_start3A_164 = tpu.memref_squeeze %dma_start3A_163 : memref<1x1x128xi32, #tpu.memory_space<vmem>> -> memref<128xi32, #tpu.memory_space<vmem>>
      %dma_start3A_165 = arith.constant 0 : i32
      %dma_start3A_166 = arith.constant 0 : i32
      %dma_start3A_167 = tpu.memref_slice %arg2[%dma_start3A_165, %dma_start3A_166] : memref<2048x128xf32, #tpu.memory_space<hbm>> -> memref<2048x128xf32, #tpu.memory_space<hbm>>
      tpu.enqueue_indirect_dma source(%dma_start3A_167 : memref<2048x128xf32, #tpu.memory_space<hbm>>) target(%dma_start3A_161 : memref<128x128xf32, #tpu.memory_space<vmem>>) offsets(%dma_start3A_164 : memref<128xi32, #tpu.memory_space<vmem>>) semaphore(%arg19 : memref<!tpu.dma_semaphore, #tpu.memory_space<semaphore_mem>>)
      %dma_wait3A_168 = arith.constant 0 : i32
      %dma_wait3A_169 = arith.constant 0 : i32
      %dma_wait3A_170 = arith.constant 0 : i32
      %dma_wait3A_171 = arith.constant 0 : i32
      %dma_wait3A_172 = tpu.memref_slice %arg11[%dma_wait3A_169, %dma_wait3A_170, %dma_wait3A_171] : memref<2x128x128xf32, #tpu.memory_space<vmem>> -> memref<1x128x128xf32, #tpu.memory_space<vmem>>
      %dma_wait3A_173 = tpu.memref_squeeze %dma_wait3A_172 : memref<1x128x128xf32, #tpu.memory_space<vmem>> -> memref<128x128xf32, #tpu.memory_space<vmem>>
      %dma_wait3A_174 = arith.constant 0 : i32
      %dma_wait3A_175 = tpu.memref_slice %arg9[%rem3A_109, %dma_wait3A_168, %dma_wait3A_174] : memref<2x8x128xi32, #tpu.memory_space<vmem>> -> memref<1x1x128xi32, #tpu.memory_space<vmem>>
      %dma_wait3A_176 = tpu.memref_squeeze %dma_wait3A_175 : memref<1x1x128xi32, #tpu.memory_space<vmem>> -> memref<128xi32, #tpu.memory_space<vmem>>
      %dma_wait3A_177 = arith.constant 0 : i32
      %dma_wait3A_178 = arith.constant 0 : i32
      %dma_wait3A_179 = tpu.memref_slice %arg2[%dma_wait3A_177, %dma_wait3A_178] : memref<2048x128xf32, #tpu.memory_space<hbm>> -> memref<2048x128xf32, #tpu.memory_space<hbm>>
      tpu.wait_indirect_dma semaphore(%arg18 : memref<!tpu.dma_semaphore, #tpu.memory_space<semaphore_mem>>) src(%dma_wait3A_179 : memref<2048x128xf32, #tpu.memory_space<hbm>>) dst(%dma_wait3A_173 : memref<128x128xf32, #tpu.memory_space<vmem>>)
      %dma_start3A_180 = arith.constant 0 : i32
      %dma_start3A_181 = arith.constant 0 : i32
      %dma_start3A_182 = arith.constant 0 : i32
      %dma_start3A_183 = arith.constant 0 : i32
      %dma_start3A_184 = tpu.memref_slice %arg11[%dma_start3A_180, %dma_start3A_182, %dma_start3A_183] : memref<2x128x128xf32, #tpu.memory_space<vmem>> -> memref<1x128x128xf32, #tpu.memory_space<vmem>>
      %dma_start3A_185 = tpu.memref_squeeze %dma_start3A_184 : memref<1x128x128xf32, #tpu.memory_space<vmem>> -> memref<128x128xf32, #tpu.memory_space<vmem>>
      %dma_start3A_186 = arith.constant 0 : i32
      %dma_start3A_187 = tpu.memref_slice %arg10[%rem3A_109, %dma_start3A_181, %dma_start3A_186] : memref<2x8x128xi32, #tpu.memory_space<vmem>> -> memref<1x1x128xi32, #tpu.memory_space<vmem>>
      %dma_start3A_188 = tpu.memref_squeeze %dma_start3A_187 : memref<1x1x128xi32, #tpu.memory_space<vmem>> -> memref<128xi32, #tpu.memory_space<vmem>>
      %dma_start3A_189 = arith.constant 0 : i32
      %dma_start3A_190 = arith.constant 0 : i32
      %dma_start3A_191 = tpu.memref_slice %arg15[%dma_start3A_189, %dma_start3A_190] : memref<10112x128xf32, #tpu.memory_space<vmem_shared>> -> memref<10112x128xf32, #tpu.memory_space<vmem_shared>>
      tpu.enqueue_indirect_dma source(%dma_start3A_185 : memref<128x128xf32, #tpu.memory_space<vmem>>) target(%dma_start3A_191 : memref<10112x128xf32, #tpu.memory_space<vmem_shared>>) offsets(%dma_start3A_188 : memref<128xi32, #tpu.memory_space<vmem>>) semaphore(%arg23 : memref<!tpu.dma_semaphore, #tpu.memory_space<semaphore_mem>>) {add = true}
      %get3A = arith.constant 0 : i32
      %get3A_192 = arith.index_cast %rem3A_109 : i32 to index
      %get3A_193 = arith.index_cast %get3A : i32 to index
      %get3A_194 = arith.constant 0 : index
      %get3A_195 = tpu.vector_load %arg9[%get3A_192, %get3A_193, %get3A_194] {strides = array<i32>} : memref<2x8x128xi32, #tpu.memory_space<vmem>>, vector<16xi32>,
      %gather3A = tpu.vector_load_idx %arg12[%get3A_195] : memref<2048xf32, #tpu.memory_space<vmem>>[vector<16xi32>], vector<16xf32>,
      %get3A_196 = arith.constant 0 : i32
      %get3A_197 = arith.index_cast %rem3A_109 : i32 to index
      %get3A_198 = arith.index_cast %get3A_196 : i32 to index
      %get3A_199 = arith.constant 0 : index
      %get3A_200 = tpu.vector_load %arg10[%get3A_197, %get3A_198, %get3A_199] {strides = array<i32>} : memref<2x8x128xi32, #tpu.memory_space<vmem>>, vector<16xi32>,
      %gather3A_201 = tpu.vector_load_idx %arg13[%get3A_200] : memref<10112xf32, #tpu.memory_space<vmem>>[vector<16xi32>], vector<16xf32>,
      %mul3A_202 = arith.mulf %gather3A, %gather3A_201 : vector<16xf32>
      %add3A_203 = arith.addf %scan3A_108, %mul3A_202 : vector<16xf32>
      %get3A_204 = arith.constant 0 : i32
      %get3A_205 = arith.index_cast %rem3A_109 : i32 to index
      %get3A_206 = arith.index_cast %get3A_204 : i32 to index
      %get3A_207 = arith.constant 16 : index
      %get3A_208 = tpu.vector_load %arg9[%get3A_205, %get3A_206, %get3A_207] {strides = array<i32>} : memref<2x8x128xi32, #tpu.memory_space<vmem>>, vector<16xi32>,
      %gather3A_209 = tpu.vector_load_idx %arg12[%get3A_208] : memref<2048xf32, #tpu.memory_space<vmem>>[vector<16xi32>], vector<16xf32>,
      %get3A_210 = arith.constant 0 : i32
      %get3A_211 = arith.index_cast %rem3A_109 : i32 to index
      %get3A_212 = arith.index_cast %get3A_210 : i32 to index
      %get3A_213 = arith.constant 16 : index
      %get3A_214 = tpu.vector_load %arg10[%get3A_211, %get3A_212, %get3A_213] {strides = array<i32>} : memref<2x8x128xi32, #tpu.memory_space<vmem>>, vector<16xi32>,
      %gather3A_215 = tpu.vector_load_idx %arg13[%get3A_214] : memref<10112xf32, #tpu.memory_space<vmem>>[vector<16xi32>], vector<16xf32>,
      %mul3A_216 = arith.mulf %gather3A_209, %gather3A_215 : vector<16xf32>
      %add3A_217 = arith.addf %add3A_203, %mul3A_216 : vector<16xf32>
      %get3A_218 = arith.constant 0 : i32
      %get3A_219 = arith.index_cast %rem3A_109 : i32 to index
      %get3A_220 = arith.index_cast %get3A_218 : i32 to index
      %get3A_221 = arith.constant 32 : index
      %get3A_222 = tpu.vector_load %arg9[%get3A_219, %get3A_220, %get3A_221] {strides = array<i32>} : memref<2x8x128xi32, #tpu.memory_space<vmem>>, vector<16xi32>,
      %gather3A_223 = tpu.vector_load_idx %arg12[%get3A_222] : memref<2048xf32, #tpu.memory_space<vmem>>[vector<16xi32>], vector<16xf32>,
      %get3A_224 = arith.constant 0 : i32
      %get3A_225 = arith.index_cast %rem3A_109 : i32 to index
      %get3A_226 = arith.index_cast %get3A_224 : i32 to index
      %get3A_227 = arith.constant 32 : index
      %get3A_228 = tpu.vector_load %arg10[%get3A_225, %get3A_226, %get3A_227] {strides = array<i32>} : memref<2x8x128xi32, #tpu.memory_space<vmem>>, vector<16xi32>,
      %gather3A_229 = tpu.vector_load_idx %arg13[%get3A_228] : memref<10112xf32, #tpu.memory_space<vmem>>[vector<16xi32>], vector<16xf32>,
      %mul3A_230 = arith.mulf %gather3A_223, %gather3A_229 : vector<16xf32>
      %add3A_231 = arith.addf %add3A_217, %mul3A_230 : vector<16xf32>
      %get3A_232 = arith.constant 0 : i32
      %get3A_233 = arith.index_cast %rem3A_109 : i32 to index
      %get3A_234 = arith.index_cast %get3A_232 : i32 to index
      %get3A_235 = arith.constant 48 : index
      %get3A_236 = tpu.vector_load %arg9[%get3A_233, %get3A_234, %get3A_235] {strides = array<i32>} : memref<2x8x128xi32, #tpu.memory_space<vmem>>, vector<16xi32>,
      %gather3A_237 = tpu.vector_load_idx %arg12[%get3A_236] : memref<2048xf32, #tpu.memory_space<vmem>>[vector<16xi32>], vector<16xf32>,
      %get3A_238 = arith.constant 0 : i32
      %get3A_239 = arith.index_cast %rem3A_109 : i32 to index
      %get3A_240 = arith.index_cast %get3A_238 : i32 to index
      %get3A_241 = arith.constant 48 : index
      %get3A_242 = tpu.vector_load %arg10[%get3A_239, %get3A_240, %get3A_241] {strides = array<i32>} : memref<2x8x128xi32, #tpu.memory_space<vmem>>, vector<16xi32>,
      %gather3A_243 = tpu.vector_load_idx %arg13[%get3A_242] : memref<10112xf32, #tpu.memory_space<vmem>>[vector<16xi32>], vector<16xf32>,
      %mul3A_244 = arith.mulf %gather3A_237, %gather3A_243 : vector<16xf32>
      %add3A_245 = arith.addf %add3A_231, %mul3A_244 : vector<16xf32>
      %get3A_246 = arith.constant 0 : i32
      %get3A_247 = arith.index_cast %rem3A_109 : i32 to index
      %get3A_248 = arith.index_cast %get3A_246 : i32 to index
      %get3A_249 = arith.constant 64 : index
      %get3A_250 = tpu.vector_load %arg9[%get3A_247, %get3A_248, %get3A_249] {strides = array<i32>} : memref<2x8x128xi32, #tpu.memory_space<vmem>>, vector<16xi32>,
      %gather3A_251 = tpu.vector_load_idx %arg12[%get3A_250] : memref<2048xf32, #tpu.memory_space<vmem>>[vector<16xi32>], vector<16xf32>,
      %get3A_252 = arith.constant 0 : i32
      %get3A_253 = arith.index_cast %rem3A_109 : i32 to index
      %get3A_254 = arith.index_cast %get3A_252 : i32 to index
      %get3A_255 = arith.constant 64 : index
      %get3A_256 = tpu.vector_load %arg10[%get3A_253, %get3A_254, %get3A_255] {strides = array<i32>} : memref<2x8x128xi32, #tpu.memory_space<vmem>>, vector<16xi32>,
      %gather3A_257 = tpu.vector_load_idx %arg13[%get3A_256] : memref<10112xf32, #tpu.memory_space<vmem>>[vector<16xi32>], vector<16xf32>,
      %mul3A_258 = arith.mulf %gather3A_251, %gather3A_257 : vector<16xf32>
      %add3A_259 = arith.addf %add3A_245, %mul3A_258 : vector<16xf32>
      %get3A_260 = arith.constant 0 : i32
      %get3A_261 = arith.index_cast %rem3A_109 : i32 to index
      %get3A_262 = arith.index_cast %get3A_260 : i32 to index
      %get3A_263 = arith.constant 80 : index
      %get3A_264 = tpu.vector_load %arg9[%get3A_261, %get3A_262, %get3A_263] {strides = array<i32>} : memref<2x8x128xi32, #tpu.memory_space<vmem>>, vector<16xi32>,
      %gather3A_265 = tpu.vector_load_idx %arg12[%get3A_264] : memref<2048xf32, #tpu.memory_space<vmem>>[vector<16xi32>], vector<16xf32>,
      %get3A_266 = arith.constant 0 : i32
      %get3A_267 = arith.index_cast %rem3A_109 : i32 to index
      %get3A_268 = arith.index_cast %get3A_266 : i32 to index
      %get3A_269 = arith.constant 80 : index
      %get3A_270 = tpu.vector_load %arg10[%get3A_267, %get3A_268, %get3A_269] {strides = array<i32>} : memref<2x8x128xi32, #tpu.memory_space<vmem>>, vector<16xi32>,
      %gather3A_271 = tpu.vector_load_idx %arg13[%get3A_270] : memref<10112xf32, #tpu.memory_space<vmem>>[vector<16xi32>], vector<16xf32>,
      %mul3A_272 = arith.mulf %gather3A_265, %gather3A_271 : vector<16xf32>
      %add3A_273 = arith.addf %add3A_259, %mul3A_272 : vector<16xf32>
      %get3A_274 = arith.constant 0 : i32
      %get3A_275 = arith.index_cast %rem3A_109 : i32 to index
      %get3A_276 = arith.index_cast %get3A_274 : i32 to index
      %get3A_277 = arith.constant 96 : index
      %get3A_278 = tpu.vector_load %arg9[%get3A_275, %get3A_276, %get3A_277] {strides = array<i32>} : memref<2x8x128xi32, #tpu.memory_space<vmem>>, vector<16xi32>,
      %gather3A_279 = tpu.vector_load_idx %arg12[%get3A_278] : memref<2048xf32, #tpu.memory_space<vmem>>[vector<16xi32>], vector<16xf32>,
      %get3A_280 = arith.constant 0 : i32
      %get3A_281 = arith.index_cast %rem3A_109 : i32 to index
      %get3A_282 = arith.index_cast %get3A_280 : i32 to index
      %get3A_283 = arith.constant 96 : index
      %get3A_284 = tpu.vector_load %arg10[%get3A_281, %get3A_282, %get3A_283] {strides = array<i32>} : memref<2x8x128xi32, #tpu.memory_space<vmem>>, vector<16xi32>,
      %gather3A_285 = tpu.vector_load_idx %arg13[%get3A_284] : memref<10112xf32, #tpu.memory_space<vmem>>[vector<16xi32>], vector<16xf32>,
      %mul3A_286 = arith.mulf %gather3A_279, %gather3A_285 : vector<16xf32>
      %add3A_287 = arith.addf %add3A_273, %mul3A_286 : vector<16xf32>
      %get3A_288 = arith.constant 0 : i32
      %get3A_289 = arith.index_cast %rem3A_109 : i32 to index
      %get3A_290 = arith.index_cast %get3A_288 : i32 to index
      %get3A_291 = arith.constant 112 : index
      %get3A_292 = tpu.vector_load %arg9[%get3A_289, %get3A_290, %get3A_291] {strides = array<i32>} : memref<2x8x128xi32, #tpu.memory_space<vmem>>, vector<16xi32>,
      %gather3A_293 = tpu.vector_load_idx %arg12[%get3A_292] : memref<2048xf32, #tpu.memory_space<vmem>>[vector<16xi32>], vector<16xf32>,
      %get3A_294 = arith.constant 0 : i32
      %get3A_295 = arith.index_cast %rem3A_109 : i32 to index
      %get3A_296 = arith.index_cast %get3A_294 : i32 to index
      %get3A_297 = arith.constant 112 : index
      %get3A_298 = tpu.vector_load %arg10[%get3A_295, %get3A_296, %get3A_297] {strides = array<i32>} : memref<2x8x128xi32, #tpu.memory_space<vmem>>, vector<16xi32>,
      %gather3A_299 = tpu.vector_load_idx %arg13[%get3A_298] : memref<10112xf32, #tpu.memory_space<vmem>>[vector<16xi32>], vector<16xf32>,
      %mul3A_300 = arith.mulf %gather3A_293, %gather3A_299 : vector<16xf32>
      %add3A_301 = arith.addf %add3A_287, %mul3A_300 : vector<16xf32>
      %dma_wait3A_302 = arith.constant 0 : i32
      %dma_wait3A_303 = arith.constant 0 : i32
      %dma_wait3A_304 = arith.constant 0 : i32
      %dma_wait3A_305 = arith.constant 0 : i32
      %dma_wait3A_306 = tpu.memref_slice %arg11[%dma_wait3A_302, %dma_wait3A_304, %dma_wait3A_305] : memref<2x128x128xf32, #tpu.memory_space<vmem>> -> memref<1x128x128xf32, #tpu.memory_space<vmem>>
      %dma_wait3A_307 = tpu.memref_squeeze %dma_wait3A_306 : memref<1x128x128xf32, #tpu.memory_space<vmem>> -> memref<128x128xf32, #tpu.memory_space<vmem>>
      %dma_wait3A_308 = arith.constant 0 : i32
      %dma_wait3A_309 = tpu.memref_slice %arg10[%rem3A_109, %dma_wait3A_303, %dma_wait3A_308] : memref<2x8x128xi32, #tpu.memory_space<vmem>> -> memref<1x1x128xi32, #tpu.memory_space<vmem>>
      %dma_wait3A_310 = tpu.memref_squeeze %dma_wait3A_309 : memref<1x1x128xi32, #tpu.memory_space<vmem>> -> memref<128xi32, #tpu.memory_space<vmem>>
      %dma_wait3A_311 = arith.constant 0 : i32
      %dma_wait3A_312 = arith.constant 0 : i32
      %dma_wait3A_313 = tpu.memref_slice %arg15[%dma_wait3A_311, %dma_wait3A_312] : memref<10112x128xf32, #tpu.memory_space<vmem_shared>> -> memref<10112x128xf32, #tpu.memory_space<vmem_shared>>
      tpu.wait_indirect_dma semaphore(%arg23 : memref<!tpu.dma_semaphore, #tpu.memory_space<semaphore_mem>>) src(%dma_wait3A_307 : memref<128x128xf32, #tpu.memory_space<vmem>>) dst(%dma_wait3A_313 : memref<10112x128xf32, #tpu.memory_space<vmem_shared>>)
      %dma_start3A_314 = arith.constant 2 : i32
      %dma_start3A_315 = arith.constant 0 : i32
      %dma_start3A_316 = arith.constant 0 : i32
      %dma_start3A_317 = arith.constant 0 : i32
      %dma_start3A_318 = tpu.memref_slice %arg11[%dma_start3A_315, %dma_start3A_316, %dma_start3A_317] : memref<2x128x128xf32, #tpu.memory_space<vmem>> -> memref<1x128x128xf32, #tpu.memory_space<vmem>>
      %dma_start3A_319 = tpu.memref_squeeze %dma_start3A_318 : memref<1x128x128xf32, #tpu.memory_space<vmem>> -> memref<128x128xf32, #tpu.memory_space<vmem>>
      %dma_start3A_320 = arith.constant 0 : i32
      %dma_start3A_321 = tpu.memref_slice %arg9[%rem3A_109, %dma_start3A_314, %dma_start3A_320] : memref<2x8x128xi32, #tpu.memory_space<vmem>> -> memref<1x1x128xi32, #tpu.memory_space<vmem>>
      %dma_start3A_322 = tpu.memref_squeeze %dma_start3A_321 : memref<1x1x128xi32, #tpu.memory_space<vmem>> -> memref<128xi32, #tpu.memory_space<vmem>>
      %dma_start3A_323 = arith.constant 0 : i32
      %dma_start3A_324 = arith.constant 0 : i32
      %dma_start3A_325 = tpu.memref_slice %arg2[%dma_start3A_323, %dma_start3A_324] : memref<2048x128xf32, #tpu.memory_space<hbm>> -> memref<2048x128xf32, #tpu.memory_space<hbm>>
      tpu.enqueue_indirect_dma source(%dma_start3A_325 : memref<2048x128xf32, #tpu.memory_space<hbm>>) target(%dma_start3A_319 : memref<128x128xf32, #tpu.memory_space<vmem>>) offsets(%dma_start3A_322 : memref<128xi32, #tpu.memory_space<vmem>>) semaphore(%arg18 : memref<!tpu.dma_semaphore, #tpu.memory_space<semaphore_mem>>)
      %add3A_326 = arith.constant 1 : i32
      %add3A_327 = arith.addi %scan3A_107, %add3A_326 : i32
      %rem3A_328 = arith.constant 10 : i32
      %rem3A_329 = arith.remsi %add3A_327, %rem3A_328 : i32
      %mul3A_330 = arith.constant 8 : i32
      %mul3A_331 = arith.muli %rem3A_329, %mul3A_330 : i32
      %add3A_332 = arith.addi %mul3A_2, %mul3A_331 : i32
      %sub3A = arith.constant 1 : i32
      %sub3A_333 = arith.subi %sub3A, %rem3A_109 : i32
      %dma_start3A_334 = arith.constant 0 : i32
      %dma_start3A_335 = arith.constant 0 : i32
      %dma_start3A_336 = tpu.memref_slice %arg9[%sub3A_333, %dma_start3A_334, %dma_start3A_335] : memref<2x8x128xi32, #tpu.memory_space<vmem>> -> memref<1x8x128xi32, #tpu.memory_space<vmem>>
      %dma_start3A_337 = tpu.memref_squeeze %dma_start3A_336 : memref<1x8x128xi32, #tpu.memory_space<vmem>> -> memref<8x128xi32, #tpu.memory_space<vmem>>
      %dma_start3A_338 = arith.constant 0 : i32
      %dma_start3A_339 = tpu.memref_slice %arg5[%add3A_332, %dma_start3A_338] : memref<2560x128xi32, #tpu.memory_space<hbm>> -> memref<8x128xi32, #tpu.memory_space<hbm>>
      %dma_start3A_340 = arith.constant 0 : i32
      %dma_start3A_341 = arith.constant 0 : i32
      %dma_start3A_342 = tpu.memref_slice %arg9[%sub3A_333, %dma_start3A_340, %dma_start3A_341] : memref<2x8x128xi32, #tpu.memory_space<vmem>> -> memref<1x8x128xi32, #tpu.memory_space<vmem>>
      %dma_start3A_343 = tpu.memref_squeeze %dma_start3A_342 : memref<1x8x128xi32, #tpu.memory_space<vmem>> -> memref<8x128xi32, #tpu.memory_space<vmem>>
      %dma_start3A_344 = arith.constant 0 : i32
      %dma_start3A_345 = tpu.memref_slice %arg5[%add3A_332, %dma_start3A_344] : memref<2560x128xi32, #tpu.memory_space<hbm>> -> memref<8x128xi32, #tpu.memory_space<hbm>>
      tpu.enqueue_dma source(%dma_start3A_345 : memref<8x128xi32, #tpu.memory_space<hbm>>) target(%dma_start3A_343 : memref<8x128xi32, #tpu.memory_space<vmem>>) target_semaphore(%arg17 : memref<!tpu.dma_semaphore, #tpu.memory_space<semaphore_mem>>)
      %sub3A_346 = arith.constant 1 : i32
      %sub3A_347 = arith.subi %sub3A_346, %rem3A_109 : i32
      %dma_start3A_348 = arith.constant 0 : i32
      %dma_start3A_349 = arith.constant 0 : i32
      %dma_start3A_350 = tpu.memref_slice %arg10[%sub3A_347, %dma_start3A_348, %dma_start3A_349] : memref<2x8x128xi32, #tpu.memory_space<vmem>> -> memref<1x8x128xi32, #tpu.memory_space<vmem>>
      %dma_start3A_351 = tpu.memref_squeeze %dma_start3A_350 : memref<1x8x128xi32, #tpu.memory_space<vmem>> -> memref<8x128xi32, #tpu.memory_space<vmem>>
      %dma_start3A_352 = arith.constant 0 : i32
      %dma_start3A_353 = tpu.memref_slice %arg6[%add3A_332, %dma_start3A_352] : memref<2560x128xi32, #tpu.memory_space<hbm>> -> memref<8x128xi32, #tpu.memory_space<hbm>>
      %dma_start3A_354 = arith.constant 0 : i32
      %dma_start3A_355 = arith.constant 0 : i32
      %dma_start3A_356 = tpu.memref_slice %arg10[%sub3A_347, %dma_start3A_354, %dma_start3A_355] : memref<2x8x128xi32, #tpu.memory_space<vmem>> -> memref<1x8x128xi32, #tpu.memory_space<vmem>>
      %dma_start3A_357 = tpu.memref_squeeze %dma_start3A_356 : memref<1x8x128xi32, #tpu.memory_space<vmem>> -> memref<8x128xi32, #tpu.memory_space<vmem>>
      %dma_start3A_358 = arith.constant 0 : i32
      %dma_start3A_359 = tpu.memref_slice %arg6[%add3A_332, %dma_start3A_358] : memref<2560x128xi32, #tpu.memory_space<hbm>> -> memref<8x128xi32, #tpu.memory_space<hbm>>
      tpu.enqueue_dma source(%dma_start3A_359 : memref<8x128xi32, #tpu.memory_space<hbm>>) target(%dma_start3A_357 : memref<8x128xi32, #tpu.memory_space<vmem>>) target_semaphore(%arg17 : memref<!tpu.dma_semaphore, #tpu.memory_space<semaphore_mem>>)
      %dma_wait3A_360 = arith.constant 1 : i32
      %dma_wait3A_361 = arith.constant 1 : i32
      %dma_wait3A_362 = arith.constant 0 : i32
      %dma_wait3A_363 = arith.constant 0 : i32
      %dma_wait3A_364 = tpu.memref_slice %arg11[%dma_wait3A_361, %dma_wait3A_362, %dma_wait3A_363] : memref<2x128x128xf32, #tpu.memory_space<vmem>> -> memref<1x128x128xf32, #tpu.memory_space<vmem>>
      %dma_wait3A_365 = tpu.memref_squeeze %dma_wait3A_364 : memref<1x128x128xf32, #tpu.memory_space<vmem>> -> memref<128x128xf32, #tpu.memory_space<vmem>>
      %dma_wait3A_366 = arith.constant 0 : i32
      %dma_wait3A_367 = tpu.memref_slice %arg9[%rem3A_109, %dma_wait3A_360, %dma_wait3A_366] : memref<2x8x128xi32, #tpu.memory_space<vmem>> -> memref<1x1x128xi32, #tpu.memory_space<vmem>>
      %dma_wait3A_368 = tpu.memref_squeeze %dma_wait3A_367 : memref<1x1x128xi32, #tpu.memory_space<vmem>> -> memref<128xi32, #tpu.memory_space<vmem>>
      %dma_wait3A_369 = arith.constant 0 : i32
      %dma_wait3A_370 = arith.constant 0 : i32
      %dma_wait3A_371 = tpu.memref_slice %arg2[%dma_wait3A_369, %dma_wait3A_370] : memref<2048x128xf32, #tpu.memory_space<hbm>> -> memref<2048x128xf32, #tpu.memory_space<hbm>>
      tpu.wait_indirect_dma semaphore(%arg19 : memref<!tpu.dma_semaphore, #tpu.memory_space<semaphore_mem>>) src(%dma_wait3A_371 : memref<2048x128xf32, #tpu.memory_space<hbm>>) dst(%dma_wait3A_365 : memref<128x128xf32, #tpu.memory_space<vmem>>)
      %dma_start3A_372 = arith.constant 1 : i32
      %dma_start3A_373 = arith.constant 1 : i32
      %dma_start3A_374 = arith.constant 0 : i32
      %dma_start3A_375 = arith.constant 0 : i32
      %dma_start3A_376 = tpu.memref_slice %arg11[%dma_start3A_372, %dma_start3A_374, %dma_start3A_375] : memref<2x128x128xf32, #tpu.memory_space<vmem>> -> memref<1x128x128xf32, #tpu.memory_space<vmem>>
      %dma_start3A_377 = tpu.memref_squeeze %dma_start3A_376 : memref<1x128x128xf32, #tpu.memory_space<vmem>> -> memref<128x128xf32, #tpu.memory_space<vmem>>
      %dma_start3A_378 = arith.constant 0 : i32
      %dma_start3A_379 = tpu.memref_slice %arg10[%rem3A_109, %dma_start3A_373, %dma_start3A_378] : memref<2x8x128xi32, #tpu.memory_space<vmem>> -> memref<1x1x128xi32, #tpu.memory_space<vmem>>
      %dma_start3A_380 = tpu.memref_squeeze %dma_start3A_379 : memref<1x1x128xi32, #tpu.memory_space<vmem>> -> memref<128xi32, #tpu.memory_space<vmem>>
      %dma_start3A_381 = arith.constant 0 : i32
      %dma_start3A_382 = arith.constant 0 : i32
      %dma_start3A_383 = tpu.memref_slice %arg15[%dma_start3A_381, %dma_start3A_382] : memref<10112x128xf32, #tpu.memory_space<vmem_shared>> -> memref<10112x128xf32, #tpu.memory_space<vmem_shared>>
      tpu.enqueue_indirect_dma source(%dma_start3A_377 : memref<128x128xf32, #tpu.memory_space<vmem>>) target(%dma_start3A_383 : memref<10112x128xf32, #tpu.memory_space<vmem_shared>>) offsets(%dma_start3A_380 : memref<128xi32, #tpu.memory_space<vmem>>) semaphore(%arg24 : memref<!tpu.dma_semaphore, #tpu.memory_space<semaphore_mem>>) {add = true}
      %get3A_384 = arith.constant 1 : i32
      %get3A_385 = arith.index_cast %rem3A_109 : i32 to index
      %get3A_386 = arith.index_cast %get3A_384 : i32 to index
      %get3A_387 = arith.constant 0 : index
      %get3A_388 = tpu.vector_load %arg9[%get3A_385, %get3A_386, %get3A_387] {strides = array<i32>} : memref<2x8x128xi32, #tpu.memory_space<vmem>>, vector<16xi32>,
      %gather3A_389 = tpu.vector_load_idx %arg12[%get3A_388] : memref<2048xf32, #tpu.memory_space<vmem>>[vector<16xi32>], vector<16xf32>,
      %get3A_390 = arith.constant 1 : i32
      %get3A_391 = arith.index_cast %rem3A_109 : i32 to index
      %get3A_392 = arith.index_cast %get3A_390 : i32 to index
      %get3A_393 = arith.constant 0 : index
      %get3A_394 = tpu.vector_load %arg10[%get3A_391, %get3A_392, %get3A_393] {strides = array<i32>} : memref<2x8x128xi32, #tpu.memory_space<vmem>>, vector<16xi32>,
      %gather3A_395 = tpu.vector_load_idx %arg13[%get3A_394] : memref<10112xf32, #tpu.memory_space<vmem>>[vector<16xi32>], vector<16xf32>,
      %mul3A_396 = arith.mulf %gather3A_389, %gather3A_395 : vector<16xf32>
      %add3A_397 = arith.addf %add3A_301, %mul3A_396 : vector<16xf32>
      %get3A_398 = arith.constant 1 : i32
      %get3A_399 = arith.index_cast %rem3A_109 : i32 to index
      %get3A_400 = arith.index_cast %get3A_398 : i32 to index
      %get3A_401 = arith.constant 16 : index
      %get3A_402 = tpu.vector_load %arg9[%get3A_399, %get3A_400, %get3A_401] {strides = array<i32>} : memref<2x8x128xi32, #tpu.memory_space<vmem>>, vector<16xi32>,
      %gather3A_403 = tpu.vector_load_idx %arg12[%get3A_402] : memref<2048xf32, #tpu.memory_space<vmem>>[vector<16xi32>], vector<16xf32>,
      %get3A_404 = arith.constant 1 : i32
      %get3A_405 = arith.index_cast %rem3A_109 : i32 to index
      %get3A_406 = arith.index_cast %get3A_404 : i32 to index
      %get3A_407 = arith.constant 16 : index
      %get3A_408 = tpu.vector_load %arg10[%get3A_405, %get3A_406, %get3A_407] {strides = array<i32>} : memref<2x8x128xi32, #tpu.memory_space<vmem>>, vector<16xi32>,
      %gather3A_409 = tpu.vector_load_idx %arg13[%get3A_408] : memref<10112xf32, #tpu.memory_space<vmem>>[vector<16xi32>], vector<16xf32>,
      %mul3A_410 = arith.mulf %gather3A_403, %gather3A_409 : vector<16xf32>
      %add3A_411 = arith.addf %add3A_397, %mul3A_410 : vector<16xf32>
      %get3A_412 = arith.constant 1 : i32
      %get3A_413 = arith.index_cast %rem3A_109 : i32 to index
      %get3A_414 = arith.index_cast %get3A_412 : i32 to index
      %get3A_415 = arith.constant 32 : index
      %get3A_416 = tpu.vector_load %arg9[%get3A_413, %get3A_414, %get3A_415] {strides = array<i32>} : memref<2x8x128xi32, #tpu.memory_space<vmem>>, vector<16xi32>,
      %gather3A_417 = tpu.vector_load_idx %arg12[%get3A_416] : memref<2048xf32, #tpu.memory_space<vmem>>[vector<16xi32>], vector<16xf32>,
      %get3A_418 = arith.constant 1 : i32
      %get3A_419 = arith.index_cast %rem3A_109 : i32 to index
      %get3A_420 = arith.index_cast %get3A_418 : i32 to index
      %get3A_421 = arith.constant 32 : index
      %get3A_422 = tpu.vector_load %arg10[%get3A_419, %get3A_420, %get3A_421] {strides = array<i32>} : memref<2x8x128xi32, #tpu.memory_space<vmem>>, vector<16xi32>,
      %gather3A_423 = tpu.vector_load_idx %arg13[%get3A_422] : memref<10112xf32, #tpu.memory_space<vmem>>[vector<16xi32>], vector<16xf32>,
      %mul3A_424 = arith.mulf %gather3A_417, %gather3A_423 : vector<16xf32>
      %add3A_425 = arith.addf %add3A_411, %mul3A_424 : vector<16xf32>
      %get3A_426 = arith.constant 1 : i32
      %get3A_427 = arith.index_cast %rem3A_109 : i32 to index
      %get3A_428 = arith.index_cast %get3A_426 : i32 to index
      %get3A_429 = arith.constant 48 : index
      %get3A_430 = tpu.vector_load %arg9[%get3A_427, %get3A_428, %get3A_429] {strides = array<i32>} : memref<2x8x128xi32, #tpu.memory_space<vmem>>, vector<16xi32>,
      %gather3A_431 = tpu.vector_load_idx %arg12[%get3A_430] : memref<2048xf32, #tpu.memory_space<vmem>>[vector<16xi32>], vector<16xf32>,
      %get3A_432 = arith.constant 1 : i32
      %get3A_433 = arith.index_cast %rem3A_109 : i32 to index
      %get3A_434 = arith.index_cast %get3A_432 : i32 to index
      %get3A_435 = arith.constant 48 : index
      %get3A_436 = tpu.vector_load %arg10[%get3A_433, %get3A_434, %get3A_435] {strides = array<i32>} : memref<2x8x128xi32, #tpu.memory_space<vmem>>, vector<16xi32>,
      %gather3A_437 = tpu.vector_load_idx %arg13[%get3A_436] : memref<10112xf32, #tpu.memory_space<vmem>>[vector<16xi32>], vector<16xf32>,
      %mul3A_438 = arith.mulf %gather3A_431, %gather3A_437 : vector<16xf32>
      %add3A_439 = arith.addf %add3A_425, %mul3A_438 : vector<16xf32>
      %get3A_440 = arith.constant 1 : i32
      %get3A_441 = arith.index_cast %rem3A_109 : i32 to index
      %get3A_442 = arith.index_cast %get3A_440 : i32 to index
      %get3A_443 = arith.constant 64 : index
      %get3A_444 = tpu.vector_load %arg9[%get3A_441, %get3A_442, %get3A_443] {strides = array<i32>} : memref<2x8x128xi32, #tpu.memory_space<vmem>>, vector<16xi32>,
      %gather3A_445 = tpu.vector_load_idx %arg12[%get3A_444] : memref<2048xf32, #tpu.memory_space<vmem>>[vector<16xi32>], vector<16xf32>,
      %get3A_446 = arith.constant 1 : i32
      %get3A_447 = arith.index_cast %rem3A_109 : i32 to index
      %get3A_448 = arith.index_cast %get3A_446 : i32 to index
      %get3A_449 = arith.constant 64 : index
      %get3A_450 = tpu.vector_load %arg10[%get3A_447, %get3A_448, %get3A_449] {strides = array<i32>} : memref<2x8x128xi32, #tpu.memory_space<vmem>>, vector<16xi32>,
      %gather3A_451 = tpu.vector_load_idx %arg13[%get3A_450] : memref<10112xf32, #tpu.memory_space<vmem>>[vector<16xi32>], vector<16xf32>,
      %mul3A_452 = arith.mulf %gather3A_445, %gather3A_451 : vector<16xf32>
      %add3A_453 = arith.addf %add3A_439, %mul3A_452 : vector<16xf32>
      %get3A_454 = arith.constant 1 : i32
      %get3A_455 = arith.index_cast %rem3A_109 : i32 to index
      %get3A_456 = arith.index_cast %get3A_454 : i32 to index
      %get3A_457 = arith.constant 80 : index
      %get3A_458 = tpu.vector_load %arg9[%get3A_455, %get3A_456, %get3A_457] {strides = array<i32>} : memref<2x8x128xi32, #tpu.memory_space<vmem>>, vector<16xi32>,
      %gather3A_459 = tpu.vector_load_idx %arg12[%get3A_458] : memref<2048xf32, #tpu.memory_space<vmem>>[vector<16xi32>], vector<16xf32>,
      %get3A_460 = arith.constant 1 : i32
      %get3A_461 = arith.index_cast %rem3A_109 : i32 to index
      %get3A_462 = arith.index_cast %get3A_460 : i32 to index
      %get3A_463 = arith.constant 80 : index
      %get3A_464 = tpu.vector_load %arg10[%get3A_461, %get3A_462, %get3A_463] {strides = array<i32>} : memref<2x8x128xi32, #tpu.memory_space<vmem>>, vector<16xi32>,
      %gather3A_465 = tpu.vector_load_idx %arg13[%get3A_464] : memref<10112xf32, #tpu.memory_space<vmem>>[vector<16xi32>], vector<16xf32>,
      %mul3A_466 = arith.mulf %gather3A_459, %gather3A_465 : vector<16xf32>
      %add3A_467 = arith.addf %add3A_453, %mul3A_466 : vector<16xf32>
      %get3A_468 = arith.constant 1 : i32
      %get3A_469 = arith.index_cast %rem3A_109 : i32 to index
      %get3A_470 = arith.index_cast %get3A_468 : i32 to index
      %get3A_471 = arith.constant 96 : index
      %get3A_472 = tpu.vector_load %arg9[%get3A_469, %get3A_470, %get3A_471] {strides = array<i32>} : memref<2x8x128xi32, #tpu.memory_space<vmem>>, vector<16xi32>,
      %gather3A_473 = tpu.vector_load_idx %arg12[%get3A_472] : memref<2048xf32, #tpu.memory_space<vmem>>[vector<16xi32>], vector<16xf32>,
      %get3A_474 = arith.constant 1 : i32
      %get3A_475 = arith.index_cast %rem3A_109 : i32 to index
      %get3A_476 = arith.index_cast %get3A_474 : i32 to index
      %get3A_477 = arith.constant 96 : index
      %get3A_478 = tpu.vector_load %arg10[%get3A_475, %get3A_476, %get3A_477] {strides = array<i32>} : memref<2x8x128xi32, #tpu.memory_space<vmem>>, vector<16xi32>,
      %gather3A_479 = tpu.vector_load_idx %arg13[%get3A_478] : memref<10112xf32, #tpu.memory_space<vmem>>[vector<16xi32>], vector<16xf32>,
      %mul3A_480 = arith.mulf %gather3A_473, %gather3A_479 : vector<16xf32>
      %add3A_481 = arith.addf %add3A_467, %mul3A_480 : vector<16xf32>
      %get3A_482 = arith.constant 1 : i32
      %get3A_483 = arith.index_cast %rem3A_109 : i32 to index
      %get3A_484 = arith.index_cast %get3A_482 : i32 to index
      %get3A_485 = arith.constant 112 : index
      %get3A_486 = tpu.vector_load %arg9[%get3A_483, %get3A_484, %get3A_485] {strides = array<i32>} : memref<2x8x128xi32, #tpu.memory_space<vmem>>, vector<16xi32>,
      %gather3A_487 = tpu.vector_load_idx %arg12[%get3A_486] : memref<2048xf32, #tpu.memory_space<vmem>>[vector<16xi32>], vector<16xf32>,
      %get3A_488 = arith.constant 1 : i32
      %get3A_489 = arith.index_cast %rem3A_109 : i32 to index
      %get3A_490 = arith.index_cast %get3A_488 : i32 to index
      %get3A_491 = arith.constant 112 : index
      %get3A_492 = tpu.vector_load %arg10[%get3A_489, %get3A_490, %get3A_491] {strides = array<i32>} : memref<2x8x128xi32, #tpu.memory_space<vmem>>, vector<16xi32>,
      %gather3A_493 = tpu.vector_load_idx %arg13[%get3A_492] : memref<10112xf32, #tpu.memory_space<vmem>>[vector<16xi32>], vector<16xf32>,
      %mul3A_494 = arith.mulf %gather3A_487, %gather3A_493 : vector<16xf32>
      %add3A_495 = arith.addf %add3A_481, %mul3A_494 : vector<16xf32>
      %dma_wait3A_496 = arith.constant 1 : i32
      %dma_wait3A_497 = arith.constant 1 : i32
      %dma_wait3A_498 = arith.constant 0 : i32
      %dma_wait3A_499 = arith.constant 0 : i32
      %dma_wait3A_500 = tpu.memref_slice %arg11[%dma_wait3A_496, %dma_wait3A_498, %dma_wait3A_499] : memref<2x128x128xf32, #tpu.memory_space<vmem>> -> memref<1x128x128xf32, #tpu.memory_space<vmem>>
      %dma_wait3A_501 = tpu.memref_squeeze %dma_wait3A_500 : memref<1x128x128xf32, #tpu.memory_space<vmem>> -> memref<128x128xf32, #tpu.memory_space<vmem>>
      %dma_wait3A_502 = arith.constant 0 : i32
      %dma_wait3A_503 = tpu.memref_slice %arg10[%rem3A_109, %dma_wait3A_497, %dma_wait3A_502] : memref<2x8x128xi32, #tpu.memory_space<vmem>> -> memref<1x1x128xi32, #tpu.memory_space<vmem>>
      %dma_wait3A_504 = tpu.memref_squeeze %dma_wait3A_503 : memref<1x1x128xi32, #tpu.memory_space<vmem>> -> memref<128xi32, #tpu.memory_space<vmem>>
      %dma_wait3A_505 = arith.constant 0 : i32
      %dma_wait3A_506 = arith.constant 0 : i32
      %dma_wait3A_507 = tpu.memref_slice %arg15[%dma_wait3A_505, %dma_wait3A_506] : memref<10112x128xf32, #tpu.memory_space<vmem_shared>> -> memref<10112x128xf32, #tpu.memory_space<vmem_shared>>
      tpu.wait_indirect_dma semaphore(%arg24 : memref<!tpu.dma_semaphore, #tpu.memory_space<semaphore_mem>>) src(%dma_wait3A_501 : memref<128x128xf32, #tpu.memory_space<vmem>>) dst(%dma_wait3A_507 : memref<10112x128xf32, #tpu.memory_space<vmem_shared>>)
      %dma_start3A_508 = arith.constant 3 : i32
      %dma_start3A_509 = arith.constant 1 : i32
      %dma_start3A_510 = arith.constant 0 : i32
      %dma_start3A_511 = arith.constant 0 : i32
      %dma_start3A_512 = tpu.memref_slice %arg11[%dma_start3A_509, %dma_start3A_510, %dma_start3A_511] : memref<2x128x128xf32, #tpu.memory_space<vmem>> -> memref<1x128x128xf32, #tpu.memory_space<vmem>>
      %dma_start3A_513 = tpu.memref_squeeze %dma_start3A_512 : memref<1x128x128xf32, #tpu.memory_space<vmem>> -> memref<128x128xf32, #tpu.memory_space<vmem>>
      %dma_start3A_514 = arith.constant 0 : i32
      %dma_start3A_515 = tpu.memref_slice %arg9[%rem3A_109, %dma_start3A_508, %dma_start3A_514] : memref<2x8x128xi32, #tpu.memory_space<vmem>> -> memref<1x1x128xi32, #tpu.memory_space<vmem>>
      %dma_start3A_516 = tpu.memref_squeeze %dma_start3A_515 : memref<1x1x128xi32, #tpu.memory_space<vmem>> -> memref<128xi32, #tpu.memory_space<vmem>>
      %dma_start3A_517 = arith.constant 0 : i32
      %dma_start3A_518 = arith.constant 0 : i32
      %dma_start3A_519 = tpu.memref_slice %arg2[%dma_start3A_517, %dma_start3A_518] : memref<2048x128xf32, #tpu.memory_space<hbm>> -> memref<2048x128xf32, #tpu.memory_space<hbm>>
      tpu.enqueue_indirect_dma source(%dma_start3A_519 : memref<2048x128xf32, #tpu.memory_space<hbm>>) target(%dma_start3A_513 : memref<128x128xf32, #tpu.memory_space<vmem>>) offsets(%dma_start3A_516 : memref<128xi32, #tpu.memory_space<vmem>>) semaphore(%arg19 : memref<!tpu.dma_semaphore, #tpu.memory_space<semaphore_mem>>)
      %dma_wait3A_520 = arith.constant 2 : i32
      %dma_wait3A_521 = arith.constant 0 : i32
      %dma_wait3A_522 = arith.constant 0 : i32
      %dma_wait3A_523 = arith.constant 0 : i32
      %dma_wait3A_524 = tpu.memref_slice %arg11[%dma_wait3A_521, %dma_wait3A_522, %dma_wait3A_523] : memref<2x128x128xf32, #tpu.memory_space<vmem>> -> memref<1x128x128xf32, #tpu.memory_space<vmem>>
      %dma_wait3A_525 = tpu.memref_squeeze %dma_wait3A_524 : memref<1x128x128xf32, #tpu.memory_space<vmem>> -> memref<128x128xf32, #tpu.memory_space<vmem>>
      %dma_wait3A_526 = arith.constant 0 : i32
      %dma_wait3A_527 = tpu.memref_slice %arg9[%rem3A_109, %dma_wait3A_520, %dma_wait3A_526] : memref<2x8x128xi32, #tpu.memory_space<vmem>> -> memref<1x1x128xi32, #tpu.memory_space<vmem>>
      %dma_wait3A_528 = tpu.memref_squeeze %dma_wait3A_527 : memref<1x1x128xi32, #tpu.memory_space<vmem>> -> memref<128xi32, #tpu.memory_space<vmem>>
      %dma_wait3A_529 = arith.constant 0 : i32
      %dma_wait3A_530 = arith.constant 0 : i32
      %dma_wait3A_531 = tpu.memref_slice %arg2[%dma_wait3A_529, %dma_wait3A_530] : memref<2048x128xf32, #tpu.memory_space<hbm>> -> memref<2048x128xf32, #tpu.memory_space<hbm>>
      tpu.wait_indirect_dma semaphore(%arg18 : memref<!tpu.dma_semaphore, #tpu.memory_space<semaphore_mem>>) src(%dma_wait3A_531 : memref<2048x128xf32, #tpu.memory_space<hbm>>) dst(%dma_wait3A_525 : memref<128x128xf32, #tpu.memory_space<vmem>>)
      %dma_start3A_532 = arith.constant 0 : i32
      %dma_start3A_533 = arith.constant 2 : i32
      %dma_start3A_534 = arith.constant 0 : i32
      %dma_start3A_535 = arith.constant 0 : i32
      %dma_start3A_536 = tpu.memref_slice %arg11[%dma_start3A_532, %dma_start3A_534, %dma_start3A_535] : memref<2x128x128xf32, #tpu.memory_space<vmem>> -> memref<1x128x128xf32, #tpu.memory_space<vmem>>
      %dma_start3A_537 = tpu.memref_squeeze %dma_start3A_536 : memref<1x128x128xf32, #tpu.memory_space<vmem>> -> memref<128x128xf32, #tpu.memory_space<vmem>>
      %dma_start3A_538 = arith.constant 0 : i32
      %dma_start3A_539 = tpu.memref_slice %arg10[%rem3A_109, %dma_start3A_533, %dma_start3A_538] : memref<2x8x128xi32, #tpu.memory_space<vmem>> -> memref<1x1x128xi32, #tpu.memory_space<vmem>>
      %dma_start3A_540 = tpu.memref_squeeze %dma_start3A_539 : memref<1x1x128xi32, #tpu.memory_space<vmem>> -> memref<128xi32, #tpu.memory_space<vmem>>
      %dma_start3A_541 = arith.constant 0 : i32
      %dma_start3A_542 = arith.constant 0 : i32
      %dma_start3A_543 = tpu.memref_slice %arg15[%dma_start3A_541, %dma_start3A_542] : memref<10112x128xf32, #tpu.memory_space<vmem_shared>> -> memref<10112x128xf32, #tpu.memory_space<vmem_shared>>
      tpu.enqueue_indirect_dma source(%dma_start3A_537 : memref<128x128xf32, #tpu.memory_space<vmem>>) target(%dma_start3A_543 : memref<10112x128xf32, #tpu.memory_space<vmem_shared>>) offsets(%dma_start3A_540 : memref<128xi32, #tpu.memory_space<vmem>>) semaphore(%arg23 : memref<!tpu.dma_semaphore, #tpu.memory_space<semaphore_mem>>) {add = true}
      %get3A_544 = arith.constant 2 : i32
      %get3A_545 = arith.index_cast %rem3A_109 : i32 to index
      %get3A_546 = arith.index_cast %get3A_544 : i32 to index
      %get3A_547 = arith.constant 0 : index
      %get3A_548 = tpu.vector_load %arg9[%get3A_545, %get3A_546, %get3A_547] {strides = array<i32>} : memref<2x8x128xi32, #tpu.memory_space<vmem>>, vector<16xi32>,
      %gather3A_549 = tpu.vector_load_idx %arg12[%get3A_548] : memref<2048xf32, #tpu.memory_space<vmem>>[vector<16xi32>], vector<16xf32>,
      %get3A_550 = arith.constant 2 : i32
      %get3A_551 = arith.index_cast %rem3A_109 : i32 to index
      %get3A_552 = arith.index_cast %get3A_550 : i32 to index
      %get3A_553 = arith.constant 0 : index
      %get3A_554 = tpu.vector_load %arg10[%get3A_551, %get3A_552, %get3A_553] {strides = array<i32>} : memref<2x8x128xi32, #tpu.memory_space<vmem>>, vector<16xi32>,
      %gather3A_555 = tpu.vector_load_idx %arg13[%get3A_554] : memref<10112xf32, #tpu.memory_space<vmem>>[vector<16xi32>], vector<16xf32>,
      %mul3A_556 = arith.mulf %gather3A_549, %gather3A_555 : vector<16xf32>
      %add3A_557 = arith.addf %add3A_495, %mul3A_556 : vector<16xf32>
      %get3A_558 = arith.constant 2 : i32
      %get3A_559 = arith.index_cast %rem3A_109 : i32 to index
      %get3A_560 = arith.index_cast %get3A_558 : i32 to index
      %get3A_561 = arith.constant 16 : index
      %get3A_562 = tpu.vector_load %arg9[%get3A_559, %get3A_560, %get3A_561] {strides = array<i32>} : memref<2x8x128xi32, #tpu.memory_space<vmem>>, vector<16xi32>,
      %gather3A_563 = tpu.vector_load_idx %arg12[%get3A_562] : memref<2048xf32, #tpu.memory_space<vmem>>[vector<16xi32>], vector<16xf32>,
      %get3A_564 = arith.constant 2 : i32
      %get3A_565 = arith.index_cast %rem3A_109 : i32 to index
      %get3A_566 = arith.index_cast %get3A_564 : i32 to index
      %get3A_567 = arith.constant 16 : index
      %get3A_568 = tpu.vector_load %arg10[%get3A_565, %get3A_566, %get3A_567] {strides = array<i32>} : memref<2x8x128xi32, #tpu.memory_space<vmem>>, vector<16xi32>,
      %gather3A_569 = tpu.vector_load_idx %arg13[%get3A_568] : memref<10112xf32, #tpu.memory_space<vmem>>[vector<16xi32>], vector<16xf32>,
      %mul3A_570 = arith.mulf %gather3A_563, %gather3A_569 : vector<16xf32>
      %add3A_571 = arith.addf %add3A_557, %mul3A_570 : vector<16xf32>
      %get3A_572 = arith.constant 2 : i32
      %get3A_573 = arith.index_cast %rem3A_109 : i32 to index
      %get3A_574 = arith.index_cast %get3A_572 : i32 to index
      %get3A_575 = arith.constant 32 : index
      %get3A_576 = tpu.vector_load %arg9[%get3A_573, %get3A_574, %get3A_575] {strides = array<i32>} : memref<2x8x128xi32, #tpu.memory_space<vmem>>, vector<16xi32>,
      %gather3A_577 = tpu.vector_load_idx %arg12[%get3A_576] : memref<2048xf32, #tpu.memory_space<vmem>>[vector<16xi32>], vector<16xf32>,
      %get3A_578 = arith.constant 2 : i32
      %get3A_579 = arith.index_cast %rem3A_109 : i32 to index
      %get3A_580 = arith.index_cast %get3A_578 : i32 to index
      %get3A_581 = arith.constant 32 : index
      %get3A_582 = tpu.vector_load %arg10[%get3A_579, %get3A_580, %get3A_581] {strides = array<i32>} : memref<2x8x128xi32, #tpu.memory_space<vmem>>, vector<16xi32>,
      %gather3A_583 = tpu.vector_load_idx %arg13[%get3A_582] : memref<10112xf32, #tpu.memory_space<vmem>>[vector<16xi32>], vector<16xf32>,
      %mul3A_584 = arith.mulf %gather3A_577, %gather3A_583 : vector<16xf32>
      %add3A_585 = arith.addf %add3A_571, %mul3A_584 : vector<16xf32>
      %get3A_586 = arith.constant 2 : i32
      %get3A_587 = arith.index_cast %rem3A_109 : i32 to index
      %get3A_588 = arith.index_cast %get3A_586 : i32 to index
      %get3A_589 = arith.constant 48 : index
      %get3A_590 = tpu.vector_load %arg9[%get3A_587, %get3A_588, %get3A_589] {strides = array<i32>} : memref<2x8x128xi32, #tpu.memory_space<vmem>>, vector<16xi32>,
      %gather3A_591 = tpu.vector_load_idx %arg12[%get3A_590] : memref<2048xf32, #tpu.memory_space<vmem>>[vector<16xi32>], vector<16xf32>,
      %get3A_592 = arith.constant 2 : i32
      %get3A_593 = arith.index_cast %rem3A_109 : i32 to index
      %get3A_594 = arith.index_cast %get3A_592 : i32 to index
      %get3A_595 = arith.constant 48 : index
      %get3A_596 = tpu.vector_load %arg10[%get3A_593, %get3A_594, %get3A_595] {strides = array<i32>} : memref<2x8x128xi32, #tpu.memory_space<vmem>>, vector<16xi32>,
      %gather3A_597 = tpu.vector_load_idx %arg13[%get3A_596] : memref<10112xf32, #tpu.memory_space<vmem>>[vector<16xi32>], vector<16xf32>,
      %mul3A_598 = arith.mulf %gather3A_591, %gather3A_597 : vector<16xf32>
      %add3A_599 = arith.addf %add3A_585, %mul3A_598 : vector<16xf32>
      %get3A_600 = arith.constant 2 : i32
      %get3A_601 = arith.index_cast %rem3A_109 : i32 to index
      %get3A_602 = arith.index_cast %get3A_600 : i32 to index
      %get3A_603 = arith.constant 64 : index
      %get3A_604 = tpu.vector_load %arg9[%get3A_601, %get3A_602, %get3A_603] {strides = array<i32>} : memref<2x8x128xi32, #tpu.memory_space<vmem>>, vector<16xi32>,
      %gather3A_605 = tpu.vector_load_idx %arg12[%get3A_604] : memref<2048xf32, #tpu.memory_space<vmem>>[vector<16xi32>], vector<16xf32>,
      %get3A_606 = arith.constant 2 : i32
      %get3A_607 = arith.index_cast %rem3A_109 : i32 to index
      %get3A_608 = arith.index_cast %get3A_606 : i32 to index
      %get3A_609 = arith.constant 64 : index
      %get3A_610 = tpu.vector_load %arg10[%get3A_607, %get3A_608, %get3A_609] {strides = array<i32>} : memref<2x8x128xi32, #tpu.memory_space<vmem>>, vector<16xi32>,
      %gather3A_611 = tpu.vector_load_idx %arg13[%get3A_610] : memref<10112xf32, #tpu.memory_space<vmem>>[vector<16xi32>], vector<16xf32>,
      %mul3A_612 = arith.mulf %gather3A_605, %gather3A_611 : vector<16xf32>
      %add3A_613 = arith.addf %add3A_599, %mul3A_612 : vector<16xf32>
      %get3A_614 = arith.constant 2 : i32
      %get3A_615 = arith.index_cast %rem3A_109 : i32 to index
      %get3A_616 = arith.index_cast %get3A_614 : i32 to index
      %get3A_617 = arith.constant 80 : index
      %get3A_618 = tpu.vector_load %arg9[%get3A_615, %get3A_616, %get3A_617] {strides = array<i32>} : memref<2x8x128xi32, #tpu.memory_space<vmem>>, vector<16xi32>,
      %gather3A_619 = tpu.vector_load_idx %arg12[%get3A_618] : memref<2048xf32, #tpu.memory_space<vmem>>[vector<16xi32>], vector<16xf32>,
      %get3A_620 = arith.constant 2 : i32
      %get3A_621 = arith.index_cast %rem3A_109 : i32 to index
      %get3A_622 = arith.index_cast %get3A_620 : i32 to index
      %get3A_623 = arith.constant 80 : index
      %get3A_624 = tpu.vector_load %arg10[%get3A_621, %get3A_622, %get3A_623] {strides = array<i32>} : memref<2x8x128xi32, #tpu.memory_space<vmem>>, vector<16xi32>,
      %gather3A_625 = tpu.vector_load_idx %arg13[%get3A_624] : memref<10112xf32, #tpu.memory_space<vmem>>[vector<16xi32>], vector<16xf32>,
      %mul3A_626 = arith.mulf %gather3A_619, %gather3A_625 : vector<16xf32>
      %add3A_627 = arith.addf %add3A_613, %mul3A_626 : vector<16xf32>
      %get3A_628 = arith.constant 2 : i32
      %get3A_629 = arith.index_cast %rem3A_109 : i32 to index
      %get3A_630 = arith.index_cast %get3A_628 : i32 to index
      %get3A_631 = arith.constant 96 : index
      %get3A_632 = tpu.vector_load %arg9[%get3A_629, %get3A_630, %get3A_631] {strides = array<i32>} : memref<2x8x128xi32, #tpu.memory_space<vmem>>, vector<16xi32>,
      %gather3A_633 = tpu.vector_load_idx %arg12[%get3A_632] : memref<2048xf32, #tpu.memory_space<vmem>>[vector<16xi32>], vector<16xf32>,
      %get3A_634 = arith.constant 2 : i32
      %get3A_635 = arith.index_cast %rem3A_109 : i32 to index
      %get3A_636 = arith.index_cast %get3A_634 : i32 to index
      %get3A_637 = arith.constant 96 : index
      %get3A_638 = tpu.vector_load %arg10[%get3A_635, %get3A_636, %get3A_637] {strides = array<i32>} : memref<2x8x128xi32, #tpu.memory_space<vmem>>, vector<16xi32>,
      %gather3A_639 = tpu.vector_load_idx %arg13[%get3A_638] : memref<10112xf32, #tpu.memory_space<vmem>>[vector<16xi32>], vector<16xf32>,
      %mul3A_640 = arith.mulf %gather3A_633, %gather3A_639 : vector<16xf32>
      %add3A_641 = arith.addf %add3A_627, %mul3A_640 : vector<16xf32>
      %get3A_642 = arith.constant 2 : i32
      %get3A_643 = arith.index_cast %rem3A_109 : i32 to index
      %get3A_644 = arith.index_cast %get3A_642 : i32 to index
      %get3A_645 = arith.constant 112 : index
      %get3A_646 = tpu.vector_load %arg9[%get3A_643, %get3A_644, %get3A_645] {strides = array<i32>} : memref<2x8x128xi32, #tpu.memory_space<vmem>>, vector<16xi32>,
      %gather3A_647 = tpu.vector_load_idx %arg12[%get3A_646] : memref<2048xf32, #tpu.memory_space<vmem>>[vector<16xi32>], vector<16xf32>,
      %get3A_648 = arith.constant 2 : i32
      %get3A_649 = arith.index_cast %rem3A_109 : i32 to index
      %get3A_650 = arith.index_cast %get3A_648 : i32 to index
      %get3A_651 = arith.constant 112 : index
      %get3A_652 = tpu.vector_load %arg10[%get3A_649, %get3A_650, %get3A_651] {strides = array<i32>} : memref<2x8x128xi32, #tpu.memory_space<vmem>>, vector<16xi32>,
      %gather3A_653 = tpu.vector_load_idx %arg13[%get3A_652] : memref<10112xf32, #tpu.memory_space<vmem>>[vector<16xi32>], vector<16xf32>,
      %mul3A_654 = arith.mulf %gather3A_647, %gather3A_653 : vector<16xf32>
      %add3A_655 = arith.addf %add3A_641, %mul3A_654 : vector<16xf32>
      %dma_wait3A_656 = arith.constant 0 : i32
      %dma_wait3A_657 = arith.constant 2 : i32
      %dma_wait3A_658 = arith.constant 0 : i32
      %dma_wait3A_659 = arith.constant 0 : i32
      %dma_wait3A_660 = tpu.memref_slice %arg11[%dma_wait3A_656, %dma_wait3A_658, %dma_wait3A_659] : memref<2x128x128xf32, #tpu.memory_space<vmem>> -> memref<1x128x128xf32, #tpu.memory_space<vmem>>
      %dma_wait3A_661 = tpu.memref_squeeze %dma_wait3A_660 : memref<1x128x128xf32, #tpu.memory_space<vmem>> -> memref<128x128xf32, #tpu.memory_space<vmem>>
      %dma_wait3A_662 = arith.constant 0 : i32
      %dma_wait3A_663 = tpu.memref_slice %arg10[%rem3A_109, %dma_wait3A_657, %dma_wait3A_662] : memref<2x8x128xi32, #tpu.memory_space<vmem>> -> memref<1x1x128xi32, #tpu.memory_space<vmem>>
      %dma_wait3A_664 = tpu.memref_squeeze %dma_wait3A_663 : memref<1x1x128xi32, #tpu.memory_space<vmem>> -> memref<128xi32, #tpu.memory_space<vmem>>
      %dma_wait3A_665 = arith.constant 0 : i32
      %dma_wait3A_666 = arith.constant 0 : i32
      %dma_wait3A_667 = tpu.memref_slice %arg15[%dma_wait3A_665, %dma_wait3A_666] : memref<10112x128xf32, #tpu.memory_space<vmem_shared>> -> memref<10112x128xf32, #tpu.memory_space<vmem_shared>>
      tpu.wait_indirect_dma semaphore(%arg23 : memref<!tpu.dma_semaphore, #tpu.memory_space<semaphore_mem>>) src(%dma_wait3A_661 : memref<128x128xf32, #tpu.memory_space<vmem>>) dst(%dma_wait3A_667 : memref<10112x128xf32, #tpu.memory_space<vmem_shared>>)
      %dma_start3A_668 = arith.constant 4 : i32
      %dma_start3A_669 = arith.constant 0 : i32
      %dma_start3A_670 = arith.constant 0 : i32
      %dma_start3A_671 = arith.constant 0 : i32
      %dma_start3A_672 = tpu.memref_slice %arg11[%dma_start3A_669, %dma_start3A_670, %dma_start3A_671] : memref<2x128x128xf32, #tpu.memory_space<vmem>> -> memref<1x128x128xf32, #tpu.memory_space<vmem>>
      %dma_start3A_673 = tpu.memref_squeeze %dma_start3A_672 : memref<1x128x128xf32, #tpu.memory_space<vmem>> -> memref<128x128xf32, #tpu.memory_space<vmem>>
      %dma_start3A_674 = arith.constant 0 : i32
      %dma_start3A_675 = tpu.memref_slice %arg9[%rem3A_109, %dma_start3A_668, %dma_start3A_674] : memref<2x8x128xi32, #tpu.memory_space<vmem>> -> memref<1x1x128xi32, #tpu.memory_space<vmem>>
      %dma_start3A_676 = tpu.memref_squeeze %dma_start3A_675 : memref<1x1x128xi32, #tpu.memory_space<vmem>> -> memref<128xi32, #tpu.memory_space<vmem>>
      %dma_start3A_677 = arith.constant 0 : i32
      %dma_start3A_678 = arith.constant 0 : i32
      %dma_start3A_679 = tpu.memref_slice %arg2[%dma_start3A_677, %dma_start3A_678] : memref<2048x128xf32, #tpu.memory_space<hbm>> -> memref<2048x128xf32, #tpu.memory_space<hbm>>
      tpu.enqueue_indirect_dma source(%dma_start3A_679 : memref<2048x128xf32, #tpu.memory_space<hbm>>) target(%dma_start3A_673 : memref<128x128xf32, #tpu.memory_space<vmem>>) offsets(%dma_start3A_676 : memref<128xi32, #tpu.memory_space<vmem>>) semaphore(%arg18 : memref<!tpu.dma_semaphore, #tpu.memory_space<semaphore_mem>>)
      %dma_wait3A_680 = arith.constant 3 : i32
      %dma_wait3A_681 = arith.constant 1 : i32
      %dma_wait3A_682 = arith.constant 0 : i32
      %dma_wait3A_683 = arith.constant 0 : i32
      %dma_wait3A_684 = tpu.memref_slice %arg11[%dma_wait3A_681, %dma_wait3A_682, %dma_wait3A_683] : memref<2x128x128xf32, #tpu.memory_space<vmem>> -> memref<1x128x128xf32, #tpu.memory_space<vmem>>
      %dma_wait3A_685 = tpu.memref_squeeze %dma_wait3A_684 : memref<1x128x128xf32, #tpu.memory_space<vmem>> -> memref<128x128xf32, #tpu.memory_space<vmem>>
      %dma_wait3A_686 = arith.constant 0 : i32
      %dma_wait3A_687 = tpu.memref_slice %arg9[%rem3A_109, %dma_wait3A_680, %dma_wait3A_686] : memref<2x8x128xi32, #tpu.memory_space<vmem>> -> memref<1x1x128xi32, #tpu.memory_space<vmem>>
      %dma_wait3A_688 = tpu.memref_squeeze %dma_wait3A_687 : memref<1x1x128xi32, #tpu.memory_space<vmem>> -> memref<128xi32, #tpu.memory_space<vmem>>
      %dma_wait3A_689 = arith.constant 0 : i32
      %dma_wait3A_690 = arith.constant 0 : i32
      %dma_wait3A_691 = tpu.memref_slice %arg2[%dma_wait3A_689, %dma_wait3A_690] : memref<2048x128xf32, #tpu.memory_space<hbm>> -> memref<2048x128xf32, #tpu.memory_space<hbm>>
      tpu.wait_indirect_dma semaphore(%arg19 : memref<!tpu.dma_semaphore, #tpu.memory_space<semaphore_mem>>) src(%dma_wait3A_691 : memref<2048x128xf32, #tpu.memory_space<hbm>>) dst(%dma_wait3A_685 : memref<128x128xf32, #tpu.memory_space<vmem>>)
      %dma_start3A_692 = arith.constant 1 : i32
      %dma_start3A_693 = arith.constant 3 : i32
      %dma_start3A_694 = arith.constant 0 : i32
      %dma_start3A_695 = arith.constant 0 : i32
      %dma_start3A_696 = tpu.memref_slice %arg11[%dma_start3A_692, %dma_start3A_694, %dma_start3A_695] : memref<2x128x128xf32, #tpu.memory_space<vmem>> -> memref<1x128x128xf32, #tpu.memory_space<vmem>>
      %dma_start3A_697 = tpu.memref_squeeze %dma_start3A_696 : memref<1x128x128xf32, #tpu.memory_space<vmem>> -> memref<128x128xf32, #tpu.memory_space<vmem>>
      %dma_start3A_698 = arith.constant 0 : i32
      %dma_start3A_699 = tpu.memref_slice %arg10[%rem3A_109, %dma_start3A_693, %dma_start3A_698] : memref<2x8x128xi32, #tpu.memory_space<vmem>> -> memref<1x1x128xi32, #tpu.memory_space<vmem>>
      %dma_start3A_700 = tpu.memref_squeeze %dma_start3A_699 : memref<1x1x128xi32, #tpu.memory_space<vmem>> -> memref<128xi32, #tpu.memory_space<vmem>>
      %dma_start3A_701 = arith.constant 0 : i32
      %dma_start3A_702 = arith.constant 0 : i32
      %dma_start3A_703 = tpu.memref_slice %arg15[%dma_start3A_701, %dma_start3A_702] : memref<10112x128xf32, #tpu.memory_space<vmem_shared>> -> memref<10112x128xf32, #tpu.memory_space<vmem_shared>>
      tpu.enqueue_indirect_dma source(%dma_start3A_697 : memref<128x128xf32, #tpu.memory_space<vmem>>) target(%dma_start3A_703 : memref<10112x128xf32, #tpu.memory_space<vmem_shared>>) offsets(%dma_start3A_700 : memref<128xi32, #tpu.memory_space<vmem>>) semaphore(%arg24 : memref<!tpu.dma_semaphore, #tpu.memory_space<semaphore_mem>>) {add = true}
      %get3A_704 = arith.constant 3 : i32
      %get3A_705 = arith.index_cast %rem3A_109 : i32 to index
      %get3A_706 = arith.index_cast %get3A_704 : i32 to index
      %get3A_707 = arith.constant 0 : index
      %get3A_708 = tpu.vector_load %arg9[%get3A_705, %get3A_706, %get3A_707] {strides = array<i32>} : memref<2x8x128xi32, #tpu.memory_space<vmem>>, vector<16xi32>,
      %gather3A_709 = tpu.vector_load_idx %arg12[%get3A_708] : memref<2048xf32, #tpu.memory_space<vmem>>[vector<16xi32>], vector<16xf32>,
      %get3A_710 = arith.constant 3 : i32
      %get3A_711 = arith.index_cast %rem3A_109 : i32 to index
      %get3A_712 = arith.index_cast %get3A_710 : i32 to index
      %get3A_713 = arith.constant 0 : index
      %get3A_714 = tpu.vector_load %arg10[%get3A_711, %get3A_712, %get3A_713] {strides = array<i32>} : memref<2x8x128xi32, #tpu.memory_space<vmem>>, vector<16xi32>,
      %gather3A_715 = tpu.vector_load_idx %arg13[%get3A_714] : memref<10112xf32, #tpu.memory_space<vmem>>[vector<16xi32>], vector<16xf32>,
      %mul3A_716 = arith.mulf %gather3A_709, %gather3A_715 : vector<16xf32>
      %add3A_717 = arith.addf %add3A_655, %mul3A_716 : vector<16xf32>
      %get3A_718 = arith.constant 3 : i32
      %get3A_719 = arith.index_cast %rem3A_109 : i32 to index
      %get3A_720 = arith.index_cast %get3A_718 : i32 to index
      %get3A_721 = arith.constant 16 : index
      %get3A_722 = tpu.vector_load %arg9[%get3A_719, %get3A_720, %get3A_721] {strides = array<i32>} : memref<2x8x128xi32, #tpu.memory_space<vmem>>, vector<16xi32>,
      %gather3A_723 = tpu.vector_load_idx %arg12[%get3A_722] : memref<2048xf32, #tpu.memory_space<vmem>>[vector<16xi32>], vector<16xf32>,
      %get3A_724 = arith.constant 3 : i32
      %get3A_725 = arith.index_cast %rem3A_109 : i32 to index
      %get3A_726 = arith.index_cast %get3A_724 : i32 to index
      %get3A_727 = arith.constant 16 : index
      %get3A_728 = tpu.vector_load %arg10[%get3A_725, %get3A_726, %get3A_727] {strides = array<i32>} : memref<2x8x128xi32, #tpu.memory_space<vmem>>, vector<16xi32>,
      %gather3A_729 = tpu.vector_load_idx %arg13[%get3A_728] : memref<10112xf32, #tpu.memory_space<vmem>>[vector<16xi32>], vector<16xf32>,
      %mul3A_730 = arith.mulf %gather3A_723, %gather3A_729 : vector<16xf32>
      %add3A_731 = arith.addf %add3A_717, %mul3A_730 : vector<16xf32>
      %get3A_732 = arith.constant 3 : i32
      %get3A_733 = arith.index_cast %rem3A_109 : i32 to index
      %get3A_734 = arith.index_cast %get3A_732 : i32 to index
      %get3A_735 = arith.constant 32 : index
      %get3A_736 = tpu.vector_load %arg9[%get3A_733, %get3A_734, %get3A_735] {strides = array<i32>} : memref<2x8x128xi32, #tpu.memory_space<vmem>>, vector<16xi32>,
      %gather3A_737 = tpu.vector_load_idx %arg12[%get3A_736] : memref<2048xf32, #tpu.memory_space<vmem>>[vector<16xi32>], vector<16xf32>,
      %get3A_738 = arith.constant 3 : i32
      %get3A_739 = arith.index_cast %rem3A_109 : i32 to index
      %get3A_740 = arith.index_cast %get3A_738 : i32 to index
      %get3A_741 = arith.constant 32 : index
      %get3A_742 = tpu.vector_load %arg10[%get3A_739, %get3A_740, %get3A_741] {strides = array<i32>} : memref<2x8x128xi32, #tpu.memory_space<vmem>>, vector<16xi32>,
      %gather3A_743 = tpu.vector_load_idx %arg13[%get3A_742] : memref<10112xf32, #tpu.memory_space<vmem>>[vector<16xi32>], vector<16xf32>,
      %mul3A_744 = arith.mulf %gather3A_737, %gather3A_743 : vector<16xf32>
      %add3A_745 = arith.addf %add3A_731, %mul3A_744 : vector<16xf32>
      %get3A_746 = arith.constant 3 : i32
      %get3A_747 = arith.index_cast %rem3A_109 : i32 to index
      %get3A_748 = arith.index_cast %get3A_746 : i32 to index
      %get3A_749 = arith.constant 48 : index
      %get3A_750 = tpu.vector_load %arg9[%get3A_747, %get3A_748, %get3A_749] {strides = array<i32>} : memref<2x8x128xi32, #tpu.memory_space<vmem>>, vector<16xi32>,
      %gather3A_751 = tpu.vector_load_idx %arg12[%get3A_750] : memref<2048xf32, #tpu.memory_space<vmem>>[vector<16xi32>], vector<16xf32>,
      %get3A_752 = arith.constant 3 : i32
      %get3A_753 = arith.index_cast %rem3A_109 : i32 to index
      %get3A_754 = arith.index_cast %get3A_752 : i32 to index
      %get3A_755 = arith.constant 48 : index
      %get3A_756 = tpu.vector_load %arg10[%get3A_753, %get3A_754, %get3A_755] {strides = array<i32>} : memref<2x8x128xi32, #tpu.memory_space<vmem>>, vector<16xi32>,
      %gather3A_757 = tpu.vector_load_idx %arg13[%get3A_756] : memref<10112xf32, #tpu.memory_space<vmem>>[vector<16xi32>], vector<16xf32>,
      %mul3A_758 = arith.mulf %gather3A_751, %gather3A_757 : vector<16xf32>
      %add3A_759 = arith.addf %add3A_745, %mul3A_758 : vector<16xf32>
      %get3A_760 = arith.constant 3 : i32
      %get3A_761 = arith.index_cast %rem3A_109 : i32 to index
      %get3A_762 = arith.index_cast %get3A_760 : i32 to index
      %get3A_763 = arith.constant 64 : index
      %get3A_764 = tpu.vector_load %arg9[%get3A_761, %get3A_762, %get3A_763] {strides = array<i32>} : memref<2x8x128xi32, #tpu.memory_space<vmem>>, vector<16xi32>,
      %gather3A_765 = tpu.vector_load_idx %arg12[%get3A_764] : memref<2048xf32, #tpu.memory_space<vmem>>[vector<16xi32>], vector<16xf32>,
      %get3A_766 = arith.constant 3 : i32
      %get3A_767 = arith.index_cast %rem3A_109 : i32 to index
      %get3A_768 = arith.index_cast %get3A_766 : i32 to index
      %get3A_769 = arith.constant 64 : index
      %get3A_770 = tpu.vector_load %arg10[%get3A_767, %get3A_768, %get3A_769] {strides = array<i32>} : memref<2x8x128xi32, #tpu.memory_space<vmem>>, vector<16xi32>,
      %gather3A_771 = tpu.vector_load_idx %arg13[%get3A_770] : memref<10112xf32, #tpu.memory_space<vmem>>[vector<16xi32>], vector<16xf32>,
      %mul3A_772 = arith.mulf %gather3A_765, %gather3A_771 : vector<16xf32>
      %add3A_773 = arith.addf %add3A_759, %mul3A_772 : vector<16xf32>
      %get3A_774 = arith.constant 3 : i32
      %get3A_775 = arith.index_cast %rem3A_109 : i32 to index
      %get3A_776 = arith.index_cast %get3A_774 : i32 to index
      %get3A_777 = arith.constant 80 : index
      %get3A_778 = tpu.vector_load %arg9[%get3A_775, %get3A_776, %get3A_777] {strides = array<i32>} : memref<2x8x128xi32, #tpu.memory_space<vmem>>, vector<16xi32>,
      %gather3A_779 = tpu.vector_load_idx %arg12[%get3A_778] : memref<2048xf32, #tpu.memory_space<vmem>>[vector<16xi32>], vector<16xf32>,
      %get3A_780 = arith.constant 3 : i32
      %get3A_781 = arith.index_cast %rem3A_109 : i32 to index
      %get3A_782 = arith.index_cast %get3A_780 : i32 to index
      %get3A_783 = arith.constant 80 : index
      %get3A_784 = tpu.vector_load %arg10[%get3A_781, %get3A_782, %get3A_783] {strides = array<i32>} : memref<2x8x128xi32, #tpu.memory_space<vmem>>, vector<16xi32>,
      %gather3A_785 = tpu.vector_load_idx %arg13[%get3A_784] : memref<10112xf32, #tpu.memory_space<vmem>>[vector<16xi32>], vector<16xf32>,
      %mul3A_786 = arith.mulf %gather3A_779, %gather3A_785 : vector<16xf32>
      %add3A_787 = arith.addf %add3A_773, %mul3A_786 : vector<16xf32>
      %get3A_788 = arith.constant 3 : i32
      %get3A_789 = arith.index_cast %rem3A_109 : i32 to index
      %get3A_790 = arith.index_cast %get3A_788 : i32 to index
      %get3A_791 = arith.constant 96 : index
      %get3A_792 = tpu.vector_load %arg9[%get3A_789, %get3A_790, %get3A_791] {strides = array<i32>} : memref<2x8x128xi32, #tpu.memory_space<vmem>>, vector<16xi32>,
      %gather3A_793 = tpu.vector_load_idx %arg12[%get3A_792] : memref<2048xf32, #tpu.memory_space<vmem>>[vector<16xi32>], vector<16xf32>,
      %get3A_794 = arith.constant 3 : i32
      %get3A_795 = arith.index_cast %rem3A_109 : i32 to index
      %get3A_796 = arith.index_cast %get3A_794 : i32 to index
      %get3A_797 = arith.constant 96 : index
      %get3A_798 = tpu.vector_load %arg10[%get3A_795, %get3A_796, %get3A_797] {strides = array<i32>} : memref<2x8x128xi32, #tpu.memory_space<vmem>>, vector<16xi32>,
      %gather3A_799 = tpu.vector_load_idx %arg13[%get3A_798] : memref<10112xf32, #tpu.memory_space<vmem>>[vector<16xi32>], vector<16xf32>,
      %mul3A_800 = arith.mulf %gather3A_793, %gather3A_799 : vector<16xf32>
      %add3A_801 = arith.addf %add3A_787, %mul3A_800 : vector<16xf32>
      %get3A_802 = arith.constant 3 : i32
      %get3A_803 = arith.index_cast %rem3A_109 : i32 to index
      %get3A_804 = arith.index_cast %get3A_802 : i32 to index
      %get3A_805 = arith.constant 112 : index
      %get3A_806 = tpu.vector_load %arg9[%get3A_803, %get3A_804, %get3A_805] {strides = array<i32>} : memref<2x8x128xi32, #tpu.memory_space<vmem>>, vector<16xi32>,
      %gather3A_807 = tpu.vector_load_idx %arg12[%get3A_806] : memref<2048xf32, #tpu.memory_space<vmem>>[vector<16xi32>], vector<16xf32>,
      %get3A_808 = arith.constant 3 : i32
      %get3A_809 = arith.index_cast %rem3A_109 : i32 to index
      %get3A_810 = arith.index_cast %get3A_808 : i32 to index
      %get3A_811 = arith.constant 112 : index
      %get3A_812 = tpu.vector_load %arg10[%get3A_809, %get3A_810, %get3A_811] {strides = array<i32>} : memref<2x8x128xi32, #tpu.memory_space<vmem>>, vector<16xi32>,
      %gather3A_813 = tpu.vector_load_idx %arg13[%get3A_812] : memref<10112xf32, #tpu.memory_space<vmem>>[vector<16xi32>], vector<16xf32>,
      %mul3A_814 = arith.mulf %gather3A_807, %gather3A_813 : vector<16xf32>
      %add3A_815 = arith.addf %add3A_801, %mul3A_814 : vector<16xf32>
      %dma_wait3A_816 = arith.constant 1 : i32
      %dma_wait3A_817 = arith.constant 3 : i32
      %dma_wait3A_818 = arith.constant 0 : i32
      %dma_wait3A_819 = arith.constant 0 : i32
      %dma_wait3A_820 = tpu.memref_slice %arg11[%dma_wait3A_816, %dma_wait3A_818, %dma_wait3A_819] : memref<2x128x128xf32, #tpu.memory_space<vmem>> -> memref<1x128x128xf32, #tpu.memory_space<vmem>>
      %dma_wait3A_821 = tpu.memref_squeeze %dma_wait3A_820 : memref<1x128x128xf32, #tpu.memory_space<vmem>> -> memref<128x128xf32, #tpu.memory_space<vmem>>
      %dma_wait3A_822 = arith.constant 0 : i32
      %dma_wait3A_823 = tpu.memref_slice %arg10[%rem3A_109, %dma_wait3A_817, %dma_wait3A_822] : memref<2x8x128xi32, #tpu.memory_space<vmem>> -> memref<1x1x128xi32, #tpu.memory_space<vmem>>
      %dma_wait3A_824 = tpu.memref_squeeze %dma_wait3A_823 : memref<1x1x128xi32, #tpu.memory_space<vmem>> -> memref<128xi32, #tpu.memory_space<vmem>>
      %dma_wait3A_825 = arith.constant 0 : i32
      %dma_wait3A_826 = arith.constant 0 : i32
      %dma_wait3A_827 = tpu.memref_slice %arg15[%dma_wait3A_825, %dma_wait3A_826] : memref<10112x128xf32, #tpu.memory_space<vmem_shared>> -> memref<10112x128xf32, #tpu.memory_space<vmem_shared>>
      tpu.wait_indirect_dma semaphore(%arg24 : memref<!tpu.dma_semaphore, #tpu.memory_space<semaphore_mem>>) src(%dma_wait3A_821 : memref<128x128xf32, #tpu.memory_space<vmem>>) dst(%dma_wait3A_827 : memref<10112x128xf32, #tpu.memory_space<vmem_shared>>)
      %dma_start3A_828 = arith.constant 5 : i32
      %dma_start3A_829 = arith.constant 1 : i32
      %dma_start3A_830 = arith.constant 0 : i32
      %dma_start3A_831 = arith.constant 0 : i32
      %dma_start3A_832 = tpu.memref_slice %arg11[%dma_start3A_829, %dma_start3A_830, %dma_start3A_831] : memref<2x128x128xf32, #tpu.memory_space<vmem>> -> memref<1x128x128xf32, #tpu.memory_space<vmem>>
      %dma_start3A_833 = tpu.memref_squeeze %dma_start3A_832 : memref<1x128x128xf32, #tpu.memory_space<vmem>> -> memref<128x128xf32, #tpu.memory_space<vmem>>
      %dma_start3A_834 = arith.constant 0 : i32
      %dma_start3A_835 = tpu.memref_slice %arg9[%rem3A_109, %dma_start3A_828, %dma_start3A_834] : memref<2x8x128xi32, #tpu.memory_space<vmem>> -> memref<1x1x128xi32, #tpu.memory_space<vmem>>
      %dma_start3A_836 = tpu.memref_squeeze %dma_start3A_835 : memref<1x1x128xi32, #tpu.memory_space<vmem>> -> memref<128xi32, #tpu.memory_space<vmem>>
      %dma_start3A_837 = arith.constant 0 : i32
      %dma_start3A_838 = arith.constant 0 : i32
      %dma_start3A_839 = tpu.memref_slice %arg2[%dma_start3A_837, %dma_start3A_838] : memref<2048x128xf32, #tpu.memory_space<hbm>> -> memref<2048x128xf32, #tpu.memory_space<hbm>>
      tpu.enqueue_indirect_dma source(%dma_start3A_839 : memref<2048x128xf32, #tpu.memory_space<hbm>>) target(%dma_start3A_833 : memref<128x128xf32, #tpu.memory_space<vmem>>) offsets(%dma_start3A_836 : memref<128xi32, #tpu.memory_space<vmem>>) semaphore(%arg19 : memref<!tpu.dma_semaphore, #tpu.memory_space<semaphore_mem>>)
      %dma_wait3A_840 = arith.constant 4 : i32
      %dma_wait3A_841 = arith.constant 0 : i32
      %dma_wait3A_842 = arith.constant 0 : i32
      %dma_wait3A_843 = arith.constant 0 : i32
      %dma_wait3A_844 = tpu.memref_slice %arg11[%dma_wait3A_841, %dma_wait3A_842, %dma_wait3A_843] : memref<2x128x128xf32, #tpu.memory_space<vmem>> -> memref<1x128x128xf32, #tpu.memory_space<vmem>>
      %dma_wait3A_845 = tpu.memref_squeeze %dma_wait3A_844 : memref<1x128x128xf32, #tpu.memory_space<vmem>> -> memref<128x128xf32, #tpu.memory_space<vmem>>
      %dma_wait3A_846 = arith.constant 0 : i32
      %dma_wait3A_847 = tpu.memref_slice %arg9[%rem3A_109, %dma_wait3A_840, %dma_wait3A_846] : memref<2x8x128xi32, #tpu.memory_space<vmem>> -> memref<1x1x128xi32, #tpu.memory_space<vmem>>
      %dma_wait3A_848 = tpu.memref_squeeze %dma_wait3A_847 : memref<1x1x128xi32, #tpu.memory_space<vmem>> -> memref<128xi32, #tpu.memory_space<vmem>>
      %dma_wait3A_849 = arith.constant 0 : i32
      %dma_wait3A_850 = arith.constant 0 : i32
      %dma_wait3A_851 = tpu.memref_slice %arg2[%dma_wait3A_849, %dma_wait3A_850] : memref<2048x128xf32, #tpu.memory_space<hbm>> -> memref<2048x128xf32, #tpu.memory_space<hbm>>
      tpu.wait_indirect_dma semaphore(%arg18 : memref<!tpu.dma_semaphore, #tpu.memory_space<semaphore_mem>>) src(%dma_wait3A_851 : memref<2048x128xf32, #tpu.memory_space<hbm>>) dst(%dma_wait3A_845 : memref<128x128xf32, #tpu.memory_space<vmem>>)
      %dma_start3A_852 = arith.constant 0 : i32
      %dma_start3A_853 = arith.constant 4 : i32
      %dma_start3A_854 = arith.constant 0 : i32
      %dma_start3A_855 = arith.constant 0 : i32
      %dma_start3A_856 = tpu.memref_slice %arg11[%dma_start3A_852, %dma_start3A_854, %dma_start3A_855] : memref<2x128x128xf32, #tpu.memory_space<vmem>> -> memref<1x128x128xf32, #tpu.memory_space<vmem>>
      %dma_start3A_857 = tpu.memref_squeeze %dma_start3A_856 : memref<1x128x128xf32, #tpu.memory_space<vmem>> -> memref<128x128xf32, #tpu.memory_space<vmem>>
      %dma_start3A_858 = arith.constant 0 : i32
      %dma_start3A_859 = tpu.memref_slice %arg10[%rem3A_109, %dma_start3A_853, %dma_start3A_858] : memref<2x8x128xi32, #tpu.memory_space<vmem>> -> memref<1x1x128xi32, #tpu.memory_space<vmem>>
      %dma_start3A_860 = tpu.memref_squeeze %dma_start3A_859 : memref<1x1x128xi32, #tpu.memory_space<vmem>> -> memref<128xi32, #tpu.memory_space<vmem>>
      %dma_start3A_861 = arith.constant 0 : i32
      %dma_start3A_862 = arith.constant 0 : i32
      %dma_start3A_863 = tpu.memref_slice %arg15[%dma_start3A_861, %dma_start3A_862] : memref<10112x128xf32, #tpu.memory_space<vmem_shared>> -> memref<10112x128xf32, #tpu.memory_space<vmem_shared>>
      tpu.enqueue_indirect_dma source(%dma_start3A_857 : memref<128x128xf32, #tpu.memory_space<vmem>>) target(%dma_start3A_863 : memref<10112x128xf32, #tpu.memory_space<vmem_shared>>) offsets(%dma_start3A_860 : memref<128xi32, #tpu.memory_space<vmem>>) semaphore(%arg23 : memref<!tpu.dma_semaphore, #tpu.memory_space<semaphore_mem>>) {add = true}
      %get3A_864 = arith.constant 4 : i32
      %get3A_865 = arith.index_cast %rem3A_109 : i32 to index
      %get3A_866 = arith.index_cast %get3A_864 : i32 to index
      %get3A_867 = arith.constant 0 : index
      %get3A_868 = tpu.vector_load %arg9[%get3A_865, %get3A_866, %get3A_867] {strides = array<i32>} : memref<2x8x128xi32, #tpu.memory_space<vmem>>, vector<16xi32>,
      %gather3A_869 = tpu.vector_load_idx %arg12[%get3A_868] : memref<2048xf32, #tpu.memory_space<vmem>>[vector<16xi32>], vector<16xf32>,
      %get3A_870 = arith.constant 4 : i32
      %get3A_871 = arith.index_cast %rem3A_109 : i32 to index
      %get3A_872 = arith.index_cast %get3A_870 : i32 to index
      %get3A_873 = arith.constant 0 : index
      %get3A_874 = tpu.vector_load %arg10[%get3A_871, %get3A_872, %get3A_873] {strides = array<i32>} : memref<2x8x128xi32, #tpu.memory_space<vmem>>, vector<16xi32>,
      %gather3A_875 = tpu.vector_load_idx %arg13[%get3A_874] : memref<10112xf32, #tpu.memory_space<vmem>>[vector<16xi32>], vector<16xf32>,
      %mul3A_876 = arith.mulf %gather3A_869, %gather3A_875 : vector<16xf32>
      %add3A_877 = arith.addf %add3A_815, %mul3A_876 : vector<16xf32>
      %get3A_878 = arith.constant 4 : i32
      %get3A_879 = arith.index_cast %rem3A_109 : i32 to index
      %get3A_880 = arith.index_cast %get3A_878 : i32 to index
      %get3A_881 = arith.constant 16 : index
      %get3A_882 = tpu.vector_load %arg9[%get3A_879, %get3A_880, %get3A_881] {strides = array<i32>} : memref<2x8x128xi32, #tpu.memory_space<vmem>>, vector<16xi32>,
      %gather3A_883 = tpu.vector_load_idx %arg12[%get3A_882] : memref<2048xf32, #tpu.memory_space<vmem>>[vector<16xi32>], vector<16xf32>,
      %get3A_884 = arith.constant 4 : i32
      %get3A_885 = arith.index_cast %rem3A_109 : i32 to index
      %get3A_886 = arith.index_cast %get3A_884 : i32 to index
      %get3A_887 = arith.constant 16 : index
      %get3A_888 = tpu.vector_load %arg10[%get3A_885, %get3A_886, %get3A_887] {strides = array<i32>} : memref<2x8x128xi32, #tpu.memory_space<vmem>>, vector<16xi32>,
      %gather3A_889 = tpu.vector_load_idx %arg13[%get3A_888] : memref<10112xf32, #tpu.memory_space<vmem>>[vector<16xi32>], vector<16xf32>,
      %mul3A_890 = arith.mulf %gather3A_883, %gather3A_889 : vector<16xf32>
      %add3A_891 = arith.addf %add3A_877, %mul3A_890 : vector<16xf32>
      %get3A_892 = arith.constant 4 : i32
      %get3A_893 = arith.index_cast %rem3A_109 : i32 to index
      %get3A_894 = arith.index_cast %get3A_892 : i32 to index
      %get3A_895 = arith.constant 32 : index
      %get3A_896 = tpu.vector_load %arg9[%get3A_893, %get3A_894, %get3A_895] {strides = array<i32>} : memref<2x8x128xi32, #tpu.memory_space<vmem>>, vector<16xi32>,
      %gather3A_897 = tpu.vector_load_idx %arg12[%get3A_896] : memref<2048xf32, #tpu.memory_space<vmem>>[vector<16xi32>], vector<16xf32>,
      %get3A_898 = arith.constant 4 : i32
      %get3A_899 = arith.index_cast %rem3A_109 : i32 to index
      %get3A_900 = arith.index_cast %get3A_898 : i32 to index
      %get3A_901 = arith.constant 32 : index
      %get3A_902 = tpu.vector_load %arg10[%get3A_899, %get3A_900, %get3A_901] {strides = array<i32>} : memref<2x8x128xi32, #tpu.memory_space<vmem>>, vector<16xi32>,
      %gather3A_903 = tpu.vector_load_idx %arg13[%get3A_902] : memref<10112xf32, #tpu.memory_space<vmem>>[vector<16xi32>], vector<16xf32>,
      %mul3A_904 = arith.mulf %gather3A_897, %gather3A_903 : vector<16xf32>
      %add3A_905 = arith.addf %add3A_891, %mul3A_904 : vector<16xf32>
      %get3A_906 = arith.constant 4 : i32
      %get3A_907 = arith.index_cast %rem3A_109 : i32 to index
      %get3A_908 = arith.index_cast %get3A_906 : i32 to index
      %get3A_909 = arith.constant 48 : index
      %get3A_910 = tpu.vector_load %arg9[%get3A_907, %get3A_908, %get3A_909] {strides = array<i32>} : memref<2x8x128xi32, #tpu.memory_space<vmem>>, vector<16xi32>,
      %gather3A_911 = tpu.vector_load_idx %arg12[%get3A_910] : memref<2048xf32, #tpu.memory_space<vmem>>[vector<16xi32>], vector<16xf32>,
      %get3A_912 = arith.constant 4 : i32
      %get3A_913 = arith.index_cast %rem3A_109 : i32 to index
      %get3A_914 = arith.index_cast %get3A_912 : i32 to index
      %get3A_915 = arith.constant 48 : index
      %get3A_916 = tpu.vector_load %arg10[%get3A_913, %get3A_914, %get3A_915] {strides = array<i32>} : memref<2x8x128xi32, #tpu.memory_space<vmem>>, vector<16xi32>,
      %gather3A_917 = tpu.vector_load_idx %arg13[%get3A_916] : memref<10112xf32, #tpu.memory_space<vmem>>[vector<16xi32>], vector<16xf32>,
      %mul3A_918 = arith.mulf %gather3A_911, %gather3A_917 : vector<16xf32>
      %add3A_919 = arith.addf %add3A_905, %mul3A_918 : vector<16xf32>
      %get3A_920 = arith.constant 4 : i32
      %get3A_921 = arith.index_cast %rem3A_109 : i32 to index
      %get3A_922 = arith.index_cast %get3A_920 : i32 to index
      %get3A_923 = arith.constant 64 : index
      %get3A_924 = tpu.vector_load %arg9[%get3A_921, %get3A_922, %get3A_923] {strides = array<i32>} : memref<2x8x128xi32, #tpu.memory_space<vmem>>, vector<16xi32>,
      %gather3A_925 = tpu.vector_load_idx %arg12[%get3A_924] : memref<2048xf32, #tpu.memory_space<vmem>>[vector<16xi32>], vector<16xf32>,
      %get3A_926 = arith.constant 4 : i32
      %get3A_927 = arith.index_cast %rem3A_109 : i32 to index
      %get3A_928 = arith.index_cast %get3A_926 : i32 to index
      %get3A_929 = arith.constant 64 : index
      %get3A_930 = tpu.vector_load %arg10[%get3A_927, %get3A_928, %get3A_929] {strides = array<i32>} : memref<2x8x128xi32, #tpu.memory_space<vmem>>, vector<16xi32>,
      %gather3A_931 = tpu.vector_load_idx %arg13[%get3A_930] : memref<10112xf32, #tpu.memory_space<vmem>>[vector<16xi32>], vector<16xf32>,
      %mul3A_932 = arith.mulf %gather3A_925, %gather3A_931 : vector<16xf32>
      %add3A_933 = arith.addf %add3A_919, %mul3A_932 : vector<16xf32>
      %get3A_934 = arith.constant 4 : i32
      %get3A_935 = arith.index_cast %rem3A_109 : i32 to index
      %get3A_936 = arith.index_cast %get3A_934 : i32 to index
      %get3A_937 = arith.constant 80 : index
      %get3A_938 = tpu.vector_load %arg9[%get3A_935, %get3A_936, %get3A_937] {strides = array<i32>} : memref<2x8x128xi32, #tpu.memory_space<vmem>>, vector<16xi32>,
      %gather3A_939 = tpu.vector_load_idx %arg12[%get3A_938] : memref<2048xf32, #tpu.memory_space<vmem>>[vector<16xi32>], vector<16xf32>,
      %get3A_940 = arith.constant 4 : i32
      %get3A_941 = arith.index_cast %rem3A_109 : i32 to index
      %get3A_942 = arith.index_cast %get3A_940 : i32 to index
      %get3A_943 = arith.constant 80 : index
      %get3A_944 = tpu.vector_load %arg10[%get3A_941, %get3A_942, %get3A_943] {strides = array<i32>} : memref<2x8x128xi32, #tpu.memory_space<vmem>>, vector<16xi32>,
      %gather3A_945 = tpu.vector_load_idx %arg13[%get3A_944] : memref<10112xf32, #tpu.memory_space<vmem>>[vector<16xi32>], vector<16xf32>,
      %mul3A_946 = arith.mulf %gather3A_939, %gather3A_945 : vector<16xf32>
      %add3A_947 = arith.addf %add3A_933, %mul3A_946 : vector<16xf32>
      %get3A_948 = arith.constant 4 : i32
      %get3A_949 = arith.index_cast %rem3A_109 : i32 to index
      %get3A_950 = arith.index_cast %get3A_948 : i32 to index
      %get3A_951 = arith.constant 96 : index
      %get3A_952 = tpu.vector_load %arg9[%get3A_949, %get3A_950, %get3A_951] {strides = array<i32>} : memref<2x8x128xi32, #tpu.memory_space<vmem>>, vector<16xi32>,
      %gather3A_953 = tpu.vector_load_idx %arg12[%get3A_952] : memref<2048xf32, #tpu.memory_space<vmem>>[vector<16xi32>], vector<16xf32>,
      %get3A_954 = arith.constant 4 : i32
      %get3A_955 = arith.index_cast %rem3A_109 : i32 to index
      %get3A_956 = arith.index_cast %get3A_954 : i32 to index
      %get3A_957 = arith.constant 96 : index
      %get3A_958 = tpu.vector_load %arg10[%get3A_955, %get3A_956, %get3A_957] {strides = array<i32>} : memref<2x8x128xi32, #tpu.memory_space<vmem>>, vector<16xi32>,
      %gather3A_959 = tpu.vector_load_idx %arg13[%get3A_958] : memref<10112xf32, #tpu.memory_space<vmem>>[vector<16xi32>], vector<16xf32>,
      %mul3A_960 = arith.mulf %gather3A_953, %gather3A_959 : vector<16xf32>
      %add3A_961 = arith.addf %add3A_947, %mul3A_960 : vector<16xf32>
      %get3A_962 = arith.constant 4 : i32
      %get3A_963 = arith.index_cast %rem3A_109 : i32 to index
      %get3A_964 = arith.index_cast %get3A_962 : i32 to index
      %get3A_965 = arith.constant 112 : index
      %get3A_966 = tpu.vector_load %arg9[%get3A_963, %get3A_964, %get3A_965] {strides = array<i32>} : memref<2x8x128xi32, #tpu.memory_space<vmem>>, vector<16xi32>,
      %gather3A_967 = tpu.vector_load_idx %arg12[%get3A_966] : memref<2048xf32, #tpu.memory_space<vmem>>[vector<16xi32>], vector<16xf32>,
      %get3A_968 = arith.constant 4 : i32
      %get3A_969 = arith.index_cast %rem3A_109 : i32 to index
      %get3A_970 = arith.index_cast %get3A_968 : i32 to index
      %get3A_971 = arith.constant 112 : index
      %get3A_972 = tpu.vector_load %arg10[%get3A_969, %get3A_970, %get3A_971] {strides = array<i32>} : memref<2x8x128xi32, #tpu.memory_space<vmem>>, vector<16xi32>,
      %gather3A_973 = tpu.vector_load_idx %arg13[%get3A_972] : memref<10112xf32, #tpu.memory_space<vmem>>[vector<16xi32>], vector<16xf32>,
      %mul3A_974 = arith.mulf %gather3A_967, %gather3A_973 : vector<16xf32>
      %add3A_975 = arith.addf %add3A_961, %mul3A_974 : vector<16xf32>
      %dma_wait3A_976 = arith.constant 0 : i32
      %dma_wait3A_977 = arith.constant 4 : i32
      %dma_wait3A_978 = arith.constant 0 : i32
      %dma_wait3A_979 = arith.constant 0 : i32
      %dma_wait3A_980 = tpu.memref_slice %arg11[%dma_wait3A_976, %dma_wait3A_978, %dma_wait3A_979] : memref<2x128x128xf32, #tpu.memory_space<vmem>> -> memref<1x128x128xf32, #tpu.memory_space<vmem>>
      %dma_wait3A_981 = tpu.memref_squeeze %dma_wait3A_980 : memref<1x128x128xf32, #tpu.memory_space<vmem>> -> memref<128x128xf32, #tpu.memory_space<vmem>>
      %dma_wait3A_982 = arith.constant 0 : i32
      %dma_wait3A_983 = tpu.memref_slice %arg10[%rem3A_109, %dma_wait3A_977, %dma_wait3A_982] : memref<2x8x128xi32, #tpu.memory_space<vmem>> -> memref<1x1x128xi32, #tpu.memory_space<vmem>>
      %dma_wait3A_984 = tpu.memref_squeeze %dma_wait3A_983 : memref<1x1x128xi32, #tpu.memory_space<vmem>> -> memref<128xi32, #tpu.memory_space<vmem>>
      %dma_wait3A_985 = arith.constant 0 : i32
      %dma_wait3A_986 = arith.constant 0 : i32
      %dma_wait3A_987 = tpu.memref_slice %arg15[%dma_wait3A_985, %dma_wait3A_986] : memref<10112x128xf32, #tpu.memory_space<vmem_shared>> -> memref<10112x128xf32, #tpu.memory_space<vmem_shared>>
      tpu.wait_indirect_dma semaphore(%arg23 : memref<!tpu.dma_semaphore, #tpu.memory_space<semaphore_mem>>) src(%dma_wait3A_981 : memref<128x128xf32, #tpu.memory_space<vmem>>) dst(%dma_wait3A_987 : memref<10112x128xf32, #tpu.memory_space<vmem_shared>>)
      %dma_start3A_988 = arith.constant 6 : i32
      %dma_start3A_989 = arith.constant 0 : i32
      %dma_start3A_990 = arith.constant 0 : i32
      %dma_start3A_991 = arith.constant 0 : i32
      %dma_start3A_992 = tpu.memref_slice %arg11[%dma_start3A_989, %dma_start3A_990, %dma_start3A_991] : memref<2x128x128xf32, #tpu.memory_space<vmem>> -> memref<1x128x128xf32, #tpu.memory_space<vmem>>
      %dma_start3A_993 = tpu.memref_squeeze %dma_start3A_992 : memref<1x128x128xf32, #tpu.memory_space<vmem>> -> memref<128x128xf32, #tpu.memory_space<vmem>>
      %dma_start3A_994 = arith.constant 0 : i32
      %dma_start3A_995 = tpu.memref_slice %arg9[%rem3A_109, %dma_start3A_988, %dma_start3A_994] : memref<2x8x128xi32, #tpu.memory_space<vmem>> -> memref<1x1x128xi32, #tpu.memory_space<vmem>>
      %dma_start3A_996 = tpu.memref_squeeze %dma_start3A_995 : memref<1x1x128xi32, #tpu.memory_space<vmem>> -> memref<128xi32, #tpu.memory_space<vmem>>
      %dma_start3A_997 = arith.constant 0 : i32
      %dma_start3A_998 = arith.constant 0 : i32
      %dma_start3A_999 = tpu.memref_slice %arg2[%dma_start3A_997, %dma_start3A_998] : memref<2048x128xf32, #tpu.memory_space<hbm>> -> memref<2048x128xf32, #tpu.memory_space<hbm>>
      tpu.enqueue_indirect_dma source(%dma_start3A_999 : memref<2048x128xf32, #tpu.memory_space<hbm>>) target(%dma_start3A_993 : memref<128x128xf32, #tpu.memory_space<vmem>>) offsets(%dma_start3A_996 : memref<128xi32, #tpu.memory_space<vmem>>) semaphore(%arg18 : memref<!tpu.dma_semaphore, #tpu.memory_space<semaphore_mem>>)
      %dma_wait3A_1000 = arith.constant 5 : i32
      %dma_wait3A_1001 = arith.constant 1 : i32
      %dma_wait3A_1002 = arith.constant 0 : i32
      %dma_wait3A_1003 = arith.constant 0 : i32
      %dma_wait3A_1004 = tpu.memref_slice %arg11[%dma_wait3A_1001, %dma_wait3A_1002, %dma_wait3A_1003] : memref<2x128x128xf32, #tpu.memory_space<vmem>> -> memref<1x128x128xf32, #tpu.memory_space<vmem>>
      %dma_wait3A_1005 = tpu.memref_squeeze %dma_wait3A_1004 : memref<1x128x128xf32, #tpu.memory_space<vmem>> -> memref<128x128xf32, #tpu.memory_space<vmem>>
      %dma_wait3A_1006 = arith.constant 0 : i32
      %dma_wait3A_1007 = tpu.memref_slice %arg9[%rem3A_109, %dma_wait3A_1000, %dma_wait3A_1006] : memref<2x8x128xi32, #tpu.memory_space<vmem>> -> memref<1x1x128xi32, #tpu.memory_space<vmem>>
      %dma_wait3A_1008 = tpu.memref_squeeze %dma_wait3A_1007 : memref<1x1x128xi32, #tpu.memory_space<vmem>> -> memref<128xi32, #tpu.memory_space<vmem>>
      %dma_wait3A_1009 = arith.constant 0 : i32
      %dma_wait3A_1010 = arith.constant 0 : i32
      %dma_wait3A_1011 = tpu.memref_slice %arg2[%dma_wait3A_1009, %dma_wait3A_1010] : memref<2048x128xf32, #tpu.memory_space<hbm>> -> memref<2048x128xf32, #tpu.memory_space<hbm>>
      tpu.wait_indirect_dma semaphore(%arg19 : memref<!tpu.dma_semaphore, #tpu.memory_space<semaphore_mem>>) src(%dma_wait3A_1011 : memref<2048x128xf32, #tpu.memory_space<hbm>>) dst(%dma_wait3A_1005 : memref<128x128xf32, #tpu.memory_space<vmem>>)
      %dma_start3A_1012 = arith.constant 1 : i32
      %dma_start3A_1013 = arith.constant 5 : i32
      %dma_start3A_1014 = arith.constant 0 : i32
      %dma_start3A_1015 = arith.constant 0 : i32
      %dma_start3A_1016 = tpu.memref_slice %arg11[%dma_start3A_1012, %dma_start3A_1014, %dma_start3A_1015] : memref<2x128x128xf32, #tpu.memory_space<vmem>> -> memref<1x128x128xf32, #tpu.memory_space<vmem>>
      %dma_start3A_1017 = tpu.memref_squeeze %dma_start3A_1016 : memref<1x128x128xf32, #tpu.memory_space<vmem>> -> memref<128x128xf32, #tpu.memory_space<vmem>>
      %dma_start3A_1018 = arith.constant 0 : i32
      %dma_start3A_1019 = tpu.memref_slice %arg10[%rem3A_109, %dma_start3A_1013, %dma_start3A_1018] : memref<2x8x128xi32, #tpu.memory_space<vmem>> -> memref<1x1x128xi32, #tpu.memory_space<vmem>>
      %dma_start3A_1020 = tpu.memref_squeeze %dma_start3A_1019 : memref<1x1x128xi32, #tpu.memory_space<vmem>> -> memref<128xi32, #tpu.memory_space<vmem>>
      %dma_start3A_1021 = arith.constant 0 : i32
      %dma_start3A_1022 = arith.constant 0 : i32
      %dma_start3A_1023 = tpu.memref_slice %arg15[%dma_start3A_1021, %dma_start3A_1022] : memref<10112x128xf32, #tpu.memory_space<vmem_shared>> -> memref<10112x128xf32, #tpu.memory_space<vmem_shared>>
      tpu.enqueue_indirect_dma source(%dma_start3A_1017 : memref<128x128xf32, #tpu.memory_space<vmem>>) target(%dma_start3A_1023 : memref<10112x128xf32, #tpu.memory_space<vmem_shared>>) offsets(%dma_start3A_1020 : memref<128xi32, #tpu.memory_space<vmem>>) semaphore(%arg24 : memref<!tpu.dma_semaphore, #tpu.memory_space<semaphore_mem>>) {add = true}
      %get3A_1024 = arith.constant 5 : i32
      %get3A_1025 = arith.index_cast %rem3A_109 : i32 to index
      %get3A_1026 = arith.index_cast %get3A_1024 : i32 to index
      %get3A_1027 = arith.constant 0 : index
      %get3A_1028 = tpu.vector_load %arg9[%get3A_1025, %get3A_1026, %get3A_1027] {strides = array<i32>} : memref<2x8x128xi32, #tpu.memory_space<vmem>>, vector<16xi32>,
      %gather3A_1029 = tpu.vector_load_idx %arg12[%get3A_1028] : memref<2048xf32, #tpu.memory_space<vmem>>[vector<16xi32>], vector<16xf32>,
      %get3A_1030 = arith.constant 5 : i32
      %get3A_1031 = arith.index_cast %rem3A_109 : i32 to index
      %get3A_1032 = arith.index_cast %get3A_1030 : i32 to index
      %get3A_1033 = arith.constant 0 : index
      %get3A_1034 = tpu.vector_load %arg10[%get3A_1031, %get3A_1032, %get3A_1033] {strides = array<i32>} : memref<2x8x128xi32, #tpu.memory_space<vmem>>, vector<16xi32>,
      %gather3A_1035 = tpu.vector_load_idx %arg13[%get3A_1034] : memref<10112xf32, #tpu.memory_space<vmem>>[vector<16xi32>], vector<16xf32>,
      %mul3A_1036 = arith.mulf %gather3A_1029, %gather3A_1035 : vector<16xf32>
      %add3A_1037 = arith.addf %add3A_975, %mul3A_1036 : vector<16xf32>
      %get3A_1038 = arith.constant 5 : i32
      %get3A_1039 = arith.index_cast %rem3A_109 : i32 to index
      %get3A_1040 = arith.index_cast %get3A_1038 : i32 to index
      %get3A_1041 = arith.constant 16 : index
      %get3A_1042 = tpu.vector_load %arg9[%get3A_1039, %get3A_1040, %get3A_1041] {strides = array<i32>} : memref<2x8x128xi32, #tpu.memory_space<vmem>>, vector<16xi32>,
      %gather3A_1043 = tpu.vector_load_idx %arg12[%get3A_1042] : memref<2048xf32, #tpu.memory_space<vmem>>[vector<16xi32>], vector<16xf32>,
      %get3A_1044 = arith.constant 5 : i32
      %get3A_1045 = arith.index_cast %rem3A_109 : i32 to index
      %get3A_1046 = arith.index_cast %get3A_1044 : i32 to index
      %get3A_1047 = arith.constant 16 : index
      %get3A_1048 = tpu.vector_load %arg10[%get3A_1045, %get3A_1046, %get3A_1047] {strides = array<i32>} : memref<2x8x128xi32, #tpu.memory_space<vmem>>, vector<16xi32>,
      %gather3A_1049 = tpu.vector_load_idx %arg13[%get3A_1048] : memref<10112xf32, #tpu.memory_space<vmem>>[vector<16xi32>], vector<16xf32>,
      %mul3A_1050 = arith.mulf %gather3A_1043, %gather3A_1049 : vector<16xf32>
      %add3A_1051 = arith.addf %add3A_1037, %mul3A_1050 : vector<16xf32>
      %get3A_1052 = arith.constant 5 : i32
      %get3A_1053 = arith.index_cast %rem3A_109 : i32 to index
      %get3A_1054 = arith.index_cast %get3A_1052 : i32 to index
      %get3A_1055 = arith.constant 32 : index
      %get3A_1056 = tpu.vector_load %arg9[%get3A_1053, %get3A_1054, %get3A_1055] {strides = array<i32>} : memref<2x8x128xi32, #tpu.memory_space<vmem>>, vector<16xi32>,
      %gather3A_1057 = tpu.vector_load_idx %arg12[%get3A_1056] : memref<2048xf32, #tpu.memory_space<vmem>>[vector<16xi32>], vector<16xf32>,
      %get3A_1058 = arith.constant 5 : i32
      %get3A_1059 = arith.index_cast %rem3A_109 : i32 to index
      %get3A_1060 = arith.index_cast %get3A_1058 : i32 to index
      %get3A_1061 = arith.constant 32 : index
      %get3A_1062 = tpu.vector_load %arg10[%get3A_1059, %get3A_1060, %get3A_1061] {strides = array<i32>} : memref<2x8x128xi32, #tpu.memory_space<vmem>>, vector<16xi32>,
      %gather3A_1063 = tpu.vector_load_idx %arg13[%get3A_1062] : memref<10112xf32, #tpu.memory_space<vmem>>[vector<16xi32>], vector<16xf32>,
      %mul3A_1064 = arith.mulf %gather3A_1057, %gather3A_1063 : vector<16xf32>
      %add3A_1065 = arith.addf %add3A_1051, %mul3A_1064 : vector<16xf32>
      %get3A_1066 = arith.constant 5 : i32
      %get3A_1067 = arith.index_cast %rem3A_109 : i32 to index
      %get3A_1068 = arith.index_cast %get3A_1066 : i32 to index
      %get3A_1069 = arith.constant 48 : index
      %get3A_1070 = tpu.vector_load %arg9[%get3A_1067, %get3A_1068, %get3A_1069] {strides = array<i32>} : memref<2x8x128xi32, #tpu.memory_space<vmem>>, vector<16xi32>,
      %gather3A_1071 = tpu.vector_load_idx %arg12[%get3A_1070] : memref<2048xf32, #tpu.memory_space<vmem>>[vector<16xi32>], vector<16xf32>,
      %get3A_1072 = arith.constant 5 : i32
      %get3A_1073 = arith.index_cast %rem3A_109 : i32 to index
      %get3A_1074 = arith.index_cast %get3A_1072 : i32 to index
      %get3A_1075 = arith.constant 48 : index
      %get3A_1076 = tpu.vector_load %arg10[%get3A_1073, %get3A_1074, %get3A_1075] {strides = array<i32>} : memref<2x8x128xi32, #tpu.memory_space<vmem>>, vector<16xi32>,
      %gather3A_1077 = tpu.vector_load_idx %arg13[%get3A_1076] : memref<10112xf32, #tpu.memory_space<vmem>>[vector<16xi32>], vector<16xf32>,
      %mul3A_1078 = arith.mulf %gather3A_1071, %gather3A_1077 : vector<16xf32>
      %add3A_1079 = arith.addf %add3A_1065, %mul3A_1078 : vector<16xf32>
      %get3A_1080 = arith.constant 5 : i32
      %get3A_1081 = arith.index_cast %rem3A_109 : i32 to index
      %get3A_1082 = arith.index_cast %get3A_1080 : i32 to index
      %get3A_1083 = arith.constant 64 : index
      %get3A_1084 = tpu.vector_load %arg9[%get3A_1081, %get3A_1082, %get3A_1083] {strides = array<i32>} : memref<2x8x128xi32, #tpu.memory_space<vmem>>, vector<16xi32>,
      %gather3A_1085 = tpu.vector_load_idx %arg12[%get3A_1084] : memref<2048xf32, #tpu.memory_space<vmem>>[vector<16xi32>], vector<16xf32>,
      %get3A_1086 = arith.constant 5 : i32
      %get3A_1087 = arith.index_cast %rem3A_109 : i32 to index
      %get3A_1088 = arith.index_cast %get3A_1086 : i32 to index
      %get3A_1089 = arith.constant 64 : index
      %get3A_1090 = tpu.vector_load %arg10[%get3A_1087, %get3A_1088, %get3A_1089] {strides = array<i32>} : memref<2x8x128xi32, #tpu.memory_space<vmem>>, vector<16xi32>,
      %gather3A_1091 = tpu.vector_load_idx %arg13[%get3A_1090] : memref<10112xf32, #tpu.memory_space<vmem>>[vector<16xi32>], vector<16xf32>,
      %mul3A_1092 = arith.mulf %gather3A_1085, %gather3A_1091 : vector<16xf32>
      %add3A_1093 = arith.addf %add3A_1079, %mul3A_1092 : vector<16xf32>
      %get3A_1094 = arith.constant 5 : i32
      %get3A_1095 = arith.index_cast %rem3A_109 : i32 to index
      %get3A_1096 = arith.index_cast %get3A_1094 : i32 to index
      %get3A_1097 = arith.constant 80 : index
      %get3A_1098 = tpu.vector_load %arg9[%get3A_1095, %get3A_1096, %get3A_1097] {strides = array<i32>} : memref<2x8x128xi32, #tpu.memory_space<vmem>>, vector<16xi32>,
      %gather3A_1099 = tpu.vector_load_idx %arg12[%get3A_1098] : memref<2048xf32, #tpu.memory_space<vmem>>[vector<16xi32>], vector<16xf32>,
      %get3A_1100 = arith.constant 5 : i32
      %get3A_1101 = arith.index_cast %rem3A_109 : i32 to index
      %get3A_1102 = arith.index_cast %get3A_1100 : i32 to index
      %get3A_1103 = arith.constant 80 : index
      %get3A_1104 = tpu.vector_load %arg10[%get3A_1101, %get3A_1102, %get3A_1103] {strides = array<i32>} : memref<2x8x128xi32, #tpu.memory_space<vmem>>, vector<16xi32>,
      %gather3A_1105 = tpu.vector_load_idx %arg13[%get3A_1104] : memref<10112xf32, #tpu.memory_space<vmem>>[vector<16xi32>], vector<16xf32>,
      %mul3A_1106 = arith.mulf %gather3A_1099, %gather3A_1105 : vector<16xf32>
      %add3A_1107 = arith.addf %add3A_1093, %mul3A_1106 : vector<16xf32>
      %get3A_1108 = arith.constant 5 : i32
      %get3A_1109 = arith.index_cast %rem3A_109 : i32 to index
      %get3A_1110 = arith.index_cast %get3A_1108 : i32 to index
      %get3A_1111 = arith.constant 96 : index
      %get3A_1112 = tpu.vector_load %arg9[%get3A_1109, %get3A_1110, %get3A_1111] {strides = array<i32>} : memref<2x8x128xi32, #tpu.memory_space<vmem>>, vector<16xi32>,
      %gather3A_1113 = tpu.vector_load_idx %arg12[%get3A_1112] : memref<2048xf32, #tpu.memory_space<vmem>>[vector<16xi32>], vector<16xf32>,
      %get3A_1114 = arith.constant 5 : i32
      %get3A_1115 = arith.index_cast %rem3A_109 : i32 to index
      %get3A_1116 = arith.index_cast %get3A_1114 : i32 to index
      %get3A_1117 = arith.constant 96 : index
      %get3A_1118 = tpu.vector_load %arg10[%get3A_1115, %get3A_1116, %get3A_1117] {strides = array<i32>} : memref<2x8x128xi32, #tpu.memory_space<vmem>>, vector<16xi32>,
      %gather3A_1119 = tpu.vector_load_idx %arg13[%get3A_1118] : memref<10112xf32, #tpu.memory_space<vmem>>[vector<16xi32>], vector<16xf32>,
      %mul3A_1120 = arith.mulf %gather3A_1113, %gather3A_1119 : vector<16xf32>
      %add3A_1121 = arith.addf %add3A_1107, %mul3A_1120 : vector<16xf32>
      %get3A_1122 = arith.constant 5 : i32
      %get3A_1123 = arith.index_cast %rem3A_109 : i32 to index
      %get3A_1124 = arith.index_cast %get3A_1122 : i32 to index
      %get3A_1125 = arith.constant 112 : index
      %get3A_1126 = tpu.vector_load %arg9[%get3A_1123, %get3A_1124, %get3A_1125] {strides = array<i32>} : memref<2x8x128xi32, #tpu.memory_space<vmem>>, vector<16xi32>,
      %gather3A_1127 = tpu.vector_load_idx %arg12[%get3A_1126] : memref<2048xf32, #tpu.memory_space<vmem>>[vector<16xi32>], vector<16xf32>,
      %get3A_1128 = arith.constant 5 : i32
      %get3A_1129 = arith.index_cast %rem3A_109 : i32 to index
      %get3A_1130 = arith.index_cast %get3A_1128 : i32 to index
      %get3A_1131 = arith.constant 112 : index
      %get3A_1132 = tpu.vector_load %arg10[%get3A_1129, %get3A_1130, %get3A_1131] {strides = array<i32>} : memref<2x8x128xi32, #tpu.memory_space<vmem>>, vector<16xi32>,
      %gather3A_1133 = tpu.vector_load_idx %arg13[%get3A_1132] : memref<10112xf32, #tpu.memory_space<vmem>>[vector<16xi32>], vector<16xf32>,
      %mul3A_1134 = arith.mulf %gather3A_1127, %gather3A_1133 : vector<16xf32>
      %add3A_1135 = arith.addf %add3A_1121, %mul3A_1134 : vector<16xf32>
      %dma_wait3A_1136 = arith.constant 1 : i32
      %dma_wait3A_1137 = arith.constant 5 : i32
      %dma_wait3A_1138 = arith.constant 0 : i32
      %dma_wait3A_1139 = arith.constant 0 : i32
      %dma_wait3A_1140 = tpu.memref_slice %arg11[%dma_wait3A_1136, %dma_wait3A_1138, %dma_wait3A_1139] : memref<2x128x128xf32, #tpu.memory_space<vmem>> -> memref<1x128x128xf32, #tpu.memory_space<vmem>>
      %dma_wait3A_1141 = tpu.memref_squeeze %dma_wait3A_1140 : memref<1x128x128xf32, #tpu.memory_space<vmem>> -> memref<128x128xf32, #tpu.memory_space<vmem>>
      %dma_wait3A_1142 = arith.constant 0 : i32
      %dma_wait3A_1143 = tpu.memref_slice %arg10[%rem3A_109, %dma_wait3A_1137, %dma_wait3A_1142] : memref<2x8x128xi32, #tpu.memory_space<vmem>> -> memref<1x1x128xi32, #tpu.memory_space<vmem>>
      %dma_wait3A_1144 = tpu.memref_squeeze %dma_wait3A_1143 : memref<1x1x128xi32, #tpu.memory_space<vmem>> -> memref<128xi32, #tpu.memory_space<vmem>>
      %dma_wait3A_1145 = arith.constant 0 : i32
      %dma_wait3A_1146 = arith.constant 0 : i32
      %dma_wait3A_1147 = tpu.memref_slice %arg15[%dma_wait3A_1145, %dma_wait3A_1146] : memref<10112x128xf32, #tpu.memory_space<vmem_shared>> -> memref<10112x128xf32, #tpu.memory_space<vmem_shared>>
      tpu.wait_indirect_dma semaphore(%arg24 : memref<!tpu.dma_semaphore, #tpu.memory_space<semaphore_mem>>) src(%dma_wait3A_1141 : memref<128x128xf32, #tpu.memory_space<vmem>>) dst(%dma_wait3A_1147 : memref<10112x128xf32, #tpu.memory_space<vmem_shared>>)
      %dma_start3A_1148 = arith.constant 7 : i32
      %dma_start3A_1149 = arith.constant 1 : i32
      %dma_start3A_1150 = arith.constant 0 : i32
      %dma_start3A_1151 = arith.constant 0 : i32
      %dma_start3A_1152 = tpu.memref_slice %arg11[%dma_start3A_1149, %dma_start3A_1150, %dma_start3A_1151] : memref<2x128x128xf32, #tpu.memory_space<vmem>> -> memref<1x128x128xf32, #tpu.memory_space<vmem>>
      %dma_start3A_1153 = tpu.memref_squeeze %dma_start3A_1152 : memref<1x128x128xf32, #tpu.memory_space<vmem>> -> memref<128x128xf32, #tpu.memory_space<vmem>>
      %dma_start3A_1154 = arith.constant 0 : i32
      %dma_start3A_1155 = tpu.memref_slice %arg9[%rem3A_109, %dma_start3A_1148, %dma_start3A_1154] : memref<2x8x128xi32, #tpu.memory_space<vmem>> -> memref<1x1x128xi32, #tpu.memory_space<vmem>>
      %dma_start3A_1156 = tpu.memref_squeeze %dma_start3A_1155 : memref<1x1x128xi32, #tpu.memory_space<vmem>> -> memref<128xi32, #tpu.memory_space<vmem>>
      %dma_start3A_1157 = arith.constant 0 : i32
      %dma_start3A_1158 = arith.constant 0 : i32
      %dma_start3A_1159 = tpu.memref_slice %arg2[%dma_start3A_1157, %dma_start3A_1158] : memref<2048x128xf32, #tpu.memory_space<hbm>> -> memref<2048x128xf32, #tpu.memory_space<hbm>>
      tpu.enqueue_indirect_dma source(%dma_start3A_1159 : memref<2048x128xf32, #tpu.memory_space<hbm>>) target(%dma_start3A_1153 : memref<128x128xf32, #tpu.memory_space<vmem>>) offsets(%dma_start3A_1156 : memref<128xi32, #tpu.memory_space<vmem>>) semaphore(%arg19 : memref<!tpu.dma_semaphore, #tpu.memory_space<semaphore_mem>>)
      %dma_wait3A_1160 = arith.constant 6 : i32
      %dma_wait3A_1161 = arith.constant 0 : i32
      %dma_wait3A_1162 = arith.constant 0 : i32
      %dma_wait3A_1163 = arith.constant 0 : i32
      %dma_wait3A_1164 = tpu.memref_slice %arg11[%dma_wait3A_1161, %dma_wait3A_1162, %dma_wait3A_1163] : memref<2x128x128xf32, #tpu.memory_space<vmem>> -> memref<1x128x128xf32, #tpu.memory_space<vmem>>
      %dma_wait3A_1165 = tpu.memref_squeeze %dma_wait3A_1164 : memref<1x128x128xf32, #tpu.memory_space<vmem>> -> memref<128x128xf32, #tpu.memory_space<vmem>>
      %dma_wait3A_1166 = arith.constant 0 : i32
      %dma_wait3A_1167 = tpu.memref_slice %arg9[%rem3A_109, %dma_wait3A_1160, %dma_wait3A_1166] : memref<2x8x128xi32, #tpu.memory_space<vmem>> -> memref<1x1x128xi32, #tpu.memory_space<vmem>>
      %dma_wait3A_1168 = tpu.memref_squeeze %dma_wait3A_1167 : memref<1x1x128xi32, #tpu.memory_space<vmem>> -> memref<128xi32, #tpu.memory_space<vmem>>
      %dma_wait3A_1169 = arith.constant 0 : i32
      %dma_wait3A_1170 = arith.constant 0 : i32
      %dma_wait3A_1171 = tpu.memref_slice %arg2[%dma_wait3A_1169, %dma_wait3A_1170] : memref<2048x128xf32, #tpu.memory_space<hbm>> -> memref<2048x128xf32, #tpu.memory_space<hbm>>
      tpu.wait_indirect_dma semaphore(%arg18 : memref<!tpu.dma_semaphore, #tpu.memory_space<semaphore_mem>>) src(%dma_wait3A_1171 : memref<2048x128xf32, #tpu.memory_space<hbm>>) dst(%dma_wait3A_1165 : memref<128x128xf32, #tpu.memory_space<vmem>>)
      %dma_start3A_1172 = arith.constant 0 : i32
      %dma_start3A_1173 = arith.constant 6 : i32
      %dma_start3A_1174 = arith.constant 0 : i32
      %dma_start3A_1175 = arith.constant 0 : i32
      %dma_start3A_1176 = tpu.memref_slice %arg11[%dma_start3A_1172, %dma_start3A_1174, %dma_start3A_1175] : memref<2x128x128xf32, #tpu.memory_space<vmem>> -> memref<1x128x128xf32, #tpu.memory_space<vmem>>
      %dma_start3A_1177 = tpu.memref_squeeze %dma_start3A_1176 : memref<1x128x128xf32, #tpu.memory_space<vmem>> -> memref<128x128xf32, #tpu.memory_space<vmem>>
      %dma_start3A_1178 = arith.constant 0 : i32
      %dma_start3A_1179 = tpu.memref_slice %arg10[%rem3A_109, %dma_start3A_1173, %dma_start3A_1178] : memref<2x8x128xi32, #tpu.memory_space<vmem>> -> memref<1x1x128xi32, #tpu.memory_space<vmem>>
      %dma_start3A_1180 = tpu.memref_squeeze %dma_start3A_1179 : memref<1x1x128xi32, #tpu.memory_space<vmem>> -> memref<128xi32, #tpu.memory_space<vmem>>
      %dma_start3A_1181 = arith.constant 0 : i32
      %dma_start3A_1182 = arith.constant 0 : i32
      %dma_start3A_1183 = tpu.memref_slice %arg15[%dma_start3A_1181, %dma_start3A_1182] : memref<10112x128xf32, #tpu.memory_space<vmem_shared>> -> memref<10112x128xf32, #tpu.memory_space<vmem_shared>>
      tpu.enqueue_indirect_dma source(%dma_start3A_1177 : memref<128x128xf32, #tpu.memory_space<vmem>>) target(%dma_start3A_1183 : memref<10112x128xf32, #tpu.memory_space<vmem_shared>>) offsets(%dma_start3A_1180 : memref<128xi32, #tpu.memory_space<vmem>>) semaphore(%arg23 : memref<!tpu.dma_semaphore, #tpu.memory_space<semaphore_mem>>) {add = true}
      %get3A_1184 = arith.constant 6 : i32
      %get3A_1185 = arith.index_cast %rem3A_109 : i32 to index
      %get3A_1186 = arith.index_cast %get3A_1184 : i32 to index
      %get3A_1187 = arith.constant 0 : index
      %get3A_1188 = tpu.vector_load %arg9[%get3A_1185, %get3A_1186, %get3A_1187] {strides = array<i32>} : memref<2x8x128xi32, #tpu.memory_space<vmem>>, vector<16xi32>,
      %gather3A_1189 = tpu.vector_load_idx %arg12[%get3A_1188] : memref<2048xf32, #tpu.memory_space<vmem>>[vector<16xi32>], vector<16xf32>,
      %get3A_1190 = arith.constant 6 : i32
      %get3A_1191 = arith.index_cast %rem3A_109 : i32 to index
      %get3A_1192 = arith.index_cast %get3A_1190 : i32 to index
      %get3A_1193 = arith.constant 0 : index
      %get3A_1194 = tpu.vector_load %arg10[%get3A_1191, %get3A_1192, %get3A_1193] {strides = array<i32>} : memref<2x8x128xi32, #tpu.memory_space<vmem>>, vector<16xi32>,
      %gather3A_1195 = tpu.vector_load_idx %arg13[%get3A_1194] : memref<10112xf32, #tpu.memory_space<vmem>>[vector<16xi32>], vector<16xf32>,
      %mul3A_1196 = arith.mulf %gather3A_1189, %gather3A_1195 : vector<16xf32>
      %add3A_1197 = arith.addf %add3A_1135, %mul3A_1196 : vector<16xf32>
      %get3A_1198 = arith.constant 6 : i32
      %get3A_1199 = arith.index_cast %rem3A_109 : i32 to index
      %get3A_1200 = arith.index_cast %get3A_1198 : i32 to index
      %get3A_1201 = arith.constant 16 : index
      %get3A_1202 = tpu.vector_load %arg9[%get3A_1199, %get3A_1200, %get3A_1201] {strides = array<i32>} : memref<2x8x128xi32, #tpu.memory_space<vmem>>, vector<16xi32>,
      %gather3A_1203 = tpu.vector_load_idx %arg12[%get3A_1202] : memref<2048xf32, #tpu.memory_space<vmem>>[vector<16xi32>], vector<16xf32>,
      %get3A_1204 = arith.constant 6 : i32
      %get3A_1205 = arith.index_cast %rem3A_109 : i32 to index
      %get3A_1206 = arith.index_cast %get3A_1204 : i32 to index
      %get3A_1207 = arith.constant 16 : index
      %get3A_1208 = tpu.vector_load %arg10[%get3A_1205, %get3A_1206, %get3A_1207] {strides = array<i32>} : memref<2x8x128xi32, #tpu.memory_space<vmem>>, vector<16xi32>,
      %gather3A_1209 = tpu.vector_load_idx %arg13[%get3A_1208] : memref<10112xf32, #tpu.memory_space<vmem>>[vector<16xi32>], vector<16xf32>,
      %mul3A_1210 = arith.mulf %gather3A_1203, %gather3A_1209 : vector<16xf32>
      %add3A_1211 = arith.addf %add3A_1197, %mul3A_1210 : vector<16xf32>
      %get3A_1212 = arith.constant 6 : i32
      %get3A_1213 = arith.index_cast %rem3A_109 : i32 to index
      %get3A_1214 = arith.index_cast %get3A_1212 : i32 to index
      %get3A_1215 = arith.constant 32 : index
      %get3A_1216 = tpu.vector_load %arg9[%get3A_1213, %get3A_1214, %get3A_1215] {strides = array<i32>} : memref<2x8x128xi32, #tpu.memory_space<vmem>>, vector<16xi32>,
      %gather3A_1217 = tpu.vector_load_idx %arg12[%get3A_1216] : memref<2048xf32, #tpu.memory_space<vmem>>[vector<16xi32>], vector<16xf32>,
      %get3A_1218 = arith.constant 6 : i32
      %get3A_1219 = arith.index_cast %rem3A_109 : i32 to index
      %get3A_1220 = arith.index_cast %get3A_1218 : i32 to index
      %get3A_1221 = arith.constant 32 : index
      %get3A_1222 = tpu.vector_load %arg10[%get3A_1219, %get3A_1220, %get3A_1221] {strides = array<i32>} : memref<2x8x128xi32, #tpu.memory_space<vmem>>, vector<16xi32>,
      %gather3A_1223 = tpu.vector_load_idx %arg13[%get3A_1222] : memref<10112xf32, #tpu.memory_space<vmem>>[vector<16xi32>], vector<16xf32>,
      %mul3A_1224 = arith.mulf %gather3A_1217, %gather3A_1223 : vector<16xf32>
      %add3A_1225 = arith.addf %add3A_1211, %mul3A_1224 : vector<16xf32>
      %get3A_1226 = arith.constant 6 : i32
      %get3A_1227 = arith.index_cast %rem3A_109 : i32 to index
      %get3A_1228 = arith.index_cast %get3A_1226 : i32 to index
      %get3A_1229 = arith.constant 48 : index
      %get3A_1230 = tpu.vector_load %arg9[%get3A_1227, %get3A_1228, %get3A_1229] {strides = array<i32>} : memref<2x8x128xi32, #tpu.memory_space<vmem>>, vector<16xi32>,
      %gather3A_1231 = tpu.vector_load_idx %arg12[%get3A_1230] : memref<2048xf32, #tpu.memory_space<vmem>>[vector<16xi32>], vector<16xf32>,
      %get3A_1232 = arith.constant 6 : i32
      %get3A_1233 = arith.index_cast %rem3A_109 : i32 to index
      %get3A_1234 = arith.index_cast %get3A_1232 : i32 to index
      %get3A_1235 = arith.constant 48 : index
      %get3A_1236 = tpu.vector_load %arg10[%get3A_1233, %get3A_1234, %get3A_1235] {strides = array<i32>} : memref<2x8x128xi32, #tpu.memory_space<vmem>>, vector<16xi32>,
      %gather3A_1237 = tpu.vector_load_idx %arg13[%get3A_1236] : memref<10112xf32, #tpu.memory_space<vmem>>[vector<16xi32>], vector<16xf32>,
      %mul3A_1238 = arith.mulf %gather3A_1231, %gather3A_1237 : vector<16xf32>
      %add3A_1239 = arith.addf %add3A_1225, %mul3A_1238 : vector<16xf32>
      %get3A_1240 = arith.constant 6 : i32
      %get3A_1241 = arith.index_cast %rem3A_109 : i32 to index
      %get3A_1242 = arith.index_cast %get3A_1240 : i32 to index
      %get3A_1243 = arith.constant 64 : index
      %get3A_1244 = tpu.vector_load %arg9[%get3A_1241, %get3A_1242, %get3A_1243] {strides = array<i32>} : memref<2x8x128xi32, #tpu.memory_space<vmem>>, vector<16xi32>,
      %gather3A_1245 = tpu.vector_load_idx %arg12[%get3A_1244] : memref<2048xf32, #tpu.memory_space<vmem>>[vector<16xi32>], vector<16xf32>,
      %get3A_1246 = arith.constant 6 : i32
      %get3A_1247 = arith.index_cast %rem3A_109 : i32 to index
      %get3A_1248 = arith.index_cast %get3A_1246 : i32 to index
      %get3A_1249 = arith.constant 64 : index
      %get3A_1250 = tpu.vector_load %arg10[%get3A_1247, %get3A_1248, %get3A_1249] {strides = array<i32>} : memref<2x8x128xi32, #tpu.memory_space<vmem>>, vector<16xi32>,
      %gather3A_1251 = tpu.vector_load_idx %arg13[%get3A_1250] : memref<10112xf32, #tpu.memory_space<vmem>>[vector<16xi32>], vector<16xf32>,
      %mul3A_1252 = arith.mulf %gather3A_1245, %gather3A_1251 : vector<16xf32>
      %add3A_1253 = arith.addf %add3A_1239, %mul3A_1252 : vector<16xf32>
      %get3A_1254 = arith.constant 6 : i32
      %get3A_1255 = arith.index_cast %rem3A_109 : i32 to index
      %get3A_1256 = arith.index_cast %get3A_1254 : i32 to index
      %get3A_1257 = arith.constant 80 : index
      %get3A_1258 = tpu.vector_load %arg9[%get3A_1255, %get3A_1256, %get3A_1257] {strides = array<i32>} : memref<2x8x128xi32, #tpu.memory_space<vmem>>, vector<16xi32>,
      %gather3A_1259 = tpu.vector_load_idx %arg12[%get3A_1258] : memref<2048xf32, #tpu.memory_space<vmem>>[vector<16xi32>], vector<16xf32>,
      %get3A_1260 = arith.constant 6 : i32
      %get3A_1261 = arith.index_cast %rem3A_109 : i32 to index
      %get3A_1262 = arith.index_cast %get3A_1260 : i32 to index
      %get3A_1263 = arith.constant 80 : index
      %get3A_1264 = tpu.vector_load %arg10[%get3A_1261, %get3A_1262, %get3A_1263] {strides = array<i32>} : memref<2x8x128xi32, #tpu.memory_space<vmem>>, vector<16xi32>,
      %gather3A_1265 = tpu.vector_load_idx %arg13[%get3A_1264] : memref<10112xf32, #tpu.memory_space<vmem>>[vector<16xi32>], vector<16xf32>,
      %mul3A_1266 = arith.mulf %gather3A_1259, %gather3A_1265 : vector<16xf32>
      %add3A_1267 = arith.addf %add3A_1253, %mul3A_1266 : vector<16xf32>
      %get3A_1268 = arith.constant 6 : i32
      %get3A_1269 = arith.index_cast %rem3A_109 : i32 to index
      %get3A_1270 = arith.index_cast %get3A_1268 : i32 to index
      %get3A_1271 = arith.constant 96 : index
      %get3A_1272 = tpu.vector_load %arg9[%get3A_1269, %get3A_1270, %get3A_1271] {strides = array<i32>} : memref<2x8x128xi32, #tpu.memory_space<vmem>>, vector<16xi32>,
      %gather3A_1273 = tpu.vector_load_idx %arg12[%get3A_1272] : memref<2048xf32, #tpu.memory_space<vmem>>[vector<16xi32>], vector<16xf32>,
      %get3A_1274 = arith.constant 6 : i32
      %get3A_1275 = arith.index_cast %rem3A_109 : i32 to index
      %get3A_1276 = arith.index_cast %get3A_1274 : i32 to index
      %get3A_1277 = arith.constant 96 : index
      %get3A_1278 = tpu.vector_load %arg10[%get3A_1275, %get3A_1276, %get3A_1277] {strides = array<i32>} : memref<2x8x128xi32, #tpu.memory_space<vmem>>, vector<16xi32>,
      %gather3A_1279 = tpu.vector_load_idx %arg13[%get3A_1278] : memref<10112xf32, #tpu.memory_space<vmem>>[vector<16xi32>], vector<16xf32>,
      %mul3A_1280 = arith.mulf %gather3A_1273, %gather3A_1279 : vector<16xf32>
      %add3A_1281 = arith.addf %add3A_1267, %mul3A_1280 : vector<16xf32>
      %get3A_1282 = arith.constant 6 : i32
      %get3A_1283 = arith.index_cast %rem3A_109 : i32 to index
      %get3A_1284 = arith.index_cast %get3A_1282 : i32 to index
      %get3A_1285 = arith.constant 112 : index
      %get3A_1286 = tpu.vector_load %arg9[%get3A_1283, %get3A_1284, %get3A_1285] {strides = array<i32>} : memref<2x8x128xi32, #tpu.memory_space<vmem>>, vector<16xi32>,
      %gather3A_1287 = tpu.vector_load_idx %arg12[%get3A_1286] : memref<2048xf32, #tpu.memory_space<vmem>>[vector<16xi32>], vector<16xf32>,
      %get3A_1288 = arith.constant 6 : i32
      %get3A_1289 = arith.index_cast %rem3A_109 : i32 to index
      %get3A_1290 = arith.index_cast %get3A_1288 : i32 to index
      %get3A_1291 = arith.constant 112 : index
      %get3A_1292 = tpu.vector_load %arg10[%get3A_1289, %get3A_1290, %get3A_1291] {strides = array<i32>} : memref<2x8x128xi32, #tpu.memory_space<vmem>>, vector<16xi32>,
      %gather3A_1293 = tpu.vector_load_idx %arg13[%get3A_1292] : memref<10112xf32, #tpu.memory_space<vmem>>[vector<16xi32>], vector<16xf32>,
      %mul3A_1294 = arith.mulf %gather3A_1287, %gather3A_1293 : vector<16xf32>
      %add3A_1295 = arith.addf %add3A_1281, %mul3A_1294 : vector<16xf32>
      %dma_wait3A_1296 = arith.constant 7 : i32
      %dma_wait3A_1297 = arith.constant 1 : i32
      %dma_wait3A_1298 = arith.constant 0 : i32
      %dma_wait3A_1299 = arith.constant 0 : i32
      %dma_wait3A_1300 = tpu.memref_slice %arg11[%dma_wait3A_1297, %dma_wait3A_1298, %dma_wait3A_1299] : memref<2x128x128xf32, #tpu.memory_space<vmem>> -> memref<1x128x128xf32, #tpu.memory_space<vmem>>
      %dma_wait3A_1301 = tpu.memref_squeeze %dma_wait3A_1300 : memref<1x128x128xf32, #tpu.memory_space<vmem>> -> memref<128x128xf32, #tpu.memory_space<vmem>>
      %dma_wait3A_1302 = arith.constant 0 : i32
      %dma_wait3A_1303 = tpu.memref_slice %arg9[%rem3A_109, %dma_wait3A_1296, %dma_wait3A_1302] : memref<2x8x128xi32, #tpu.memory_space<vmem>> -> memref<1x1x128xi32, #tpu.memory_space<vmem>>
      %dma_wait3A_1304 = tpu.memref_squeeze %dma_wait3A_1303 : memref<1x1x128xi32, #tpu.memory_space<vmem>> -> memref<128xi32, #tpu.memory_space<vmem>>
      %dma_wait3A_1305 = arith.constant 0 : i32
      %dma_wait3A_1306 = arith.constant 0 : i32
      %dma_wait3A_1307 = tpu.memref_slice %arg2[%dma_wait3A_1305, %dma_wait3A_1306] : memref<2048x128xf32, #tpu.memory_space<hbm>> -> memref<2048x128xf32, #tpu.memory_space<hbm>>
      tpu.wait_indirect_dma semaphore(%arg19 : memref<!tpu.dma_semaphore, #tpu.memory_space<semaphore_mem>>) src(%dma_wait3A_1307 : memref<2048x128xf32, #tpu.memory_space<hbm>>) dst(%dma_wait3A_1301 : memref<128x128xf32, #tpu.memory_space<vmem>>)
      %dma_start3A_1308 = arith.constant 1 : i32
      %dma_start3A_1309 = arith.constant 7 : i32
      %dma_start3A_1310 = arith.constant 0 : i32
      %dma_start3A_1311 = arith.constant 0 : i32
      %dma_start3A_1312 = tpu.memref_slice %arg11[%dma_start3A_1308, %dma_start3A_1310, %dma_start3A_1311] : memref<2x128x128xf32, #tpu.memory_space<vmem>> -> memref<1x128x128xf32, #tpu.memory_space<vmem>>
      %dma_start3A_1313 = tpu.memref_squeeze %dma_start3A_1312 : memref<1x128x128xf32, #tpu.memory_space<vmem>> -> memref<128x128xf32, #tpu.memory_space<vmem>>
      %dma_start3A_1314 = arith.constant 0 : i32
      %dma_start3A_1315 = tpu.memref_slice %arg10[%rem3A_109, %dma_start3A_1309, %dma_start3A_1314] : memref<2x8x128xi32, #tpu.memory_space<vmem>> -> memref<1x1x128xi32, #tpu.memory_space<vmem>>
      %dma_start3A_1316 = tpu.memref_squeeze %dma_start3A_1315 : memref<1x1x128xi32, #tpu.memory_space<vmem>> -> memref<128xi32, #tpu.memory_space<vmem>>
      %dma_start3A_1317 = arith.constant 0 : i32
      %dma_start3A_1318 = arith.constant 0 : i32
      %dma_start3A_1319 = tpu.memref_slice %arg15[%dma_start3A_1317, %dma_start3A_1318] : memref<10112x128xf32, #tpu.memory_space<vmem_shared>> -> memref<10112x128xf32, #tpu.memory_space<vmem_shared>>
      tpu.enqueue_indirect_dma source(%dma_start3A_1313 : memref<128x128xf32, #tpu.memory_space<vmem>>) target(%dma_start3A_1319 : memref<10112x128xf32, #tpu.memory_space<vmem_shared>>) offsets(%dma_start3A_1316 : memref<128xi32, #tpu.memory_space<vmem>>) semaphore(%arg24 : memref<!tpu.dma_semaphore, #tpu.memory_space<semaphore_mem>>) {add = true}
      %get3A_1320 = arith.constant 7 : i32
      %get3A_1321 = arith.index_cast %rem3A_109 : i32 to index
      %get3A_1322 = arith.index_cast %get3A_1320 : i32 to index
      %get3A_1323 = arith.constant 0 : index
      %get3A_1324 = tpu.vector_load %arg9[%get3A_1321, %get3A_1322, %get3A_1323] {strides = array<i32>} : memref<2x8x128xi32, #tpu.memory_space<vmem>>, vector<16xi32>,
      %gather3A_1325 = tpu.vector_load_idx %arg12[%get3A_1324] : memref<2048xf32, #tpu.memory_space<vmem>>[vector<16xi32>], vector<16xf32>,
      %get3A_1326 = arith.constant 7 : i32
      %get3A_1327 = arith.index_cast %rem3A_109 : i32 to index
      %get3A_1328 = arith.index_cast %get3A_1326 : i32 to index
      %get3A_1329 = arith.constant 0 : index
      %get3A_1330 = tpu.vector_load %arg10[%get3A_1327, %get3A_1328, %get3A_1329] {strides = array<i32>} : memref<2x8x128xi32, #tpu.memory_space<vmem>>, vector<16xi32>,
      %gather3A_1331 = tpu.vector_load_idx %arg13[%get3A_1330] : memref<10112xf32, #tpu.memory_space<vmem>>[vector<16xi32>], vector<16xf32>,
      %mul3A_1332 = arith.mulf %gather3A_1325, %gather3A_1331 : vector<16xf32>
      %add3A_1333 = arith.addf %add3A_1295, %mul3A_1332 : vector<16xf32>
      %get3A_1334 = arith.constant 7 : i32
      %get3A_1335 = arith.index_cast %rem3A_109 : i32 to index
      %get3A_1336 = arith.index_cast %get3A_1334 : i32 to index
      %get3A_1337 = arith.constant 16 : index
      %get3A_1338 = tpu.vector_load %arg9[%get3A_1335, %get3A_1336, %get3A_1337] {strides = array<i32>} : memref<2x8x128xi32, #tpu.memory_space<vmem>>, vector<16xi32>,
      %gather3A_1339 = tpu.vector_load_idx %arg12[%get3A_1338] : memref<2048xf32, #tpu.memory_space<vmem>>[vector<16xi32>], vector<16xf32>,
      %get3A_1340 = arith.constant 7 : i32
      %get3A_1341 = arith.index_cast %rem3A_109 : i32 to index
      %get3A_1342 = arith.index_cast %get3A_1340 : i32 to index
      %get3A_1343 = arith.constant 16 : index
      %get3A_1344 = tpu.vector_load %arg10[%get3A_1341, %get3A_1342, %get3A_1343] {strides = array<i32>} : memref<2x8x128xi32, #tpu.memory_space<vmem>>, vector<16xi32>,
      %gather3A_1345 = tpu.vector_load_idx %arg13[%get3A_1344] : memref<10112xf32, #tpu.memory_space<vmem>>[vector<16xi32>], vector<16xf32>,
      %mul3A_1346 = arith.mulf %gather3A_1339, %gather3A_1345 : vector<16xf32>
      %add3A_1347 = arith.addf %add3A_1333, %mul3A_1346 : vector<16xf32>
      %get3A_1348 = arith.constant 7 : i32
      %get3A_1349 = arith.index_cast %rem3A_109 : i32 to index
      %get3A_1350 = arith.index_cast %get3A_1348 : i32 to index
      %get3A_1351 = arith.constant 32 : index
      %get3A_1352 = tpu.vector_load %arg9[%get3A_1349, %get3A_1350, %get3A_1351] {strides = array<i32>} : memref<2x8x128xi32, #tpu.memory_space<vmem>>, vector<16xi32>,
      %gather3A_1353 = tpu.vector_load_idx %arg12[%get3A_1352] : memref<2048xf32, #tpu.memory_space<vmem>>[vector<16xi32>], vector<16xf32>,
      %get3A_1354 = arith.constant 7 : i32
      %get3A_1355 = arith.index_cast %rem3A_109 : i32 to index
      %get3A_1356 = arith.index_cast %get3A_1354 : i32 to index
      %get3A_1357 = arith.constant 32 : index
      %get3A_1358 = tpu.vector_load %arg10[%get3A_1355, %get3A_1356, %get3A_1357] {strides = array<i32>} : memref<2x8x128xi32, #tpu.memory_space<vmem>>, vector<16xi32>,
      %gather3A_1359 = tpu.vector_load_idx %arg13[%get3A_1358] : memref<10112xf32, #tpu.memory_space<vmem>>[vector<16xi32>], vector<16xf32>,
      %mul3A_1360 = arith.mulf %gather3A_1353, %gather3A_1359 : vector<16xf32>
      %add3A_1361 = arith.addf %add3A_1347, %mul3A_1360 : vector<16xf32>
      %get3A_1362 = arith.constant 7 : i32
      %get3A_1363 = arith.index_cast %rem3A_109 : i32 to index
      %get3A_1364 = arith.index_cast %get3A_1362 : i32 to index
      %get3A_1365 = arith.constant 48 : index
      %get3A_1366 = tpu.vector_load %arg9[%get3A_1363, %get3A_1364, %get3A_1365] {strides = array<i32>} : memref<2x8x128xi32, #tpu.memory_space<vmem>>, vector<16xi32>,
      %gather3A_1367 = tpu.vector_load_idx %arg12[%get3A_1366] : memref<2048xf32, #tpu.memory_space<vmem>>[vector<16xi32>], vector<16xf32>,
      %get3A_1368 = arith.constant 7 : i32
      %get3A_1369 = arith.index_cast %rem3A_109 : i32 to index
      %get3A_1370 = arith.index_cast %get3A_1368 : i32 to index
      %get3A_1371 = arith.constant 48 : index
      %get3A_1372 = tpu.vector_load %arg10[%get3A_1369, %get3A_1370, %get3A_1371] {strides = array<i32>} : memref<2x8x128xi32, #tpu.memory_space<vmem>>, vector<16xi32>,
      %gather3A_1373 = tpu.vector_load_idx %arg13[%get3A_1372] : memref<10112xf32, #tpu.memory_space<vmem>>[vector<16xi32>], vector<16xf32>,
      %mul3A_1374 = arith.mulf %gather3A_1367, %gather3A_1373 : vector<16xf32>
      %add3A_1375 = arith.addf %add3A_1361, %mul3A_1374 : vector<16xf32>
      %get3A_1376 = arith.constant 7 : i32
      %get3A_1377 = arith.index_cast %rem3A_109 : i32 to index
      %get3A_1378 = arith.index_cast %get3A_1376 : i32 to index
      %get3A_1379 = arith.constant 64 : index
      %get3A_1380 = tpu.vector_load %arg9[%get3A_1377, %get3A_1378, %get3A_1379] {strides = array<i32>} : memref<2x8x128xi32, #tpu.memory_space<vmem>>, vector<16xi32>,
      %gather3A_1381 = tpu.vector_load_idx %arg12[%get3A_1380] : memref<2048xf32, #tpu.memory_space<vmem>>[vector<16xi32>], vector<16xf32>,
      %get3A_1382 = arith.constant 7 : i32
      %get3A_1383 = arith.index_cast %rem3A_109 : i32 to index
      %get3A_1384 = arith.index_cast %get3A_1382 : i32 to index
      %get3A_1385 = arith.constant 64 : index
      %get3A_1386 = tpu.vector_load %arg10[%get3A_1383, %get3A_1384, %get3A_1385] {strides = array<i32>} : memref<2x8x128xi32, #tpu.memory_space<vmem>>, vector<16xi32>,
      %gather3A_1387 = tpu.vector_load_idx %arg13[%get3A_1386] : memref<10112xf32, #tpu.memory_space<vmem>>[vector<16xi32>], vector<16xf32>,
      %mul3A_1388 = arith.mulf %gather3A_1381, %gather3A_1387 : vector<16xf32>
      %add3A_1389 = arith.addf %add3A_1375, %mul3A_1388 : vector<16xf32>
      %get3A_1390 = arith.constant 7 : i32
      %get3A_1391 = arith.index_cast %rem3A_109 : i32 to index
      %get3A_1392 = arith.index_cast %get3A_1390 : i32 to index
      %get3A_1393 = arith.constant 80 : index
      %get3A_1394 = tpu.vector_load %arg9[%get3A_1391, %get3A_1392, %get3A_1393] {strides = array<i32>} : memref<2x8x128xi32, #tpu.memory_space<vmem>>, vector<16xi32>,
      %gather3A_1395 = tpu.vector_load_idx %arg12[%get3A_1394] : memref<2048xf32, #tpu.memory_space<vmem>>[vector<16xi32>], vector<16xf32>,
      %get3A_1396 = arith.constant 7 : i32
      %get3A_1397 = arith.index_cast %rem3A_109 : i32 to index
      %get3A_1398 = arith.index_cast %get3A_1396 : i32 to index
      %get3A_1399 = arith.constant 80 : index
      %get3A_1400 = tpu.vector_load %arg10[%get3A_1397, %get3A_1398, %get3A_1399] {strides = array<i32>} : memref<2x8x128xi32, #tpu.memory_space<vmem>>, vector<16xi32>,
      %gather3A_1401 = tpu.vector_load_idx %arg13[%get3A_1400] : memref<10112xf32, #tpu.memory_space<vmem>>[vector<16xi32>], vector<16xf32>,
      %mul3A_1402 = arith.mulf %gather3A_1395, %gather3A_1401 : vector<16xf32>
      %add3A_1403 = arith.addf %add3A_1389, %mul3A_1402 : vector<16xf32>
      %get3A_1404 = arith.constant 7 : i32
      %get3A_1405 = arith.index_cast %rem3A_109 : i32 to index
      %get3A_1406 = arith.index_cast %get3A_1404 : i32 to index
      %get3A_1407 = arith.constant 96 : index
      %get3A_1408 = tpu.vector_load %arg9[%get3A_1405, %get3A_1406, %get3A_1407] {strides = array<i32>} : memref<2x8x128xi32, #tpu.memory_space<vmem>>, vector<16xi32>,
      %gather3A_1409 = tpu.vector_load_idx %arg12[%get3A_1408] : memref<2048xf32, #tpu.memory_space<vmem>>[vector<16xi32>], vector<16xf32>,
      %get3A_1410 = arith.constant 7 : i32
      %get3A_1411 = arith.index_cast %rem3A_109 : i32 to index
      %get3A_1412 = arith.index_cast %get3A_1410 : i32 to index
      %get3A_1413 = arith.constant 96 : index
      %get3A_1414 = tpu.vector_load %arg10[%get3A_1411, %get3A_1412, %get3A_1413] {strides = array<i32>} : memref<2x8x128xi32, #tpu.memory_space<vmem>>, vector<16xi32>,
      %gather3A_1415 = tpu.vector_load_idx %arg13[%get3A_1414] : memref<10112xf32, #tpu.memory_space<vmem>>[vector<16xi32>], vector<16xf32>,
      %mul3A_1416 = arith.mulf %gather3A_1409, %gather3A_1415 : vector<16xf32>
      %add3A_1417 = arith.addf %add3A_1403, %mul3A_1416 : vector<16xf32>
      %get3A_1418 = arith.constant 7 : i32
      %get3A_1419 = arith.index_cast %rem3A_109 : i32 to index
      %get3A_1420 = arith.index_cast %get3A_1418 : i32 to index
      %get3A_1421 = arith.constant 112 : index
      %get3A_1422 = tpu.vector_load %arg9[%get3A_1419, %get3A_1420, %get3A_1421] {strides = array<i32>} : memref<2x8x128xi32, #tpu.memory_space<vmem>>, vector<16xi32>,
      %gather3A_1423 = tpu.vector_load_idx %arg12[%get3A_1422] : memref<2048xf32, #tpu.memory_space<vmem>>[vector<16xi32>], vector<16xf32>,
      %get3A_1424 = arith.constant 7 : i32
      %get3A_1425 = arith.index_cast %rem3A_109 : i32 to index
      %get3A_1426 = arith.index_cast %get3A_1424 : i32 to index
      %get3A_1427 = arith.constant 112 : index
      %get3A_1428 = tpu.vector_load %arg10[%get3A_1425, %get3A_1426, %get3A_1427] {strides = array<i32>} : memref<2x8x128xi32, #tpu.memory_space<vmem>>, vector<16xi32>,
      %gather3A_1429 = tpu.vector_load_idx %arg13[%get3A_1428] : memref<10112xf32, #tpu.memory_space<vmem>>[vector<16xi32>], vector<16xf32>,
      %mul3A_1430 = arith.mulf %gather3A_1423, %gather3A_1429 : vector<16xf32>
      %add3A_1431 = arith.addf %add3A_1417, %mul3A_1430 : vector<16xf32>
      scf.yield %add3A_1431 : vector<16xf32>
    }
    %scan3A_49 = arith.constant 10 : i32
    %dma_wait3A = arith.constant 0 : i32
    %dma_wait3A_50 = arith.constant 1 : i32
    %dma_wait3A_51 = arith.constant 6 : i32
    %dma_wait3A_52 = arith.constant 0 : i32
    %dma_wait3A_53 = arith.constant 0 : i32
    %dma_wait3A_54 = tpu.memref_slice %arg11[%dma_wait3A, %dma_wait3A_52, %dma_wait3A_53] : memref<2x128x128xf32, #tpu.memory_space<vmem>> -> memref<1x128x128xf32, #tpu.memory_space<vmem>>
    %dma_wait3A_55 = tpu.memref_squeeze %dma_wait3A_54 : memref<1x128x128xf32, #tpu.memory_space<vmem>> -> memref<128x128xf32, #tpu.memory_space<vmem>>
    %dma_wait3A_56 = arith.constant 0 : i32
    %dma_wait3A_57 = tpu.memref_slice %arg10[%dma_wait3A_50, %dma_wait3A_51, %dma_wait3A_56] : memref<2x8x128xi32, #tpu.memory_space<vmem>> -> memref<1x1x128xi32, #tpu.memory_space<vmem>>
    %dma_wait3A_58 = tpu.memref_squeeze %dma_wait3A_57 : memref<1x1x128xi32, #tpu.memory_space<vmem>> -> memref<128xi32, #tpu.memory_space<vmem>>
    %dma_wait3A_59 = arith.constant 0 : i32
    %dma_wait3A_60 = arith.constant 0 : i32
    %dma_wait3A_61 = tpu.memref_slice %arg15[%dma_wait3A_59, %dma_wait3A_60] : memref<10112x128xf32, #tpu.memory_space<vmem_shared>> -> memref<10112x128xf32, #tpu.memory_space<vmem_shared>>
    tpu.wait_indirect_dma semaphore(%arg23 : memref<!tpu.dma_semaphore, #tpu.memory_space<semaphore_mem>>) src(%dma_wait3A_55 : memref<128x128xf32, #tpu.memory_space<vmem>>) dst(%dma_wait3A_61 : memref<10112x128xf32, #tpu.memory_space<vmem_shared>>)
    %dma_wait3A_62 = arith.constant 1 : i32
    %dma_wait3A_63 = arith.constant 1 : i32
    %dma_wait3A_64 = arith.constant 7 : i32
    %dma_wait3A_65 = arith.constant 0 : i32
    %dma_wait3A_66 = arith.constant 0 : i32
    %dma_wait3A_67 = tpu.memref_slice %arg11[%dma_wait3A_62, %dma_wait3A_65, %dma_wait3A_66] : memref<2x128x128xf32, #tpu.memory_space<vmem>> -> memref<1x128x128xf32, #tpu.memory_space<vmem>>
    %dma_wait3A_68 = tpu.memref_squeeze %dma_wait3A_67 : memref<1x128x128xf32, #tpu.memory_space<vmem>> -> memref<128x128xf32, #tpu.memory_space<vmem>>
    %dma_wait3A_69 = arith.constant 0 : i32
    %dma_wait3A_70 = tpu.memref_slice %arg10[%dma_wait3A_63, %dma_wait3A_64, %dma_wait3A_69] : memref<2x8x128xi32, #tpu.memory_space<vmem>> -> memref<1x1x128xi32, #tpu.memory_space<vmem>>
    %dma_wait3A_71 = tpu.memref_squeeze %dma_wait3A_70 : memref<1x1x128xi32, #tpu.memory_space<vmem>> -> memref<128xi32, #tpu.memory_space<vmem>>
    %dma_wait3A_72 = arith.constant 0 : i32
    %dma_wait3A_73 = arith.constant 0 : i32
    %dma_wait3A_74 = tpu.memref_slice %arg15[%dma_wait3A_72, %dma_wait3A_73] : memref<10112x128xf32, #tpu.memory_space<vmem_shared>> -> memref<10112x128xf32, #tpu.memory_space<vmem_shared>>
    tpu.wait_indirect_dma semaphore(%arg24 : memref<!tpu.dma_semaphore, #tpu.memory_space<semaphore_mem>>) src(%dma_wait3A_68 : memref<128x128xf32, #tpu.memory_space<vmem>>) dst(%dma_wait3A_74 : memref<10112x128xf32, #tpu.memory_space<vmem_shared>>)
    %dma_wait3A_75 = arith.constant 0 : i32
    %dma_wait3A_76 = arith.constant 0 : i32
    %dma_wait3A_77 = arith.constant 0 : i32
    %dma_wait3A_78 = tpu.memref_slice %arg9[%dma_wait3A_75, %dma_wait3A_76, %dma_wait3A_77] : memref<2x8x128xi32, #tpu.memory_space<vmem>> -> memref<1x8x128xi32, #tpu.memory_space<vmem>>
    %dma_wait3A_79 = tpu.memref_squeeze %dma_wait3A_78 : memref<1x8x128xi32, #tpu.memory_space<vmem>> -> memref<8x128xi32, #tpu.memory_space<vmem>>
    %dma_wait3A_80 = arith.constant 0 : i32
    %dma_wait3A_81 = tpu.memref_slice %arg5[%mul3A_2, %dma_wait3A_80] : memref<2560x128xi32, #tpu.memory_space<hbm>> -> memref<8x128xi32, #tpu.memory_space<hbm>>
    %dma_wait3A_82 = arith.constant 0 : i32
    %dma_wait3A_83 = arith.constant 0 : i32
    %dma_wait3A_84 = tpu.memref_slice %arg9[%dma_wait3A_75, %dma_wait3A_82, %dma_wait3A_83] : memref<2x8x128xi32, #tpu.memory_space<vmem>> -> memref<1x8x128xi32, #tpu.memory_space<vmem>>
    %dma_wait3A_85 = tpu.memref_squeeze %dma_wait3A_84 : memref<1x8x128xi32, #tpu.memory_space<vmem>> -> memref<8x128xi32, #tpu.memory_space<vmem>>
    %dma_wait3A_86 = arith.constant 0 : i32
    %dma_wait3A_87 = tpu.memref_slice %arg5[%mul3A_2, %dma_wait3A_86] : memref<2560x128xi32, #tpu.memory_space<hbm>> -> memref<8x128xi32, #tpu.memory_space<hbm>>
    tpu.wait_dma2 semaphore(%arg17 : memref<!tpu.dma_semaphore, #tpu.memory_space<semaphore_mem>>) src(%dma_wait3A_87 : memref<8x128xi32, #tpu.memory_space<hbm>>) dst(%dma_wait3A_85 : memref<8x128xi32, #tpu.memory_space<vmem>>)
    %dma_wait3A_88 = arith.constant 0 : i32
    %dma_wait3A_89 = arith.constant 0 : i32
    %dma_wait3A_90 = arith.constant 0 : i32
    %dma_wait3A_91 = tpu.memref_slice %arg10[%dma_wait3A_88, %dma_wait3A_89, %dma_wait3A_90] : memref<2x8x128xi32, #tpu.memory_space<vmem>> -> memref<1x8x128xi32, #tpu.memory_space<vmem>>
    %dma_wait3A_92 = tpu.memref_squeeze %dma_wait3A_91 : memref<1x8x128xi32, #tpu.memory_space<vmem>> -> memref<8x128xi32, #tpu.memory_space<vmem>>
    %dma_wait3A_93 = arith.constant 0 : i32
    %dma_wait3A_94 = tpu.memref_slice %arg6[%mul3A_2, %dma_wait3A_93] : memref<2560x128xi32, #tpu.memory_space<hbm>> -> memref<8x128xi32, #tpu.memory_space<hbm>>
    %dma_wait3A_95 = arith.constant 0 : i32
    %dma_wait3A_96 = arith.constant 0 : i32
    %dma_wait3A_97 = tpu.memref_slice %arg10[%dma_wait3A_88, %dma_wait3A_95, %dma_wait3A_96] : memref<2x8x128xi32, #tpu.memory_space<vmem>> -> memref<1x8x128xi32, #tpu.memory_space<vmem>>
    %dma_wait3A_98 = tpu.memref_squeeze %dma_wait3A_97 : memref<1x8x128xi32, #tpu.memory_space<vmem>> -> memref<8x128xi32, #tpu.memory_space<vmem>>
    %dma_wait3A_99 = arith.constant 0 : i32
    %dma_wait3A_100 = tpu.memref_slice %arg6[%mul3A_2, %dma_wait3A_99] : memref<2560x128xi32, #tpu.memory_space<hbm>> -> memref<8x128xi32, #tpu.memory_space<hbm>>
    tpu.wait_dma2 semaphore(%arg17 : memref<!tpu.dma_semaphore, #tpu.memory_space<semaphore_mem>>) src(%dma_wait3A_100 : memref<8x128xi32, #tpu.memory_space<hbm>>) dst(%dma_wait3A_98 : memref<8x128xi32, #tpu.memory_space<vmem>>)
    %barrier3A_101 = arith.constant 0 : index
    tpu.barrier barrier_id(%barrier3A_101)
    %swap3A = arith.constant 0 : index
    %swap3A_102 = tpu.vector_load %arg14[%swap3A] {strides = array<i32>} : memref<16xf32, #tpu.memory_space<vmem>>, vector<16xf32>,
    tpu.vector_store %arg14[%swap3A], %scan3A_48 {strides = array<i32>} : memref<16xf32, #tpu.memory_space<vmem>>, vector<16xf32>,
    "tpu.region"() ({
      %run_scoped3A = tpu.sem_alloc : memref<!tpu.dma_semaphore, #tpu.memory_space<semaphore_mem>>
      %dma_start3A_107 = arith.constant 0 : i32
      %dma_start3A_108 = tpu.memref_slice %arg8[%add3A, %dma_start3A_107] : memref<32x16xf32, #tpu.memory_space<hbm>> -> memref<1x16xf32, #tpu.memory_space<hbm>>
      %dma_start3A_109 = tpu.memref_squeeze %dma_start3A_108 : memref<1x16xf32, #tpu.memory_space<hbm>> -> memref<16xf32, #tpu.memory_space<hbm>>
      %dma_start3A_110 = arith.constant 0 : i32
      %dma_start3A_111 = tpu.memref_slice %arg8[%add3A, %dma_start3A_110] : memref<32x16xf32, #tpu.memory_space<hbm>> -> memref<1x16xf32, #tpu.memory_space<hbm>>
      %dma_start3A_112 = tpu.memref_squeeze %dma_start3A_111 : memref<1x16xf32, #tpu.memory_space<hbm>> -> memref<16xf32, #tpu.memory_space<hbm>>
      tpu.enqueue_dma source(%arg14 : memref<16xf32, #tpu.memory_space<vmem>>) target(%dma_start3A_112 : memref<16xf32, #tpu.memory_space<hbm>>) target_semaphore(%run_scoped3A : memref<!tpu.dma_semaphore, #tpu.memory_space<semaphore_mem>>)
      %dma_wait3A_113 = arith.constant 0 : i32
      %dma_wait3A_114 = tpu.memref_slice %arg8[%add3A, %dma_wait3A_113] : memref<32x16xf32, #tpu.memory_space<hbm>> -> memref<1x16xf32, #tpu.memory_space<hbm>>
      %dma_wait3A_115 = tpu.memref_squeeze %dma_wait3A_114 : memref<1x16xf32, #tpu.memory_space<hbm>> -> memref<16xf32, #tpu.memory_space<hbm>>
      %dma_wait3A_116 = arith.constant 0 : i32
      %dma_wait3A_117 = tpu.memref_slice %arg8[%add3A, %dma_wait3A_116] : memref<32x16xf32, #tpu.memory_space<hbm>> -> memref<1x16xf32, #tpu.memory_space<hbm>>
      %dma_wait3A_118 = tpu.memref_squeeze %dma_wait3A_117 : memref<1x16xf32, #tpu.memory_space<hbm>> -> memref<16xf32, #tpu.memory_space<hbm>>
      tpu.wait_dma2 semaphore(%run_scoped3A : memref<!tpu.dma_semaphore, #tpu.memory_space<semaphore_mem>>) src(%arg14 : memref<16xf32, #tpu.memory_space<vmem>>) dst(%dma_wait3A_118 : memref<16xf32, #tpu.memory_space<hbm>>)
      tpu.yield
    }) : () -> ()
    %mul3A_103 = arith.constant 632 : i32
    %mul3A_104 = arith.muli %arg1, %mul3A_103 : i32
    %mul3A_105 = arith.constant 632 : i32
    %mul3A_106 = arith.muli %arg1, %mul3A_105 : i32
    "tpu.region"() ({
      %run_scoped3A = tpu.sem_alloc : memref<!tpu.dma_semaphore, #tpu.memory_space<semaphore_mem>>
      %dma_start3A_107 = arith.constant 0 : i32
      %dma_start3A_108 = tpu.memref_slice %arg7[%arg0, %mul3A_106, %dma_start3A_107] : memref<2x10112x128xf32, #tpu.memory_space<hbm>> -> memref<1x632x128xf32, #tpu.memory_space<hbm>>
      %dma_start3A_109 = tpu.memref_squeeze %dma_start3A_108 : memref<1x632x128xf32, #tpu.memory_space<hbm>> -> memref<632x128xf32, #tpu.memory_space<hbm>>
      %dma_start3A_110 = arith.constant 0 : i32
      %dma_start3A_111 = tpu.memref_slice %arg15[%mul3A_104, %dma_start3A_110] : memref<10112x128xf32, #tpu.memory_space<vmem_shared>> -> memref<632x128xf32, #tpu.memory_space<vmem_shared>>
      tpu.enqueue_dma source(%dma_start3A_111 : memref<632x128xf32, #tpu.memory_space<vmem_shared>>) target(%dma_start3A_109 : memref<632x128xf32, #tpu.memory_space<hbm>>) target_semaphore(%run_scoped3A : memref<!tpu.dma_semaphore, #tpu.memory_space<semaphore_mem>>)
      %dma_wait3A_112 = arith.constant 0 : i32
      %dma_wait3A_113 = tpu.memref_slice %arg7[%arg0, %mul3A_106, %dma_wait3A_112] : memref<2x10112x128xf32, #tpu.memory_space<hbm>> -> memref<1x632x128xf32, #tpu.memory_space<hbm>>
      %dma_wait3A_114 = tpu.memref_squeeze %dma_wait3A_113 : memref<1x632x128xf32, #tpu.memory_space<hbm>> -> memref<632x128xf32, #tpu.memory_space<hbm>>
      %dma_wait3A_115 = arith.constant 0 : i32
      %dma_wait3A_116 = tpu.memref_slice %arg15[%mul3A_104, %dma_wait3A_115] : memref<10112x128xf32, #tpu.memory_space<vmem_shared>> -> memref<632x128xf32, #tpu.memory_space<vmem_shared>>
      tpu.wait_dma2 semaphore(%run_scoped3A : memref<!tpu.dma_semaphore, #tpu.memory_space<semaphore_mem>>) src(%dma_wait3A_116 : memref<632x128xf32, #tpu.memory_space<vmem_shared>>) dst(%dma_wait3A_114 : memref<632x128xf32, #tpu.memory_space<hbm>>)
      tpu.yield
    }) : () -> ()
    return
  }
}

module attributes {stable_mosaic.version = 14 : i64} {
  func.func @_k12_body(%arg0: memref<10000x128xf32, #tpu.memory_space<vmem>>, %arg1: memref<128x128xf32, #tpu.memory_space<vmem>>, %arg2: memref<1x128xf32, #tpu.memory_space<vmem>>, %arg3: memref<128x1xf32, #tpu.memory_space<vmem>>, %arg4: memref<10112x128xf32, #tpu.memory_space<vmem>>, %arg5: memref<10112x1xf32, #tpu.memory_space<vmem>>) attributes {dimension_semantics = [], scalar_prefetch = 0 : i64, scratch_operands = 0 : i64, tpu.core_type = #tpu.core_type<tc>} {
    %get3A = arith.constant 0 : index
    %get3A_0 = arith.constant 0 : index
    %get3A_1 = vector.load %arg0[%get3A, %get3A_0] : memref<10000x128xf32, #tpu.memory_space<vmem>>, vector<10000x128xf32>
    %get3A_2 = arith.constant 0 : index
    %get3A_3 = arith.constant 0 : index
    %get3A_4 = vector.load %arg1[%get3A_2, %get3A_3] : memref<128x128xf32, #tpu.memory_space<vmem>>, vector<128x128xf32>
    %dot_general3A = arith.constant dense<0.000000e+00> : vector<10000x128xf32>
    %dot_general3A_5 = tpu.matmul %get3A_1, %get3A_4, %dot_general3A {dimension_numbers = #tpu.dot_dimension_numbers<[1], [0], [0], [1], [0, 0, 1, 1], [], []>, transpose_lhs_hint = false} : vector<10000x128xf32>, vector<128x128xf32>, vector<10000x128xf32> -> vector<10000x128xf32>
    %get3A_6 = arith.constant 0 : index
    %get3A_7 = arith.constant 0 : index
    %get3A_8 = vector.load %arg2[%get3A_6, %get3A_7] : memref<1x128xf32, #tpu.memory_space<vmem>>, vector<1x128xf32>
    %add3A = vector.broadcast %get3A_8 : vector<1x128xf32> to vector<10000x128xf32>
    %add3A_9 = arith.addf %dot_general3A_5, %add3A : vector<10000x128xf32>
    %get3A_10 = arith.constant 0 : index
    %get3A_11 = arith.constant 0 : index
    %get3A_12 = vector.load %arg3[%get3A_10, %get3A_11] : memref<128x1xf32, #tpu.memory_space<vmem>>, vector<128x1xf32>
    %dot_general3A_13 = arith.constant dense<0.000000e+00> : vector<10000x1xf32>
    %dot_general3A_14 = tpu.matmul %add3A_9, %get3A_12, %dot_general3A_13 {dimension_numbers = #tpu.dot_dimension_numbers<[1], [0], [0], [1], [0, 0, 1, 1], [], []>, transpose_lhs_hint = false} : vector<10000x128xf32>, vector<128x1xf32>, vector<10000x1xf32> -> vector<10000x1xf32>
    %reduce_max3A = vector.shape_cast %dot_general3A_14 : vector<10000x1xf32> to vector<1x10000x1xf32>
    %reduce_max3A_15 = arith.constant dense<0xFF800000> : vector<1xf32>
    %reduce_max3A_16 = vector.multi_reduction <maximumf>, %reduce_max3A, %reduce_max3A_15 [1, 2] : vector<1x10000x1xf32> to vector<1xf32>
    %reduce_max3A_17 = vector.shape_cast %reduce_max3A_16 : vector<1xf32> to vector<1x1x1xf32>
    %reduce_max3A_18 = vector.extract %reduce_max3A_17[0, 0, 0] : f32 from vector<1x1x1xf32>
    %sub3A = vector.broadcast %reduce_max3A_18 : f32 to vector<10000x1xf32>
    %sub3A_19 = arith.subf %dot_general3A_14, %sub3A : vector<10000x1xf32>
    %exp3A = math.exp %sub3A_19 : vector<10000x1xf32>
    %mul3A = vector.broadcast %exp3A : vector<10000x1xf32> to vector<10000x128xf32>
    %mul3A_20 = arith.mulf %mul3A, %add3A_9 : vector<10000x128xf32>
    %swap3A = arith.constant 0 : index
    %swap3A_21 = arith.constant 0 : index
    %swap3A_22 = vector.load %arg4[%swap3A, %swap3A_21] : memref<10112x128xf32, #tpu.memory_space<vmem>>, vector<10000x128xf32>
    tpu.vector_store %arg4[%swap3A, %swap3A_21], %mul3A_20 {strides = array<i32>} : memref<10112x128xf32, #tpu.memory_space<vmem>>, vector<10000x128xf32>,
    %broadcast_in_dim3A = arith.constant 0.000000e+00 : f32
    %broadcast_in_dim3A_23 = vector.broadcast %broadcast_in_dim3A : f32 to vector<112x128xf32>
    %swap3A_24 = arith.constant 10000 : index
    %swap3A_25 = arith.constant 0 : index
    %swap3A_26 = vector.load %arg4[%swap3A_24, %swap3A_25] : memref<10112x128xf32, #tpu.memory_space<vmem>>, vector<112x128xf32>
    tpu.vector_store %arg4[%swap3A_24, %swap3A_25], %broadcast_in_dim3A_23 {strides = array<i32>} : memref<10112x128xf32, #tpu.memory_space<vmem>>, vector<112x128xf32>,
    %swap3A_27 = arith.constant 0 : index
    %swap3A_28 = arith.constant 0 : index
    %swap3A_29 = vector.load %arg5[%swap3A_27, %swap3A_28] : memref<10112x1xf32, #tpu.memory_space<vmem>>, vector<10000x1xf32>
    tpu.vector_store %arg5[%swap3A_27, %swap3A_28], %exp3A {strides = array<i32>} : memref<10112x1xf32, #tpu.memory_space<vmem>>, vector<10000x1xf32>,
    %broadcast_in_dim3A_30 = arith.constant 0.000000e+00 : f32
    %broadcast_in_dim3A_31 = vector.broadcast %broadcast_in_dim3A_30 : f32 to vector<112x1xf32>
    %swap3A_32 = arith.constant 10000 : index
    %swap3A_33 = arith.constant 0 : index
    %swap3A_34 = vector.load %arg5[%swap3A_32, %swap3A_33] : memref<10112x1xf32, #tpu.memory_space<vmem>>, vector<112x1xf32>
    tpu.vector_store %arg5[%swap3A_32, %swap3A_33], %broadcast_in_dim3A_31 {strides = array<i32>} : memref<10112x1xf32, #tpu.memory_space<vmem>>, vector<112x1xf32>,
    return
  }
}

module attributes {stable_mosaic.version = 14 : i64} {
  func.func @_k3_body(%arg0: memref<2x2048x128xf32, #tpu.memory_space<vmem>>, %arg1: memref<32x16xf32, #tpu.memory_space<vmem>>, %arg2: memref<128x1xf32, #tpu.memory_space<vmem>>, %arg3: memref<2048x128xf32, #tpu.memory_space<vmem>>, %arg4: memref<2048x1xf32, #tpu.memory_space<vmem>>) attributes {dimension_semantics = [], scalar_prefetch = 0 : i64, scratch_operands = 0 : i64, tpu.core_type = #tpu.core_type<tc>} {
    %get3A = arith.constant 0 : index
    %get3A_0 = arith.constant 0 : index
    %get3A_1 = arith.constant 0 : index
    %get3A_2 = vector.load %arg0[%get3A, %get3A_0, %get3A_1] : memref<2x2048x128xf32, #tpu.memory_space<vmem>>, vector<1x2000x128xf32>
    %get3A_3 = vector.shape_cast %get3A_2 : vector<1x2000x128xf32> to vector<2000x128xf32>
    %get3A_4 = arith.constant 1 : index
    %get3A_5 = arith.constant 0 : index
    %get3A_6 = arith.constant 0 : index
    %get3A_7 = vector.load %arg0[%get3A_4, %get3A_5, %get3A_6] : memref<2x2048x128xf32, #tpu.memory_space<vmem>>, vector<1x2000x128xf32>
    %get3A_8 = vector.shape_cast %get3A_7 : vector<1x2000x128xf32> to vector<2000x128xf32>
    %add3A = arith.addf %get3A_3, %get3A_8 : vector<2000x128xf32>
    %get3A_9 = arith.constant 0 : index
    %get3A_10 = arith.constant 0 : index
    %get3A_11 = vector.load %arg1[%get3A_9, %get3A_10] : memref<32x16xf32, #tpu.memory_space<vmem>>, vector<32x16xf32>
    %reduce_sum3A = vector.shape_cast %get3A_11 : vector<32x16xf32> to vector<1x32x16xf32>
    %reduce_sum3A_12 = arith.constant dense<0.000000e+00> : vector<1xf32>
    %reduce_sum3A_13 = vector.multi_reduction <add>, %reduce_sum3A, %reduce_sum3A_12 [1, 2] : vector<1x32x16xf32> to vector<1xf32>
    %reduce_sum3A_14 = vector.shape_cast %reduce_sum3A_13 : vector<1xf32> to vector<1x1x1xf32>
    %reduce_sum3A_15 = vector.extract %reduce_sum3A_14[0, 0, 0] : f32 from vector<1x1x1xf32>
    %get3A_16 = arith.constant 0 : index
    %get3A_17 = arith.constant 0 : index
    %get3A_18 = vector.load %arg2[%get3A_16, %get3A_17] : memref<128x1xf32, #tpu.memory_space<vmem>>, vector<128x1xf32>
    %dot_general3A = arith.constant dense<0.000000e+00> : vector<2000x1xf32>
    %dot_general3A_19 = tpu.matmul %add3A, %get3A_18, %dot_general3A {dimension_numbers = #tpu.dot_dimension_numbers<[1], [0], [0], [1], [0, 0, 1, 1], [], []>, transpose_lhs_hint = false} : vector<2000x128xf32>, vector<128x1xf32>, vector<2000x1xf32> -> vector<2000x1xf32>
    %reduce_max3A = vector.shape_cast %dot_general3A_19 : vector<2000x1xf32> to vector<1x2000x1xf32>
    %reduce_max3A_20 = arith.constant dense<0xFF800000> : vector<1xf32>
    %reduce_max3A_21 = vector.multi_reduction <maximumf>, %reduce_max3A, %reduce_max3A_20 [1, 2] : vector<1x2000x1xf32> to vector<1xf32>
    %reduce_max3A_22 = vector.shape_cast %reduce_max3A_21 : vector<1xf32> to vector<1x1x1xf32>
    %reduce_max3A_23 = vector.extract %reduce_max3A_22[0, 0, 0] : f32 from vector<1x1x1xf32>
    %sub3A = vector.broadcast %reduce_max3A_23 : f32 to vector<2000x1xf32>
    %sub3A_24 = arith.subf %dot_general3A_19, %sub3A : vector<2000x1xf32>
    %div3A = vector.broadcast %reduce_sum3A_15 : f32 to vector<2000x1xf32>
    %div3A_25 = arith.divf %sub3A_24, %div3A : vector<2000x1xf32>
    %exp3A = math.exp %div3A_25 : vector<2000x1xf32>
    %div3A_26 = vector.broadcast %reduce_sum3A_15 : f32 to vector<2000x1xf32>
    %div3A_27 = arith.divf %exp3A, %div3A_26 : vector<2000x1xf32>
    %mul3A = vector.broadcast %div3A_27 : vector<2000x1xf32> to vector<2000x128xf32>
    %mul3A_28 = arith.mulf %mul3A, %add3A : vector<2000x128xf32>
    %swap3A = arith.constant 0 : index
    %swap3A_29 = arith.constant 0 : index
    %swap3A_30 = vector.load %arg3[%swap3A, %swap3A_29] : memref<2048x128xf32, #tpu.memory_space<vmem>>, vector<2000x128xf32>
    tpu.vector_store %arg3[%swap3A, %swap3A_29], %mul3A_28 {strides = array<i32>} : memref<2048x128xf32, #tpu.memory_space<vmem>>, vector<2000x128xf32>,
    %broadcast_in_dim3A = arith.constant 0.000000e+00 : f32
    %broadcast_in_dim3A_31 = vector.broadcast %broadcast_in_dim3A : f32 to vector<48x128xf32>
    %swap3A_32 = arith.constant 2000 : index
    %swap3A_33 = arith.constant 0 : index
    %swap3A_34 = vector.load %arg3[%swap3A_32, %swap3A_33] : memref<2048x128xf32, #tpu.memory_space<vmem>>, vector<48x128xf32>
    tpu.vector_store %arg3[%swap3A_32, %swap3A_33], %broadcast_in_dim3A_31 {strides = array<i32>} : memref<2048x128xf32, #tpu.memory_space<vmem>>, vector<48x128xf32>,
    %swap3A_35 = arith.constant 0 : index
    %swap3A_36 = arith.constant 0 : index
    %swap3A_37 = vector.load %arg4[%swap3A_35, %swap3A_36] : memref<2048x1xf32, #tpu.memory_space<vmem>>, vector<2000x1xf32>
    tpu.vector_store %arg4[%swap3A_35, %swap3A_36], %exp3A {strides = array<i32>} : memref<2048x1xf32, #tpu.memory_space<vmem>>, vector<2000x1xf32>,
    %broadcast_in_dim3A_38 = arith.constant 0.000000e+00 : f32
    %broadcast_in_dim3A_39 = vector.broadcast %broadcast_in_dim3A_38 : f32 to vector<48x1xf32>
    %swap3A_40 = arith.constant 2000 : index
    %swap3A_41 = arith.constant 0 : index
    %swap3A_42 = vector.load %arg4[%swap3A_40, %swap3A_41] : memref<2048x1xf32, #tpu.memory_space<vmem>>, vector<48x1xf32>
    tpu.vector_store %arg4[%swap3A_40, %swap3A_41], %broadcast_in_dim3A_39 {strides = array<i32>} : memref<2048x1xf32, #tpu.memory_space<vmem>>, vector<48x1xf32>,
    return
  }
}

module attributes {stable_mosaic.version = 14 : i64} {
  func.func @_k4_body(%arg0: memref<2x10112x128xf32, #tpu.memory_space<vmem>>, %arg1: memref<32x16xf32, #tpu.memory_space<vmem>>, %arg2: memref<10112x1xf32, #tpu.memory_space<vmem>>, %arg3: memref<10000x128xf32, #tpu.memory_space<vmem>>) attributes {dimension_semantics = [], scalar_prefetch = 0 : i64, scratch_operands = 0 : i64, tpu.core_type = #tpu.core_type<tc>} {
    %get3A = arith.constant 0 : index
    %get3A_0 = arith.constant 0 : index
    %get3A_1 = arith.constant 0 : index
    %get3A_2 = vector.load %arg0[%get3A, %get3A_0, %get3A_1] : memref<2x10112x128xf32, #tpu.memory_space<vmem>>, vector<1x10000x128xf32>
    %get3A_3 = vector.shape_cast %get3A_2 : vector<1x10000x128xf32> to vector<10000x128xf32>
    %get3A_4 = arith.constant 1 : index
    %get3A_5 = arith.constant 0 : index
    %get3A_6 = arith.constant 0 : index
    %get3A_7 = vector.load %arg0[%get3A_4, %get3A_5, %get3A_6] : memref<2x10112x128xf32, #tpu.memory_space<vmem>>, vector<1x10000x128xf32>
    %get3A_8 = vector.shape_cast %get3A_7 : vector<1x10000x128xf32> to vector<10000x128xf32>
    %add3A = arith.addf %get3A_3, %get3A_8 : vector<10000x128xf32>
    %get3A_9 = arith.constant 0 : index
    %get3A_10 = arith.constant 0 : index
    %get3A_11 = vector.load %arg1[%get3A_9, %get3A_10] : memref<32x16xf32, #tpu.memory_space<vmem>>, vector<32x16xf32>
    %reduce_sum3A = vector.shape_cast %get3A_11 : vector<32x16xf32> to vector<1x32x16xf32>
    %reduce_sum3A_12 = arith.constant dense<0.000000e+00> : vector<1xf32>
    %reduce_sum3A_13 = vector.multi_reduction <add>, %reduce_sum3A, %reduce_sum3A_12 [1, 2] : vector<1x32x16xf32> to vector<1xf32>
    %reduce_sum3A_14 = vector.shape_cast %reduce_sum3A_13 : vector<1xf32> to vector<1x1x1xf32>
    %reduce_sum3A_15 = vector.extract %reduce_sum3A_14[0, 0, 0] : f32 from vector<1x1x1xf32>
    %get3A_16 = arith.constant 0 : index
    %get3A_17 = arith.constant 0 : index
    %get3A_18 = vector.load %arg2[%get3A_16, %get3A_17] : memref<10112x1xf32, #tpu.memory_space<vmem>>, vector<10000x1xf32>
    %mul3A = vector.broadcast %get3A_18 : vector<10000x1xf32> to vector<10000x128xf32>
    %mul3A_19 = arith.mulf %mul3A, %add3A : vector<10000x128xf32>
    %div3A = arith.constant 1.000000e+00 : f32
    %div3A_20 = arith.divf %div3A, %reduce_sum3A_15 : f32
    %mul3A_21 = vector.broadcast %div3A_20 : f32 to vector<10000x128xf32>
    %mul3A_22 = arith.mulf %mul3A_19, %mul3A_21 : vector<10000x128xf32>
    %swap3A = arith.constant 0 : index
    %swap3A_23 = arith.constant 0 : index
    %swap3A_24 = vector.load %arg3[%swap3A, %swap3A_23] : memref<10000x128xf32, #tpu.memory_space<vmem>>, vector<10000x128xf32>
    tpu.vector_store %arg3[%swap3A, %swap3A_23], %mul3A_22 {strides = array<i32>} : memref<10000x128xf32, #tpu.memory_space<vmem>>, vector<10000x128xf32>,
    return
  }
}

</mosaic_0001>

<sc_bundles>
// kernel: kernel.10.cloned.1.call-start
scs
__scs_entry_jumppad:
0x0: {  	(pc) =	sbr.rel $0x88, $3  }
0x1: {  	(tag) =	ssettag $0x0;
	lr =	simm.s32 $0x1  }
0x2: {  	[smem:$0x3F9A] =	sst lr;
	_ =	strace $0xD0000000  }
0x3: {  	_ = 	snop  }
0x4: {  	_ = 	snop  }
0x5: {  	_ = 	snop  }
0x6: {  	_ = 	snop  }
0x7: {  	_ = 	snop  }
__scs_overlays_trampoline_lowered:
0x8: {  	[smem:$0x3FA9] =	sst s0  }
0x9: {  	[smem:$0x3FAA] =	sst s1  }
0xa: {  	[smem:$0x3FAB] =	sst s2  }
0xb: {  	[smem:$0x3FAC] =	sst s3  }
0xc: {  	[smem:$0x3FAD] =	sst s4  }
0xd: {  	[smem:$0x3FAE] =	sst s5  }
0xe: {  	[smem:$0x3FAF] =	sst s6  }
0xf: {  	[smem:$0x3FB0] =	sst s7  }
0x10: {  	[smem:$0x3FB1] =	sst s8  }
0x11: {  	[smem:$0x3FB2] =	sst s9;
	s0 =	simm.s32 @!p0 $0x0  }
0x12: {  	s1 =	sld [smem:$0x3F98];
	s0 =	simm.s32 @p0 $0x1  }
0x13: {  	[smem:$0x3FB3] =	sst s0;
	s0 =	simm.s32 @!p1 $0x0  }
0x14: {  	s2 =	sld [smem:$0x3F97];
	s0 =	simm.s32 @p1 $0x1  }
0x15: {  	[smem:$0x3FB4] =	sst s0;
	s0 =	simm.s32 @!p2 $0x0  }
0x16: {  	s3 =	sld [smem:$0x3FDB];
	s0 =	simm.s32 @p2 $0x1  }
0x17: {  	s4 =	simm.s32 $0x1BF5;
	[smem:$0x3FB6] =	sst s0  }
0x18: {  	s0 =	sld [smem:$0x3F99];
	_ =	swait.ge [sflag:s4], $0x0  }
0x19: {  	s7 =	sld [smem:$0x3F9A]  }
0x1a: {  	s8 =	sadd.s32 $0xFFFFE003, lr  }
0x1b: {  	s9 =	sadd.s32 $0xFFFFFEF7, lr;
	s5 =	simm.s32 $0xFFFFFFFF;
	p2 =	slt.u32 s8, $0xFFFFF086  }
0x1c: {  	p1 =	slt.u32 s9, $0xF7A;
	s5 =	simm.s32 @!p2 $0x0  }
0x1d: {  	s5 =	simm.s32 @p1 $0x1;
	p0 =	seq.s32 s7, s2  }
0x1e: {  	s7 =	smul.u32 @!p0 $0xF7A, s2;
	p2 =	seq.s32 @!p0 s5, $0x0  }
0x1f: {  	s9 =	smul.u32 $0xF7A, s1;
	s8 =	simm.s32 @!p0 $0x1BF5;
	p2 =	por !p2, p0  }
0x20: {  	[sflag:s8] =	ssyncset.s32 @!p0 $0xFFFFF086;
	s6 =	sadd.s32 @!p0 s3, s7;
	s7 =	simm.s32 @!p0 $0x108  }
0x21: {  	s3 =	sadd.s32 s3, s9;
	s6 =	sadd.s32 @!p0 $0x88, s6;
	s7 =	simm.s32 @p2 $0x1082  }
0x22: {  	[simem:s7], [sflag:s8] =	dma.local @!p0 [hbm:s6], $0xF7A  }
0x23: {  	s9 =	sor.u32 $0xD0000000, s2;
	s6 =	simm.s32 $0x108;
	_ =	swait.ge @!p0 [sflag:s8], $0x0  }
0x24: {  	s3 =	sadd.s32 $0x88, s3;
	s6 =	simm.s32 @!p1 $0x1082;
	[sflag:s4] =	ssyncset.s32 $0xFFFFF086  }
0x25: {  	[simem:s6], [sflag:s4] =	dma.local [hbm:s3], $0xF7A  }
0x26: {  	[smem:$0x3F9A] =	sst s1;
	(tag) =	ssettag s2;
	_ =	strace s9  }
0x27: {  	s1 =	sld [smem:$0x3FAA]  }
0x28: {  	s2 =	sld [smem:$0x3FAB]  }
0x29: {  	s4 =	sld [smem:$0x3FAD]  }
0x2a: {  	p0 =	seq.s32 s5, $0x0;
	s5 =	sld [smem:$0x3FAE]  }
0x2b: {  	s6 =	sld [smem:$0x3FAF]  }
0x2c: {  	s7 =	sld [smem:$0x3FB0]  }
0x2d: {  	s3 =	simm.s32 $0x108;
	s8 =	sld [smem:$0x3FB1]  }
0x2e: {  	s3 =	simm.s32 @!p0 $0x1082;
	s9 =	sld [smem:$0x3FB2]  }
0x2f: {  	lr =	sadd.s32 s0, s3;
	s0 =	sld [smem:$0x3FA9]  }
0x30: {  	s3 =	sld [smem:$0x3FAC]  }
0x31: {  	[smem:$0x3FB5] =	sst s10  }
0x32: {  	s10 =	sld [smem:$0x3FB3];
	_ =	sdelay $0x3  }
0x33: {  	p0 =	seq.s32 s10, $0x1;
	s10 =	sld [smem:$0x3FB5];
	_ =	sdelay $0x3  }
0x34: {  	[smem:$0x3FB5] =	sst s10  }
0x35: {  	s10 =	sld [smem:$0x3FB4];
	_ =	sdelay $0x3  }
0x36: {  	p1 =	seq.s32 s10, $0x1;
	s10 =	sld [smem:$0x3FB5];
	_ =	sdelay $0x3  }
0x37: {  	[smem:$0x3FB5] =	sst s10  }
0x38: {  	s10 =	sld [smem:$0x3FB6]  }
0x39: {  	_ = 	snop;
	(pc) =	sbr.ind lr, $3  }
0x3a: {  	_ = 	snop  }
0x3b: {  	_ = 	snop  }
0x3c: {  	p2 =	seq.s32 s10, $0x1;
	s10 =	sld [smem:$0x3FB5]  }
0x3d: {  	_ =	shalt  }
0x3e: {  	_ =	shalt  }
0x3f: {  	_ =	shalt  }
0x40: {  	_ =	shalt  }
0x41: {  	_ =	shalt  }
0x42: {  	_ =	shalt  }
0x43: {  	_ =	shalt  }
0x44: {  	_ =	shalt  }
0x45: {  	_ =	shalt  }
0x46: {  	_ =	shalt  }
0x47: {  	_ =	shalt  }
0x48: {  	_ =	shalt  }
0x49: {  	_ =	shalt  }
0x4a: {  	_ =	shalt  }
0x4b: {  	_ =	shalt  }
0x4c: {  	_ =	shalt  }
0x4d: {  	_ =	shalt  }
0x4e: {  	_ =	shalt  }
0x4f: {  	_ =	shalt  }
0x50: {  	_ =	shalt  }
0x51: {  	_ =	shalt  }
0x52: {  	_ =	shalt  }
0x53: {  	_ =	shalt  }
0x54: {  	_ =	shalt  }
0x55: {  	_ =	shalt  }
0x56: {  	_ =	shalt  }
0x57: {  	_ =	shalt  }
0x58: {  	_ =	shalt  }
0x59: {  	_ =	shalt  }
0x5a: {  	_ =	shalt  }
0x5b: {  	_ =	shalt  }
0x5c: {  	_ =	shalt  }
0x5d: {  	_ =	shalt  }
0x5e: {  	_ =	shalt  }
0x5f: {  	_ =	shalt  }
0x60: {  	_ =	shalt  }
0x61: {  	_ =	shalt  }
0x62: {  	_ =	shalt  }
0x63: {  	_ =	shalt  }
0x64: {  	_ =	shalt  }
0x65: {  	_ =	shalt  }
0x66: {  	_ =	shalt  }
0x67: {  	_ =	shalt  }
0x68: {  	_ =	shalt  }
0x69: {  	_ =	shalt  }
0x6a: {  	_ =	shalt  }
0x6b: {  	_ =	shalt  }
0x6c: {  	_ =	shalt  }
0x6d: {  	_ =	shalt  }
0x6e: {  	_ =	shalt  }
0x6f: {  	_ =	shalt  }
0x70: {  	_ =	shalt  }
0x71: {  	_ =	shalt  }
0x72: {  	_ =	shalt  }
0x73: {  	_ =	shalt  }
0x74: {  	_ =	shalt  }
0x75: {  	_ =	shalt  }
0x76: {  	_ =	shalt  }
0x77: {  	_ =	shalt  }
0x78: {  	_ =	shalt  }
0x79: {  	_ =	shalt  }
0x7a: {  	_ =	shalt  }
0x7b: {  	_ =	shalt  }
0x7c: {  	_ =	shalt  }
0x7d: {  	_ =	shalt  }
0x7e: {  	_ =	shalt  }
0x7f: {  	_ =	shalt  }
0x80: {  	_ =	shalt  }
0x81: {  	_ =	shalt  }
0x82: {  	_ =	shalt  }
0x83: {  	_ =	shalt  }
0x84: {  	_ =	shalt  }
0x85: {  	_ =	shalt  }
0x86: {  	_ =	shalt  }
0x87: {  	_ =	shalt  }
.Lfunc_end0:
.L_simem_size_0:
called_computation.1_lowered:
.L_overlay_start_0:
0x88: {  	s2 =	sld [smem:$0x3FD9]  }
0x89: {  	s3 =	sld [smem:$0x3FFE];
	_ =	sdelay $0x1  }
0x8a: {  	s1 =	srdreg.scid  }
0x8b: {  	s0 =	sand.u32 $0x1, s1  }
0x8c: {  	s17 =	sshll.u32 s0, $0xA;
	s2 =	sadd.s32 s3, s2  }
0x8d: {  	s2 =	sadd.s32 s2, s17  }
0x8e: {  	[smem:$0x3FC1] =	sst s2  }
0x8f: {  	_ = 	snop  }
0x90: {  	s2 =	sld [smem:$0x3FD0];
	(tm) =	ssettm $0x1  }
0x91: {  	s18 =	sld [smem:$0x3FFB];
	_ =	sdelay $0x3  }
0x92: {  	_ =	strace s18  }
0x93: {  	s3 =	sld [smem:$0x3FFC];
	_ =	sdelay $0x3  }
0x94: {  	_ =	strace s3  }
0x95: {  	s3 =	sld [smem:$0x3FFD];
	_ =	sdelay $0x3  }
0x96: {  	_ =	strace s3  }
0x97: {  	_ =	strace $0x8FFFFFFF  }
0x98: {  	s19 =	sld [smem:$0x3FDB];
	_ =	sdelay $0x1  }
0x99: {  	s4 =	simm.s32 $_scs_section_size  }
0x9a: {  	s5 =	simm.s32 $_size__tile_overlayer_lowered;
	s6 =	simm.s32 $_tile_overlayer_lowered  }
0x9b: {  	s22 =	simm.s32 $0x1BFF;
	s21 =	sshll.u32 s6, $0x1;
	s3 =	sadd.s32 s4, s19  }
0x9c: {  	s7 =	simm.s32 $0x0;
	s20 =	sshll.u32 s5, $0x1;
	s5 =	sadd.s32 s21, s3  }
0x9d: {  	[timem:s7], [sflag:s22] =	dma.local [hbm:s5], s20  }
0x9e: {  	_ =	swait.ge [sflag:s22], s20  }
0x9f: {  	s4 =	ssub.s32 $0x0, s20;
	[sflag:s22] =	ssyncset.done $0x0  }
0xa0: {  	[sflag:s22] =	ssyncadd.s32 s4;
	_ =	sdelay $0x1  }
0xa1: {  	s23 =	simm.s32 $0x1B8B  }
0xa2: {  	_ =	swait.ge [sflag:s23], $0x1  }
0xa3: {  	[sflag:s23] =	ssyncset.done $0x0  }
0xa4: {  	s25 =	simm.s32 $0x1B8E;
	s24 =	sld [smem:$0x3FFE];
	[sflag:s23] =	ssyncadd.s32 $0xFFFFFFFF  }
0xa5: {  	s26 =	simm.s32 $execute0_lowered;
	[smem:$0x3FD2] =	sst s25  }
0xa6: {  	s5 =	sshll.u32 s26, $0x1;
	_ =	strace $0x80000049;
	[dreg:$0x1] =	wrdreg $0xFFFFFFFF  }
0xa7: {  	s28 =	simm.s32 $_size_execute0_lowered;
	s3 =	sadd.s32 s3, s5;
	[dreg:$0x0] =	wrdreg $0x0  }
0xa8: {  	s5 =	sshll.u32 s28, $0x1;
	[dreg:$0x2] =	wrdreg s3  }
0xa9: {  	[dreg:$0x3] =	wrdreg s5  }
0xaa: {  	[dreg:$0x4] =	wrdreg $0xC0  }
0xab: {  	_ =	task [dreg:s7], $0x5FFFF  }
0xac: {  	[dreg:$0x1] =	wrdreg $0xFFFFFFFF  }
0xad: {  	[dreg:$0x0] =	wrdreg $0x60  }
0xae: {  	[dreg:$0x2] =	wrdreg s2  }
0xaf: {  	[dreg:$0x3] =	wrdreg s24  }
0xb0: {  	[dreg:$0x4] =	wrdreg $0xC0000  }
0xb1: {  	[dreg:$0x5] =	wrdreg $0x9  }
0xb2: {  	_ =	task.clear_ibuf [dreg:s7], $0x6FFFF;
	_ =	strace $0x90000049  }
0xb3: {  	s29 =	simm.s32 $0x9;
	_ =	strace $0x8000004B  }
0xb4: {  	_ =	swait.ge [sflag:s29], $0x1  }
0xb5: {  	[sflag:s29] =	ssyncadd.s32 $0xFFFFFFFF  }
0xb6: {  	_ =	strace $0x9000004B  }
0xb7: {  	_ =	sfence  }
0xb8: {  	s30 =	sld [smem:$0x0];
	_ =	sdelay $0x2  }
0xb9: {  	s31 =	sshll.u32 s1, $0xD;
	s1 =	sshrl.u32 s1, $0x2  }
0xba: {  	s3 =	sand.u32 $0x4000, s31;
	s1 =	sadd.s32 s1, s30  }
0xbb: {  	s0 =	sor.u32 s3, s0;
	s1 =	sshll.u32 s1, $0x11  }
0xbc: {  	s0 =	sor.u32 s1, s0  }
0xbd: {  	s0 =	sadd.s32 $0x8F2B, s0  }
0xbe: {  	[sflag:s0] =	ssyncadd.remote.s32 $0x1  }
0xbf: {  	_ =	sfence.sel $0xFFFF  }
0xc0: {  	[dreg:$0x0] =	wrdreg $0xFFFFFFFF;
	(pc) =	sbr.abs _section_cstart, $3  }
0xc1: {  	[dreg:$0x1] =	wrdreg $0xFFFFFFFF  }
0xc2: {  	_ =	task.clear_ibuf [dreg:s7], $0x2FFFF;
	_ =	strace $0x9FFFFFFF  }
0xc3: {  	(tm) =	ssettm $0x7FFFFFFF  }
tec
execute0_lowered:
.L_overlay_start_1:
0x0: {  	(tag) =	ssettag $0x1  }
0x1: {  	s1 =	rddreg [dreg:$0x0]  }
0x2: {  	s0 =	rddreg [dreg:$0x1]  }
0x3: {  	s2 =	rddreg [dreg:$0x2];
	s3 =	srdreg.scid  }
0x4: {  	s4 =	simm.s32 $0x0;
	s12 =	stileid.u32;
	s28 =	simm.s32 $0x5000  }
0x5: {  	s29 =	simm.s32 $0x2;
	s30 =	simm.s32 $0x4;
	s31 =	simm.s32 $0x3  }
0x6: {  	s19 =	simm.s32 $0x0;
	s3 =	sand.u32 $0x1, s3;
	[smem:$0x7FF] =	sst s4  }
0x7: {  	s6 =	smul.u32 $0x13C00, s12;
	s7 =	sadd.s32 $0x2A600, s0;
	s20 =	sadd.s32 $0x2A000, s0  }
0x8: {  	s8 =	sadd.s32 $0x48600, s0;
	s21 =	sshll.u32 s12, $0x4;
	s24 =	smul.u32 $0x4F000, s12  }
0x9: {  	s26 =	sshll.u32 s12, $0xE;
	_ =	strace $0x8000004A;
	[dreg:$0x5] =	wrdreg s7  }
0xa: {  	p0 =	seq.s32 s12, $0xF;
	s5 =	smul.u32 $0x13C000, s3;
	[dreg:$0x6] =	wrdreg s20  }
0xb: {  	s7 =	sadd.s32 $0x34600, s0;
	s9 =	sshll.u32 s3, $0x4;
	s3 =	ssub.s32 $0x2, s3  }
0xc: {  	s13 =	sadd.s32 s26, s2;
	s20 =	simm.s32 $0x9000;
	s26 =	simm.s32 $0x80  }
0xd: {  	s9 =	sor.u32 s12, s9;
	s22 =	sshrl.u32 s3, $0x1;
	s25 =	sshrl.u32 s24, $0x2  }
0xe: {  	s15 =	sadd.s32 $0x40000, s13;
	s16 =	sadd.s32 $0x80000, s13;
	s17 =	sadd.s32 $0xC0000, s13  }
0xf: {  	s18 =	sadd.s32 $0x100000, s13;
	s24 =	simm.s32 $0x1;
	s5 =	sadd.s32 s6, s5  }
0x10: {  	s6 =	sand.u32 $0x70, s21;
	s10 =	smul.u32 $0x500, s9;
	s3 =	ssub.s32 s3, s22  }
0x11: {  	s23 =	smul.u32 $0xA, s9;
	s9 =	sshll.u32 s9, $0x4;
	s21 =	simm.s32 $0x6  }
0x12: {  	s22 =	simm.s32 $0x9800;
	s5 =	sshrl.u32 s5, $0x3;
	s9 =	sand.u32 $0x180, s9  }
0x13: {  	s3 =	smax.u32 s3, $0x1;
	s5 =	sadd.s32 s5, s0;
	[dreg:$0x4] =	wrdreg s23  }
0x14: {  	s0 =	sadd.s32 s6, s0;
	s11 =	sadd.s32 s7, s10;
	[dreg:$0xb] =	wrdreg s3  }
0x15: {  	s10 =	sadd.s32 s8, s10;
	[dreg:$0x7] =	wrdreg s11;
	s0 =	sadd.s32 s9, s0  }
0x16: {  	s23 =	simm.s32 $0x1000;
	[dreg:$0x8] =	wrdreg s10;
	s0 =	sadd.s32 $0x2A800, s0  }
0x17: {  	s5 =	sadd.s32 $0x52600, s5;
	[dreg:$0x9] =	wrdreg s0;
	s0 =	sadd.s32 s25, s2  }
0x18: {  	v0 =	vimm.f32 $0.0e+00;
	[dreg:$0xa] =	wrdreg s5;
	s25 =	sshrl.u32 s0, $0x3;
	s0 =	simm.s32 $0x5  }
.LBB2_1:
0x19: {  	s3 =	rddreg [dreg:$0x7]  }
0x1a: {  	[tilespmem:s4], [sflag:$0x1] =	stream.linear.gather [hbm4b:s3+s4], $0x400, $0x38;
	[tilespmem:$0x1FC00] =	vst v63  }
0x1b: {  	s11 =	rddreg [dreg:$0x8];
	s5 =	simm.s32 $0x800  }
0x1c: {  	[tilespmem:s5], [sflag:$0x1] =	stream.linear.gather [hbm4b:s11+s4], $0x400, $0x38;
	[tilespmem:$0x1FC00] =	vst v63  }
0x1d: {  	s12 =	rddreg [dreg:$0x5]  }
0x1e: {  	[tilespmem:s20], [sflag:$0x6] =	stream.linear.gather [hbm4b:s12+s4], $0x800, $0x38;
	[tilespmem:$0x1FC00] =	vst v63  }
0x1f: {  	_ =	swait.ge [sflag:s21], $0x800  }
0x20: {  	[sflag:s21] =	ssyncset.done $0x0  }
0x21: {  	s14 =	rddreg [dreg:$0x6];
	[sflag:s21] =	ssyncadd.s32 $0xFFFFF800  }
0x22: {  	[tilespmem:s22], [sflag:$0x6] =	stream.linear.gather [hbm4b:s14+s4], $0x2780, $0x38;
	[tilespmem:$0x1FC00] =	vst v63  }
0x23: {  	_ =	swait.ge [sflag:s21], $0x2780  }
0x24: {  	[sflag:s21] =	ssyncset.done $0x0  }
0x25: {  	s3 =	simm.s32 $0x0;
	s5 =	simm.s32 $0x200;
	[sflag:s21] =	ssyncadd.s32 $0xFFFFD880  }
.LBB2_2:
0x26: {  	p1 =	sne.s32 s5, $0xFE00;
	[tilespmem:s3+$0x1070] =	vst v0  }
0x27: {  	[tilespmem:s3+$0x1000] =	vst v0  }
0x28: {  	[tilespmem:s3+$0x1010] =	vst v0  }
.Ltmp0:
0x29: {  	[tilespmem:s3+$0x1020] =	vst v0;
	(pc) =	sbr.rel @p1 .LBB2_2-.Ltmp0, $4  }
0x2a: {  	[tilespmem:s3+$0x1030] =	vst v0  }
0x2b: {  	[tilespmem:s3+$0x1040] =	vst v0  }
0x2c: {  	[tilespmem:s3+$0x1050] =	vst v0  }
0x2d: {  	[tilespmem:s3+$0x1060] =	vst v0;
	s3 =	sshra.s32 s5, $0x2;
	s5 =	sadd.s32 $0x200, s5  }
0x2e: {  	[tilespmem:s3+$0x1070] =	vst v0  }
0x2f: {  	[tilespmem:s3+$0x1000] =	vst v0  }
0x30: {  	[tilespmem:s3+$0x1010] =	vst v0  }
0x31: {  	[tilespmem:s3+$0x1020] =	vst v0  }
0x32: {  	[tilespmem:s3+$0x1030] =	vst v0  }
0x33: {  	[tilespmem:s3+$0x1040] =	vst v0  }
0x34: {  	[tilespmem:s3+$0x1050] =	vst v0  }
0x35: {  	[tilespmem:s3+$0x1060] =	vst v0  }
0x36: {  	[spmem:s13] =	stream.linear.scatter [tilespmem:s23], [sflag:$0x6], $0x4000, $0x38;
	[tilespmem:$0x1FC00] =	vst v63  }
0x37: {  	_ =	swait.ge [sflag:s21], $0x4000  }
0x38: {  	[sflag:s21] =	ssyncset.done $0x0  }
0x39: {  	[sflag:s21] =	ssyncadd.s32 $0xFFFFC000  }
0x3a: {  	[spmem:s15] =	stream.linear.scatter [tilespmem:s23], [sflag:$0x6], $0x4000, $0x38;
	[tilespmem:$0x1FC00] =	vst v63  }
0x3b: {  	_ =	swait.ge [sflag:s21], $0x4000  }
0x3c: {  	[sflag:s21] =	ssyncset.done $0x0  }
0x3d: {  	[sflag:s21] =	ssyncadd.s32 $0xFFFFC000  }
0x3e: {  	[spmem:s16] =	stream.linear.scatter [tilespmem:s23], [sflag:$0x6], $0x4000, $0x38;
	[tilespmem:$0x1FC00] =	vst v63  }
0x3f: {  	_ =	swait.ge [sflag:s21], $0x4000  }
0x40: {  	[sflag:s21] =	ssyncset.done $0x0  }
0x41: {  	[sflag:s21] =	ssyncadd.s32 $0xFFFFC000  }
0x42: {  	[spmem:s17] =	stream.linear.scatter [tilespmem:s23], [sflag:$0x6], $0x4000, $0x38;
	[tilespmem:$0x1FC00] =	vst v63  }
0x43: {  	_ =	swait.ge [sflag:s21], $0x4000  }
0x44: {  	[sflag:s21] =	ssyncset.done $0x0  }
0x45: {  	s3 =	simm.s32 @!p0 $0x1000;
	[sflag:s21] =	ssyncadd.s32 $0xFFFFC000  }
0x46: {  	[spmem:s18] =	stream.linear.scatter @!p0 [tilespmem:s3], [sflag:$0x6], $0x4000, $0x38;
	[tilespmem:$0x1FC00] =	vst v63  }
0x47: {  	s3 =	simm.s32 @!p0 $0x6  }
0x48: {  	_ =	swait.ge @!p0 [sflag:s3], $0x4000  }
0x49: {  	[sflag:s3] =	ssyncset.done @!p0 $0x0  }
0x4a: {  	[sflag:s3] =	ssyncadd.s32 @!p0 $0xFFFFC000  }
0x4b: {  	v21 =	vimm.f32 $0.0e+00;
	s12 =	simm.s32 $0x1;
	s3 =	simm.s32 $0x0;
	[bflag:$0x0] =	sbarrier.arrive $0xFFFF  }
.LBB2_4:
0x4c: {  	_ =	swait.ge [sflag:s24], $0x400  }
0x4d: {  	[sflag:s24] =	ssyncset.done $0x0  }
0x4e: {  	[sflag:s24] =	ssyncadd.s32 $0xFFFFFC00  }
0x4f: {  	_ =	swait.ge [sflag:s24], $0x400  }
0x50: {  	p1 =	sne.s32 s3, $0x0;
	[sflag:s24] =	ssyncset.done $0x0  }
0x51: {  	s6 =	simm.s32 @p1 $0x4;
	[sflag:s24] =	ssyncadd.s32 $0xFFFFFC00  }
0x52: {  	_ =	swait.ge @p1 [sflag:s6], $0x4000  }
0x53: {  	s9 =	simm.s32 @p1 $0x80;
	[sflag:s6] =	ssyncset.done @p1 $0x0  }
0x54: {  	s10 =	simm.s32 @p1 $0x1000;
	[sflag:s6] =	ssyncadd.s32 @p1 $0xFFFFC000;
	s6 =	sand.u32 @p1 $0x400, s3  }
0x55: {  	[tilespmem:s10], [sflag:$0x2] =	stream.indirect.gather @p1 [hbm4b:s1+s9], $0x80, s6, s9, $0xb8;
	[tilespmem:$0x1FC00] =	vst v63  }
0x56: {  	s9 =	simm.s32 @p1 $0x5  }
0x57: {  	_ =	swait.ge @p1 [sflag:s9], $0x4000  }
0x58: {  	s11 =	simm.s32 @!p1 $0x1000;
	s10 =	simm.s32 @!p1 $0x0;
	[sflag:s9] =	ssyncset.done @p1 $0x0  }
0x59: {  	s6 =	simm.s32 @!p1 $0x0;
	[sflag:s9] =	ssyncadd.s32 @p1 $0xFFFFC000;
	s9 =	simm.s32 @!p1 $0x80  }
0x5a: {  	[tilespmem:s11], [sflag:$0x2] =	stream.indirect.gather @!p1 [hbm4b:s1+s9], $0x80, s10, s9, $0xb8;
	[tilespmem:$0x1FC00] =	vst v63  }
0x5b: {  	s9 =	sor.u32 $0x80, s6  }
0x5c: {  	[tilespmem:s28], [sflag:$0x3] =	stream.indirect.gather [hbm4b:s1+s26], $0x80, s9, s26, $0xb8;
	[tilespmem:$0x1FC00] =	vst v63  }
0x5d: {  	_ =	swait.ge [sflag:s29], $0x4000  }
0x5e: {  	[sflag:s29] =	ssyncset.done $0x0  }
0x5f: {  	s14 =	sor.u32 $0x800, s6;
	s5 =	sor.u32 $0x10, s6;
	[sflag:s29] =	ssyncadd.s32 $0xFFFFC000  }
0x60: {  	[spmem:s2] =	stream.indirect.scatter.add.f32 [tilespmem:s23], [sflag:$0x4], $0x80, s14, s26, $0xb8;
	[tilespmem:$0x1FC00] =	vst v63  }
0x61: {  	v4 =	vld [tilespmem:s5+$0x0];
	_ =	sdelay $0x3  }
0x62: {  	s11 =	sor.u32 $0x810, s6  }
0x63: {  	v5 =	vld [tilespmem:s11+$0x0];
	_ =	sdelay $0x2  }
0x64: {  	v1 =	vld.idx.msk [tilespmem:v4+s20+$0x0], $0xffff  }
0x65: {  	s5 =	sor.u32 $0x820, s6  }
0x66: {  	v7 =	vld [tilespmem:s5+$0x0];
	_ =	sdelay $0x2  }
0x67: {  	[tilespmem:$0x1FEB0] =	vst v1;
	v1 =	vld.idx.msk [tilespmem:v5+s22+$0x0], $0xffff  }
0x68: {  	s11 =	sor.u32 $0x30, s6  }
0x69: {  	v8 =	vld [tilespmem:s11+$0x0]  }
0x6a: {  	v2 =	vld [tilespmem:s6+$0x0];
	_ =	sdelay $0x1  }
0x6b: {  	s14 =	sor.u32 $0x20, s6;
	[tilespmem:$0x1FEC0] =	vst v1;
	v1 =	vld.idx.msk [tilespmem:v7+s22+$0x0], $0xffff  }
0x6c: {  	v6 =	vld [tilespmem:s14+$0x0];
	s14 =	sor.u32 $0x830, s6  }
0x6d: {  	v9 =	vld [tilespmem:s14+$0x0]  }
0x6e: {  	v3 =	vld [tilespmem:s6+$0x800];
	_ =	sdelay $0x1  }
0x6f: {  	[tilespmem:$0x1FED0] =	vst v1;
	v1 =	vld.idx.msk [tilespmem:v8+s20+$0x0], $0xffff  }
0x70: {  	s5 =	sor.u32 $0x40, s6;
	v11 =	vld.idx.msk [tilespmem:v2+s20+$0x0], $0xffff  }
0x71: {  	v2 =	vld [tilespmem:s5+$0x0];
	_ =	sdelay $0x2  }
0x72: {  	[tilespmem:$0x1FEE0] =	vst v1;
	v1 =	vld.idx.msk [tilespmem:v9+s22+$0x0], $0xffff  }
0x73: {  	s11 =	sor.u32 $0x840, s6;
	v20 =	vld.idx.msk [tilespmem:v3+s22+$0x0], $0xffff  }
0x74: {  	v3 =	vld [tilespmem:s11+$0x0];
	_ =	sdelay $0x2  }
0x75: {  	[tilespmem:$0x1FEF0] =	vst v1;
	v1 =	vld.idx.msk [tilespmem:v2+s20+$0x0], $0xffff  }
0x76: {  	s14 =	sor.u32 $0x50, s6  }
0x77: {  	v38 =	vld [tilespmem:s14+$0x0];
	_ =	sdelay $0x2  }
0x78: {  	[tilespmem:$0x1FF00] =	vst v1;
	v1 =	vld.idx.msk [tilespmem:v3+s22+$0x0], $0xffff  }
0x79: {  	s5 =	sor.u32 $0x850, s6  }
0x7a: {  	v39 =	vld [tilespmem:s5+$0x0];
	_ =	sdelay $0x2  }
0x7b: {  	[tilespmem:$0x1FF10] =	vst v1;
	v1 =	vld.idx.msk [tilespmem:v38+s20+$0x0], $0xffff  }
0x7c: {  	s11 =	sor.u32 $0x60, s6  }
0x7d: {  	v40 =	vld [tilespmem:s11+$0x0];
	_ =	sdelay $0x2  }
0x7e: {  	[tilespmem:$0x1FF20] =	vst v1;
	v1 =	vld.idx.msk [tilespmem:v39+s22+$0x0], $0xffff  }
0x7f: {  	s14 =	sor.u32 $0x860, s6  }
0x80: {  	v41 =	vld [tilespmem:s14+$0x0];
	_ =	sdelay $0x2  }
0x81: {  	[tilespmem:$0x1FF30] =	vst v1;
	v1 =	vld.idx.msk [tilespmem:v40+s20+$0x0], $0xffff  }
0x82: {  	s5 =	sor.u32 $0x70, s6  }
0x83: {  	v42 =	vld [tilespmem:s5+$0x0];
	_ =	sdelay $0x2  }
0x84: {  	[tilespmem:$0x1FF40] =	vst v1;
	v1 =	vld.idx.msk [tilespmem:v41+s22+$0x0], $0xffff  }
0x85: {  	s11 =	sor.u32 $0x870, s6  }
0x86: {  	v43 =	vld [tilespmem:s11+$0x0];
	_ =	sdelay $0x2  }
0x87: {  	[tilespmem:$0x1FF50] =	vst v1;
	v1 =	vld.idx.msk [tilespmem:v42+s20+$0x0], $0xffff;
	_ =	sdelay $0x4  }
0x88: {  	[tilespmem:$0x1FF60] =	vst v1;
	v1 =	vld.idx.msk [tilespmem:v43+s22+$0x0], $0xffff;
	_ =	sdelay $0x4  }
0x89: {  	[tilespmem:$0x1FF70] =	vst v1  }
0x8a: {  	p1 =	seq.s32 s3, $0x2400;
	v14 =	vld.idx.msk [tilespmem:v6+s20+$0x0], $0xffff;
	s5 =	smov.u32 s12;
	_ =	swait.ge [sflag:s30], $0x4000  }
0x8b: {  	s5 =	simm.s32 @p1 $0x0;
	[sflag:s30] =	ssyncset.done $0x0;
	s14 =	rddreg [dreg:$0x4]  }
0x8c: {  	s10 =	sor.u32 $0x100, s6;
	[sflag:s30] =	ssyncadd.s32 $0xFFFFC000;
	s5 =	sadd.s32 s14, s5  }
0x8d: {  	[tilespmem:s23], [sflag:$0x2] =	stream.indirect.gather [hbm4b:s1+s26], $0x80, s10, s26, $0xb8;
	[tilespmem:$0x1FC00] =	vst v63  }
0x8e: {  	s5 =	sshll.u32 s5, $0x7  }
0x8f: {  	s5 =	sand.u32 $0x1FFFFF80, s5  }
0x90: {  	s11 =	ssub.s32 $0x400, s6;
	s14 =	sadd.s32 s7, s5  }
0x91: {  	[tilespmem:s11], [sflag:$0x1] =	stream.linear.gather [hbm4b:s14+s4], $0x400, $0x38;
	[tilespmem:$0x1FC00] =	vst v63  }
0x92: {  	s5 =	sadd.s32 s8, s5;
	s14 =	ssub.s32 $0xC00, s6  }
0x93: {  	[tilespmem:s14], [sflag:$0x1] =	stream.linear.gather [hbm4b:s5+s4], $0x400, $0x38;
	[tilespmem:$0x1FC00] =	vst v63  }
0x94: {  	_ =	swait.ge [sflag:s31], $0x4000  }
0x95: {  	[sflag:s31] =	ssyncset.done $0x0  }
0x96: {  	s14 =	sor.u32 $0x880, s6;
	[sflag:s31] =	ssyncadd.s32 $0xFFFFC000  }
0x97: {  	[spmem:s2] =	stream.indirect.scatter.add.f32 [tilespmem:s28], [sflag:$0x5], $0x80, s14, s26, $0xb8;
	[tilespmem:$0x1FC00] =	vst v63  }
0x98: {  	v3 =	vld [tilespmem:s14+$0x0];
	s14 =	sor.u32 $0xA0, s6  }
0x99: {  	v46 =	vld [tilespmem:s14+$0x0];
	_ =	sdelay $0x2  }
0x9a: {  	v2 =	vld [tilespmem:s9+$0x0];
	s9 =	sor.u32 $0x90, s6  }
0x9b: {  	v44 =	vld [tilespmem:s9+$0x0];
	s9 =	sor.u32 $0x8A0, s6  }
0x9c: {  	v47 =	vld [tilespmem:s9+$0x0];
	_ =	sdelay $0x2  }
0x9d: {  	s11 =	sor.u32 $0x890, s6;
	v1 =	vld.idx.msk [tilespmem:v46+s20+$0x0], $0xffff  }
0x9e: {  	v45 =	vld [tilespmem:s11+$0x0];
	s11 =	sor.u32 $0xB0, s6  }
0x9f: {  	v48 =	vld [tilespmem:s11+$0x0];
	_ =	sdelay $0x2  }
0xa0: {  	[tilespmem:$0x1FF80] =	vst v1;
	v1 =	vld.idx.msk [tilespmem:v47+s22+$0x0], $0xffff  }
0xa1: {  	s14 =	sor.u32 $0x8B0, s6  }
0xa2: {  	v49 =	vld [tilespmem:s14+$0x0];
	_ =	sdelay $0x1  }
0xa3: {  	v29 =	vld.idx.msk [tilespmem:v3+s22+$0x0], $0xffff  }
0xa4: {  	s11 =	sor.u32 $0x8C0, s6;
	[tilespmem:$0x1FF90] =	vst v1;
	v1 =	vld.idx.msk [tilespmem:v48+s20+$0x0], $0xffff  }
0xa5: {  	v3 =	vld [tilespmem:s11+$0x0];
	s11 =	sor.u32 $0xE0, s6  }
0xa6: {  	v52 =	vld [tilespmem:s11+$0x0];
	_ =	sdelay $0x2  }
0xa7: {  	s14 =	sor.u32 $0xD0, s6;
	[tilespmem:$0x1FFA0] =	vst v1;
	v1 =	vld.idx.msk [tilespmem:v49+s22+$0x0], $0xffff  }
0xa8: {  	v50 =	vld [tilespmem:s14+$0x0];
	s14 =	sor.u32 $0x8E0, s6  }
0xa9: {  	v53 =	vld [tilespmem:s14+$0x0]  }
0xaa: {  	s9 =	sor.u32 $0xC0, s6;
	v27 =	vld.idx.msk [tilespmem:v2+s20+$0x0], $0xffff  }
0xab: {  	v2 =	vld [tilespmem:s9+$0x0]  }
0xac: {  	s9 =	sor.u32 $0x8D0, s6;
	[tilespmem:$0x1FFB0] =	vst v1;
	v1 =	vld.idx.msk [tilespmem:v52+s20+$0x0], $0xffff  }
0xad: {  	v51 =	vld [tilespmem:s9+$0x0];
	s9 =	sor.u32 $0xF0, s6  }
0xae: {  	v54 =	vld [tilespmem:s9+$0x0];
	_ =	sdelay $0x2  }
0xaf: {  	[tilespmem:$0x1FFC0] =	vst v1;
	v1 =	vld.idx.msk [tilespmem:v53+s22+$0x0], $0xffff  }
0xb0: {  	s11 =	sor.u32 $0x8F0, s6  }
0xb1: {  	v55 =	vld [tilespmem:s11+$0x0];
	_ =	sdelay $0x2  }
0xb2: {  	[tilespmem:$0x1FFD0] =	vst v1;
	v1 =	vld.idx.msk [tilespmem:v54+s20+$0x0], $0xffff;
	_ =	sdelay $0x4  }
0xb3: {  	[tilespmem:$0x1FFE0] =	vst v1;
	v1 =	vld.idx.msk [tilespmem:v55+s22+$0x0], $0xffff  }
0xb4: {  	v24 =	vld.idx.msk [tilespmem:v45+s22+$0x0], $0xffff  }
0xb5: {  	v22 =	vld.idx.msk [tilespmem:v44+s20+$0x0], $0xffff  }
0xb6: {  	v26 =	vld.idx.msk [tilespmem:v50+s20+$0x0], $0xffff  }
0xb7: {  	v32 =	vld.idx.msk [tilespmem:v2+s20+$0x0], $0xffff  }
0xb8: {  	v33 =	vld.idx.msk [tilespmem:v3+s22+$0x0], $0xffff;
	[tilespmem:$0x1FFF0] =	vst v1  }
0xb9: {  	v31 =	vld.idx.msk [tilespmem:v51+s22+$0x0], $0xffff;
	_ =	swait.ge [sflag:s0], $0x4000  }
0xba: {  	[sflag:s0] =	ssyncset.done $0x0  }
0xbb: {  	s9 =	sor.u32 $0x180, s6;
	[sflag:s0] =	ssyncadd.s32 $0xFFFFC000  }
0xbc: {  	[tilespmem:s28], [sflag:$0x3] =	stream.indirect.gather [hbm4b:s1+s26], $0x80, s9, s26, $0xb8;
	[tilespmem:$0x1FC00] =	vst v63  }
0xbd: {  	_ =	swait.ge [sflag:s29], $0x4000  }
0xbe: {  	[sflag:s29] =	ssyncset.done $0x0  }
0xbf: {  	s14 =	sor.u32 $0x900, s6;
	[sflag:s29] =	ssyncadd.s32 $0xFFFFC000  }
0xc0: {  	[spmem:s2] =	stream.indirect.scatter.add.f32 [tilespmem:s23], [sflag:$0x4], $0x80, s14, s26, $0xb8;
	[tilespmem:$0x1FC00] =	vst v63  }
0xc1: {  	v2 =	vld [tilespmem:s10+$0x0]  }
0xc2: {  	s11 =	sor.u32 $0x910, s6;
	v3 =	vld [tilespmem:s14+$0x0]  }
0xc3: {  	s10 =	sor.u32 $0x110, s6;
	v57 =	vld [tilespmem:s11+$0x0]  }
0xc4: {  	s14 =	sor.u32 $0x120, s6;
	v56 =	vld [tilespmem:s10+$0x0]  }
0xc5: {  	s11 =	sor.u32 $0x130, s6;
	v58 =	vld [tilespmem:s14+$0x0]  }
0xc6: {  	s10 =	sor.u32 $0x920, s6;
	v60 =	vld [tilespmem:s11+$0x0]  }
0xc7: {  	s14 =	sor.u32 $0x930, s6;
	v59 =	vld [tilespmem:s10+$0x0]  }
0xc8: {  	v61 =	vld [tilespmem:s14+$0x0];
	s14 =	sor.u32 $0x150, s6  }
0xc9: {  	v62 =	vld [tilespmem:s14+$0x0];
	s14 =	sor.u32 $0x960, s6  }
0xca: {  	v13 =	vld [tilespmem:s14+$0x0]  }
0xcb: {  	v43 =	vld.idx.msk [tilespmem:v2+s20+$0x0], $0xffff  }
0xcc: {  	v45 =	vld.idx.msk [tilespmem:v3+s22+$0x0], $0xffff  }
0xcd: {  	s10 =	sor.u32 $0x140, s6;
	v39 =	vld.idx.msk [tilespmem:v57+s22+$0x0], $0xffff  }
0xce: {  	s11 =	sor.u32 $0x940, s6;
	v2 =	vld [tilespmem:s10+$0x0]  }
0xcf: {  	v3 =	vld [tilespmem:s11+$0x0]  }
0xd0: {  	v38 =	vld.idx.msk [tilespmem:v56+s20+$0x0], $0xffff  }
0xd1: {  	v36 =	vld.idx.msk [tilespmem:v58+s20+$0x0], $0xffff  }
0xd2: {  	s10 =	sor.u32 $0x950, s6;
	v34 =	vld.idx.msk [tilespmem:v60+s20+$0x0], $0xffff  }
0xd3: {  	s11 =	sor.u32 $0x160, s6;
	v63 =	vld [tilespmem:s10+$0x0]  }
0xd4: {  	v12 =	vld [tilespmem:s11+$0x0]  }
0xd5: {  	v37 =	vld.idx.msk [tilespmem:v59+s22+$0x0], $0xffff  }
0xd6: {  	s10 =	sor.u32 $0x170, s6;
	v35 =	vld.idx.msk [tilespmem:v61+s22+$0x0], $0xffff  }
0xd7: {  	s11 =	sor.u32 $0x970, s6;
	v15 =	vld [tilespmem:s10+$0x0]  }
0xd8: {  	v16 =	vld [tilespmem:s11+$0x0]  }
0xd9: {  	v46 =	vld.idx.msk [tilespmem:v62+s20+$0x0], $0xffff  }
0xda: {  	v44 =	vld.idx.msk [tilespmem:v13+s22+$0x0], $0xffff  }
0xdb: {  	v48 =	vld.idx.msk [tilespmem:v2+s20+$0x0], $0xffff  }
0xdc: {  	v49 =	vld.idx.msk [tilespmem:v3+s22+$0x0], $0xffff  }
0xdd: {  	v47 =	vld.idx.msk [tilespmem:v63+s22+$0x0], $0xffff  }
0xde: {  	v42 =	vld.idx.msk [tilespmem:v12+s20+$0x0], $0xffff  }
0xdf: {  	v40 =	vld.idx.msk [tilespmem:v15+s20+$0x0], $0xffff  }
0xe0: {  	v41 =	vld.idx.msk [tilespmem:v16+s22+$0x0], $0xffff;
	_ =	swait.ge [sflag:s30], $0x4000  }
0xe1: {  	[sflag:s30] =	ssyncset.done $0x0  }
0xe2: {  	s11 =	sor.u32 $0x200, s6;
	[sflag:s30] =	ssyncadd.s32 $0xFFFFC000  }
0xe3: {  	[tilespmem:s23], [sflag:$0x2] =	stream.indirect.gather [hbm4b:s1+s26], $0x80, s11, s26, $0xb8;
	[tilespmem:$0x1FC00] =	vst v63  }
0xe4: {  	_ =	swait.ge [sflag:s31], $0x4000  }
0xe5: {  	[sflag:s31] =	ssyncset.done $0x0  }
0xe6: {  	s14 =	sor.u32 $0x980, s6;
	[sflag:s31] =	ssyncadd.s32 $0xFFFFC000  }
0xe7: {  	[spmem:s2] =	stream.indirect.scatter.add.f32 [tilespmem:s28], [sflag:$0x5], $0x80, s14, s26, $0xb8;
	[tilespmem:$0x1FC00] =	vst v63  }
0xe8: {  	v2 =	vld [tilespmem:s9+$0x0]  }
0xe9: {  	s10 =	sor.u32 $0x190, s6;
	v3 =	vld [tilespmem:s14+$0x0]  }
0xea: {  	v17 =	vld [tilespmem:s10+$0x0];
	s14 =	sor.u32 $0x990, s6  }
0xeb: {  	s9 =	sor.u32 $0x1A0, s6;
	v18 =	vld [tilespmem:s14+$0x0]  }
0xec: {  	s10 =	sor.u32 $0x9A0, s6;
	v19 =	vld [tilespmem:s9+$0x0]  }
0xed: {  	v25 =	vld [tilespmem:s10+$0x0];
	s14 =	sor.u32 $0x1B0, s6  }
0xee: {  	s9 =	sor.u32 $0x9B0, s6;
	v28 =	vld [tilespmem:s14+$0x0]  }
0xef: {  	v30 =	vld [tilespmem:s9+$0x0];
	s9 =	sor.u32 $0x1D0, s6  }
0xf0: {  	v12 =	vld [tilespmem:s9+$0x0];
	s9 =	sor.u32 $0x9E0, s6  }
0xf1: {  	v16 =	vld [tilespmem:s9+$0x0]  }
0xf2: {  	v60 =	vld.idx.msk [tilespmem:v2+s20+$0x0], $0xffff  }
0xf3: {  	v61 =	vld.idx.msk [tilespmem:v3+s22+$0x0], $0xffff  }
0xf4: {  	s10 =	sor.u32 $0x1C0, s6;
	v56 =	vld.idx.msk [tilespmem:v17+s20+$0x0], $0xffff  }
0xf5: {  	s14 =	sor.u32 $0x9C0, s6;
	v2 =	vld [tilespmem:s10+$0x0]  }
0xf6: {  	v3 =	vld [tilespmem:s14+$0x0]  }
0xf7: {  	v58 =	vld.idx.msk [tilespmem:v18+s22+$0x0], $0xffff  }
0xf8: {  	v53 =	vld.idx.msk [tilespmem:v19+s20+$0x0], $0xffff  }
0xf9: {  	s10 =	sor.u32 $0x9D0, s6;
	v55 =	vld.idx.msk [tilespmem:v25+s22+$0x0], $0xffff  }
0xfa: {  	s14 =	sor.u32 $0x1E0, s6;
	v13 =	vld [tilespmem:s10+$0x0]  }
0xfb: {  	v15 =	vld [tilespmem:s14+$0x0]  }
0xfc: {  	v50 =	vld.idx.msk [tilespmem:v28+s20+$0x0], $0xffff  }
0xfd: {  	s10 =	sor.u32 $0x1F0, s6;
	v51 =	vld.idx.msk [tilespmem:v30+s22+$0x0], $0xffff  }
0xfe: {  	s14 =	sor.u32 $0x9F0, s6;
	v17 =	vld [tilespmem:s10+$0x0]  }
0xff: {  	v18 =	vld [tilespmem:s14+$0x0]  }
0x100: {  	v62 =	vld.idx.msk [tilespmem:v12+s20+$0x0], $0xffff  }
0x101: {  	v59 =	vld.idx.msk [tilespmem:v16+s22+$0x0], $0xffff  }
0x102: {  	v30 =	vld.idx.msk [tilespmem:v2+s20+$0x0], $0xffff  }
0x103: {  	v28 =	vld.idx.msk [tilespmem:v3+s22+$0x0], $0xffff  }
0x104: {  	v63 =	vld.idx.msk [tilespmem:v13+s22+$0x0], $0xffff  }
0x105: {  	v57 =	vld.idx.msk [tilespmem:v15+s20+$0x0], $0xffff  }
0x106: {  	v52 =	vld.idx.msk [tilespmem:v17+s20+$0x0], $0xffff  }
0x107: {  	v54 =	vld.idx.msk [tilespmem:v18+s22+$0x0], $0xffff;
	_ =	swait.ge [sflag:s0], $0x4000  }
0x108: {  	[sflag:s0] =	ssyncset.done $0x0  }
0x109: {  	s10 =	sor.u32 $0x280, s6;
	[sflag:s0] =	ssyncadd.s32 $0xFFFFC000  }
0x10a: {  	[tilespmem:s28], [sflag:$0x3] =	stream.indirect.gather [hbm4b:s1+s26], $0x80, s10, s26, $0xb8;
	[tilespmem:$0x1FC00] =	vst v63  }
0x10b: {  	_ =	swait.ge [sflag:s29], $0x4000  }
0x10c: {  	[sflag:s29] =	ssyncset.done $0x0  }
0x10d: {  	s9 =	sor.u32 $0xA00, s6;
	[sflag:s29] =	ssyncadd.s32 $0xFFFFC000  }
0x10e: {  	[spmem:s2] =	stream.indirect.scatter.add.f32 [tilespmem:s23], [sflag:$0x4], $0x80, s9, s26, $0xb8;
	[tilespmem:$0x1FC00] =	vst v63  }
0x10f: {  	v2 =	vld [tilespmem:s11+$0x0]  }
0x110: {  	s14 =	sor.u32 $0xA10, s6;
	v3 =	vld [tilespmem:s9+$0x0]  }
0x111: {  	s11 =	sor.u32 $0x210, s6;
	v5 =	vld [tilespmem:s14+$0x0]  }
0x112: {  	s14 =	sor.u32 $0xA20, s6;
	v19 =	vld [tilespmem:s11+$0x0]  }
0x113: {  	s11 =	sor.u32 $0x220, s6;
	v25 =	vld [tilespmem:s14+$0x0]  }
0x114: {  	s14 =	sor.u32 $0xA30, s6;
	v8 =	vld [tilespmem:s11+$0x0]  }
0x115: {  	s11 =	sor.u32 $0x230, s6;
	v15 =	vld [tilespmem:s14+$0x0]  }
0x116: {  	v10 =	vld [tilespmem:s11+$0x0];
	s11 =	sor.u32 $0xA40, s6  }
0x117: {  	v4 =	vld [tilespmem:s11+$0x0]  }
0x118: {  	v13 =	vld.idx.msk [tilespmem:v2+s20+$0x0], $0xffff  }
0x119: {  	s9 =	sor.u32 $0x240, s6;
	v12 =	vld.idx.msk [tilespmem:v3+s22+$0x0], $0xffff  }
0x11a: {  	v2 =	vld [tilespmem:s9+$0x0]  }
0x11b: {  	s14 =	sor.u32 $0x250, s6;
	v16 =	vld.idx.msk [tilespmem:v5+s22+$0x0], $0xffff  }
0x11c: {  	v5 =	vld [tilespmem:s14+$0x0]  }
0x11d: {  	v3 =	vld [tilespmem:$0x1FEC0]  }
0x11e: {  	v17 =	vld.idx.msk [tilespmem:v19+s20+$0x0], $0xffff  }
0x11f: {  	s14 =	sor.u32 $0x260, s6;
	v18 =	vld.idx.msk [tilespmem:v25+s22+$0x0], $0xffff  }
0x120: {  	v9 =	vld [tilespmem:s14+$0x0]  }
0x121: {  	v23 =	vld.idx.msk [tilespmem:v8+s20+$0x0], $0xffff  }
0x122: {  	v7 =	vld.idx.msk [tilespmem:v2+s20+$0x0], $0xffff  }
0x123: {  	v2 =	vld [tilespmem:$0x1FEB0]  }
0x124: {  	s14 =	sor.u32 $0x270, s6;
	v15 =	vld.idx.msk [tilespmem:v15+s22+$0x0], $0xffff  }
0x125: {  	s11 =	sor.u32 $0xA50, s6;
	v1 =	vld [tilespmem:s14+$0x0]  }
0x126: {  	v20 =	vmul.f32 v20, v11;
	v8 =	vld [tilespmem:s11+$0x0]  }
0x127: {  	v25 =	vld.idx.msk [tilespmem:v10+s20+$0x0], $0xffff  }
0x128: {  	v20 =	vadd.f32 v20, v21;
	s11 =	sor.u32 $0xA60, s6;
	v21 =	vmul.f32 v3, v2;
	v2 =	vld [tilespmem:$0x1FED0]  }
0x129: {  	v10 =	vld [tilespmem:s11+$0x0];
	s11 =	sor.u32 $0xA70, s6  }
0x12a: {  	v19 =	vld [tilespmem:s11+$0x0]  }
0x12b: {  	v6 =	vld.idx.msk [tilespmem:v4+s22+$0x0], $0xffff  }
0x12c: {  	v11 =	vld.idx.msk [tilespmem:v5+s20+$0x0], $0xffff  }
0x12d: {  	v20 =	vadd.f32 v21, v20;
	v21 =	vmul.f32 v2, v14;
	v14 =	vld.idx.msk [tilespmem:v1+s20+$0x0], $0xffff  }
0x12e: {  	v1 =	vld [tilespmem:$0x1FEE0]  }
0x12f: {  	v2 =	vld [tilespmem:$0x1FEF0]  }
0x130: {  	v5 =	vld.idx.msk [tilespmem:v8+s22+$0x0], $0xffff  }
0x131: {  	v8 =	vld.idx.msk [tilespmem:v9+s20+$0x0], $0xffff  }
0x132: {  	v10 =	vld.idx.msk [tilespmem:v10+s22+$0x0], $0xffff  }
0x133: {  	v9 =	vld.idx.msk [tilespmem:v19+s22+$0x0], $0xffff;
	_ =	swait.ge [sflag:s30], $0x4000  }
0x134: {  	v4 =	vadd.f32 v21, v20;
	v20 =	vmul.f32 v2, v1;
	v1 =	vld [tilespmem:$0x1FF00]  }
0x135: {  	v2 =	vld [tilespmem:$0x1FF10];
	_ =	sdelay $0x4  }
0x136: {  	v19 =	vadd.f32 v20, v4;
	v20 =	vmul.f32 v2, v1;
	v1 =	vld [tilespmem:$0x1FF20]  }
0x137: {  	v2 =	vld [tilespmem:$0x1FF30]  }
0x138: {  	[sflag:s30] =	ssyncset.done $0x0  }
0x139: {  	s9 =	sor.u32 $0x300, s6;
	[sflag:s30] =	ssyncadd.s32 $0xFFFFC000  }
0x13a: {  	[tilespmem:s23], [sflag:$0x2] =	stream.indirect.gather [hbm4b:s1+s26], $0x80, s9, s26, $0xb8;
	[tilespmem:$0x1FC00] =	vst v63  }
0x13b: {  	_ =	swait.ge [sflag:s31], $0x4000  }
0x13c: {  	v19 =	vadd.f32 v20, v19;
	v20 =	vmul.f32 v2, v1;
	v1 =	vld [tilespmem:$0x1FF40]  }
0x13d: {  	v2 =	vld [tilespmem:$0x1FF50];
	_ =	sdelay $0x4  }
0x13e: {  	v19 =	vadd.f32 v20, v19;
	v20 =	vmul.f32 v2, v1;
	v1 =	vld [tilespmem:$0x1FF60]  }
0x13f: {  	v2 =	vld [tilespmem:$0x1FF70];
	_ =	sdelay $0x4  }
0x140: {  	v19 =	vadd.f32 v20, v19;
	v20 =	vmul.f32 v2, v1;
	v1 =	vld [tilespmem:$0x1FF80]  }
0x141: {  	[sflag:s31] =	ssyncset.done $0x0;
	v2 =	vld [tilespmem:$0x1FF90]  }
0x142: {  	s14 =	sor.u32 $0xA80, s6;
	[sflag:s31] =	ssyncadd.s32 $0xFFFFC000;
	v19 =	vadd.f32 v20, v19;
	v20 =	vmul.f32 v29, v27  }
0x143: {  	[spmem:s2] =	stream.indirect.scatter.add.f32 [tilespmem:s28], [sflag:$0x5], $0x80, s14, s26, $0xb8;
	[tilespmem:$0x1FC00] =	vst v63  }
0x144: {  	v21 =	vld [tilespmem:s10+$0x0];
	v19 =	vadd.f32 v20, v19;
	v20 =	vmul.f32 v24, v22  }
0x145: {  	s11 =	sor.u32 $0x290, s6;
	v4 =	vld [tilespmem:s14+$0x0]  }
0x146: {  	v27 =	vld [tilespmem:s11+$0x0];
	v19 =	vadd.f32 v20, v19;
	v20 =	vmul.f32 v2, v1  }
0x147: {  	v1 =	vld [tilespmem:$0x1FFA0]  }
0x148: {  	s11 =	sor.u32 $0x2A0, s6;
	v20 =	vadd.f32 v20, v19;
	v19 =	vld [tilespmem:$0x1FFB0]  }
0x149: {  	s14 =	sor.u32 $0xA90, s6;
	v22 =	vld [tilespmem:s11+$0x0]  }
0x14a: {  	v29 =	vld [tilespmem:s14+$0x0];
	s14 =	sor.u32 $0xAA0, s6  }
0x14b: {  	s11 =	sor.u32 $0x2B0, s6;
	v24 =	vld [tilespmem:s14+$0x0]  }
0x14c: {  	s14 =	sor.u32 $0xAB0, s6;
	v3 =	vld [tilespmem:s11+$0x0]  }
0x14d: {  	v2 =	vld [tilespmem:s14+$0x0];
	v1 =	vmul.f32 v19, v1  }
0x14e: {  	v19 =	vld.idx.msk [tilespmem:v21+s20+$0x0], $0xffff  }
0x14f: {  	v21 =	vmul.f32 v33, v32;
	v33 =	vld [tilespmem:$0x1FFD0];
	v1 =	vadd.f32 v1, v20  }
0x150: {  	v20 =	vld.idx.msk [tilespmem:v27+s20+$0x0], $0xffff  }
0x151: {  	v1 =	vadd.f32 v21, v1;
	v21 =	vld.idx.msk [tilespmem:v22+s20+$0x0], $0xffff  }
0x152: {  	v22 =	vld [tilespmem:$0x1FFC0]  }
0x153: {  	v26 =	vmul.f32 v31, v26;
	v27 =	vld.idx.msk [tilespmem:v29+s22+$0x0], $0xffff  }
0x154: {  	v29 =	vld.idx.msk [tilespmem:v24+s22+$0x0], $0xffff  }
0x155: {  	v1 =	vadd.f32 v26, v1;
	v26 =	vld.idx.msk [tilespmem:v2+s22+$0x0], $0xffff  }
0x156: {  	v2 =	vld [tilespmem:$0x1FFE0]  }
0x157: {  	v24 =	vmul.f32 v33, v22;
	v22 =	vld.idx.msk [tilespmem:v3+s20+$0x0], $0xffff  }
0x158: {  	v3 =	vld [tilespmem:$0x1FFF0];
	_ =	sdelay $0x4  }
0x159: {  	v1 =	vadd.f32 v24, v1;
	v2 =	vmul.f32 v3, v2  }
0x15a: {  	v4 =	vld.idx.msk [tilespmem:v4+s22+$0x0], $0xffff;
	s14 =	sor.u32 $0x2D0, s6  }
0x15b: {  	s11 =	sor.u32 $0xAC0, s6;
	v31 =	vld [tilespmem:s14+$0x0];
	v1 =	vadd.f32 v2, v1;
	v2 =	vmul.f32 v45, v43  }
0x15c: {  	v24 =	vld [tilespmem:s11+$0x0];
	s11 =	sor.u32 $0x2E0, s6  }
0x15d: {  	s10 =	sor.u32 $0x2C0, s6;
	v33 =	vld [tilespmem:s11+$0x0];
	v1 =	vadd.f32 v2, v1;
	v2 =	vmul.f32 v39, v38  }
0x15e: {  	v3 =	vld [tilespmem:s10+$0x0];
	s10 =	sor.u32 $0xAD0, s6  }
0x15f: {  	v32 =	vld [tilespmem:s10+$0x0];
	s10 =	sor.u32 $0x2F0, s6;
	v1 =	vadd.f32 v2, v1;
	v2 =	vmul.f32 v37, v36  }
0x160: {  	s11 =	sor.u32 $0xAF0, s6;
	v45 =	vld [tilespmem:s10+$0x0]  }
0x161: {  	s14 =	sor.u32 $0xAE0, s6;
	v43 =	vld [tilespmem:s11+$0x0];
	v1 =	vadd.f32 v2, v1;
	v2 =	vmul.f32 v35, v34  }
0x162: {  	v38 =	vld [tilespmem:s14+$0x0]  }
0x163: {  	v31 =	vld.idx.msk [tilespmem:v31+s20+$0x0], $0xffff;
	v1 =	vadd.f32 v2, v1;
	v2 =	vmul.f32 v49, v48  }
0x164: {  	v24 =	vld.idx.msk [tilespmem:v24+s22+$0x0], $0xffff  }
0x165: {  	v33 =	vld.idx.msk [tilespmem:v33+s20+$0x0], $0xffff;
	v1 =	vadd.f32 v2, v1;
	v2 =	vmul.f32 v47, v46  }
0x166: {  	v3 =	vld.idx.msk [tilespmem:v3+s20+$0x0], $0xffff  }
0x167: {  	v32 =	vld.idx.msk [tilespmem:v32+s22+$0x0], $0xffff;
	v1 =	vadd.f32 v2, v1;
	v2 =	vmul.f32 v44, v42  }
0x168: {  	v35 =	vld.idx.msk [tilespmem:v45+s20+$0x0], $0xffff  }
0x169: {  	v36 =	vld.idx.msk [tilespmem:v43+s22+$0x0], $0xffff;
	v1 =	vadd.f32 v2, v1;
	v2 =	vmul.f32 v41, v40  }
0x16a: {  	v34 =	vld.idx.msk [tilespmem:v38+s22+$0x0], $0xffff;
	_ =	swait.ge [sflag:s0], $0x4000  }
0x16b: {  	[sflag:s0] =	ssyncset.done $0x0;
	v1 =	vadd.f32 v2, v1;
	v2 =	vmul.f32 v61, v60  }
0x16c: {  	s10 =	sor.u32 $0x380, s6;
	[sflag:s0] =	ssyncadd.s32 $0xFFFFC000  }
0x16d: {  	[tilespmem:s28], [sflag:$0x3] =	stream.indirect.gather [hbm4b:s1+s26], $0x80, s10, s26, $0xb8;
	v1 =	vadd.f32 v2, v1;
	v2 =	vmul.f32 v58, v56;
	[tilespmem:$0x1FC00] =	vst v63  }
0x16e: {  	_ =	swait.ge [sflag:s29], $0x4000  }
0x16f: {  	[sflag:s29] =	ssyncset.done $0x0;
	v1 =	vadd.f32 v2, v1;
	v2 =	vmul.f32 v55, v53  }
0x170: {  	s14 =	sor.u32 $0xB00, s6;
	[sflag:s29] =	ssyncadd.s32 $0xFFFFC000  }
0x171: {  	[spmem:s2] =	stream.indirect.scatter.add.f32 [tilespmem:s23], [sflag:$0x4], $0x80, s14, s26, $0xb8;
	v1 =	vadd.f32 v2, v1;
	v2 =	vmul.f32 v51, v50;
	[tilespmem:$0x1FC00] =	vst v63  }
0x172: {  	v45 =	vld [tilespmem:s9+$0x0]  }
0x173: {  	s11 =	sor.u32 $0x310, s6;
	v46 =	vld [tilespmem:s14+$0x0];
	v1 =	vadd.f32 v2, v1;
	v2 =	vmul.f32 v28, v30  }
0x174: {  	v47 =	vld [tilespmem:s11+$0x0];
	s14 =	sor.u32 $0xB10, s6  }
0x175: {  	s9 =	sor.u32 $0x320, s6;
	v48 =	vld [tilespmem:s14+$0x0];
	v1 =	vadd.f32 v2, v1;
	v2 =	vmul.f32 v63, v62  }
0x176: {  	v49 =	vld [tilespmem:s9+$0x0];
	s9 =	sor.u32 $0xB30, s6  }
0x177: {  	v53 =	vld [tilespmem:s9+$0x0];
	s9 =	sor.u32 $0x350, s6;
	v1 =	vadd.f32 v2, v1;
	v2 =	vmul.f32 v59, v57  }
0x178: {  	s11 =	sor.u32 $0xB20, s6;
	v61 =	vld [tilespmem:s9+$0x0]  }
0x179: {  	s14 =	sor.u32 $0x330, s6;
	v50 =	vld [tilespmem:s11+$0x0];
	v1 =	vadd.f32 v2, v1;
	v2 =	vmul.f32 v54, v52  }
0x17a: {  	v51 =	vld [tilespmem:s14+$0x0];
	s14 =	sor.u32 $0xB40, s6  }
0x17b: {  	s9 =	sor.u32 $0xB60, s6;
	v60 =	vld [tilespmem:s14+$0x0];
	v1 =	vadd.f32 v2, v1;
	v2 =	vmul.f32 v12, v13  }
0x17c: {  	v28 =	vld [tilespmem:s9+$0x0]  }
0x17d: {  	v37 =	vld.idx.msk [tilespmem:v45+s20+$0x0], $0xffff;
	v1 =	vadd.f32 v2, v1;
	v2 =	vmul.f32 v16, v17  }
0x17e: {  	s14 =	sor.u32 $0x360, s6;
	v38 =	vld.idx.msk [tilespmem:v46+s22+$0x0], $0xffff  }
0x17f: {  	v63 =	vld [tilespmem:s14+$0x0];
	v1 =	vadd.f32 v2, v1;
	v2 =	vmul.f32 v18, v23  }
0x180: {  	v55 =	vld.idx.msk [tilespmem:v48+s22+$0x0], $0xffff  }
0x181: {  	s14 =	sor.u32 $0xB70, s6;
	v56 =	vld.idx.msk [tilespmem:v49+s20+$0x0], $0xffff;
	v1 =	vadd.f32 v2, v1;
	v2 =	vmul.f32 v15, v25  }
0x182: {  	s11 =	sor.u32 $0x340, s6;
	v39 =	vld [tilespmem:s14+$0x0]  }
0x183: {  	v59 =	vld [tilespmem:s11+$0x0];
	s11 =	sor.u32 $0xB50, s6;
	v1 =	vadd.f32 v2, v1;
	v2 =	vmul.f32 v6, v7  }
0x184: {  	v62 =	vld [tilespmem:s11+$0x0]  }
0x185: {  	v42 =	vld.idx.msk [tilespmem:v61+s20+$0x0], $0xffff;
	v1 =	vadd.f32 v2, v1;
	v2 =	vmul.f32 v5, v11  }
0x186: {  	v54 =	vld.idx.msk [tilespmem:v47+s20+$0x0], $0xffff  }
0x187: {  	s11 =	sor.u32 $0x370, s6;
	v57 =	vld.idx.msk [tilespmem:v50+s22+$0x0], $0xffff;
	v1 =	vadd.f32 v2, v1;
	v2 =	vmul.f32 v10, v8  }
0x188: {  	v30 =	vld [tilespmem:s11+$0x0]  }
0x189: {  	v58 =	vld.idx.msk [tilespmem:v51+s20+$0x0], $0xffff;
	v1 =	vadd.f32 v2, v1;
	v2 =	vmul.f32 v9, v14  }
0x18a: {  	v41 =	vld.idx.msk [tilespmem:v60+s22+$0x0], $0xffff  }
0x18b: {  	v44 =	vld.idx.msk [tilespmem:v28+s22+$0x0], $0xffff;
	v1 =	vadd.f32 v2, v1;
	v2 =	vmul.f32 v4, v19  }
0x18c: {  	v23 =	vld.idx.msk [tilespmem:v53+s22+$0x0], $0xffff  }
0x18d: {  	v40 =	vld.idx.msk [tilespmem:v59+s20+$0x0], $0xffff;
	v1 =	vadd.f32 v2, v1;
	v2 =	vmul.f32 v27, v20  }
0x18e: {  	v43 =	vld.idx.msk [tilespmem:v62+s22+$0x0], $0xffff  }
0x18f: {  	v5 =	vld.idx.msk [tilespmem:v63+s20+$0x0], $0xffff;
	v1 =	vadd.f32 v2, v1;
	v2 =	vmul.f32 v29, v21  }
0x190: {  	v8 =	vld.idx.msk [tilespmem:v30+s20+$0x0], $0xffff  }
0x191: {  	v10 =	vld.idx.msk [tilespmem:v39+s22+$0x0], $0xffff;
	_ =	swait.ge [sflag:s31], $0x4000;
	v1 =	vadd.f32 v2, v1;
	v2 =	vmul.f32 v26, v22  }
0x192: {  	[sflag:s31] =	ssyncset.done $0x0  }
0x193: {  	s9 =	sor.u32 $0xB80, s6;
	[sflag:s31] =	ssyncadd.s32 $0xFFFFC000;
	v1 =	vadd.f32 v2, v1;
	v2 =	vmul.f32 v24, v3  }
0x194: {  	[spmem:s2] =	stream.indirect.scatter.add.f32 [tilespmem:s28], [sflag:$0x5], $0x80, s9, s26, $0xb8;
	[tilespmem:$0x1FC00] =	vst v63  }
0x195: {  	s11 =	sor.u32 $0x390, s6;
	v45 =	vld [tilespmem:s9+$0x0];
	v1 =	vadd.f32 v2, v1;
	v2 =	vmul.f32 v32, v31  }
0x196: {  	s14 =	sor.u32 $0xB90, s6;
	v46 =	vld [tilespmem:s11+$0x0]  }
0x197: {  	v47 =	vld [tilespmem:s14+$0x0];
	s9 =	sor.u32 $0x3A0, s6;
	v1 =	vadd.f32 v2, v1;
	v2 =	vmul.f32 v34, v33  }
0x198: {  	s11 =	sor.u32 $0x3B0, s6;
	v20 =	vld [tilespmem:s9+$0x0]  }
0x199: {  	v22 =	vld [tilespmem:s11+$0x0];
	v1 =	vadd.f32 v2, v1;
	v2 =	vmul.f32 v36, v35  }
0x19a: {  	v3 =	vld [tilespmem:s10+$0x0];
	s10 =	sor.u32 $0xBA0, s6  }
0x19b: {  	s14 =	sor.u32 $0xBB0, s6;
	v21 =	vld [tilespmem:s10+$0x0];
	v1 =	vadd.f32 v2, v1;
	v2 =	vmul.f32 v38, v37  }
0x19c: {  	v48 =	vld [tilespmem:s14+$0x0]  }
0x19d: {  	v11 =	vld.idx.msk [tilespmem:v45+s22+$0x0], $0xffff;
	v1 =	vadd.f32 v2, v1;
	v2 =	vmul.f32 v55, v54  }
0x19e: {  	v49 =	vld.idx.msk [tilespmem:v46+s20+$0x0], $0xffff  }
0x19f: {  	v50 =	vld.idx.msk [tilespmem:v47+s22+$0x0], $0xffff;
	v1 =	vadd.f32 v2, v1;
	v2 =	vmul.f32 v57, v56  }
0x1a0: {  	v51 =	vld.idx.msk [tilespmem:v20+s20+$0x0], $0xffff  }
0x1a1: {  	v53 =	vld.idx.msk [tilespmem:v22+s20+$0x0], $0xffff;
	v1 =	vadd.f32 v2, v1;
	v2 =	vmul.f32 v23, v58  }
0x1a2: {  	v3 =	vld.idx.msk [tilespmem:v3+s20+$0x0], $0xffff  }
0x1a3: {  	v52 =	vld.idx.msk [tilespmem:v21+s22+$0x0], $0xffff;
	v1 =	vadd.f32 v2, v1;
	v2 =	vmul.f32 v41, v40  }
0x1a4: {  	s9 =	sor.u32 $0x3C0, s6;
	v54 =	vld.idx.msk [tilespmem:v48+s22+$0x0], $0xffff  }
0x1a5: {  	s10 =	sor.u32 $0xBC0, s6;
	v55 =	vld [tilespmem:s9+$0x0];
	v1 =	vadd.f32 v2, v1;
	v2 =	vmul.f32 v43, v42  }
0x1a6: {  	s11 =	sor.u32 $0x3D0, s6;
	v56 =	vld [tilespmem:s10+$0x0]  }
0x1a7: {  	s14 =	sor.u32 $0xBD0, s6;
	v57 =	vld [tilespmem:s11+$0x0];
	v1 =	vadd.f32 v2, v1;
	v2 =	vmul.f32 v44, v5  }
0x1a8: {  	s10 =	sor.u32 $0xBE0, s6;
	v58 =	vld [tilespmem:s14+$0x0]  }
0x1a9: {  	s9 =	sor.u32 $0x3E0, s6;
	v60 =	vld [tilespmem:s10+$0x0];
	v1 =	vadd.f32 v2, v1;
	v2 =	vmul.f32 v10, v8  }
0x1aa: {  	v59 =	vld [tilespmem:s9+$0x0];
	s14 =	sor.u32 $0xBF0, s6  }
0x1ab: {  	s11 =	sor.u32 $0x3F0, s6;
	v61 =	vld [tilespmem:s14+$0x0];
	v1 =	vadd.f32 v2, v1;
	v2 =	vmul.f32 v11, v3  }
0x1ac: {  	v3 =	vld [tilespmem:s11+$0x0]  }
0x1ad: {  	v4 =	vld.idx.msk [tilespmem:v55+s20+$0x0], $0xffff;
	v1 =	vadd.f32 v2, v1;
	v2 =	vmul.f32 v50, v49  }
0x1ae: {  	v6 =	vld.idx.msk [tilespmem:v56+s22+$0x0], $0xffff  }
0x1af: {  	v5 =	vld.idx.msk [tilespmem:v57+s20+$0x0], $0xffff;
	v1 =	vadd.f32 v2, v1;
	v2 =	vmul.f32 v52, v51  }
0x1b0: {  	v7 =	vld.idx.msk [tilespmem:v58+s22+$0x0], $0xffff  }
0x1b1: {  	v62 =	vld.idx.msk [tilespmem:v60+s22+$0x0], $0xffff;
	v1 =	vadd.f32 v2, v1;
	v2 =	vmul.f32 v54, v53  }
0x1b2: {  	v8 =	vld.idx.msk [tilespmem:v59+s20+$0x0], $0xffff  }
0x1b3: {  	v63 =	vld.idx.msk [tilespmem:v61+s22+$0x0], $0xffff;
	v1 =	vadd.f32 v2, v1;
	v2 =	vmul.f32 v6, v4  }
0x1b4: {  	v3 =	vld.idx.msk [tilespmem:v3+s20+$0x0], $0xffff  }
0x1b5: {  	s3 =	sadd.s32 $0x400, s3;
	v1 =	vadd.f32 v2, v1;
	v2 =	vmul.f32 v7, v5  }
0x1b6: {  	p1 =	sne.s32 s3, $0x2800  }
.Ltmp1:
0x1b7: {  	v1 =	vadd.f32 v2, v1;
	v2 =	vmul.f32 v62, v8;
	(pc) =	sbr.rel @p1 .LBB2_4-.Ltmp1, $3  }
0x1b8: {  	_ = 	snop  }
0x1b9: {  	v1 =	vadd.f32 v2, v1;
	v2 =	vmul.f32 v63, v3;
	_ =	sdelay $0x1  }
0x1ba: {  	s12 =	sadd.s32 $0x1, s12;
	v21 =	vadd.f32 v2, v1  }
0x1bb: {  	_ =	swait.ge [sflag:s30], $0x4000  }
0x1bc: {  	[sflag:s30] =	ssyncset.done $0x0  }
0x1bd: {  	[sflag:s30] =	ssyncadd.s32 $0xFFFFC000  }
0x1be: {  	_ =	swait.ge [sflag:s0], $0x4000  }
0x1bf: {  	[sflag:s0] =	ssyncset.done $0x0  }
0x1c0: {  	[sflag:s0] =	ssyncadd.s32 $0xFFFFC000  }
0x1c1: {  	_ =	swait.ge [sflag:s24], $0x400  }
0x1c2: {  	[sflag:s24] =	ssyncset.done $0x0  }
0x1c3: {  	[sflag:s24] =	ssyncadd.s32 $0xFFFFFC00  }
0x1c4: {  	_ =	swait.ge [sflag:s24], $0x400  }
0x1c5: {  	[sflag:s24] =	ssyncset.done $0x0  }
0x1c6: {  	[sflag:s24] =	ssyncadd.s32 $0xFFFFFC00  }
0x1c7: {  	[bflag:$0x0] =	sbarrier.arrive $0xFFFF  }
0x1c8: {  	s5 =	simm.s32 $0xBF80;
	[tilespmem:$0xBF80] =	vst v21;
	s3 =	rddreg [dreg:$0x9]  }
0x1c9: {  	[hbm4b:s3+s4] =	stream.linear.scatter [tilespmem:s5], [sflag:$0x6], $0x80, $0x38;
	[tilespmem:$0x1FC00] =	vst v63  }
0x1ca: {  	s11 =	stileid.u32;
	_ =	swait.ge [sflag:s21], $0x80  }
0x1cb: {  	s3 =	sshll.u32 s11, $0x6;
	[sflag:s21] =	ssyncset.done $0x0  }
0x1cc: {  	s3 =	sor.u32 $0x1C06, s3;
	s12 =	rddreg [dreg:$0xa];
	[sflag:s21] =	ssyncadd.s32 $0xFFFFFF80  }
0x1cd: {  	[hbm:s12], [sflag:s3] =	dma.local [spmem:s25], $0x2780  }
0x1ce: {  	_ =	swait.ge [sflag:s21], $0x2780  }
0x1cf: {  	s19 =	sadd.s32 $0x1, s19;
	s14 =	rddreg [dreg:$0xb]  }
0x1d0: {  	p1 =	sne.s32 s19, s14  }
.Ltmp2:
0x1d1: {  	_ = 	snop;
	(pc) =	sbr.rel @p1 .LBB2_1-.Ltmp2, $3  }
0x1d2: {  	_ =	sdelay $0x1  }
0x1d3: {  	[sflag:s21] =	ssyncset.done $0x0  }
0x1d4: {  	[sflag:s21] =	ssyncadd.s32 $0xFFFFD880  }
0x1d5: {  	_ =	sfence.sel $0x180000  }
0x1d6: {  	[bflag:$0x0] =	sbarrier.arrive $0xFFFF  }
0x1d7: {  	_ =	strace $0x9000004A  }
0x1d8: {  	s0 =	stileid.u32;
	[bflag:$0x2] =	sbarrier.arrive $0xFFFF  }
0x1d9: {  	p0 =	sne.s32 s0, $0x0;
	s0 =	rddreg [dreg:$0x3]  }
0x1da: {  	s0 =	sadd.s32 @!p0 $0x100000, s0  }
0x1db: {  	[sflag:s0] =	ssyncadd.tile.s32 @!p0 $0x1;
	_ =	shalt  }
.Lfunc_end2:
_tile_overlayer_lowered:
.L_overlay_start_2:
0x1dc: {  	(tag) =	ssettag $0x2  }
0x1dd: {  	s0 =	rddreg [dreg:$0x0];
	s2 =	stileid.u32  }
0x1de: {  	s1 =	rddreg [dreg:$0x1];
	p0 =	sne.s32 s2, $0x0  }
0x1df: {  	s3 =	rddreg [dreg:$0x2];
	[bflag:$0x3] =	sbarrier.arrive $0xFFFF;
	s2 =	simm.s32 @!p0 $0x1C06  }
0x1e0: {  	[timem:s3], [sflag:s2] =	dma.local @!p0 [hbm:s0], s1  }
0x1e1: {  	s0 =	simm.s32 @!p0 $0x6  }
0x1e2: {  	_ =	swait.ge @!p0 [sflag:s0], s1  }
0x1e3: {  	s1 =	ssub.s32 @!p0 $0x0, s1;
	[sflag:s0] =	ssyncset.done @!p0 $0x0  }
0x1e4: {  	[sflag:s0] =	ssyncadd.s32 @!p0 s1  }
0x1e5: {  	[bflag:$0x3] =	sbarrier.arrive $0xFFFF  }
0x1e6: {  	_ =	shalt  }

// kernel: kernel.7.cloned.1.call-start
scs
__scs_entry_jumppad:
0x0: {  	(pc) =	sbr.rel $0x88, $3  }
0x1: {  	(tag) =	ssettag $0x0;
	lr =	simm.s32 $0x1  }
0x2: {  	[smem:$0x3F9A] =	sst lr;
	_ =	strace $0xD0000000  }
0x3: {  	_ = 	snop  }
0x4: {  	_ = 	snop  }
0x5: {  	_ = 	snop  }
0x6: {  	_ = 	snop  }
0x7: {  	_ = 	snop  }
__scs_overlays_trampoline_lowered:
0x8: {  	[smem:$0x3FA9] =	sst s0  }
0x9: {  	[smem:$0x3FAA] =	sst s1  }
0xa: {  	[smem:$0x3FAB] =	sst s2  }
0xb: {  	[smem:$0x3FAC] =	sst s3  }
0xc: {  	[smem:$0x3FAD] =	sst s4  }
0xd: {  	[smem:$0x3FAE] =	sst s5  }
0xe: {  	[smem:$0x3FAF] =	sst s6  }
0xf: {  	[smem:$0x3FB0] =	sst s7  }
0x10: {  	[smem:$0x3FB1] =	sst s8  }
0x11: {  	[smem:$0x3FB2] =	sst s9;
	s0 =	simm.s32 @!p0 $0x0  }
0x12: {  	s1 =	sld [smem:$0x3F98];
	s0 =	simm.s32 @p0 $0x1  }
0x13: {  	[smem:$0x3FB3] =	sst s0;
	s0 =	simm.s32 @!p1 $0x0  }
0x14: {  	s2 =	sld [smem:$0x3F97];
	s0 =	simm.s32 @p1 $0x1  }
0x15: {  	[smem:$0x3FB4] =	sst s0;
	s0 =	simm.s32 @!p2 $0x0  }
0x16: {  	s3 =	sld [smem:$0x3FDB];
	s0 =	simm.s32 @p2 $0x1  }
0x17: {  	s4 =	simm.s32 $0x1BF5;
	[smem:$0x3FB6] =	sst s0  }
0x18: {  	s0 =	sld [smem:$0x3F99];
	_ =	swait.ge [sflag:s4], $0x0  }
0x19: {  	s7 =	sld [smem:$0x3F9A]  }
0x1a: {  	s8 =	sadd.s32 $0xFFFFE003, lr  }
0x1b: {  	s9 =	sadd.s32 $0xFFFFFEF7, lr;
	s5 =	simm.s32 $0xFFFFFFFF;
	p2 =	slt.u32 s8, $0xFFFFF086  }
0x1c: {  	p1 =	slt.u32 s9, $0xF7A;
	s5 =	simm.s32 @!p2 $0x0  }
0x1d: {  	s5 =	simm.s32 @p1 $0x1;
	p0 =	seq.s32 s7, s2  }
0x1e: {  	s7 =	smul.u32 @!p0 $0xF7A, s2;
	p2 =	seq.s32 @!p0 s5, $0x0  }
0x1f: {  	s9 =	smul.u32 $0xF7A, s1;
	s8 =	simm.s32 @!p0 $0x1BF5;
	p2 =	por !p2, p0  }
0x20: {  	[sflag:s8] =	ssyncset.s32 @!p0 $0xFFFFF086;
	s6 =	sadd.s32 @!p0 s3, s7;
	s7 =	simm.s32 @!p0 $0x108  }
0x21: {  	s3 =	sadd.s32 s3, s9;
	s6 =	sadd.s32 @!p0 $0x88, s6;
	s7 =	simm.s32 @p2 $0x1082  }
0x22: {  	[simem:s7], [sflag:s8] =	dma.local @!p0 [hbm:s6], $0xF7A  }
0x23: {  	s9 =	sor.u32 $0xD0000000, s2;
	s6 =	simm.s32 $0x108;
	_ =	swait.ge @!p0 [sflag:s8], $0x0  }
0x24: {  	s3 =	sadd.s32 $0x88, s3;
	s6 =	simm.s32 @!p1 $0x1082;
	[sflag:s4] =	ssyncset.s32 $0xFFFFF086  }
0x25: {  	[simem:s6], [sflag:s4] =	dma.local [hbm:s3], $0xF7A  }
0x26: {  	[smem:$0x3F9A] =	sst s1;
	(tag) =	ssettag s2;
	_ =	strace s9  }
0x27: {  	s1 =	sld [smem:$0x3FAA]  }
0x28: {  	s2 =	sld [smem:$0x3FAB]  }
0x29: {  	s4 =	sld [smem:$0x3FAD]  }
0x2a: {  	p0 =	seq.s32 s5, $0x0;
	s5 =	sld [smem:$0x3FAE]  }
0x2b: {  	s6 =	sld [smem:$0x3FAF]  }
0x2c: {  	s7 =	sld [smem:$0x3FB0]  }
0x2d: {  	s3 =	simm.s32 $0x108;
	s8 =	sld [smem:$0x3FB1]  }
0x2e: {  	s3 =	simm.s32 @!p0 $0x1082;
	s9 =	sld [smem:$0x3FB2]  }
0x2f: {  	lr =	sadd.s32 s0, s3;
	s0 =	sld [smem:$0x3FA9]  }
0x30: {  	s3 =	sld [smem:$0x3FAC]  }
0x31: {  	[smem:$0x3FB5] =	sst s10  }
0x32: {  	s10 =	sld [smem:$0x3FB3];
	_ =	sdelay $0x3  }
0x33: {  	p0 =	seq.s32 s10, $0x1;
	s10 =	sld [smem:$0x3FB5];
	_ =	sdelay $0x3  }
0x34: {  	[smem:$0x3FB5] =	sst s10  }
0x35: {  	s10 =	sld [smem:$0x3FB4];
	_ =	sdelay $0x3  }
0x36: {  	p1 =	seq.s32 s10, $0x1;
	s10 =	sld [smem:$0x3FB5];
	_ =	sdelay $0x3  }
0x37: {  	[smem:$0x3FB5] =	sst s10  }
0x38: {  	s10 =	sld [smem:$0x3FB6]  }
0x39: {  	_ = 	snop;
	(pc) =	sbr.ind lr, $3  }
0x3a: {  	_ = 	snop  }
0x3b: {  	_ = 	snop  }
0x3c: {  	p2 =	seq.s32 s10, $0x1;
	s10 =	sld [smem:$0x3FB5]  }
0x3d: {  	_ =	shalt  }
0x3e: {  	_ =	shalt  }
0x3f: {  	_ =	shalt  }
0x40: {  	_ =	shalt  }
0x41: {  	_ =	shalt  }
0x42: {  	_ =	shalt  }
0x43: {  	_ =	shalt  }
0x44: {  	_ =	shalt  }
0x45: {  	_ =	shalt  }
0x46: {  	_ =	shalt  }
0x47: {  	_ =	shalt  }
0x48: {  	_ =	shalt  }
0x49: {  	_ =	shalt  }
0x4a: {  	_ =	shalt  }
0x4b: {  	_ =	shalt  }
0x4c: {  	_ =	shalt  }
0x4d: {  	_ =	shalt  }
0x4e: {  	_ =	shalt  }
0x4f: {  	_ =	shalt  }
0x50: {  	_ =	shalt  }
0x51: {  	_ =	shalt  }
0x52: {  	_ =	shalt  }
0x53: {  	_ =	shalt  }
0x54: {  	_ =	shalt  }
0x55: {  	_ =	shalt  }
0x56: {  	_ =	shalt  }
0x57: {  	_ =	shalt  }
0x58: {  	_ =	shalt  }
0x59: {  	_ =	shalt  }
0x5a: {  	_ =	shalt  }
0x5b: {  	_ =	shalt  }
0x5c: {  	_ =	shalt  }
0x5d: {  	_ =	shalt  }
0x5e: {  	_ =	shalt  }
0x5f: {  	_ =	shalt  }
0x60: {  	_ =	shalt  }
0x61: {  	_ =	shalt  }
0x62: {  	_ =	shalt  }
0x63: {  	_ =	shalt  }
0x64: {  	_ =	shalt  }
0x65: {  	_ =	shalt  }
0x66: {  	_ =	shalt  }
0x67: {  	_ =	shalt  }
0x68: {  	_ =	shalt  }
0x69: {  	_ =	shalt  }
0x6a: {  	_ =	shalt  }
0x6b: {  	_ =	shalt  }
0x6c: {  	_ =	shalt  }
0x6d: {  	_ =	shalt  }
0x6e: {  	_ =	shalt  }
0x6f: {  	_ =	shalt  }
0x70: {  	_ =	shalt  }
0x71: {  	_ =	shalt  }
0x72: {  	_ =	shalt  }
0x73: {  	_ =	shalt  }
0x74: {  	_ =	shalt  }
0x75: {  	_ =	shalt  }
0x76: {  	_ =	shalt  }
0x77: {  	_ =	shalt  }
0x78: {  	_ =	shalt  }
0x79: {  	_ =	shalt  }
0x7a: {  	_ =	shalt  }
0x7b: {  	_ =	shalt  }
0x7c: {  	_ =	shalt  }
0x7d: {  	_ =	shalt  }
0x7e: {  	_ =	shalt  }
0x7f: {  	_ =	shalt  }
0x80: {  	_ =	shalt  }
0x81: {  	_ =	shalt  }
0x82: {  	_ =	shalt  }
0x83: {  	_ =	shalt  }
0x84: {  	_ =	shalt  }
0x85: {  	_ =	shalt  }
0x86: {  	_ =	shalt  }
0x87: {  	_ =	shalt  }
.Lfunc_end0:
.L_simem_size_0:
called_computation_lowered:
.L_overlay_start_0:
0x88: {  	s2 =	sld [smem:$0x3FD9]  }
0x89: {  	s3 =	sld [smem:$0x3FFE];
	_ =	sdelay $0x1  }
0x8a: {  	s1 =	srdreg.scid  }
0x8b: {  	s0 =	sand.u32 $0x1, s1  }
0x8c: {  	s17 =	sshll.u32 s0, $0xA;
	s2 =	sadd.s32 s3, s2  }
0x8d: {  	s2 =	sadd.s32 s2, s17  }
0x8e: {  	[smem:$0x3FC1] =	sst s2  }
0x8f: {  	_ = 	snop  }
0x90: {  	s2 =	sld [smem:$0x3FD0];
	(tm) =	ssettm $0x1  }
0x91: {  	s18 =	sld [smem:$0x3FFB];
	_ =	sdelay $0x3  }
0x92: {  	_ =	strace s18  }
0x93: {  	s3 =	sld [smem:$0x3FFC];
	_ =	sdelay $0x3  }
0x94: {  	_ =	strace s3  }
0x95: {  	s3 =	sld [smem:$0x3FFD];
	_ =	sdelay $0x3  }
0x96: {  	_ =	strace s3  }
0x97: {  	_ =	strace $0x8FFFFFFF  }
0x98: {  	s19 =	sld [smem:$0x3FDB];
	_ =	sdelay $0x1  }
0x99: {  	s4 =	simm.s32 $_scs_section_size  }
0x9a: {  	s5 =	simm.s32 $_size__tile_overlayer_lowered;
	s6 =	simm.s32 $_tile_overlayer_lowered  }
0x9b: {  	s22 =	simm.s32 $0x1BFF;
	s21 =	sshll.u32 s6, $0x1;
	s3 =	sadd.s32 s4, s19  }
0x9c: {  	s7 =	simm.s32 $0x0;
	s20 =	sshll.u32 s5, $0x1;
	s5 =	sadd.s32 s21, s3  }
0x9d: {  	[timem:s7], [sflag:s22] =	dma.local [hbm:s5], s20  }
0x9e: {  	_ =	swait.ge [sflag:s22], s20  }
0x9f: {  	s4 =	ssub.s32 $0x0, s20;
	[sflag:s22] =	ssyncset.done $0x0  }
0xa0: {  	[sflag:s22] =	ssyncadd.s32 s4;
	_ =	sdelay $0x1  }
0xa1: {  	s23 =	simm.s32 $0x1B8B  }
0xa2: {  	_ =	swait.ge [sflag:s23], $0x1  }
0xa3: {  	[sflag:s23] =	ssyncset.done $0x0  }
0xa4: {  	s25 =	simm.s32 $0x1B8E;
	s24 =	sld [smem:$0x3FFE];
	[sflag:s23] =	ssyncadd.s32 $0xFFFFFFFF  }
0xa5: {  	s26 =	simm.s32 $execute0_lowered;
	[smem:$0x3FD2] =	sst s25  }
0xa6: {  	s5 =	sshll.u32 s26, $0x1;
	_ =	strace $0x80000046;
	[dreg:$0x1] =	wrdreg $0xFFFFFFFF  }
0xa7: {  	s28 =	simm.s32 $_size_execute0_lowered;
	s3 =	sadd.s32 s3, s5;
	[dreg:$0x0] =	wrdreg $0x0  }
0xa8: {  	s5 =	sshll.u32 s28, $0x1;
	[dreg:$0x2] =	wrdreg s3  }
0xa9: {  	[dreg:$0x3] =	wrdreg s5  }
0xaa: {  	[dreg:$0x4] =	wrdreg $0xC0  }
0xab: {  	_ =	task [dreg:s7], $0x5FFFF  }
0xac: {  	[dreg:$0x1] =	wrdreg $0xFFFFFFFF  }
0xad: {  	[dreg:$0x0] =	wrdreg $0x60  }
0xae: {  	[dreg:$0x2] =	wrdreg s24  }
0xaf: {  	[dreg:$0x3] =	wrdreg s2  }
0xb0: {  	[dreg:$0x4] =	wrdreg $0x190000  }
0xb1: {  	[dreg:$0x5] =	wrdreg $0x9  }
0xb2: {  	_ =	task.clear_ibuf [dreg:s7], $0x6FFFF;
	_ =	strace $0x90000046  }
0xb3: {  	s29 =	simm.s32 $0x9;
	_ =	strace $0x80000048  }
0xb4: {  	_ =	swait.ge [sflag:s29], $0x1  }
0xb5: {  	[sflag:s29] =	ssyncadd.s32 $0xFFFFFFFF  }
0xb6: {  	_ =	strace $0x90000048  }
0xb7: {  	_ =	sfence  }
0xb8: {  	s30 =	sld [smem:$0x0];
	_ =	sdelay $0x2  }
0xb9: {  	s31 =	sshll.u32 s1, $0xD;
	s1 =	sshrl.u32 s1, $0x2  }
0xba: {  	s3 =	sand.u32 $0x4000, s31;
	s1 =	sadd.s32 s1, s30  }
0xbb: {  	s0 =	sor.u32 s3, s0;
	s1 =	sshll.u32 s1, $0x11  }
0xbc: {  	s0 =	sor.u32 s1, s0  }
0xbd: {  	s0 =	sadd.s32 $0x8F2B, s0  }
0xbe: {  	[sflag:s0] =	ssyncadd.remote.s32 $0x1  }
0xbf: {  	_ =	sfence.sel $0xFFFF  }
0xc0: {  	[dreg:$0x0] =	wrdreg $0xFFFFFFFF;
	(pc) =	sbr.abs _section_cstart, $3  }
0xc1: {  	[dreg:$0x1] =	wrdreg $0xFFFFFFFF  }
0xc2: {  	_ =	task.clear_ibuf [dreg:s7], $0x2FFFF;
	_ =	strace $0x9FFFFFFF  }
0xc3: {  	(tm) =	ssettm $0x7FFFFFFF  }
tec
execute0_lowered:
.L_overlay_start_1:
0x0: {  	(tag) =	ssettag $0x1  }
0x1: {  	s0 =	rddreg [dreg:$0x0]  }
0x2: {  	s3 =	rddreg [dreg:$0x1]  }
0x3: {  	s1 =	rddreg [dreg:$0x2]  }
0x4: {  	s2 =	simm.s32 $0x0;
	s5 =	srdreg.scid;
	s12 =	stileid.u32  }
0x5: {  	s16 =	simm.s32 $0x16000;
	s17 =	simm.s32 $0xC;
	s28 =	simm.s32 $0x4  }
0x6: {  	s29 =	simm.s32 $0x12000;
	s30 =	simm.s32 $0x5;
	s31 =	simm.s32 $0x7  }
0x7: {  	s15 =	simm.s32 $0x8;
	s18 =	simm.s32 $0x9;
	[smem:$0x7FF] =	sst s2  }
0x8: {  	s4 =	sadd.s32 $0x2800, s0;
	s6 =	sadd.s32 $0x2A000, s0;
	s5 =	sand.u32 $0x1, s5  }
0x9: {  	s19 =	sadd.s32 $0x52600, s0;
	s7 =	sadd.s32 $0x3E600, s0;
	s8 =	sshll.u32 s12, $0x4  }
0xa: {  	s23 =	sshll.u32 s12, $0xE;
	_ =	strace $0x80000047;
	[dreg:$0x5] =	wrdreg s6  }
0xb: {  	[dreg:$0x6] =	wrdreg s19;
	s20 =	sshll.u32 s5, $0x4;
	s9 =	sand.u32 $0x70, s8  }
0xc: {  	s10 =	ssub.s32 $0x2, s5;
	s8 =	sadd.s32 $0x2A600, s0;
	s5 =	sshll.u32 s5, $0xF  }
0xd: {  	s19 =	simm.s32 $0x2000;
	s6 =	sor.u32 s12, s20;
	s0 =	sadd.s32 s9, s0  }
0xe: {  	s21 =	sshrl.u32 s10, $0x1;
	s12 =	sshll.u32 s12, $0xB;
	s20 =	simm.s32 $0x1  }
0xf: {  	s11 =	smul.u32 $0x500, s6;
	s9 =	ssub.s32 s10, s21;
	s24 =	sshll.u32 s6, $0x4  }
0x10: {  	s6 =	smul.u32 $0x2800, s6;
	s3 =	sadd.s32 s3, s12;
	s21 =	simm.s32 $0x80  }
0x11: {  	s10 =	sand.u32 $0x180, s24;
	s25 =	sadd.s32 s5, s3;
	s26 =	smax.u32 s9, $0x1  }
0x12: {  	s24 =	simm.s32 $0xA000;
	s3 =	simm.s32 $0xA;
	[dreg:$0x4] =	wrdreg s6  }
0x13: {  	s5 =	simm.s32 $0xB;
	s9 =	simm.s32 $0x0;
	[dreg:$0xb] =	wrdreg s25  }
0x14: {  	s22 =	sadd.s32 s7, s11;
	s11 =	sadd.s32 s8, s11;
	[dreg:$0xc] =	wrdreg s26  }
0x15: {  	s0 =	sadd.s32 s10, s0;
	s25 =	simm.s32 $0x3;
	[dreg:$0x7] =	wrdreg s22  }
0x16: {  	s26 =	simm.s32 $0xE000;
	[dreg:$0x8] =	wrdreg s11;
	s0 =	sadd.s32 $0x52800, s0  }
0x17: {  	s11 =	sadd.s32 s23, s1;
	s22 =	simm.s32 $0x6000;
	[dreg:$0xa] =	wrdreg s0  }
0x18: {  	v0 =	vimm.f32 $0.0e+00;
	s23 =	simm.s32 $0x2;
	s0 =	simm.s32 $0x6;
	[dreg:$0x9] =	wrdreg s11  }
.LBB2_1:
0x19: {  	[dreg:$0xd] =	wrdreg s9  }
0x1a: {  	s6 =	rddreg [dreg:$0x7]  }
0x1b: {  	[tilespmem:s2], [sflag:$0x1] =	stream.linear.gather [hbm4b:s6+s2], $0x800, $0x38;
	[tilespmem:$0x1D000] =	vst v63  }
0x1c: {  	s9 =	rddreg [dreg:$0x8];
	s10 =	simm.s32 $0x1000  }
0x1d: {  	[tilespmem:s10], [sflag:$0x1] =	stream.linear.gather [hbm4b:s9+s2], $0x800, $0x38;
	[tilespmem:$0x1D000] =	vst v63  }
0x1e: {  	s12 =	rddreg [dreg:$0x5]  }
0x1f: {  	[tilespmem:s16], [sflag:$0xC] =	stream.linear.gather [hbm4b:s12+s2], $0x2780, $0x38;
	[tilespmem:$0x1D000] =	vst v63  }
0x20: {  	_ =	swait.ge [sflag:s17], $0x2780  }
0x21: {  	[sflag:s17] =	ssyncset.done $0x0  }
0x22: {  	s14 =	simm.s32 $0x18780;
	s13 =	rddreg [dreg:$0x6];
	[sflag:s17] =	ssyncadd.s32 $0xFFFFD880  }
0x23: {  	[tilespmem:s14], [sflag:$0xC] =	stream.linear.gather [hbm4b:s13+s2], $0x800, $0x38;
	[tilespmem:$0x1D000] =	vst v63  }
0x24: {  	_ =	swait.ge [sflag:s17], $0x800  }
0x25: {  	[sflag:s17] =	ssyncset.done $0x0  }
0x26: {  	s9 =	simm.s32 $0x0;
	s10 =	simm.s32 $0x200;
	[sflag:s17] =	ssyncadd.s32 $0xFFFFF800  }
.LBB2_2:
0x27: {  	p0 =	sne.s32 s10, $0xFE00;
	[tilespmem:s9+$0x2070] =	vst v0  }
0x28: {  	[tilespmem:s9+$0x2000] =	vst v0  }
0x29: {  	[tilespmem:s9+$0x2010] =	vst v0  }
.Ltmp0:
0x2a: {  	[tilespmem:s9+$0x2020] =	vst v0;
	(pc) =	sbr.rel @p0 .LBB2_2-.Ltmp0, $4  }
0x2b: {  	[tilespmem:s9+$0x2030] =	vst v0  }
0x2c: {  	[tilespmem:s9+$0x2040] =	vst v0  }
0x2d: {  	[tilespmem:s9+$0x2050] =	vst v0  }
0x2e: {  	[tilespmem:s9+$0x2060] =	vst v0;
	s9 =	sshra.s32 s10, $0x2;
	s10 =	sadd.s32 $0x200, s10  }
0x2f: {  	[tilespmem:s9+$0x2070] =	vst v0  }
0x30: {  	[tilespmem:s9+$0x2000] =	vst v0  }
0x31: {  	[tilespmem:s9+$0x2010] =	vst v0  }
0x32: {  	[tilespmem:s9+$0x2020] =	vst v0  }
0x33: {  	[tilespmem:s9+$0x2030] =	vst v0  }
0x34: {  	[tilespmem:s9+$0x2040] =	vst v0  }
0x35: {  	[tilespmem:s9+$0x2050] =	vst v0  }
0x36: {  	[tilespmem:s9+$0x2060] =	vst v0  }
0x37: {  	[spmem:s11] =	stream.linear.scatter [tilespmem:s19], [sflag:$0xC], $0x4000, $0x38;
	[tilespmem:$0x1D000] =	vst v63  }
0x38: {  	_ =	swait.ge [sflag:s17], $0x4000  }
0x39: {  	[sflag:s17] =	ssyncset.done $0x0  }
0x3a: {  	[sflag:s17] =	ssyncadd.s32 $0xFFFFC000  }
0x3b: {  	v1 =	vimm.f32 $0.0e+00;
	s11 =	simm.s32 $0x0;
	[bflag:$0x0] =	sbarrier.arrive $0xFFFF  }
.LBB2_4:
0x3c: {  	_ =	swait.ge [sflag:s20], $0x800  }
0x3d: {  	[sflag:s20] =	ssyncset.done $0x0  }
0x3e: {  	[sflag:s20] =	ssyncadd.s32 $0xFFFFF800  }
0x3f: {  	_ =	swait.ge [sflag:s20], $0x800  }
0x40: {  	p0 =	sne.s32 s11, $0x0;
	[sflag:s20] =	ssyncset.done $0x0  }
0x41: {  	s10 =	simm.s32 @p0 $0x7;
	[sflag:s20] =	ssyncadd.s32 $0xFFFFF800  }
0x42: {  	_ =	swait.ge @p0 [sflag:s10], $0x4000  }
0x43: {  	s12 =	simm.s32 @p0 $0x80;
	[sflag:s10] =	ssyncset.done @p0 $0x0  }
0x44: {  	s13 =	simm.s32 @p0 $0x2000;
	[sflag:s10] =	ssyncadd.s32 @p0 $0xFFFFC000;
	s10 =	sand.u32 @p0 $0x800, s11  }
0x45: {  	[tilespmem:s13], [sflag:$0x2] =	stream.indirect.gather @p0 [hbm4b:s4+s12], $0x80, s10, s12, $0xb8;
	[tilespmem:$0x1D000] =	vst v63  }
0x46: {  	s12 =	simm.s32 @p0 $0x8  }
0x47: {  	_ =	swait.ge @p0 [sflag:s12], $0x4000  }
0x48: {  	s14 =	simm.s32 @!p0 $0x2000;
	s13 =	simm.s32 @!p0 $0x0;
	[sflag:s12] =	ssyncset.done @p0 $0x0  }
0x49: {  	s10 =	simm.s32 @!p0 $0x0;
	[sflag:s12] =	ssyncadd.s32 @p0 $0xFFFFC000;
	s12 =	simm.s32 @!p0 $0x80  }
0x4a: {  	[tilespmem:s14], [sflag:$0x2] =	stream.indirect.gather @!p0 [hbm4b:s4+s12], $0x80, s13, s12, $0xb8;
	[tilespmem:$0x1D000] =	vst v63  }
0x4b: {  	s12 =	sor.u32 $0x80, s10  }
0x4c: {  	[tilespmem:s22], [sflag:$0x3] =	stream.indirect.gather [hbm4b:s4+s21], $0x80, s12, s21, $0xb8;
	[tilespmem:$0x1D000] =	vst v63  }
0x4d: {  	_ =	swait.ge [sflag:s23], $0x4000  }
0x4e: {  	[sflag:s23] =	ssyncset.done $0x0  }
0x4f: {  	s6 =	sor.u32 $0x1000, s10;
	[sflag:s23] =	ssyncadd.s32 $0xFFFFC000  }
0x50: {  	[spmem:s1] =	stream.indirect.scatter.add.f32 [tilespmem:s19], [sflag:$0x7], $0x80, s6, s21, $0xb8;
	[tilespmem:$0x1D000] =	vst v63  }
0x51: {  	v2 =	vld [tilespmem:s10+$0x0]  }
0x52: {  	v3 =	vld [tilespmem:s10+$0x10]  }
0x53: {  	v4 =	vld [tilespmem:s10+$0x20]  }
0x54: {  	v5 =	vld [tilespmem:s10+$0x30]  }
0x55: {  	v6 =	vld [tilespmem:s10+$0x40]  }
0x56: {  	v7 =	vld [tilespmem:s10+$0x50]  }
0x57: {  	v8 =	vld [tilespmem:s10+$0x60]  }
0x58: {  	v9 =	vld [tilespmem:s10+$0x70]  }
0x59: {  	v24 =	vld.idx.msk [tilespmem:v2+s16+$0x0], $0xffff  }
0x5a: {  	v21 =	vld.idx.msk [tilespmem:v3+s16+$0x0], $0xffff  }
0x5b: {  	v18 =	vld.idx.msk [tilespmem:v4+s16+$0x0], $0xffff  }
0x5c: {  	v14 =	vld.idx.msk [tilespmem:v5+s16+$0x0], $0xffff  }
0x5d: {  	v10 =	vld.idx.msk [tilespmem:v6+s16+$0x0], $0xffff  }
0x5e: {  	p0 =	seq.s32 s11, $0x0;
	v5 =	vld.idx.msk [tilespmem:v7+s16+$0x0], $0xffff  }
0x5f: {  	s13 =	simm.s32 @!p0 $0x9;
	v3 =	vld.idx.msk [tilespmem:v8+s16+$0x0], $0xffff  }
0x60: {  	v2 =	vld.idx.msk [tilespmem:v9+s16+$0x0], $0xffff;
	_ =	swait.ge @!p0 [sflag:s13], $0x4000  }
0x61: {  	[sflag:s13] =	ssyncset.done @!p0 $0x0  }
0x62: {  	[sflag:s13] =	ssyncadd.s32 @!p0 $0xFFFFC000;
	s13 =	sor.u32 $0x100, s10  }
0x63: {  	[tilespmem:s24], [sflag:$0x4] =	stream.indirect.gather [hbm4b:s4+s21], $0x80, s13, s21, $0xb8;
	[tilespmem:$0x1D000] =	vst v63  }
0x64: {  	_ =	swait.ge [sflag:s25], $0x4000  }
0x65: {  	[sflag:s25] =	ssyncset.done $0x0  }
0x66: {  	s9 =	sor.u32 $0x1000, s12;
	[sflag:s25] =	ssyncadd.s32 $0xFFFFC000  }
0x67: {  	[spmem:s1] =	stream.indirect.scatter.add.f32 [tilespmem:s22], [sflag:$0x8], $0x80, s9, s21, $0xb8;
	[tilespmem:$0x1D000] =	vst v63  }
0x68: {  	v43 =	vld [tilespmem:s12+$0x0]  }
0x69: {  	v44 =	vld [tilespmem:s10+$0x90]  }
0x6a: {  	v45 =	vld [tilespmem:s10+$0xA0]  }
0x6b: {  	v46 =	vld [tilespmem:s10+$0xB0]  }
0x6c: {  	v47 =	vld [tilespmem:s10+$0xC0]  }
0x6d: {  	v11 =	vld [tilespmem:s10+$0xD0]  }
0x6e: {  	v12 =	vld [tilespmem:s10+$0xE0]  }
0x6f: {  	v13 =	vld [tilespmem:s10+$0xF0]  }
0x70: {  	v28 =	vld.idx.msk [tilespmem:v43+s16+$0x0], $0xffff  }
0x71: {  	v25 =	vld.idx.msk [tilespmem:v44+s16+$0x0], $0xffff  }
0x72: {  	v22 =	vld.idx.msk [tilespmem:v45+s16+$0x0], $0xffff  }
0x73: {  	v19 =	vld.idx.msk [tilespmem:v46+s16+$0x0], $0xffff  }
0x74: {  	v15 =	vld.idx.msk [tilespmem:v47+s16+$0x0], $0xffff  }
0x75: {  	v11 =	vld.idx.msk [tilespmem:v11+s16+$0x0], $0xffff  }
0x76: {  	s12 =	simm.s32 @!p0 $0xA;
	v7 =	vld.idx.msk [tilespmem:v12+s16+$0x0], $0xffff  }
0x77: {  	v4 =	vld.idx.msk [tilespmem:v13+s16+$0x0], $0xffff;
	_ =	swait.ge @!p0 [sflag:s12], $0x4000  }
0x78: {  	[sflag:s12] =	ssyncset.done @!p0 $0x0  }
0x79: {  	[sflag:s12] =	ssyncadd.s32 @!p0 $0xFFFFC000;
	s12 =	sor.u32 $0x180, s10  }
0x7a: {  	[tilespmem:s26], [sflag:$0x5] =	stream.indirect.gather [hbm4b:s4+s21], $0x80, s12, s21, $0xb8;
	[tilespmem:$0x1D000] =	vst v63  }
0x7b: {  	_ =	swait.ge [sflag:s28], $0x4000  }
0x7c: {  	[sflag:s28] =	ssyncset.done $0x0  }
0x7d: {  	s6 =	sor.u32 $0x1000, s13;
	[sflag:s28] =	ssyncadd.s32 $0xFFFFC000  }
0x7e: {  	[spmem:s1] =	stream.indirect.scatter.add.f32 [tilespmem:s24], [sflag:$0x9], $0x80, s6, s21, $0xb8;
	[tilespmem:$0x1D000] =	vst v63  }
0x7f: {  	v48 =	vld [tilespmem:s13+$0x0]  }
0x80: {  	v49 =	vld [tilespmem:s10+$0x110]  }
0x81: {  	v50 =	vld [tilespmem:s10+$0x120]  }
0x82: {  	v51 =	vld [tilespmem:s10+$0x130]  }
0x83: {  	v52 =	vld [tilespmem:s10+$0x140]  }
0x84: {  	v17 =	vld [tilespmem:s10+$0x150]  }
0x85: {  	v23 =	vld [tilespmem:s10+$0x160]  }
0x86: {  	v27 =	vld [tilespmem:s10+$0x170]  }
0x87: {  	v32 =	vld.idx.msk [tilespmem:v48+s16+$0x0], $0xffff  }
0x88: {  	v29 =	vld.idx.msk [tilespmem:v49+s16+$0x0], $0xffff  }
0x89: {  	v26 =	vld.idx.msk [tilespmem:v50+s16+$0x0], $0xffff  }
0x8a: {  	v20 =	vld.idx.msk [tilespmem:v51+s16+$0x0], $0xffff  }
0x8b: {  	v16 =	vld.idx.msk [tilespmem:v52+s16+$0x0], $0xffff  }
0x8c: {  	v12 =	vld.idx.msk [tilespmem:v17+s16+$0x0], $0xffff  }
0x8d: {  	s13 =	simm.s32 @!p0 $0xB;
	v9 =	vld.idx.msk [tilespmem:v23+s16+$0x0], $0xffff  }
0x8e: {  	v6 =	vld.idx.msk [tilespmem:v27+s16+$0x0], $0xffff;
	_ =	swait.ge @!p0 [sflag:s13], $0x4000  }
0x8f: {  	[sflag:s13] =	ssyncset.done @!p0 $0x0  }
0x90: {  	[sflag:s13] =	ssyncadd.s32 @!p0 $0xFFFFC000;
	s13 =	sor.u32 $0x200, s10  }
0x91: {  	[tilespmem:s29], [sflag:$0x6] =	stream.indirect.gather [hbm4b:s4+s21], $0x80, s13, s21, $0xb8;
	[tilespmem:$0x1D000] =	vst v63  }
0x92: {  	_ =	swait.ge [sflag:s30], $0x4000  }
0x93: {  	[sflag:s30] =	ssyncset.done $0x0  }
0x94: {  	s9 =	sor.u32 $0x1000, s12;
	[sflag:s30] =	ssyncadd.s32 $0xFFFFC000  }
0x95: {  	[spmem:s1] =	stream.indirect.scatter.add.f32 [tilespmem:s26], [sflag:$0xA], $0x80, s9, s21, $0xb8;
	[tilespmem:$0x1D000] =	vst v63  }
0x96: {  	v53 =	vld [tilespmem:s12+$0x0]  }
0x97: {  	v54 =	vld [tilespmem:s10+$0x190]  }
0x98: {  	v55 =	vld [tilespmem:s10+$0x1A0]  }
0x99: {  	v56 =	vld [tilespmem:s10+$0x1B0]  }
0x9a: {  	v33 =	vld [tilespmem:s10+$0x1C0]  }
0x9b: {  	v35 =	vld [tilespmem:s10+$0x1D0]  }
0x9c: {  	v36 =	vld [tilespmem:s10+$0x1E0]  }
0x9d: {  	v37 =	vld [tilespmem:s10+$0x1F0]  }
0x9e: {  	v34 =	vld.idx.msk [tilespmem:v53+s16+$0x0], $0xffff  }
0x9f: {  	v31 =	vld.idx.msk [tilespmem:v54+s16+$0x0], $0xffff  }
0xa0: {  	v30 =	vld.idx.msk [tilespmem:v55+s16+$0x0], $0xffff  }
0xa1: {  	v27 =	vld.idx.msk [tilespmem:v56+s16+$0x0], $0xffff  }
0xa2: {  	v23 =	vld.idx.msk [tilespmem:v33+s16+$0x0], $0xffff  }
0xa3: {  	v17 =	vld.idx.msk [tilespmem:v35+s16+$0x0], $0xffff  }
0xa4: {  	p0 =	seq.s32 s11, $0x2000;
	s11 =	sadd.s32 $0x800, s11;
	v13 =	vld.idx.msk [tilespmem:v36+s16+$0x0], $0xffff  }
0xa5: {  	s9 =	smov.u32 s11;
	v8 =	vld.idx.msk [tilespmem:v37+s16+$0x0], $0xffff;
	_ =	swait.ge [sflag:s31], $0x4000  }
0xa6: {  	s9 =	simm.s32 @p0 $0x4;
	[sflag:s31] =	ssyncset.done $0x0;
	s6 =	rddreg [dreg:$0x4]  }
0xa7: {  	s12 =	sor.u32 $0x280, s10;
	[sflag:s31] =	ssyncadd.s32 $0xFFFFC000;
	s9 =	sadd.s32 s6, s9  }
0xa8: {  	[tilespmem:s19], [sflag:$0x2] =	stream.indirect.gather [hbm4b:s4+s21], $0x80, s12, s21, $0xb8;
	[tilespmem:$0x1D000] =	vst v63  }
0xa9: {  	s9 =	sshrl.u32 s9, $0x3  }
0xaa: {  	s14 =	ssub.s32 $0x800, s10;
	s6 =	sadd.s32 s7, s9  }
0xab: {  	[tilespmem:s14], [sflag:$0x1] =	stream.linear.gather [hbm4b:s6+s2], $0x800, $0x38;
	[tilespmem:$0x1D000] =	vst v63  }
0xac: {  	s9 =	sadd.s32 s8, s9;
	s14 =	ssub.s32 $0x1800, s10  }
0xad: {  	[tilespmem:s14], [sflag:$0x1] =	stream.linear.gather [hbm4b:s9+s2], $0x800, $0x38;
	[tilespmem:$0x1D000] =	vst v63  }
0xae: {  	_ =	swait.ge [sflag:s0], $0x4000  }
0xaf: {  	[sflag:s0] =	ssyncset.done $0x0  }
0xb0: {  	s9 =	sor.u32 $0x1200, s10;
	[sflag:s0] =	ssyncadd.s32 $0xFFFFC000  }
0xb1: {  	[spmem:s1] =	stream.indirect.scatter.add.f32 [tilespmem:s29], [sflag:$0xB], $0x80, s9, s21, $0xb8;
	[tilespmem:$0x1D000] =	vst v63  }
0xb2: {  	v57 =	vld [tilespmem:s13+$0x0]  }
0xb3: {  	v58 =	vld [tilespmem:s10+$0x210]  }
0xb4: {  	v59 =	vld [tilespmem:s10+$0x220]  }
0xb5: {  	v60 =	vld [tilespmem:s10+$0x230]  }
0xb6: {  	v39 =	vld [tilespmem:s10+$0x240]  }
0xb7: {  	v42 =	vld [tilespmem:s10+$0x250]  }
0xb8: {  	v43 =	vld [tilespmem:s10+$0x260]  }
0xb9: {  	v45 =	vld [tilespmem:s10+$0x270]  }
0xba: {  	v44 =	vld.idx.msk [tilespmem:v57+s16+$0x0], $0xffff  }
0xbb: {  	v41 =	vld.idx.msk [tilespmem:v58+s16+$0x0], $0xffff  }
0xbc: {  	v40 =	vld.idx.msk [tilespmem:v59+s16+$0x0], $0xffff  }
0xbd: {  	v38 =	vld.idx.msk [tilespmem:v60+s16+$0x0], $0xffff  }
0xbe: {  	v37 =	vld.idx.msk [tilespmem:v39+s16+$0x0], $0xffff  }
0xbf: {  	v36 =	vld.idx.msk [tilespmem:v42+s16+$0x0], $0xffff  }
0xc0: {  	v35 =	vld.idx.msk [tilespmem:v43+s16+$0x0], $0xffff  }
0xc1: {  	v33 =	vld.idx.msk [tilespmem:v45+s16+$0x0], $0xffff;
	_ =	swait.ge [sflag:s15], $0x4000  }
0xc2: {  	[sflag:s15] =	ssyncset.done $0x0  }
0xc3: {  	s6 =	sor.u32 $0x300, s10;
	[sflag:s15] =	ssyncadd.s32 $0xFFFFC000  }
0xc4: {  	[tilespmem:s22], [sflag:$0x3] =	stream.indirect.gather [hbm4b:s4+s21], $0x80, s6, s21, $0xb8;
	[tilespmem:$0x1D000] =	vst v63  }
0xc5: {  	_ =	swait.ge [sflag:s23], $0x4000  }
0xc6: {  	[sflag:s23] =	ssyncset.done $0x0  }
0xc7: {  	s14 =	sor.u32 $0x1280, s10;
	[sflag:s23] =	ssyncadd.s32 $0xFFFFC000  }
0xc8: {  	[spmem:s1] =	stream.indirect.scatter.add.f32 [tilespmem:s19], [sflag:$0x7], $0x80, s14, s21, $0xb8;
	[tilespmem:$0x1D000] =	vst v63  }
0xc9: {  	v48 =	vld [tilespmem:s10+$0x2D0];
	_ =	sdelay $0x3  }
0xca: {  	v1 =	vadd.f32 v24, v1  }
0xcb: {  	v61 =	vld [tilespmem:s12+$0x0]  }
0xcc: {  	v1 =	vadd.f32 v21, v1;
	v62 =	vld [tilespmem:s10+$0x290]  }
0xcd: {  	v63 =	vld [tilespmem:s10+$0x2A0]  }
0xce: {  	v21 =	vld.idx.msk [tilespmem:v48+s16+$0x0], $0xffff;
	v48 =	vadd.f32 v18, v1  }
0xcf: {  	v46 =	vld [tilespmem:s10+$0x2B0]  }
0xd0: {  	v47 =	vld [tilespmem:s10+$0x2C0];
	v14 =	vadd.f32 v14, v48  }
0xd1: {  	v49 =	vld [tilespmem:s10+$0x2E0]  }
0xd2: {  	v50 =	vld [tilespmem:s10+$0x2F0];
	v10 =	vadd.f32 v10, v14;
	_ =	sdelay $0x1  }
0xd3: {  	v51 =	vld.idx.msk [tilespmem:v61+s16+$0x0], $0xffff;
	v5 =	vadd.f32 v5, v10  }
0xd4: {  	v43 =	vld.idx.msk [tilespmem:v62+s16+$0x0], $0xffff  }
0xd5: {  	v42 =	vld.idx.msk [tilespmem:v63+s16+$0x0], $0xffff;
	v3 =	vadd.f32 v3, v5  }
0xd6: {  	v39 =	vld.idx.msk [tilespmem:v46+s16+$0x0], $0xffff  }
0xd7: {  	v24 =	vld.idx.msk [tilespmem:v47+s16+$0x0], $0xffff;
	v2 =	vadd.f32 v2, v3  }
0xd8: {  	v18 =	vld.idx.msk [tilespmem:v49+s16+$0x0], $0xffff  }
0xd9: {  	v1 =	vld.idx.msk [tilespmem:v50+s16+$0x0], $0xffff;
	_ =	swait.ge [sflag:s18], $0x4000;
	v2 =	vadd.f32 v28, v2  }
0xda: {  	[sflag:s18] =	ssyncset.done $0x0  }
0xdb: {  	s9 =	sor.u32 $0x380, s10;
	[sflag:s18] =	ssyncadd.s32 $0xFFFFC000;
	v2 =	vadd.f32 v25, v2  }
0xdc: {  	[tilespmem:s24], [sflag:$0x4] =	stream.indirect.gather [hbm4b:s4+s21], $0x80, s9, s21, $0xb8;
	[tilespmem:$0x1D000] =	vst v63  }
0xdd: {  	_ =	swait.ge [sflag:s25], $0x4000;
	v2 =	vadd.f32 v22, v2  }
0xde: {  	[sflag:s25] =	ssyncset.done $0x0  }
0xdf: {  	s13 =	sor.u32 $0x1300, s10;
	[sflag:s25] =	ssyncadd.s32 $0xFFFFC000;
	v2 =	vadd.f32 v19, v2  }
0xe0: {  	[spmem:s1] =	stream.indirect.scatter.add.f32 [tilespmem:s22], [sflag:$0x8], $0x80, s13, s21, $0xb8;
	[tilespmem:$0x1D000] =	vst v63  }
0xe1: {  	v52 =	vld [tilespmem:s10+$0x310];
	v2 =	vadd.f32 v15, v2  }
0xe2: {  	v53 =	vld [tilespmem:s10+$0x320]  }
0xe3: {  	v54 =	vld [tilespmem:s10+$0x330];
	v2 =	vadd.f32 v11, v2  }
0xe4: {  	v3 =	vld [tilespmem:s6+$0x0]  }
0xe5: {  	v57 =	vld [tilespmem:s10+$0x360];
	v7 =	vadd.f32 v7, v2  }
0xe6: {  	v56 =	vld [tilespmem:s10+$0x350]  }
0xe7: {  	v55 =	vld [tilespmem:s10+$0x340];
	v4 =	vadd.f32 v4, v7  }
0xe8: {  	v58 =	vld [tilespmem:s10+$0x370]  }
0xe9: {  	v5 =	vld.idx.msk [tilespmem:v52+s16+$0x0], $0xffff;
	v4 =	vadd.f32 v32, v4  }
0xea: {  	v10 =	vld.idx.msk [tilespmem:v53+s16+$0x0], $0xffff  }
0xeb: {  	v14 =	vld.idx.msk [tilespmem:v54+s16+$0x0], $0xffff;
	v4 =	vadd.f32 v29, v4  }
0xec: {  	v3 =	vld.idx.msk [tilespmem:v3+s16+$0x0], $0xffff  }
0xed: {  	v19 =	vld.idx.msk [tilespmem:v57+s16+$0x0], $0xffff;
	v4 =	vadd.f32 v26, v4  }
0xee: {  	v15 =	vld.idx.msk [tilespmem:v56+s16+$0x0], $0xffff  }
0xef: {  	v11 =	vld.idx.msk [tilespmem:v55+s16+$0x0], $0xffff;
	v4 =	vadd.f32 v20, v4  }
0xf0: {  	v2 =	vld.idx.msk [tilespmem:v58+s16+$0x0], $0xffff;
	_ =	swait.ge [sflag:s3], $0x4000  }
0xf1: {  	[sflag:s3] =	ssyncset.done $0x0;
	v4 =	vadd.f32 v16, v4  }
0xf2: {  	s6 =	sor.u32 $0x400, s10;
	[sflag:s3] =	ssyncadd.s32 $0xFFFFC000  }
0xf3: {  	[tilespmem:s26], [sflag:$0x5] =	stream.indirect.gather [hbm4b:s4+s21], $0x80, s6, s21, $0xb8;
	v4 =	vadd.f32 v12, v4;
	[tilespmem:$0x1D000] =	vst v63  }
0xf4: {  	_ =	swait.ge [sflag:s28], $0x4000  }
0xf5: {  	[sflag:s28] =	ssyncset.done $0x0;
	v4 =	vadd.f32 v9, v4  }
0xf6: {  	s14 =	sor.u32 $0x1380, s10;
	[sflag:s28] =	ssyncadd.s32 $0xFFFFC000  }
0xf7: {  	[spmem:s1] =	stream.indirect.scatter.add.f32 [tilespmem:s24], [sflag:$0x9], $0x80, s14, s21, $0xb8;
	v4 =	vadd.f32 v6, v4;
	[tilespmem:$0x1D000] =	vst v63  }
0xf8: {  	v60 =	vld [tilespmem:s10+$0x390]  }
0xf9: {  	v61 =	vld [tilespmem:s10+$0x3A0];
	v4 =	vadd.f32 v34, v4  }
0xfa: {  	v62 =	vld [tilespmem:s10+$0x3B0]  }
0xfb: {  	v63 =	vld [tilespmem:s10+$0x3C0];
	v4 =	vadd.f32 v31, v4  }
0xfc: {  	v28 =	vld [tilespmem:s10+$0x3D0]  }
0xfd: {  	v29 =	vld [tilespmem:s10+$0x3E0];
	v4 =	vadd.f32 v30, v4  }
0xfe: {  	v32 =	vld [tilespmem:s10+$0x3F0]  }
0xff: {  	v59 =	vld [tilespmem:s9+$0x0];
	v4 =	vadd.f32 v27, v4  }
0x100: {  	v7 =	vld.idx.msk [tilespmem:v60+s16+$0x0], $0xffff  }
0x101: {  	v16 =	vld.idx.msk [tilespmem:v61+s16+$0x0], $0xffff;
	v4 =	vadd.f32 v23, v4  }
0x102: {  	v20 =	vld.idx.msk [tilespmem:v62+s16+$0x0], $0xffff  }
0x103: {  	v12 =	vld.idx.msk [tilespmem:v63+s16+$0x0], $0xffff;
	v4 =	vadd.f32 v17, v4  }
0x104: {  	v22 =	vld.idx.msk [tilespmem:v28+s16+$0x0], $0xffff  }
0x105: {  	v9 =	vld.idx.msk [tilespmem:v29+s16+$0x0], $0xffff;
	v4 =	vadd.f32 v13, v4  }
0x106: {  	v25 =	vld.idx.msk [tilespmem:v32+s16+$0x0], $0xffff  }
0x107: {  	v6 =	vld.idx.msk [tilespmem:v59+s16+$0x0], $0xffff;
	_ =	swait.ge [sflag:s5], $0x4000;
	v4 =	vadd.f32 v8, v4  }
0x108: {  	[sflag:s5] =	ssyncset.done $0x0  }
0x109: {  	s9 =	sor.u32 $0x480, s10;
	[sflag:s5] =	ssyncadd.s32 $0xFFFFC000;
	v4 =	vadd.f32 v44, v4  }
0x10a: {  	[tilespmem:s29], [sflag:$0x6] =	stream.indirect.gather [hbm4b:s4+s21], $0x80, s9, s21, $0xb8;
	[tilespmem:$0x1D000] =	vst v63  }
0x10b: {  	_ =	swait.ge [sflag:s30], $0x4000;
	v4 =	vadd.f32 v41, v4  }
0x10c: {  	[sflag:s30] =	ssyncset.done $0x0  }
0x10d: {  	s13 =	sor.u32 $0x1400, s10;
	[sflag:s30] =	ssyncadd.s32 $0xFFFFC000;
	v4 =	vadd.f32 v40, v4  }
0x10e: {  	[spmem:s1] =	stream.indirect.scatter.add.f32 [tilespmem:s26], [sflag:$0xA], $0x80, s13, s21, $0xb8;
	[tilespmem:$0x1D000] =	vst v63  }
0x10f: {  	v45 =	vld [tilespmem:s6+$0x0];
	v4 =	vadd.f32 v38, v4  }
0x110: {  	v46 =	vld [tilespmem:s10+$0x410]  }
0x111: {  	v47 =	vld [tilespmem:s10+$0x420];
	v4 =	vadd.f32 v37, v4  }
0x112: {  	v48 =	vld [tilespmem:s10+$0x430]  }
0x113: {  	v49 =	vld [tilespmem:s10+$0x440];
	v4 =	vadd.f32 v36, v4  }
0x114: {  	v50 =	vld [tilespmem:s10+$0x450]  }
0x115: {  	v52 =	vld [tilespmem:s10+$0x460];
	v4 =	vadd.f32 v35, v4  }
0x116: {  	v53 =	vld [tilespmem:s10+$0x470]  }
0x117: {  	v8 =	vld.idx.msk [tilespmem:v45+s16+$0x0], $0xffff;
	v4 =	vadd.f32 v33, v4  }
0x118: {  	v13 =	vld.idx.msk [tilespmem:v46+s16+$0x0], $0xffff  }
0x119: {  	v17 =	vld.idx.msk [tilespmem:v47+s16+$0x0], $0xffff;
	v4 =	vadd.f32 v51, v4  }
0x11a: {  	v23 =	vld.idx.msk [tilespmem:v48+s16+$0x0], $0xffff  }
0x11b: {  	v26 =	vld.idx.msk [tilespmem:v49+s16+$0x0], $0xffff;
	v4 =	vadd.f32 v43, v4  }
0x11c: {  	v27 =	vld.idx.msk [tilespmem:v50+s16+$0x0], $0xffff  }
0x11d: {  	v28 =	vld.idx.msk [tilespmem:v52+s16+$0x0], $0xffff;
	v4 =	vadd.f32 v42, v4  }
0x11e: {  	v29 =	vld.idx.msk [tilespmem:v53+s16+$0x0], $0xffff;
	_ =	swait.ge [sflag:s31], $0x4000  }
0x11f: {  	[sflag:s31] =	ssyncset.done $0x0;
	v4 =	vadd.f32 v39, v4  }
0x120: {  	s6 =	sor.u32 $0x500, s10;
	[sflag:s31] =	ssyncadd.s32 $0xFFFFC000  }
0x121: {  	[tilespmem:s19], [sflag:$0x2] =	stream.indirect.gather [hbm4b:s4+s21], $0x80, s6, s21, $0xb8;
	v4 =	vadd.f32 v24, v4;
	[tilespmem:$0x1D000] =	vst v63  }
0x122: {  	_ =	swait.ge [sflag:s0], $0x4000  }
0x123: {  	[sflag:s0] =	ssyncset.done $0x0;
	v4 =	vadd.f32 v21, v4  }
0x124: {  	s14 =	sor.u32 $0x1480, s10;
	[sflag:s0] =	ssyncadd.s32 $0xFFFFC000  }
0x125: {  	[spmem:s1] =	stream.indirect.scatter.add.f32 [tilespmem:s29], [sflag:$0xB], $0x80, s14, s21, $0xb8;
	v4 =	vadd.f32 v18, v4;
	[tilespmem:$0x1D000] =	vst v63  }
0x126: {  	v54 =	vld [tilespmem:s9+$0x0]  }
0x127: {  	v55 =	vld [tilespmem:s10+$0x490];
	v1 =	vadd.f32 v1, v4  }
0x128: {  	v57 =	vld [tilespmem:s10+$0x4B0]  }
0x129: {  	v58 =	vld [tilespmem:s10+$0x4C0];
	v1 =	vadd.f32 v3, v1  }
0x12a: {  	v59 =	vld [tilespmem:s10+$0x4D0]  }
0x12b: {  	v60 =	vld [tilespmem:s10+$0x4E0];
	v1 =	vadd.f32 v5, v1  }
0x12c: {  	v61 =	vld [tilespmem:s10+$0x4F0]  }
0x12d: {  	v56 =	vld [tilespmem:s10+$0x4A0];
	v1 =	vadd.f32 v10, v1  }
0x12e: {  	v62 =	vld.idx.msk [tilespmem:v54+s16+$0x0], $0xffff  }
0x12f: {  	v63 =	vld.idx.msk [tilespmem:v55+s16+$0x0], $0xffff;
	v1 =	vadd.f32 v14, v1  }
0x130: {  	v35 =	vld.idx.msk [tilespmem:v57+s16+$0x0], $0xffff  }
0x131: {  	v36 =	vld.idx.msk [tilespmem:v58+s16+$0x0], $0xffff;
	v1 =	vadd.f32 v11, v1  }
0x132: {  	v37 =	vld.idx.msk [tilespmem:v59+s16+$0x0], $0xffff  }
0x133: {  	v38 =	vld.idx.msk [tilespmem:v60+s16+$0x0], $0xffff;
	v1 =	vadd.f32 v15, v1  }
0x134: {  	v39 =	vld.idx.msk [tilespmem:v61+s16+$0x0], $0xffff  }
0x135: {  	v3 =	vld.idx.msk [tilespmem:v56+s16+$0x0], $0xffff;
	_ =	swait.ge [sflag:s15], $0x4000;
	v1 =	vadd.f32 v19, v1  }
0x136: {  	[sflag:s15] =	ssyncset.done $0x0  }
0x137: {  	s9 =	sor.u32 $0x580, s10;
	[sflag:s15] =	ssyncadd.s32 $0xFFFFC000;
	v1 =	vadd.f32 v2, v1  }
0x138: {  	[tilespmem:s22], [sflag:$0x3] =	stream.indirect.gather [hbm4b:s4+s21], $0x80, s9, s21, $0xb8;
	[tilespmem:$0x1D000] =	vst v63  }
0x139: {  	_ =	swait.ge [sflag:s23], $0x4000;
	v1 =	vadd.f32 v6, v1  }
0x13a: {  	[sflag:s23] =	ssyncset.done $0x0  }
0x13b: {  	s13 =	sor.u32 $0x1500, s10;
	[sflag:s23] =	ssyncadd.s32 $0xFFFFC000;
	v1 =	vadd.f32 v7, v1  }
0x13c: {  	[spmem:s1] =	stream.indirect.scatter.add.f32 [tilespmem:s19], [sflag:$0x7], $0x80, s13, s21, $0xb8;
	[tilespmem:$0x1D000] =	vst v63  }
0x13d: {  	v40 =	vld [tilespmem:s10+$0x510];
	v1 =	vadd.f32 v16, v1  }
0x13e: {  	v41 =	vld [tilespmem:s10+$0x520]  }
0x13f: {  	v42 =	vld [tilespmem:s10+$0x530];
	v1 =	vadd.f32 v20, v1  }
0x140: {  	v44 =	vld [tilespmem:s10+$0x550]  }
0x141: {  	v45 =	vld [tilespmem:s10+$0x560];
	v1 =	vadd.f32 v12, v1  }
0x142: {  	v46 =	vld [tilespmem:s10+$0x570]  }
0x143: {  	v43 =	vld [tilespmem:s10+$0x540];
	v1 =	vadd.f32 v22, v1  }
0x144: {  	v2 =	vld [tilespmem:s6+$0x0]  }
0x145: {  	v11 =	vld.idx.msk [tilespmem:v40+s16+$0x0], $0xffff;
	v1 =	vadd.f32 v9, v1  }
0x146: {  	v6 =	vld.idx.msk [tilespmem:v41+s16+$0x0], $0xffff  }
0x147: {  	v47 =	vld.idx.msk [tilespmem:v42+s16+$0x0], $0xffff;
	v1 =	vadd.f32 v25, v1  }
0x148: {  	v48 =	vld.idx.msk [tilespmem:v44+s16+$0x0], $0xffff  }
0x149: {  	v49 =	vld.idx.msk [tilespmem:v45+s16+$0x0], $0xffff;
	v1 =	vadd.f32 v8, v1  }
0x14a: {  	v50 =	vld.idx.msk [tilespmem:v46+s16+$0x0], $0xffff  }
0x14b: {  	v7 =	vld.idx.msk [tilespmem:v43+s16+$0x0], $0xffff;
	v1 =	vadd.f32 v13, v1  }
0x14c: {  	v2 =	vld.idx.msk [tilespmem:v2+s16+$0x0], $0xffff;
	_ =	swait.ge [sflag:s18], $0x4000  }
0x14d: {  	[sflag:s18] =	ssyncset.done $0x0;
	v1 =	vadd.f32 v17, v1  }
0x14e: {  	s6 =	sor.u32 $0x600, s10;
	[sflag:s18] =	ssyncadd.s32 $0xFFFFC000  }
0x14f: {  	[tilespmem:s24], [sflag:$0x4] =	stream.indirect.gather [hbm4b:s4+s21], $0x80, s6, s21, $0xb8;
	v1 =	vadd.f32 v23, v1;
	[tilespmem:$0x1D000] =	vst v63  }
0x150: {  	_ =	swait.ge [sflag:s25], $0x4000  }
0x151: {  	[sflag:s25] =	ssyncset.done $0x0;
	v1 =	vadd.f32 v26, v1  }
0x152: {  	s14 =	sor.u32 $0x1580, s10;
	[sflag:s25] =	ssyncadd.s32 $0xFFFFC000  }
0x153: {  	[spmem:s1] =	stream.indirect.scatter.add.f32 [tilespmem:s22], [sflag:$0x8], $0x80, s14, s21, $0xb8;
	v1 =	vadd.f32 v27, v1;
	[tilespmem:$0x1D000] =	vst v63  }
0x154: {  	v51 =	vld [tilespmem:s9+$0x0]  }
0x155: {  	v52 =	vld [tilespmem:s10+$0x590];
	v1 =	vadd.f32 v28, v1  }
0x156: {  	v53 =	vld [tilespmem:s10+$0x5A0]  }
0x157: {  	v54 =	vld [tilespmem:s10+$0x5B0];
	v1 =	vadd.f32 v29, v1  }
0x158: {  	v55 =	vld [tilespmem:s10+$0x5C0]  }
0x159: {  	v56 =	vld [tilespmem:s10+$0x5D0];
	v1 =	vadd.f32 v62, v1  }
0x15a: {  	v58 =	vld [tilespmem:s10+$0x5F0]  }
0x15b: {  	v57 =	vld [tilespmem:s10+$0x5E0];
	v1 =	vadd.f32 v63, v1  }
0x15c: {  	v8 =	vld.idx.msk [tilespmem:v51+s16+$0x0], $0xffff  }
0x15d: {  	v13 =	vld.idx.msk [tilespmem:v52+s16+$0x0], $0xffff;
	v1 =	vadd.f32 v3, v1  }
0x15e: {  	v59 =	vld.idx.msk [tilespmem:v53+s16+$0x0], $0xffff  }
0x15f: {  	v60 =	vld.idx.msk [tilespmem:v54+s16+$0x0], $0xffff;
	v1 =	vadd.f32 v35, v1  }
0x160: {  	v61 =	vld.idx.msk [tilespmem:v55+s16+$0x0], $0xffff  }
0x161: {  	v62 =	vld.idx.msk [tilespmem:v56+s16+$0x0], $0xffff;
	v1 =	vadd.f32 v36, v1  }
0x162: {  	v63 =	vld.idx.msk [tilespmem:v58+s16+$0x0], $0xffff  }
0x163: {  	v3 =	vld.idx.msk [tilespmem:v57+s16+$0x0], $0xffff;
	_ =	swait.ge [sflag:s3], $0x4000;
	v1 =	vadd.f32 v37, v1  }
0x164: {  	[sflag:s3] =	ssyncset.done $0x0  }
0x165: {  	s9 =	sor.u32 $0x680, s10;
	[sflag:s3] =	ssyncadd.s32 $0xFFFFC000;
	v1 =	vadd.f32 v38, v1  }
0x166: {  	[tilespmem:s26], [sflag:$0x5] =	stream.indirect.gather [hbm4b:s4+s21], $0x80, s9, s21, $0xb8;
	[tilespmem:$0x1D000] =	vst v63  }
0x167: {  	_ =	swait.ge [sflag:s28], $0x4000;
	v1 =	vadd.f32 v39, v1  }
0x168: {  	[sflag:s28] =	ssyncset.done $0x0  }
0x169: {  	s13 =	sor.u32 $0x1600, s10;
	[sflag:s28] =	ssyncadd.s32 $0xFFFFC000;
	v1 =	vadd.f32 v2, v1  }
0x16a: {  	[spmem:s1] =	stream.indirect.scatter.add.f32 [tilespmem:s24], [sflag:$0x9], $0x80, s13, s21, $0xb8;
	[tilespmem:$0x1D000] =	vst v63  }
0x16b: {  	v25 =	vld [tilespmem:s6+$0x0];
	v1 =	vadd.f32 v11, v1  }
0x16c: {  	v26 =	vld [tilespmem:s10+$0x610]  }
0x16d: {  	v27 =	vld [tilespmem:s10+$0x630];
	v1 =	vadd.f32 v6, v1  }
0x16e: {  	v28 =	vld [tilespmem:s10+$0x640]  }
0x16f: {  	v29 =	vld [tilespmem:s10+$0x650];
	v1 =	vadd.f32 v47, v1  }
0x170: {  	v30 =	vld [tilespmem:s10+$0x660]  }
0x171: {  	v31 =	vld [tilespmem:s10+$0x670];
	v1 =	vadd.f32 v7, v1  }
0x172: {  	v2 =	vld [tilespmem:s10+$0x620]  }
0x173: {  	v5 =	vld.idx.msk [tilespmem:v25+s16+$0x0], $0xffff;
	v1 =	vadd.f32 v48, v1  }
0x174: {  	v10 =	vld.idx.msk [tilespmem:v26+s16+$0x0], $0xffff  }
0x175: {  	v32 =	vld.idx.msk [tilespmem:v27+s16+$0x0], $0xffff;
	v1 =	vadd.f32 v49, v1  }
0x176: {  	v11 =	vld.idx.msk [tilespmem:v28+s16+$0x0], $0xffff  }
0x177: {  	v33 =	vld.idx.msk [tilespmem:v29+s16+$0x0], $0xffff;
	v1 =	vadd.f32 v50, v1  }
0x178: {  	v6 =	vld.idx.msk [tilespmem:v30+s16+$0x0], $0xffff  }
0x179: {  	v34 =	vld.idx.msk [tilespmem:v31+s16+$0x0], $0xffff;
	v1 =	vadd.f32 v8, v1  }
0x17a: {  	v2 =	vld.idx.msk [tilespmem:v2+s16+$0x0], $0xffff;
	_ =	swait.ge [sflag:s5], $0x4000  }
0x17b: {  	[sflag:s5] =	ssyncset.done $0x0;
	v1 =	vadd.f32 v13, v1  }
0x17c: {  	s6 =	sor.u32 $0x700, s10;
	[sflag:s5] =	ssyncadd.s32 $0xFFFFC000  }
0x17d: {  	[tilespmem:s29], [sflag:$0x6] =	stream.indirect.gather [hbm4b:s4+s21], $0x80, s6, s21, $0xb8;
	v1 =	vadd.f32 v59, v1;
	[tilespmem:$0x1D000] =	vst v63  }
0x17e: {  	_ =	swait.ge [sflag:s30], $0x4000  }
0x17f: {  	[sflag:s30] =	ssyncset.done $0x0;
	v1 =	vadd.f32 v60, v1  }
0x180: {  	s14 =	sor.u32 $0x1680, s10;
	[sflag:s30] =	ssyncadd.s32 $0xFFFFC000  }
0x181: {  	[spmem:s1] =	stream.indirect.scatter.add.f32 [tilespmem:s26], [sflag:$0xA], $0x80, s14, s21, $0xb8;
	v1 =	vadd.f32 v61, v1;
	[tilespmem:$0x1D000] =	vst v63  }
0x182: {  	v35 =	vld [tilespmem:s9+$0x0]  }
0x183: {  	v36 =	vld [tilespmem:s10+$0x690];
	v1 =	vadd.f32 v62, v1  }
0x184: {  	v37 =	vld [tilespmem:s10+$0x6A0]  }
0x185: {  	v38 =	vld [tilespmem:s10+$0x6B0];
	v1 =	vadd.f32 v3, v1  }
0x186: {  	v39 =	vld [tilespmem:s10+$0x6C0]  }
0x187: {  	v40 =	vld [tilespmem:s10+$0x6D0];
	v1 =	vadd.f32 v63, v1  }
0x188: {  	v3 =	vld [tilespmem:s10+$0x6E0]  }
0x189: {  	v41 =	vld [tilespmem:s10+$0x6F0];
	v1 =	vadd.f32 v5, v1  }
0x18a: {  	v4 =	vld.idx.msk [tilespmem:v35+s16+$0x0], $0xffff  }
0x18b: {  	v8 =	vld.idx.msk [tilespmem:v36+s16+$0x0], $0xffff;
	v1 =	vadd.f32 v10, v1  }
0x18c: {  	v42 =	vld.idx.msk [tilespmem:v37+s16+$0x0], $0xffff  }
0x18d: {  	v43 =	vld.idx.msk [tilespmem:v38+s16+$0x0], $0xffff;
	v1 =	vadd.f32 v2, v1  }
0x18e: {  	v44 =	vld.idx.msk [tilespmem:v39+s16+$0x0], $0xffff  }
0x18f: {  	v45 =	vld.idx.msk [tilespmem:v40+s16+$0x0], $0xffff;
	v1 =	vadd.f32 v32, v1  }
0x190: {  	v2 =	vld.idx.msk [tilespmem:v3+s16+$0x0], $0xffff  }
0x191: {  	v3 =	vld.idx.msk [tilespmem:v41+s16+$0x0], $0xffff;
	_ =	swait.ge [sflag:s31], $0x4000;
	v1 =	vadd.f32 v11, v1  }
0x192: {  	[sflag:s31] =	ssyncset.done $0x0  }
0x193: {  	s9 =	sor.u32 $0x780, s10;
	[sflag:s31] =	ssyncadd.s32 $0xFFFFC000;
	v1 =	vadd.f32 v33, v1  }
0x194: {  	[tilespmem:s19], [sflag:$0x2] =	stream.indirect.gather [hbm4b:s4+s21], $0x80, s9, s21, $0xb8;
	[tilespmem:$0x1D000] =	vst v63  }
0x195: {  	_ =	swait.ge [sflag:s0], $0x4000;
	v1 =	vadd.f32 v6, v1  }
0x196: {  	[sflag:s0] =	ssyncset.done $0x0  }
0x197: {  	s13 =	sor.u32 $0x1700, s10;
	[sflag:s0] =	ssyncadd.s32 $0xFFFFC000;
	v1 =	vadd.f32 v34, v1  }
0x198: {  	[spmem:s1] =	stream.indirect.scatter.add.f32 [tilespmem:s29], [sflag:$0xB], $0x80, s13, s21, $0xb8;
	[tilespmem:$0x1D000] =	vst v63  }
0x199: {  	v46 =	vld [tilespmem:s6+$0x0];
	v1 =	vadd.f32 v4, v1  }
0x19a: {  	v47 =	vld [tilespmem:s10+$0x710]  }
0x19b: {  	v48 =	vld [tilespmem:s10+$0x720];
	v1 =	vadd.f32 v8, v1  }
0x19c: {  	v49 =	vld [tilespmem:s10+$0x730]  }
0x19d: {  	v50 =	vld [tilespmem:s10+$0x740];
	v1 =	vadd.f32 v42, v1  }
0x19e: {  	v51 =	vld [tilespmem:s10+$0x750]  }
0x19f: {  	v53 =	vld [tilespmem:s10+$0x770];
	v1 =	vadd.f32 v43, v1  }
0x1a0: {  	v52 =	vld [tilespmem:s10+$0x760]  }
0x1a1: {  	v6 =	vld.idx.msk [tilespmem:v46+s16+$0x0], $0xffff;
	v1 =	vadd.f32 v44, v1  }
0x1a2: {  	v7 =	vld.idx.msk [tilespmem:v47+s16+$0x0], $0xffff  }
0x1a3: {  	v4 =	vld.idx.msk [tilespmem:v48+s16+$0x0], $0xffff;
	v1 =	vadd.f32 v45, v1  }
0x1a4: {  	v9 =	vld.idx.msk [tilespmem:v49+s16+$0x0], $0xffff  }
0x1a5: {  	v8 =	vld.idx.msk [tilespmem:v50+s16+$0x0], $0xffff;
	v1 =	vadd.f32 v2, v1  }
0x1a6: {  	v54 =	vld.idx.msk [tilespmem:v51+s16+$0x0], $0xffff  }
0x1a7: {  	v55 =	vld.idx.msk [tilespmem:v53+s16+$0x0], $0xffff;
	v1 =	vadd.f32 v3, v1  }
0x1a8: {  	v2 =	vld.idx.msk [tilespmem:v52+s16+$0x0], $0xffff;
	_ =	swait.ge [sflag:s23], $0x4000  }
0x1a9: {  	[sflag:s23] =	ssyncset.done $0x0;
	v1 =	vadd.f32 v6, v1  }
0x1aa: {  	s14 =	sor.u32 $0x1780, s10;
	[sflag:s23] =	ssyncadd.s32 $0xFFFFC000  }
0x1ab: {  	[spmem:s1] =	stream.indirect.scatter.add.f32 [tilespmem:s19], [sflag:$0x7], $0x80, s14, s21, $0xb8;
	v1 =	vadd.f32 v7, v1;
	[tilespmem:$0x1D000] =	vst v63  }
0x1ac: {  	v3 =	vld [tilespmem:s9+$0x0]  }
0x1ad: {  	v1 =	vadd.f32 v4, v1  }
0x1ae: {  	v56 =	vld [tilespmem:s10+$0x790]  }
0x1af: {  	v1 =	vadd.f32 v9, v1  }
0x1b0: {  	v57 =	vld [tilespmem:s10+$0x7A0]  }
0x1b1: {  	v1 =	vadd.f32 v8, v1  }
0x1b2: {  	v58 =	vld [tilespmem:s10+$0x7B0]  }
0x1b3: {  	v59 =	vld [tilespmem:s10+$0x7C0];
	v1 =	vadd.f32 v54, v1  }
0x1b4: {  	v3 =	vld.idx.msk [tilespmem:v3+s16+$0x0], $0xffff  }
0x1b5: {  	v60 =	vld [tilespmem:s10+$0x7D0];
	v1 =	vadd.f32 v2, v1  }
0x1b6: {  	v2 =	vld.idx.msk [tilespmem:v56+s16+$0x0], $0xffff  }
0x1b7: {  	v62 =	vld [tilespmem:s10+$0x7E0];
	v1 =	vadd.f32 v55, v1  }
0x1b8: {  	v61 =	vld.idx.msk [tilespmem:v57+s16+$0x0], $0xffff  }
0x1b9: {  	v63 =	vld [tilespmem:s10+$0x7F0];
	v1 =	vadd.f32 v3, v1  }
0x1ba: {  	v3 =	vld.idx.msk [tilespmem:v58+s16+$0x0], $0xffff  }
0x1bb: {  	v1 =	vadd.f32 v2, v1  }
0x1bc: {  	v2 =	vld.idx.msk [tilespmem:v59+s16+$0x0], $0xffff  }
0x1bd: {  	v1 =	vadd.f32 v61, v1  }
0x1be: {  	v4 =	vld.idx.msk [tilespmem:v60+s16+$0x0], $0xffff  }
0x1bf: {  	v1 =	vadd.f32 v3, v1  }
0x1c0: {  	v3 =	vld.idx.msk [tilespmem:v62+s16+$0x0], $0xffff  }
0x1c1: {  	v1 =	vadd.f32 v2, v1  }
0x1c2: {  	p0 =	sne.s32 s11, $0x2800;
	v2 =	vld.idx.msk [tilespmem:v63+s16+$0x0], $0xffff  }
.Ltmp1:
0x1c3: {  	v1 =	vadd.f32 v4, v1;
	(pc) =	sbr.rel @p0 .LBB2_4-.Ltmp1, $3  }
0x1c4: {  	_ = 	snop  }
0x1c5: {  	v1 =	vadd.f32 v3, v1;
	_ =	sdelay $0x1  }
0x1c6: {  	v1 =	vadd.f32 v2, v1  }
0x1c7: {  	_ =	swait.ge [sflag:s15], $0x4000  }
0x1c8: {  	[sflag:s15] =	ssyncset.done $0x0  }
0x1c9: {  	[sflag:s15] =	ssyncadd.s32 $0xFFFFC000  }
0x1ca: {  	_ =	swait.ge [sflag:s18], $0x4000  }
0x1cb: {  	[sflag:s18] =	ssyncset.done $0x0  }
0x1cc: {  	[sflag:s18] =	ssyncadd.s32 $0xFFFFC000  }
0x1cd: {  	_ =	swait.ge [sflag:s3], $0x4000  }
0x1ce: {  	[sflag:s3] =	ssyncset.done $0x0  }
0x1cf: {  	[sflag:s3] =	ssyncadd.s32 $0xFFFFC000  }
0x1d0: {  	_ =	swait.ge [sflag:s5], $0x4000  }
0x1d1: {  	[sflag:s5] =	ssyncset.done $0x0  }
0x1d2: {  	[sflag:s5] =	ssyncadd.s32 $0xFFFFC000  }
0x1d3: {  	_ =	swait.ge [sflag:s31], $0x4000  }
0x1d4: {  	[sflag:s31] =	ssyncset.done $0x0  }
0x1d5: {  	[sflag:s31] =	ssyncadd.s32 $0xFFFFC000  }
0x1d6: {  	_ =	swait.ge [sflag:s20], $0x800  }
0x1d7: {  	[sflag:s20] =	ssyncset.done $0x0  }
0x1d8: {  	[sflag:s20] =	ssyncadd.s32 $0xFFFFF800  }
0x1d9: {  	_ =	swait.ge [sflag:s20], $0x800  }
0x1da: {  	[sflag:s20] =	ssyncset.done $0x0  }
0x1db: {  	[sflag:s20] =	ssyncadd.s32 $0xFFFFF800  }
0x1dc: {  	[bflag:$0x0] =	sbarrier.arrive $0xFFFF  }
0x1dd: {  	s9 =	simm.s32 $0x18F80;
	s11 =	stileid.u32;
	[tilespmem:$0x18F80] =	vst v1;
	s6 =	rddreg [dreg:$0xa]  }
0x1de: {  	[hbm4b:s6+s2] =	stream.linear.scatter [tilespmem:s9], [sflag:$0xC], $0x80, $0x38;
	[tilespmem:$0x1D000] =	vst v63  }
0x1df: {  	s6 =	sshll.u32 s11, $0x6;
	_ =	swait.ge [sflag:s17], $0x80  }
0x1e0: {  	s6 =	sor.u32 $0x1C0C, s6;
	[sflag:s17] =	ssyncset.done $0x0;
	s11 =	rddreg [dreg:$0x9]  }
0x1e1: {  	s10 =	rddreg [dreg:$0xb];
	[sflag:s17] =	ssyncadd.s32 $0xFFFFFF80;
	s12 =	sshrl.u32 s11, $0x3  }
0x1e2: {  	[hbm:s10], [sflag:s6] =	dma.local [spmem:s12], $0x800  }
0x1e3: {  	_ =	swait.ge [sflag:s17], $0x800  }
0x1e4: {  	s13 =	rddreg [dreg:$0xd]  }
0x1e5: {  	s14 =	rddreg [dreg:$0xc];
	s9 =	sadd.s32 $0x1, s13  }
0x1e6: {  	p0 =	sne.s32 s9, s14  }
.Ltmp2:
0x1e7: {  	_ = 	snop;
	(pc) =	sbr.rel @p0 .LBB2_1-.Ltmp2, $3  }
0x1e8: {  	_ =	sdelay $0x1  }
0x1e9: {  	[sflag:s17] =	ssyncset.done $0x0  }
0x1ea: {  	[sflag:s17] =	ssyncadd.s32 $0xFFFFF800  }
0x1eb: {  	_ =	sfence.sel $0x180000  }
0x1ec: {  	[bflag:$0x0] =	sbarrier.arrive $0xFFFF  }
0x1ed: {  	_ =	strace $0x90000047  }
0x1ee: {  	s0 =	stileid.u32;
	[bflag:$0x2] =	sbarrier.arrive $0xFFFF  }
0x1ef: {  	p0 =	sne.s32 s0, $0x0;
	s0 =	rddreg [dreg:$0x3]  }
0x1f0: {  	s0 =	sadd.s32 @!p0 $0x100000, s0  }
0x1f1: {  	[sflag:s0] =	ssyncadd.tile.s32 @!p0 $0x1;
	_ =	shalt  }
.Lfunc_end2:
_tile_overlayer_lowered:
.L_overlay_start_2:
0x1f2: {  	(tag) =	ssettag $0x2  }
0x1f3: {  	s0 =	rddreg [dreg:$0x0];
	s2 =	stileid.u32  }
0x1f4: {  	s1 =	rddreg [dreg:$0x1];
	p0 =	sne.s32 s2, $0x0  }
0x1f5: {  	s3 =	rddreg [dreg:$0x2];
	[bflag:$0x3] =	sbarrier.arrive $0xFFFF;
	s2 =	simm.s32 @!p0 $0x1C0C  }
0x1f6: {  	[timem:s3], [sflag:s2] =	dma.local @!p0 [hbm:s0], s1  }
0x1f7: {  	s0 =	simm.s32 @!p0 $0xC  }
0x1f8: {  	_ =	swait.ge @!p0 [sflag:s0], s1  }
0x1f9: {  	s1 =	ssub.s32 @!p0 $0x0, s1;
	[sflag:s0] =	ssyncset.done @!p0 $0x0  }
0x1fa: {  	[sflag:s0] =	ssyncadd.s32 @!p0 s1  }
0x1fb: {  	[bflag:$0x3] =	sbarrier.arrive $0xFFFF  }
0x1fc: {  	_ =	shalt  }

</sc_bundles>
